<compile_context>
chip_gen: v7x
topology: tpu7x:2x2x1
jax: 0.10.2.dev20260603
libtpu: 0.0.44.dev20260713+nightly
codegen_flags: <defaults>
</compile_context>

<pallas_src>
import functools

import jax
import jax.numpy as jnp
from jax import lax
from jax.experimental import pallas as pl
from jax.experimental.pallas import tpu as pltpu
from jax.experimental.pallas import tpu_sc as plsc

_NUM_CORES = 2
_NUM_SUBCORES = 16
_NW = _NUM_CORES * _NUM_SUBCORES
_CHUNK = 128


def _round_up(x, m):
    return (x + m - 1) // m * m



def _linear_body(x_ref, w_ref, b_ref, o_ref):
    o_ref[...] = lax.dot_general(
        x_ref[...], w_ref[...], (((1,), (1,)), ((), ())),
        preferred_element_type=jnp.float32) + b_ref[0]


def _tc_linear(x, w, b, rb):
    n, f = x.shape
    h = w.shape[0]
    nb = n // rb
    return pl.pallas_call(
        _linear_body,
        grid=(nb,),
        in_specs=[
            pl.BlockSpec((rb, f), lambda i: (i, 0)),
            pl.BlockSpec((h, f), lambda i: (0, 0)),
            pl.BlockSpec((1, h), lambda i: (0, 0)),
        ],
        out_specs=pl.BlockSpec((rb, h), lambda i: (i, 0)),
        out_shape=jax.ShapeDtypeStruct((n, h), jnp.float32),
    )(x, w, b.reshape(1, h))


def _transform_body(h_ref, w_ref, b_ref, o_ref):
    o_ref[0] = lax.dot_general(
        h_ref[...], w_ref[0], (((1,), (1,)), ((), ())),
        preferred_element_type=jnp.float32) + b_ref[0]


def _tc_type_table(h, w, b, rb):
    n, hh = h.shape
    et = w.shape[0]
    nb = n // rb
    return pl.pallas_call(
        _transform_body,
        grid=(nb, et),
        in_specs=[
            pl.BlockSpec((rb, hh), lambda i, e: (i, 0)),
            pl.BlockSpec((1, hh, hh), lambda i, e: (e, 0, 0)),
            pl.BlockSpec((1, 1, hh), lambda i, e: (e, 0, 0)),
        ],
        out_specs=pl.BlockSpec((1, rb, hh), lambda i, e: (e, i, 0)),
        out_shape=jax.ShapeDtypeStruct((et, n, hh), jnp.float32),
    )(h, w, b.reshape(et, 1, hh))


def _linear_table_body(x_ref, w_ref, b_ref, mw_ref, mb_ref, oh_ref, ot_ref):
    et = mw_ref.shape[0]
    h = lax.dot_general(x_ref[...], w_ref[...], (((1,), (1,)), ((), ())),
                        preferred_element_type=jnp.float32) + b_ref[0]
    oh_ref[...] = h
    for e in range(et):
        ot_ref[e] = lax.dot_general(h, mw_ref[e], (((1,), (1,)), ((), ())),
                                    preferred_element_type=jnp.float32) + mb_ref[e]


def _tc_linear_table(x, w, b, mw, mb, rb):
    n, f = x.shape
    hh = w.shape[0]
    et = mw.shape[0]
    nb = n // rb
    return pl.pallas_call(
        _linear_table_body,
        grid=(nb,),
        in_specs=[
            pl.BlockSpec((rb, f), lambda i: (i, 0)),
            pl.BlockSpec((hh, f), lambda i: (0, 0)),
            pl.BlockSpec((1, hh), lambda i: (0, 0)),
            pl.BlockSpec((et, hh, hh), lambda i: (0, 0, 0)),
            pl.BlockSpec((et, 1, hh), lambda i: (0, 0, 0)),
        ],
        out_specs=[
            pl.BlockSpec((rb, hh), lambda i: (i, 0)),
            pl.BlockSpec((et, rb, hh), lambda i: (0, i, 0)),
        ],
        out_shape=[
            jax.ShapeDtypeStruct((n, hh), jnp.float32),
            jax.ShapeDtypeStruct((et, n, hh), jnp.float32),
        ],
    )(x, w, b.reshape(1, hh), mw, mb.reshape(et, 1, hh))


def _gru_table_body(m0_ref, m1_ref, h_ref, wih_ref, whh_ref, bih_ref, bhh_ref,
                    mw_ref, mb_ref, oh_ref, ot_ref):
    hh = h_ref.shape[1]
    et = mw_ref.shape[0]
    m = m0_ref[...] + m1_ref[...]
    h = h_ref[...]
    gi = lax.dot_general(m, wih_ref[...], (((1,), (1,)), ((), ())),
                         preferred_element_type=jnp.float32) + bih_ref[0]
    gh = lax.dot_general(h, whh_ref[...], (((1,), (1,)), ((), ())),
                         preferred_element_type=jnp.float32) + bhh_ref[0]
    r = jax.nn.sigmoid(gi[:, :hh] + gh[:, :hh])
    z = jax.nn.sigmoid(gi[:, hh:2 * hh] + gh[:, hh:2 * hh])
    nn = jnp.tanh(gi[:, 2 * hh:] + r * gh[:, 2 * hh:])
    hn = (1.0 - z) * nn + z * h
    oh_ref[...] = hn
    for e in range(et):
        ot_ref[e] = lax.dot_general(hn, mw_ref[e], (((1,), (1,)), ((), ())),
                                    preferred_element_type=jnp.float32) + mb_ref[e]


def _tc_gru_table(m0, m1, h, wih, whh, bih, bhh, mw, mb, rb):
    n, hh = h.shape
    et = mw.shape[0]
    nb = n // rb
    return pl.pallas_call(
        _gru_table_body,
        grid=(nb,),
        in_specs=[
            pl.BlockSpec((rb, hh), lambda i: (i, 0)),
            pl.BlockSpec((rb, hh), lambda i: (i, 0)),
            pl.BlockSpec((rb, hh), lambda i: (i, 0)),
            pl.BlockSpec((3 * hh, hh), lambda i: (0, 0)),
            pl.BlockSpec((3 * hh, hh), lambda i: (0, 0)),
            pl.BlockSpec((1, 3 * hh), lambda i: (0, 0)),
            pl.BlockSpec((1, 3 * hh), lambda i: (0, 0)),
            pl.BlockSpec((et, hh, hh), lambda i: (0, 0, 0)),
            pl.BlockSpec((et, 1, hh), lambda i: (0, 0, 0)),
        ],
        out_specs=[
            pl.BlockSpec((rb, hh), lambda i: (i, 0)),
            pl.BlockSpec((et, rb, hh), lambda i: (0, i, 0)),
        ],
        out_shape=[
            jax.ShapeDtypeStruct((n, hh), jnp.float32),
            jax.ShapeDtypeStruct((et, n, hh), jnp.float32),
        ],
    )(m0, m1, h, wih, whh, bih.reshape(1, -1), bhh.reshape(1, -1),
      mw, mb.reshape(et, 1, hh))


def _gru_body(m0_ref, m1_ref, h_ref, wih_ref, whh_ref, bih_ref, bhh_ref, o_ref):
    hh = h_ref.shape[1]
    m = m0_ref[...] + m1_ref[...]
    h = h_ref[...]
    gi = lax.dot_general(m, wih_ref[...], (((1,), (1,)), ((), ())),
                         preferred_element_type=jnp.float32) + bih_ref[0]
    gh = lax.dot_general(h, whh_ref[...], (((1,), (1,)), ((), ())),
                         preferred_element_type=jnp.float32) + bhh_ref[0]
    r = jax.nn.sigmoid(gi[:, :hh] + gh[:, :hh])
    z = jax.nn.sigmoid(gi[:, hh:2 * hh] + gh[:, hh:2 * hh])
    n = jnp.tanh(gi[:, 2 * hh:] + r * gh[:, 2 * hh:])
    o_ref[...] = (1.0 - z) * n + z * h


def _tc_gru(m0, m1, h, wih, whh, bih, bhh, rb):
    n, hh = h.shape
    nb = n // rb
    return pl.pallas_call(
        _gru_body,
        grid=(nb,),
        in_specs=[
            pl.BlockSpec((rb, hh), lambda i: (i, 0)),
            pl.BlockSpec((rb, hh), lambda i: (i, 0)),
            pl.BlockSpec((rb, hh), lambda i: (i, 0)),
            pl.BlockSpec((3 * hh, hh), lambda i: (0, 0)),
            pl.BlockSpec((3 * hh, hh), lambda i: (0, 0)),
            pl.BlockSpec((1, 3 * hh), lambda i: (0, 0)),
            pl.BlockSpec((1, 3 * hh), lambda i: (0, 0)),
        ],
        out_specs=pl.BlockSpec((rb, hh), lambda i: (i, 0)),
        out_shape=jax.ShapeDtypeStruct((n, hh), jnp.float32),
    )(m0, m1, h, wih, whh, bih.reshape(1, -1), bhh.reshape(1, -1))


def _graphsum_body(h_ref, o_ref):
    o_ref[0, 0] = jnp.sum(h_ref[0], axis=0)


def _tc_graphsum(h3):
    b, maxn, hh = h3.shape
    out = pl.pallas_call(
        _graphsum_body,
        grid=(b,),
        in_specs=[pl.BlockSpec((1, maxn, hh), lambda i: (i, 0, 0))],
        out_specs=pl.BlockSpec((1, 1, hh), lambda i: (i, 0, 0)),
        out_shape=jax.ShapeDtypeStruct((b, 1, hh), jnp.float32),
    )(h3)
    return out.reshape(b, hh)



def _make_sc_messages(n_pad, hh, r0_rows, r1_rows):
    mesh = plsc.VectorSubcoreMesh(
        core_axis_name="c", subcore_axis_name="s",
        num_cores=_NUM_CORES, num_subcores=_NUM_SUBCORES)
    stripe = n_pad // _NUM_SUBCORES
    max_half = max(r0_rows, r1_rows) // 2
    assert r0_rows % 4 == 0 and r1_rows % 4 == 0
    assert r0_rows >= 8 and r1_rows >= 8

    @functools.partial(
        pl.kernel,
        out_type=jax.ShapeDtypeStruct((_NUM_CORES, n_pad, hh), jnp.float32),
        mesh=mesh,
        scratch_types=[
            pltpu.VMEM((max_half, 128), jnp.int32),
            pltpu.VMEM((max_half, 128), jnp.int32),
            pltpu.VMEM((_CHUNK, hh), jnp.float32),
            pltpu.VMEM((_CHUNK, hh), jnp.float32),
            pltpu.VMEM_SHARED((n_pad, hh), jnp.float32),
            pltpu.SemaphoreType.DMA,
        ],
    )
    def sc_messages(table_hbm, g_hbm, d_hbm, z_hbm, out_hbm,
                    gstg, dstg, rows_a, rows_b, acc_sh, sem):
        c = lax.axis_index("c")
        s = lax.axis_index("s")
        pltpu.sync_copy(z_hbm.at[pl.ds(s * stripe, stripe)],
                        acc_sh.at[pl.ds(s * stripe, stripe)])
        plsc.subcore_barrier()

        def fire(j, rows_v):
            return pltpu.async_copy(table_hbm.at[gstg.at[j]], rows_v, sem)

        def wait(rows_v):
            pltpu.make_async_copy(table_hbm.at[gstg.at[0]], rows_v, sem).wait()

        def scatter(j, rows_v):
            pltpu.sync_copy(rows_v, acc_sh.at[dstg.at[j]], add=True)

        def pipeline(base_row, n_rows):
            half = n_rows // 2
            for hb in range(2):
                r0 = base_row + hb * half
                pltpu.sync_copy(g_hbm.at[pl.ds(r0, half)],
                                gstg.at[pl.ds(0, half)])
                pltpu.sync_copy(d_hbm.at[pl.ds(r0, half)],
                                dstg.at[pl.ds(0, half)])
                fire(0, rows_a)

                @pl.loop(0, half - 2, step=2)
                def _(t):
                    fire(t + 1, rows_b)
                    wait(rows_a)
                    scatter(t, rows_a)
                    fire(t + 2, rows_a)
                    wait(rows_b)
                    scatter(t + 1, rows_b)

                fire(half - 1, rows_b)
                wait(rows_a)
                scatter(half - 2, rows_a)
                wait(rows_b)
                scatter(half - 1, rows_b)

        @pl.when(c == 0)
        def _():
            pipeline(s * r0_rows, r0_rows)

        @pl.when(c == 1)
        def _():
            pipeline(_NUM_SUBCORES * r0_rows + s * r1_rows, r1_rows)

        plsc.subcore_barrier()
        pltpu.sync_copy(acc_sh.at[pl.ds(s * stripe, stripe)],
                        out_hbm.at[c, pl.ds(s * stripe, stripe)])

    return sc_messages



def kernel(node_features, edge_index, edge_type, W_in, b_in, msg_W, msg_b,
           gru_Wih, gru_Whh, gru_bih, gru_bhh):
    b, maxn, f_in = node_features.shape
    hh = W_in.shape[0]
    ll, et = msg_W.shape[0], msg_W.shape[1]
    n = b * maxn
    e = edge_index.shape[1]

    rb = 1000
    n_pad = _round_up(n + 1, _NUM_SUBCORES * 8)
    e_pad = _round_up(e, _NUM_SUBCORES * _CHUNK * 16)
    rows_pair = (e_pad // _NUM_SUBCORES) // _CHUNK
    r1_rows = rows_pair // 5
    r1_rows -= r1_rows % 16
    r0_rows = rows_pair - r1_rows

    src = edge_index[0]
    dst = edge_index[1]
    g = edge_type * n + src
    pad = e_pad - e
    g = jnp.concatenate([g, jnp.zeros((pad,), jnp.int32)]).reshape(-1, _CHUNK)
    d = jnp.concatenate([dst, jnp.full((pad,), n, jnp.int32)]).reshape(-1, _CHUNK)
    zeros = jnp.zeros((n_pad, hh), jnp.float32)

    sc_messages = _make_sc_messages(n_pad, hh, r0_rows, r1_rows)

    x = node_features.reshape(n, f_in)
    h, table = _tc_linear_table(x, W_in, b_in, msg_W[0], msg_b[0], rb)
    for l in range(ll):
        part = sc_messages(table.reshape(et * n, hh), g, d, zeros)
        if l + 1 < ll:
            h, table = _tc_gru_table(part[0, :n], part[1, :n], h,
                                     gru_Wih[l], gru_Whh[l], gru_bih[l],
                                     gru_bhh[l], msg_W[l + 1], msg_b[l + 1], rb)
        else:
            h = _tc_gru(part[0, :n], part[1, :n], h,
                        gru_Wih[l], gru_Whh[l], gru_bih[l], gru_bhh[l], rb)
    return _tc_graphsum(h.reshape(b, maxn, hh))

# --- scband reference (transcript-rebuilt; emitter-appended) ---
"""Pipeline reference for scband-batch-ggnnencoder-22325240004845 (READ-ONLY COPY).

The authoritative reference and input builder live on the scoring server;
editing this copy changes nothing except your own understanding.
"""

import jax, jax.numpy as jnp
import numpy as np

B, MAXN, F_IN, H, ET, L = 16, 625, 128, 128, 8, 3
N = B * MAXN
E = 320000


def setup_inputs(seed: int = 0) -> dict:
    key = jax.random.key(seed)
    ks = jax.random.split(key, 16)
    inp = {}
    inp["node_features"] = jax.random.normal(ks[0], (B, MAXN, F_IN), dtype=jnp.float32)
    inp["edge_index"] = jax.random.randint(ks[1], (2, E), 0, N, dtype=jnp.int32)
    inp["edge_type"] = jax.random.randint(ks[2], (E,), 0, ET, dtype=jnp.int32)
    s_in = 1.0 / np.sqrt(F_IN)
    s_h = 1.0 / np.sqrt(H)
    inp["W_in"] = jax.random.uniform(ks[3], (H, F_IN), jnp.float32, -s_in, s_in)
    inp["b_in"] = jax.random.uniform(ks[4], (H,), jnp.float32, -s_in, s_in)
    inp["msg_W"] = jax.random.uniform(ks[5], (L, ET, H, H), jnp.float32, -s_h, s_h)
    inp["msg_b"] = jax.random.uniform(ks[6], (L, ET, H), jnp.float32, -s_h, s_h)
    inp["gru_Wih"] = jax.random.uniform(ks[7], (L, 3 * H, H), jnp.float32, -s_h, s_h)
    inp["gru_Whh"] = jax.random.uniform(ks[8], (L, 3 * H, H), jnp.float32, -s_h, s_h)
    inp["gru_bih"] = jax.random.uniform(ks[9], (L, 3 * H), jnp.float32, -s_h, s_h)
    inp["gru_bhh"] = jax.random.uniform(ks[10], (L, 3 * H), jnp.float32, -s_h, s_h)
    return inp


def reference(node_features, edge_index, edge_type, W_in, b_in, msg_W, msg_b, gru_Wih, gru_Whh, gru_bih, gru_bhh):
    x = node_features.reshape(-1, F_IN)
    h = x @ W_in.T + b_in
    src = edge_index[0]
    dst = edge_index[1]
    for l in range(L):
        messages = jnp.zeros((N, H), dtype=h.dtype)
        for e in range(ET):
            # Linear is applied per-edge to h[src]; by linearity, transform h once then gather.
            h_t = h @ msg_W[l, e].T + msg_b[l, e]
            mask = (edge_type == e).astype(h.dtype)[:, None]
            msg = h_t[src] * mask
            messages = messages + jax.ops.segment_sum(msg, dst, num_segments=N)
        # PyTorch GRUCell semantics
        gi = messages @ gru_Wih[l].T + gru_bih[l]
        gh = h @ gru_Whh[l].T + gru_bhh[l]
        i_r, i_z, i_n = jnp.split(gi, 3, axis=1)
        h_r, h_z, h_n = jnp.split(gh, 3, axis=1)
        r = jax.nn.sigmoid(i_r + h_r)
        z = jax.nn.sigmoid(i_z + h_z)
        n = jnp.tanh(i_n + r * h_n)
        h = (1.0 - z) * n + z * h
        # dropout = 0.0 -> identity
    graph_embeddings = h.reshape(B, MAXN, H).sum(axis=1)
    return graph_embeddings

if __name__ == "__main__":
    import jax
    _d = setup_inputs()
    print(jax.jit(kernel)(*tuple(_d.values())))

</pallas_src>

<mosaic_0001>
#map = affine_map<(d0, d1) -> (0, 0)>
#map1 = affine_map<(d0, d1) -> (0, 0, 0)>
module attributes {stable_mosaic.version = 14 : i64} {
  func.func @sc_messages(%arg0: i32, %arg1: i32, %arg2: memref<80000x128xf32, #tpu.memory_space<hbm>>, %arg3: memref<2560x128xi32, #tpu.memory_space<hbm>>, %arg4: memref<2560x128xi32, #tpu.memory_space<hbm>>, %arg5: memref<10112x128xf32, #tpu.memory_space<hbm>>, %arg6: memref<2x10112x128xf32, #tpu.memory_space<hbm>>, %arg7: memref<64x128xi32, #tpu.memory_space<vmem>>, %arg8: memref<64x128xi32, #tpu.memory_space<vmem>>, %arg9: memref<128x128xf32, #tpu.memory_space<vmem>>, %arg10: memref<128x128xf32, #tpu.memory_space<vmem>>, %arg11: memref<10112x128xf32, #tpu.memory_space<vmem_shared>>, %arg12: memref<!tpu.dma_semaphore, #tpu.memory_space<semaphore_mem>>) attributes {dimension_semantics = [#tpu.dimension_semantics<core_parallel>, #tpu.dimension_semantics<subcore_parallel>], iteration_bounds = array<i64: 2, 16>, scalar_prefetch = 0 : i64, scratch_operands = 6 : i64, tpu.core_type = #tpu.core_type<sc_vector_subcore>, window_params = [{transform_indices = #map}, {transform_indices = #map}, {transform_indices = #map}, {transform_indices = #map}, {transform_indices = #map1}]} {
    %mul3A = arith.constant 632 : i32
    %mul3A_0 = arith.muli %arg1, %mul3A : i32
    %mul3A_1 = arith.constant 632 : i32
    %mul3A_2 = arith.muli %arg1, %mul3A_1 : i32
    "tpu.region"() ({
      %run_scoped3A = tpu.sem_alloc : memref<!tpu.dma_semaphore, #tpu.memory_space<semaphore_mem>>
      %dma_start3A = arith.constant 0 : i32
      %dma_start3A_15 = tpu.memref_slice %arg11[%mul3A_2, %dma_start3A] : memref<10112x128xf32, #tpu.memory_space<vmem_shared>> -> memref<632x128xf32, #tpu.memory_space<vmem_shared>>
      %dma_start3A_16 = arith.constant 0 : i32
      %dma_start3A_17 = tpu.memref_slice %arg5[%mul3A_0, %dma_start3A_16] : memref<10112x128xf32, #tpu.memory_space<hbm>> -> memref<632x128xf32, #tpu.memory_space<hbm>>
      tpu.enqueue_dma source(%dma_start3A_17 : memref<632x128xf32, #tpu.memory_space<hbm>>) target(%dma_start3A_15 : memref<632x128xf32, #tpu.memory_space<vmem_shared>>) target_semaphore(%run_scoped3A : memref<!tpu.dma_semaphore, #tpu.memory_space<semaphore_mem>>)
      %dma_wait3A = arith.constant 0 : i32
      %dma_wait3A_18 = tpu.memref_slice %arg11[%mul3A_2, %dma_wait3A] : memref<10112x128xf32, #tpu.memory_space<vmem_shared>> -> memref<632x128xf32, #tpu.memory_space<vmem_shared>>
      %dma_wait3A_19 = arith.constant 0 : i32
      %dma_wait3A_20 = tpu.memref_slice %arg5[%mul3A_0, %dma_wait3A_19] : memref<10112x128xf32, #tpu.memory_space<hbm>> -> memref<632x128xf32, #tpu.memory_space<hbm>>
      tpu.wait_dma2 semaphore(%run_scoped3A : memref<!tpu.dma_semaphore, #tpu.memory_space<semaphore_mem>>) src(%dma_wait3A_20 : memref<632x128xf32, #tpu.memory_space<hbm>>) dst(%dma_wait3A_18 : memref<632x128xf32, #tpu.memory_space<vmem_shared>>)
      tpu.yield
    }) : () -> ()
    %barrier3A = arith.constant 0 : index
    tpu.barrier barrier_id(%barrier3A)
    %eq3A = arith.constant 0 : i32
    %eq3A_3 = arith.cmpi eq, %arg0, %eq3A : i32
    %convert_element_type3A = arith.extui %eq3A_3 : i1 to i32
    %cond3A = arith.constant 0 : i32
    %cond3A_4 = arith.cmpi ne, %convert_element_type3A, %cond3A : i32
    scf.if %cond3A_4 {
      %mul3A_15 = arith.constant 128 : i32
      %mul3A_16 = arith.muli %arg1, %mul3A_15 : i32
      %add3A = arith.constant 0 : i32
      %add3A_17 = arith.addi %mul3A_16, %add3A : i32
      "tpu.region"() ({
        %run_scoped3A_86 = tpu.sem_alloc : memref<!tpu.dma_semaphore, #tpu.memory_space<semaphore_mem>>
        %dma_start3A_87 = arith.constant 0 : i32
        %dma_start3A_88 = arith.constant 0 : i32
        %dma_start3A_89 = tpu.memref_slice %arg7[%dma_start3A_87, %dma_start3A_88] : memref<64x128xi32, #tpu.memory_space<vmem>> -> memref<64x128xi32, #tpu.memory_space<vmem>>
        %dma_start3A_90 = arith.constant 0 : i32
        %dma_start3A_91 = tpu.memref_slice %arg3[%add3A_17, %dma_start3A_90] : memref<2560x128xi32, #tpu.memory_space<hbm>> -> memref<64x128xi32, #tpu.memory_space<hbm>>
        %dma_start3A_92 = arith.constant 0 : i32
        %dma_start3A_93 = arith.constant 0 : i32
        %dma_start3A_94 = tpu.memref_slice %arg7[%dma_start3A_92, %dma_start3A_93] : memref<64x128xi32, #tpu.memory_space<vmem>> -> memref<64x128xi32, #tpu.memory_space<vmem>>
        %dma_start3A_95 = arith.constant 0 : i32
        %dma_start3A_96 = tpu.memref_slice %arg3[%add3A_17, %dma_start3A_95] : memref<2560x128xi32, #tpu.memory_space<hbm>> -> memref<64x128xi32, #tpu.memory_space<hbm>>
        tpu.enqueue_dma source(%dma_start3A_96 : memref<64x128xi32, #tpu.memory_space<hbm>>) target(%dma_start3A_94 : memref<64x128xi32, #tpu.memory_space<vmem>>) target_semaphore(%run_scoped3A_86 : memref<!tpu.dma_semaphore, #tpu.memory_space<semaphore_mem>>)
        %dma_wait3A_97 = arith.constant 0 : i32
        %dma_wait3A_98 = arith.constant 0 : i32
        %dma_wait3A_99 = tpu.memref_slice %arg7[%dma_wait3A_97, %dma_wait3A_98] : memref<64x128xi32, #tpu.memory_space<vmem>> -> memref<64x128xi32, #tpu.memory_space<vmem>>
        %dma_wait3A_100 = arith.constant 0 : i32
        %dma_wait3A_101 = tpu.memref_slice %arg3[%add3A_17, %dma_wait3A_100] : memref<2560x128xi32, #tpu.memory_space<hbm>> -> memref<64x128xi32, #tpu.memory_space<hbm>>
        %dma_wait3A_102 = arith.constant 0 : i32
        %dma_wait3A_103 = arith.constant 0 : i32
        %dma_wait3A_104 = tpu.memref_slice %arg7[%dma_wait3A_102, %dma_wait3A_103] : memref<64x128xi32, #tpu.memory_space<vmem>> -> memref<64x128xi32, #tpu.memory_space<vmem>>
        %dma_wait3A_105 = arith.constant 0 : i32
        %dma_wait3A_106 = tpu.memref_slice %arg3[%add3A_17, %dma_wait3A_105] : memref<2560x128xi32, #tpu.memory_space<hbm>> -> memref<64x128xi32, #tpu.memory_space<hbm>>
        tpu.wait_dma2 semaphore(%run_scoped3A_86 : memref<!tpu.dma_semaphore, #tpu.memory_space<semaphore_mem>>) src(%dma_wait3A_106 : memref<64x128xi32, #tpu.memory_space<hbm>>) dst(%dma_wait3A_104 : memref<64x128xi32, #tpu.memory_space<vmem>>)
        tpu.yield
      }) : () -> ()
      "tpu.region"() ({
        %run_scoped3A_86 = tpu.sem_alloc : memref<!tpu.dma_semaphore, #tpu.memory_space<semaphore_mem>>
        %dma_start3A_87 = arith.constant 0 : i32
        %dma_start3A_88 = arith.constant 0 : i32
        %dma_start3A_89 = tpu.memref_slice %arg8[%dma_start3A_87, %dma_start3A_88] : memref<64x128xi32, #tpu.memory_space<vmem>> -> memref<64x128xi32, #tpu.memory_space<vmem>>
        %dma_start3A_90 = arith.constant 0 : i32
        %dma_start3A_91 = tpu.memref_slice %arg4[%add3A_17, %dma_start3A_90] : memref<2560x128xi32, #tpu.memory_space<hbm>> -> memref<64x128xi32, #tpu.memory_space<hbm>>
        %dma_start3A_92 = arith.constant 0 : i32
        %dma_start3A_93 = arith.constant 0 : i32
        %dma_start3A_94 = tpu.memref_slice %arg8[%dma_start3A_92, %dma_start3A_93] : memref<64x128xi32, #tpu.memory_space<vmem>> -> memref<64x128xi32, #tpu.memory_space<vmem>>
        %dma_start3A_95 = arith.constant 0 : i32
        %dma_start3A_96 = tpu.memref_slice %arg4[%add3A_17, %dma_start3A_95] : memref<2560x128xi32, #tpu.memory_space<hbm>> -> memref<64x128xi32, #tpu.memory_space<hbm>>
        tpu.enqueue_dma source(%dma_start3A_96 : memref<64x128xi32, #tpu.memory_space<hbm>>) target(%dma_start3A_94 : memref<64x128xi32, #tpu.memory_space<vmem>>) target_semaphore(%run_scoped3A_86 : memref<!tpu.dma_semaphore, #tpu.memory_space<semaphore_mem>>)
        %dma_wait3A_97 = arith.constant 0 : i32
        %dma_wait3A_98 = arith.constant 0 : i32
        %dma_wait3A_99 = tpu.memref_slice %arg8[%dma_wait3A_97, %dma_wait3A_98] : memref<64x128xi32, #tpu.memory_space<vmem>> -> memref<64x128xi32, #tpu.memory_space<vmem>>
        %dma_wait3A_100 = arith.constant 0 : i32
        %dma_wait3A_101 = tpu.memref_slice %arg4[%add3A_17, %dma_wait3A_100] : memref<2560x128xi32, #tpu.memory_space<hbm>> -> memref<64x128xi32, #tpu.memory_space<hbm>>
        %dma_wait3A_102 = arith.constant 0 : i32
        %dma_wait3A_103 = arith.constant 0 : i32
        %dma_wait3A_104 = tpu.memref_slice %arg8[%dma_wait3A_102, %dma_wait3A_103] : memref<64x128xi32, #tpu.memory_space<vmem>> -> memref<64x128xi32, #tpu.memory_space<vmem>>
        %dma_wait3A_105 = arith.constant 0 : i32
        %dma_wait3A_106 = tpu.memref_slice %arg4[%add3A_17, %dma_wait3A_105] : memref<2560x128xi32, #tpu.memory_space<hbm>> -> memref<64x128xi32, #tpu.memory_space<hbm>>
        tpu.wait_dma2 semaphore(%run_scoped3A_86 : memref<!tpu.dma_semaphore, #tpu.memory_space<semaphore_mem>>) src(%dma_wait3A_106 : memref<64x128xi32, #tpu.memory_space<hbm>>) dst(%dma_wait3A_104 : memref<64x128xi32, #tpu.memory_space<vmem>>)
        tpu.yield
      }) : () -> ()
      %dma_start3A = arith.constant 0 : i32
      %dma_start3A_18 = arith.constant 0 : i32
      %dma_start3A_19 = tpu.memref_slice %arg7[%dma_start3A, %dma_start3A_18] : memref<64x128xi32, #tpu.memory_space<vmem>> -> memref<1x128xi32, #tpu.memory_space<vmem>>
      %dma_start3A_20 = tpu.memref_squeeze %dma_start3A_19 : memref<1x128xi32, #tpu.memory_space<vmem>> -> memref<128xi32, #tpu.memory_space<vmem>>
      %dma_start3A_21 = arith.constant 0 : i32
      %dma_start3A_22 = arith.constant 0 : i32
      %dma_start3A_23 = tpu.memref_slice %arg2[%dma_start3A_21, %dma_start3A_22] : memref<80000x128xf32, #tpu.memory_space<hbm>> -> memref<80000x128xf32, #tpu.memory_space<hbm>>
      tpu.enqueue_indirect_dma source(%dma_start3A_23 : memref<80000x128xf32, #tpu.memory_space<hbm>>) target(%arg9 : memref<128x128xf32, #tpu.memory_space<vmem>>) offsets(%dma_start3A_20 : memref<128xi32, #tpu.memory_space<vmem>>) semaphore(%arg12 : memref<!tpu.dma_semaphore, #tpu.memory_space<semaphore_mem>>)
      %scan3A = arith.constant 0 : i32
      %scan3A_24 = arith.constant 31 : i32
      %scan3A_25 = arith.addi %scan3A, %scan3A_24 : i32
      %scan3A_26 = arith.constant 1 : i32
      scf.for %scan3A_86 = %scan3A to %scan3A_25 step %scan3A_26  : i32 {
        %mul3A_87 = arith.constant 2 : i32
        %mul3A_88 = arith.muli %scan3A_86, %mul3A_87 : i32
        %add3A_89 = arith.constant 0 : i32
        %add3A_90 = arith.addi %add3A_89, %mul3A_88 : i32
        %add3A_91 = arith.constant 1 : i32
        %add3A_92 = arith.addi %add3A_90, %add3A_91 : i32
        %dma_start3A_93 = arith.constant 0 : i32
        %dma_start3A_94 = tpu.memref_slice %arg7[%add3A_92, %dma_start3A_93] : memref<64x128xi32, #tpu.memory_space<vmem>> -> memref<1x128xi32, #tpu.memory_space<vmem>>
        %dma_start3A_95 = tpu.memref_squeeze %dma_start3A_94 : memref<1x128xi32, #tpu.memory_space<vmem>> -> memref<128xi32, #tpu.memory_space<vmem>>
        %dma_start3A_96 = arith.constant 0 : i32
        %dma_start3A_97 = arith.constant 0 : i32
        %dma_start3A_98 = tpu.memref_slice %arg2[%dma_start3A_96, %dma_start3A_97] : memref<80000x128xf32, #tpu.memory_space<hbm>> -> memref<80000x128xf32, #tpu.memory_space<hbm>>
        tpu.enqueue_indirect_dma source(%dma_start3A_98 : memref<80000x128xf32, #tpu.memory_space<hbm>>) target(%arg10 : memref<128x128xf32, #tpu.memory_space<vmem>>) offsets(%dma_start3A_95 : memref<128xi32, #tpu.memory_space<vmem>>) semaphore(%arg12 : memref<!tpu.dma_semaphore, #tpu.memory_space<semaphore_mem>>)
        %dma_wait3A_99 = arith.constant 0 : i32
        %dma_wait3A_100 = arith.constant 0 : i32
        %dma_wait3A_101 = tpu.memref_slice %arg7[%dma_wait3A_99, %dma_wait3A_100] : memref<64x128xi32, #tpu.memory_space<vmem>> -> memref<1x128xi32, #tpu.memory_space<vmem>>
        %dma_wait3A_102 = tpu.memref_squeeze %dma_wait3A_101 : memref<1x128xi32, #tpu.memory_space<vmem>> -> memref<128xi32, #tpu.memory_space<vmem>>
        %dma_wait3A_103 = arith.constant 0 : i32
        %dma_wait3A_104 = arith.constant 0 : i32
        %dma_wait3A_105 = tpu.memref_slice %arg2[%dma_wait3A_103, %dma_wait3A_104] : memref<80000x128xf32, #tpu.memory_space<hbm>> -> memref<80000x128xf32, #tpu.memory_space<hbm>>
        tpu.wait_indirect_dma semaphore(%arg12 : memref<!tpu.dma_semaphore, #tpu.memory_space<semaphore_mem>>) src(%dma_wait3A_105 : memref<80000x128xf32, #tpu.memory_space<hbm>>) dst(%arg9 : memref<128x128xf32, #tpu.memory_space<vmem>>)
        "tpu.region"() ({
          %run_scoped3A_123 = tpu.sem_alloc : memref<!tpu.dma_semaphore, #tpu.memory_space<semaphore_mem>>
          %dma_start3A_124 = arith.constant 0 : i32
          %dma_start3A_125 = tpu.memref_slice %arg8[%add3A_90, %dma_start3A_124] : memref<64x128xi32, #tpu.memory_space<vmem>> -> memref<1x128xi32, #tpu.memory_space<vmem>>
          %dma_start3A_126 = tpu.memref_squeeze %dma_start3A_125 : memref<1x128xi32, #tpu.memory_space<vmem>> -> memref<128xi32, #tpu.memory_space<vmem>>
          %dma_start3A_127 = arith.constant 0 : i32
          %dma_start3A_128 = arith.constant 0 : i32
          %dma_start3A_129 = tpu.memref_slice %arg11[%dma_start3A_127, %dma_start3A_128] : memref<10112x128xf32, #tpu.memory_space<vmem_shared>> -> memref<10112x128xf32, #tpu.memory_space<vmem_shared>>
          tpu.enqueue_indirect_dma source(%arg9 : memref<128x128xf32, #tpu.memory_space<vmem>>) target(%dma_start3A_129 : memref<10112x128xf32, #tpu.memory_space<vmem_shared>>) offsets(%dma_start3A_126 : memref<128xi32, #tpu.memory_space<vmem>>) semaphore(%run_scoped3A_123 : memref<!tpu.dma_semaphore, #tpu.memory_space<semaphore_mem>>) {add = true}
          %dma_wait3A_130 = arith.constant 0 : i32
          %dma_wait3A_131 = tpu.memref_slice %arg8[%add3A_90, %dma_wait3A_130] : memref<64x128xi32, #tpu.memory_space<vmem>> -> memref<1x128xi32, #tpu.memory_space<vmem>>
          %dma_wait3A_132 = tpu.memref_squeeze %dma_wait3A_131 : memref<1x128xi32, #tpu.memory_space<vmem>> -> memref<128xi32, #tpu.memory_space<vmem>>
          %dma_wait3A_133 = arith.constant 0 : i32
          %dma_wait3A_134 = arith.constant 0 : i32
          %dma_wait3A_135 = tpu.memref_slice %arg11[%dma_wait3A_133, %dma_wait3A_134] : memref<10112x128xf32, #tpu.memory_space<vmem_shared>> -> memref<10112x128xf32, #tpu.memory_space<vmem_shared>>
          tpu.wait_indirect_dma semaphore(%run_scoped3A_123 : memref<!tpu.dma_semaphore, #tpu.memory_space<semaphore_mem>>) src(%arg9 : memref<128x128xf32, #tpu.memory_space<vmem>>) dst(%dma_wait3A_135 : memref<10112x128xf32, #tpu.memory_space<vmem_shared>>)
          tpu.yield
        }) : () -> ()
        %add3A_106 = arith.constant 2 : i32
        %add3A_107 = arith.addi %add3A_90, %add3A_106 : i32
        %dma_start3A_108 = arith.constant 0 : i32
        %dma_start3A_109 = tpu.memref_slice %arg7[%add3A_107, %dma_start3A_108] : memref<64x128xi32, #tpu.memory_space<vmem>> -> memref<1x128xi32, #tpu.memory_space<vmem>>
        %dma_start3A_110 = tpu.memref_squeeze %dma_start3A_109 : memref<1x128xi32, #tpu.memory_space<vmem>> -> memref<128xi32, #tpu.memory_space<vmem>>
        %dma_start3A_111 = arith.constant 0 : i32
        %dma_start3A_112 = arith.constant 0 : i32
        %dma_start3A_113 = tpu.memref_slice %arg2[%dma_start3A_111, %dma_start3A_112] : memref<80000x128xf32, #tpu.memory_space<hbm>> -> memref<80000x128xf32, #tpu.memory_space<hbm>>
        tpu.enqueue_indirect_dma source(%dma_start3A_113 : memref<80000x128xf32, #tpu.memory_space<hbm>>) target(%arg9 : memref<128x128xf32, #tpu.memory_space<vmem>>) offsets(%dma_start3A_110 : memref<128xi32, #tpu.memory_space<vmem>>) semaphore(%arg12 : memref<!tpu.dma_semaphore, #tpu.memory_space<semaphore_mem>>)
        %dma_wait3A_114 = arith.constant 0 : i32
        %dma_wait3A_115 = arith.constant 0 : i32
        %dma_wait3A_116 = tpu.memref_slice %arg7[%dma_wait3A_114, %dma_wait3A_115] : memref<64x128xi32, #tpu.memory_space<vmem>> -> memref<1x128xi32, #tpu.memory_space<vmem>>
        %dma_wait3A_117 = tpu.memref_squeeze %dma_wait3A_116 : memref<1x128xi32, #tpu.memory_space<vmem>> -> memref<128xi32, #tpu.memory_space<vmem>>
        %dma_wait3A_118 = arith.constant 0 : i32
        %dma_wait3A_119 = arith.constant 0 : i32
        %dma_wait3A_120 = tpu.memref_slice %arg2[%dma_wait3A_118, %dma_wait3A_119] : memref<80000x128xf32, #tpu.memory_space<hbm>> -> memref<80000x128xf32, #tpu.memory_space<hbm>>
        tpu.wait_indirect_dma semaphore(%arg12 : memref<!tpu.dma_semaphore, #tpu.memory_space<semaphore_mem>>) src(%dma_wait3A_120 : memref<80000x128xf32, #tpu.memory_space<hbm>>) dst(%arg10 : memref<128x128xf32, #tpu.memory_space<vmem>>)
        %add3A_121 = arith.constant 1 : i32
        %add3A_122 = arith.addi %add3A_90, %add3A_121 : i32
        "tpu.region"() ({
          %run_scoped3A_123 = tpu.sem_alloc : memref<!tpu.dma_semaphore, #tpu.memory_space<semaphore_mem>>
          %dma_start3A_124 = arith.constant 0 : i32
          %dma_start3A_125 = tpu.memref_slice %arg8[%add3A_122, %dma_start3A_124] : memref<64x128xi32, #tpu.memory_space<vmem>> -> memref<1x128xi32, #tpu.memory_space<vmem>>
          %dma_start3A_126 = tpu.memref_squeeze %dma_start3A_125 : memref<1x128xi32, #tpu.memory_space<vmem>> -> memref<128xi32, #tpu.memory_space<vmem>>
          %dma_start3A_127 = arith.constant 0 : i32
          %dma_start3A_128 = arith.constant 0 : i32
          %dma_start3A_129 = tpu.memref_slice %arg11[%dma_start3A_127, %dma_start3A_128] : memref<10112x128xf32, #tpu.memory_space<vmem_shared>> -> memref<10112x128xf32, #tpu.memory_space<vmem_shared>>
          tpu.enqueue_indirect_dma source(%arg10 : memref<128x128xf32, #tpu.memory_space<vmem>>) target(%dma_start3A_129 : memref<10112x128xf32, #tpu.memory_space<vmem_shared>>) offsets(%dma_start3A_126 : memref<128xi32, #tpu.memory_space<vmem>>) semaphore(%run_scoped3A_123 : memref<!tpu.dma_semaphore, #tpu.memory_space<semaphore_mem>>) {add = true}
          %dma_wait3A_130 = arith.constant 0 : i32
          %dma_wait3A_131 = tpu.memref_slice %arg8[%add3A_122, %dma_wait3A_130] : memref<64x128xi32, #tpu.memory_space<vmem>> -> memref<1x128xi32, #tpu.memory_space<vmem>>
          %dma_wait3A_132 = tpu.memref_squeeze %dma_wait3A_131 : memref<1x128xi32, #tpu.memory_space<vmem>> -> memref<128xi32, #tpu.memory_space<vmem>>
          %dma_wait3A_133 = arith.constant 0 : i32
          %dma_wait3A_134 = arith.constant 0 : i32
          %dma_wait3A_135 = tpu.memref_slice %arg11[%dma_wait3A_133, %dma_wait3A_134] : memref<10112x128xf32, #tpu.memory_space<vmem_shared>> -> memref<10112x128xf32, #tpu.memory_space<vmem_shared>>
          tpu.wait_indirect_dma semaphore(%run_scoped3A_123 : memref<!tpu.dma_semaphore, #tpu.memory_space<semaphore_mem>>) src(%arg10 : memref<128x128xf32, #tpu.memory_space<vmem>>) dst(%dma_wait3A_135 : memref<10112x128xf32, #tpu.memory_space<vmem_shared>>)
          tpu.yield
        }) : () -> ()
      }
      %scan3A_27 = arith.constant 31 : i32
      %dma_start3A_28 = arith.constant 63 : i32
      %dma_start3A_29 = arith.constant 0 : i32
      %dma_start3A_30 = tpu.memref_slice %arg7[%dma_start3A_28, %dma_start3A_29] : memref<64x128xi32, #tpu.memory_space<vmem>> -> memref<1x128xi32, #tpu.memory_space<vmem>>
      %dma_start3A_31 = tpu.memref_squeeze %dma_start3A_30 : memref<1x128xi32, #tpu.memory_space<vmem>> -> memref<128xi32, #tpu.memory_space<vmem>>
      %dma_start3A_32 = arith.constant 0 : i32
      %dma_start3A_33 = arith.constant 0 : i32
      %dma_start3A_34 = tpu.memref_slice %arg2[%dma_start3A_32, %dma_start3A_33] : memref<80000x128xf32, #tpu.memory_space<hbm>> -> memref<80000x128xf32, #tpu.memory_space<hbm>>
      tpu.enqueue_indirect_dma source(%dma_start3A_34 : memref<80000x128xf32, #tpu.memory_space<hbm>>) target(%arg10 : memref<128x128xf32, #tpu.memory_space<vmem>>) offsets(%dma_start3A_31 : memref<128xi32, #tpu.memory_space<vmem>>) semaphore(%arg12 : memref<!tpu.dma_semaphore, #tpu.memory_space<semaphore_mem>>)
      %dma_wait3A = arith.constant 0 : i32
      %dma_wait3A_35 = arith.constant 0 : i32
      %dma_wait3A_36 = tpu.memref_slice %arg7[%dma_wait3A, %dma_wait3A_35] : memref<64x128xi32, #tpu.memory_space<vmem>> -> memref<1x128xi32, #tpu.memory_space<vmem>>
      %dma_wait3A_37 = tpu.memref_squeeze %dma_wait3A_36 : memref<1x128xi32, #tpu.memory_space<vmem>> -> memref<128xi32, #tpu.memory_space<vmem>>
      %dma_wait3A_38 = arith.constant 0 : i32
      %dma_wait3A_39 = arith.constant 0 : i32
      %dma_wait3A_40 = tpu.memref_slice %arg2[%dma_wait3A_38, %dma_wait3A_39] : memref<80000x128xf32, #tpu.memory_space<hbm>> -> memref<80000x128xf32, #tpu.memory_space<hbm>>
      tpu.wait_indirect_dma semaphore(%arg12 : memref<!tpu.dma_semaphore, #tpu.memory_space<semaphore_mem>>) src(%dma_wait3A_40 : memref<80000x128xf32, #tpu.memory_space<hbm>>) dst(%arg9 : memref<128x128xf32, #tpu.memory_space<vmem>>)
      %run_scoped3A = arith.constant 62 : i32
      "tpu.region"() ({
        %run_scoped3A_86 = tpu.sem_alloc : memref<!tpu.dma_semaphore, #tpu.memory_space<semaphore_mem>>
        %dma_start3A_87 = arith.constant 0 : i32
        %dma_start3A_88 = tpu.memref_slice %arg8[%run_scoped3A, %dma_start3A_87] : memref<64x128xi32, #tpu.memory_space<vmem>> -> memref<1x128xi32, #tpu.memory_space<vmem>>
        %dma_start3A_89 = tpu.memref_squeeze %dma_start3A_88 : memref<1x128xi32, #tpu.memory_space<vmem>> -> memref<128xi32, #tpu.memory_space<vmem>>
        %dma_start3A_90 = arith.constant 0 : i32
        %dma_start3A_91 = arith.constant 0 : i32
        %dma_start3A_92 = tpu.memref_slice %arg11[%dma_start3A_90, %dma_start3A_91] : memref<10112x128xf32, #tpu.memory_space<vmem_shared>> -> memref<10112x128xf32, #tpu.memory_space<vmem_shared>>
        tpu.enqueue_indirect_dma source(%arg9 : memref<128x128xf32, #tpu.memory_space<vmem>>) target(%dma_start3A_92 : memref<10112x128xf32, #tpu.memory_space<vmem_shared>>) offsets(%dma_start3A_89 : memref<128xi32, #tpu.memory_space<vmem>>) semaphore(%run_scoped3A_86 : memref<!tpu.dma_semaphore, #tpu.memory_space<semaphore_mem>>) {add = true}
        %dma_wait3A_93 = arith.constant 0 : i32
        %dma_wait3A_94 = tpu.memref_slice %arg8[%run_scoped3A, %dma_wait3A_93] : memref<64x128xi32, #tpu.memory_space<vmem>> -> memref<1x128xi32, #tpu.memory_space<vmem>>
        %dma_wait3A_95 = tpu.memref_squeeze %dma_wait3A_94 : memref<1x128xi32, #tpu.memory_space<vmem>> -> memref<128xi32, #tpu.memory_space<vmem>>
        %dma_wait3A_96 = arith.constant 0 : i32
        %dma_wait3A_97 = arith.constant 0 : i32
        %dma_wait3A_98 = tpu.memref_slice %arg11[%dma_wait3A_96, %dma_wait3A_97] : memref<10112x128xf32, #tpu.memory_space<vmem_shared>> -> memref<10112x128xf32, #tpu.memory_space<vmem_shared>>
        tpu.wait_indirect_dma semaphore(%run_scoped3A_86 : memref<!tpu.dma_semaphore, #tpu.memory_space<semaphore_mem>>) src(%arg9 : memref<128x128xf32, #tpu.memory_space<vmem>>) dst(%dma_wait3A_98 : memref<10112x128xf32, #tpu.memory_space<vmem_shared>>)
        tpu.yield
      }) : () -> ()
      %dma_wait3A_41 = arith.constant 0 : i32
      %dma_wait3A_42 = arith.constant 0 : i32
      %dma_wait3A_43 = tpu.memref_slice %arg7[%dma_wait3A_41, %dma_wait3A_42] : memref<64x128xi32, #tpu.memory_space<vmem>> -> memref<1x128xi32, #tpu.memory_space<vmem>>
      %dma_wait3A_44 = tpu.memref_squeeze %dma_wait3A_43 : memref<1x128xi32, #tpu.memory_space<vmem>> -> memref<128xi32, #tpu.memory_space<vmem>>
      %dma_wait3A_45 = arith.constant 0 : i32
      %dma_wait3A_46 = arith.constant 0 : i32
      %dma_wait3A_47 = tpu.memref_slice %arg2[%dma_wait3A_45, %dma_wait3A_46] : memref<80000x128xf32, #tpu.memory_space<hbm>> -> memref<80000x128xf32, #tpu.memory_space<hbm>>
      tpu.wait_indirect_dma semaphore(%arg12 : memref<!tpu.dma_semaphore, #tpu.memory_space<semaphore_mem>>) src(%dma_wait3A_47 : memref<80000x128xf32, #tpu.memory_space<hbm>>) dst(%arg10 : memref<128x128xf32, #tpu.memory_space<vmem>>)
      %run_scoped3A_48 = arith.constant 63 : i32
      "tpu.region"() ({
        %run_scoped3A_86 = tpu.sem_alloc : memref<!tpu.dma_semaphore, #tpu.memory_space<semaphore_mem>>
        %dma_start3A_87 = arith.constant 0 : i32
        %dma_start3A_88 = tpu.memref_slice %arg8[%run_scoped3A_48, %dma_start3A_87] : memref<64x128xi32, #tpu.memory_space<vmem>> -> memref<1x128xi32, #tpu.memory_space<vmem>>
        %dma_start3A_89 = tpu.memref_squeeze %dma_start3A_88 : memref<1x128xi32, #tpu.memory_space<vmem>> -> memref<128xi32, #tpu.memory_space<vmem>>
        %dma_start3A_90 = arith.constant 0 : i32
        %dma_start3A_91 = arith.constant 0 : i32
        %dma_start3A_92 = tpu.memref_slice %arg11[%dma_start3A_90, %dma_start3A_91] : memref<10112x128xf32, #tpu.memory_space<vmem_shared>> -> memref<10112x128xf32, #tpu.memory_space<vmem_shared>>
        tpu.enqueue_indirect_dma source(%arg10 : memref<128x128xf32, #tpu.memory_space<vmem>>) target(%dma_start3A_92 : memref<10112x128xf32, #tpu.memory_space<vmem_shared>>) offsets(%dma_start3A_89 : memref<128xi32, #tpu.memory_space<vmem>>) semaphore(%run_scoped3A_86 : memref<!tpu.dma_semaphore, #tpu.memory_space<semaphore_mem>>) {add = true}
        %dma_wait3A_93 = arith.constant 0 : i32
        %dma_wait3A_94 = tpu.memref_slice %arg8[%run_scoped3A_48, %dma_wait3A_93] : memref<64x128xi32, #tpu.memory_space<vmem>> -> memref<1x128xi32, #tpu.memory_space<vmem>>
        %dma_wait3A_95 = tpu.memref_squeeze %dma_wait3A_94 : memref<1x128xi32, #tpu.memory_space<vmem>> -> memref<128xi32, #tpu.memory_space<vmem>>
        %dma_wait3A_96 = arith.constant 0 : i32
        %dma_wait3A_97 = arith.constant 0 : i32
        %dma_wait3A_98 = tpu.memref_slice %arg11[%dma_wait3A_96, %dma_wait3A_97] : memref<10112x128xf32, #tpu.memory_space<vmem_shared>> -> memref<10112x128xf32, #tpu.memory_space<vmem_shared>>
        tpu.wait_indirect_dma semaphore(%run_scoped3A_86 : memref<!tpu.dma_semaphore, #tpu.memory_space<semaphore_mem>>) src(%arg10 : memref<128x128xf32, #tpu.memory_space<vmem>>) dst(%dma_wait3A_98 : memref<10112x128xf32, #tpu.memory_space<vmem_shared>>)
        tpu.yield
      }) : () -> ()
      %add3A_49 = arith.constant 64 : i32
      %add3A_50 = arith.addi %mul3A_16, %add3A_49 : i32
      "tpu.region"() ({
        %run_scoped3A_86 = tpu.sem_alloc : memref<!tpu.dma_semaphore, #tpu.memory_space<semaphore_mem>>
        %dma_start3A_87 = arith.constant 0 : i32
        %dma_start3A_88 = arith.constant 0 : i32
        %dma_start3A_89 = tpu.memref_slice %arg7[%dma_start3A_87, %dma_start3A_88] : memref<64x128xi32, #tpu.memory_space<vmem>> -> memref<64x128xi32, #tpu.memory_space<vmem>>
        %dma_start3A_90 = arith.constant 0 : i32
        %dma_start3A_91 = tpu.memref_slice %arg3[%add3A_50, %dma_start3A_90] : memref<2560x128xi32, #tpu.memory_space<hbm>> -> memref<64x128xi32, #tpu.memory_space<hbm>>
        %dma_start3A_92 = arith.constant 0 : i32
        %dma_start3A_93 = arith.constant 0 : i32
        %dma_start3A_94 = tpu.memref_slice %arg7[%dma_start3A_92, %dma_start3A_93] : memref<64x128xi32, #tpu.memory_space<vmem>> -> memref<64x128xi32, #tpu.memory_space<vmem>>
        %dma_start3A_95 = arith.constant 0 : i32
        %dma_start3A_96 = tpu.memref_slice %arg3[%add3A_50, %dma_start3A_95] : memref<2560x128xi32, #tpu.memory_space<hbm>> -> memref<64x128xi32, #tpu.memory_space<hbm>>
        tpu.enqueue_dma source(%dma_start3A_96 : memref<64x128xi32, #tpu.memory_space<hbm>>) target(%dma_start3A_94 : memref<64x128xi32, #tpu.memory_space<vmem>>) target_semaphore(%run_scoped3A_86 : memref<!tpu.dma_semaphore, #tpu.memory_space<semaphore_mem>>)
        %dma_wait3A_97 = arith.constant 0 : i32
        %dma_wait3A_98 = arith.constant 0 : i32
        %dma_wait3A_99 = tpu.memref_slice %arg7[%dma_wait3A_97, %dma_wait3A_98] : memref<64x128xi32, #tpu.memory_space<vmem>> -> memref<64x128xi32, #tpu.memory_space<vmem>>
        %dma_wait3A_100 = arith.constant 0 : i32
        %dma_wait3A_101 = tpu.memref_slice %arg3[%add3A_50, %dma_wait3A_100] : memref<2560x128xi32, #tpu.memory_space<hbm>> -> memref<64x128xi32, #tpu.memory_space<hbm>>
        %dma_wait3A_102 = arith.constant 0 : i32
        %dma_wait3A_103 = arith.constant 0 : i32
        %dma_wait3A_104 = tpu.memref_slice %arg7[%dma_wait3A_102, %dma_wait3A_103] : memref<64x128xi32, #tpu.memory_space<vmem>> -> memref<64x128xi32, #tpu.memory_space<vmem>>
        %dma_wait3A_105 = arith.constant 0 : i32
        %dma_wait3A_106 = tpu.memref_slice %arg3[%add3A_50, %dma_wait3A_105] : memref<2560x128xi32, #tpu.memory_space<hbm>> -> memref<64x128xi32, #tpu.memory_space<hbm>>
        tpu.wait_dma2 semaphore(%run_scoped3A_86 : memref<!tpu.dma_semaphore, #tpu.memory_space<semaphore_mem>>) src(%dma_wait3A_106 : memref<64x128xi32, #tpu.memory_space<hbm>>) dst(%dma_wait3A_104 : memref<64x128xi32, #tpu.memory_space<vmem>>)
        tpu.yield
      }) : () -> ()
      "tpu.region"() ({
        %run_scoped3A_86 = tpu.sem_alloc : memref<!tpu.dma_semaphore, #tpu.memory_space<semaphore_mem>>
        %dma_start3A_87 = arith.constant 0 : i32
        %dma_start3A_88 = arith.constant 0 : i32
        %dma_start3A_89 = tpu.memref_slice %arg8[%dma_start3A_87, %dma_start3A_88] : memref<64x128xi32, #tpu.memory_space<vmem>> -> memref<64x128xi32, #tpu.memory_space<vmem>>
        %dma_start3A_90 = arith.constant 0 : i32
        %dma_start3A_91 = tpu.memref_slice %arg4[%add3A_50, %dma_start3A_90] : memref<2560x128xi32, #tpu.memory_space<hbm>> -> memref<64x128xi32, #tpu.memory_space<hbm>>
        %dma_start3A_92 = arith.constant 0 : i32
        %dma_start3A_93 = arith.constant 0 : i32
        %dma_start3A_94 = tpu.memref_slice %arg8[%dma_start3A_92, %dma_start3A_93] : memref<64x128xi32, #tpu.memory_space<vmem>> -> memref<64x128xi32, #tpu.memory_space<vmem>>
        %dma_start3A_95 = arith.constant 0 : i32
        %dma_start3A_96 = tpu.memref_slice %arg4[%add3A_50, %dma_start3A_95] : memref<2560x128xi32, #tpu.memory_space<hbm>> -> memref<64x128xi32, #tpu.memory_space<hbm>>
        tpu.enqueue_dma source(%dma_start3A_96 : memref<64x128xi32, #tpu.memory_space<hbm>>) target(%dma_start3A_94 : memref<64x128xi32, #tpu.memory_space<vmem>>) target_semaphore(%run_scoped3A_86 : memref<!tpu.dma_semaphore, #tpu.memory_space<semaphore_mem>>)
        %dma_wait3A_97 = arith.constant 0 : i32
        %dma_wait3A_98 = arith.constant 0 : i32
        %dma_wait3A_99 = tpu.memref_slice %arg8[%dma_wait3A_97, %dma_wait3A_98] : memref<64x128xi32, #tpu.memory_space<vmem>> -> memref<64x128xi32, #tpu.memory_space<vmem>>
        %dma_wait3A_100 = arith.constant 0 : i32
        %dma_wait3A_101 = tpu.memref_slice %arg4[%add3A_50, %dma_wait3A_100] : memref<2560x128xi32, #tpu.memory_space<hbm>> -> memref<64x128xi32, #tpu.memory_space<hbm>>
        %dma_wait3A_102 = arith.constant 0 : i32
        %dma_wait3A_103 = arith.constant 0 : i32
        %dma_wait3A_104 = tpu.memref_slice %arg8[%dma_wait3A_102, %dma_wait3A_103] : memref<64x128xi32, #tpu.memory_space<vmem>> -> memref<64x128xi32, #tpu.memory_space<vmem>>
        %dma_wait3A_105 = arith.constant 0 : i32
        %dma_wait3A_106 = tpu.memref_slice %arg4[%add3A_50, %dma_wait3A_105] : memref<2560x128xi32, #tpu.memory_space<hbm>> -> memref<64x128xi32, #tpu.memory_space<hbm>>
        tpu.wait_dma2 semaphore(%run_scoped3A_86 : memref<!tpu.dma_semaphore, #tpu.memory_space<semaphore_mem>>) src(%dma_wait3A_106 : memref<64x128xi32, #tpu.memory_space<hbm>>) dst(%dma_wait3A_104 : memref<64x128xi32, #tpu.memory_space<vmem>>)
        tpu.yield
      }) : () -> ()
      %dma_start3A_51 = arith.constant 0 : i32
      %dma_start3A_52 = arith.constant 0 : i32
      %dma_start3A_53 = tpu.memref_slice %arg7[%dma_start3A_51, %dma_start3A_52] : memref<64x128xi32, #tpu.memory_space<vmem>> -> memref<1x128xi32, #tpu.memory_space<vmem>>
      %dma_start3A_54 = tpu.memref_squeeze %dma_start3A_53 : memref<1x128xi32, #tpu.memory_space<vmem>> -> memref<128xi32, #tpu.memory_space<vmem>>
      %dma_start3A_55 = arith.constant 0 : i32
      %dma_start3A_56 = arith.constant 0 : i32
      %dma_start3A_57 = tpu.memref_slice %arg2[%dma_start3A_55, %dma_start3A_56] : memref<80000x128xf32, #tpu.memory_space<hbm>> -> memref<80000x128xf32, #tpu.memory_space<hbm>>
      tpu.enqueue_indirect_dma source(%dma_start3A_57 : memref<80000x128xf32, #tpu.memory_space<hbm>>) target(%arg9 : memref<128x128xf32, #tpu.memory_space<vmem>>) offsets(%dma_start3A_54 : memref<128xi32, #tpu.memory_space<vmem>>) semaphore(%arg12 : memref<!tpu.dma_semaphore, #tpu.memory_space<semaphore_mem>>)
      %scan3A_58 = arith.constant 0 : i32
      %scan3A_59 = arith.constant 31 : i32
      %scan3A_60 = arith.addi %scan3A_58, %scan3A_59 : i32
      %scan3A_61 = arith.constant 1 : i32
      scf.for %scan3A_86 = %scan3A_58 to %scan3A_60 step %scan3A_61  : i32 {
        %mul3A_87 = arith.constant 2 : i32
        %mul3A_88 = arith.muli %scan3A_86, %mul3A_87 : i32
        %add3A_89 = arith.constant 0 : i32
        %add3A_90 = arith.addi %add3A_89, %mul3A_88 : i32
        %add3A_91 = arith.constant 1 : i32
        %add3A_92 = arith.addi %add3A_90, %add3A_91 : i32
        %dma_start3A_93 = arith.constant 0 : i32
        %dma_start3A_94 = tpu.memref_slice %arg7[%add3A_92, %dma_start3A_93] : memref<64x128xi32, #tpu.memory_space<vmem>> -> memref<1x128xi32, #tpu.memory_space<vmem>>
        %dma_start3A_95 = tpu.memref_squeeze %dma_start3A_94 : memref<1x128xi32, #tpu.memory_space<vmem>> -> memref<128xi32, #tpu.memory_space<vmem>>
        %dma_start3A_96 = arith.constant 0 : i32
        %dma_start3A_97 = arith.constant 0 : i32
        %dma_start3A_98 = tpu.memref_slice %arg2[%dma_start3A_96, %dma_start3A_97] : memref<80000x128xf32, #tpu.memory_space<hbm>> -> memref<80000x128xf32, #tpu.memory_space<hbm>>
        tpu.enqueue_indirect_dma source(%dma_start3A_98 : memref<80000x128xf32, #tpu.memory_space<hbm>>) target(%arg10 : memref<128x128xf32, #tpu.memory_space<vmem>>) offsets(%dma_start3A_95 : memref<128xi32, #tpu.memory_space<vmem>>) semaphore(%arg12 : memref<!tpu.dma_semaphore, #tpu.memory_space<semaphore_mem>>)
        %dma_wait3A_99 = arith.constant 0 : i32
        %dma_wait3A_100 = arith.constant 0 : i32
        %dma_wait3A_101 = tpu.memref_slice %arg7[%dma_wait3A_99, %dma_wait3A_100] : memref<64x128xi32, #tpu.memory_space<vmem>> -> memref<1x128xi32, #tpu.memory_space<vmem>>
        %dma_wait3A_102 = tpu.memref_squeeze %dma_wait3A_101 : memref<1x128xi32, #tpu.memory_space<vmem>> -> memref<128xi32, #tpu.memory_space<vmem>>
        %dma_wait3A_103 = arith.constant 0 : i32
        %dma_wait3A_104 = arith.constant 0 : i32
        %dma_wait3A_105 = tpu.memref_slice %arg2[%dma_wait3A_103, %dma_wait3A_104] : memref<80000x128xf32, #tpu.memory_space<hbm>> -> memref<80000x128xf32, #tpu.memory_space<hbm>>
        tpu.wait_indirect_dma semaphore(%arg12 : memref<!tpu.dma_semaphore, #tpu.memory_space<semaphore_mem>>) src(%dma_wait3A_105 : memref<80000x128xf32, #tpu.memory_space<hbm>>) dst(%arg9 : memref<128x128xf32, #tpu.memory_space<vmem>>)
        "tpu.region"() ({
          %run_scoped3A_123 = tpu.sem_alloc : memref<!tpu.dma_semaphore, #tpu.memory_space<semaphore_mem>>
          %dma_start3A_124 = arith.constant 0 : i32
          %dma_start3A_125 = tpu.memref_slice %arg8[%add3A_90, %dma_start3A_124] : memref<64x128xi32, #tpu.memory_space<vmem>> -> memref<1x128xi32, #tpu.memory_space<vmem>>
          %dma_start3A_126 = tpu.memref_squeeze %dma_start3A_125 : memref<1x128xi32, #tpu.memory_space<vmem>> -> memref<128xi32, #tpu.memory_space<vmem>>
          %dma_start3A_127 = arith.constant 0 : i32
          %dma_start3A_128 = arith.constant 0 : i32
          %dma_start3A_129 = tpu.memref_slice %arg11[%dma_start3A_127, %dma_start3A_128] : memref<10112x128xf32, #tpu.memory_space<vmem_shared>> -> memref<10112x128xf32, #tpu.memory_space<vmem_shared>>
          tpu.enqueue_indirect_dma source(%arg9 : memref<128x128xf32, #tpu.memory_space<vmem>>) target(%dma_start3A_129 : memref<10112x128xf32, #tpu.memory_space<vmem_shared>>) offsets(%dma_start3A_126 : memref<128xi32, #tpu.memory_space<vmem>>) semaphore(%run_scoped3A_123 : memref<!tpu.dma_semaphore, #tpu.memory_space<semaphore_mem>>) {add = true}
          %dma_wait3A_130 = arith.constant 0 : i32
          %dma_wait3A_131 = tpu.memref_slice %arg8[%add3A_90, %dma_wait3A_130] : memref<64x128xi32, #tpu.memory_space<vmem>> -> memref<1x128xi32, #tpu.memory_space<vmem>>
          %dma_wait3A_132 = tpu.memref_squeeze %dma_wait3A_131 : memref<1x128xi32, #tpu.memory_space<vmem>> -> memref<128xi32, #tpu.memory_space<vmem>>
          %dma_wait3A_133 = arith.constant 0 : i32
          %dma_wait3A_134 = arith.constant 0 : i32
          %dma_wait3A_135 = tpu.memref_slice %arg11[%dma_wait3A_133, %dma_wait3A_134] : memref<10112x128xf32, #tpu.memory_space<vmem_shared>> -> memref<10112x128xf32, #tpu.memory_space<vmem_shared>>
          tpu.wait_indirect_dma semaphore(%run_scoped3A_123 : memref<!tpu.dma_semaphore, #tpu.memory_space<semaphore_mem>>) src(%arg9 : memref<128x128xf32, #tpu.memory_space<vmem>>) dst(%dma_wait3A_135 : memref<10112x128xf32, #tpu.memory_space<vmem_shared>>)
          tpu.yield
        }) : () -> ()
        %add3A_106 = arith.constant 2 : i32
        %add3A_107 = arith.addi %add3A_90, %add3A_106 : i32
        %dma_start3A_108 = arith.constant 0 : i32
        %dma_start3A_109 = tpu.memref_slice %arg7[%add3A_107, %dma_start3A_108] : memref<64x128xi32, #tpu.memory_space<vmem>> -> memref<1x128xi32, #tpu.memory_space<vmem>>
        %dma_start3A_110 = tpu.memref_squeeze %dma_start3A_109 : memref<1x128xi32, #tpu.memory_space<vmem>> -> memref<128xi32, #tpu.memory_space<vmem>>
        %dma_start3A_111 = arith.constant 0 : i32
        %dma_start3A_112 = arith.constant 0 : i32
        %dma_start3A_113 = tpu.memref_slice %arg2[%dma_start3A_111, %dma_start3A_112] : memref<80000x128xf32, #tpu.memory_space<hbm>> -> memref<80000x128xf32, #tpu.memory_space<hbm>>
        tpu.enqueue_indirect_dma source(%dma_start3A_113 : memref<80000x128xf32, #tpu.memory_space<hbm>>) target(%arg9 : memref<128x128xf32, #tpu.memory_space<vmem>>) offsets(%dma_start3A_110 : memref<128xi32, #tpu.memory_space<vmem>>) semaphore(%arg12 : memref<!tpu.dma_semaphore, #tpu.memory_space<semaphore_mem>>)
        %dma_wait3A_114 = arith.constant 0 : i32
        %dma_wait3A_115 = arith.constant 0 : i32
        %dma_wait3A_116 = tpu.memref_slice %arg7[%dma_wait3A_114, %dma_wait3A_115] : memref<64x128xi32, #tpu.memory_space<vmem>> -> memref<1x128xi32, #tpu.memory_space<vmem>>
        %dma_wait3A_117 = tpu.memref_squeeze %dma_wait3A_116 : memref<1x128xi32, #tpu.memory_space<vmem>> -> memref<128xi32, #tpu.memory_space<vmem>>
        %dma_wait3A_118 = arith.constant 0 : i32
        %dma_wait3A_119 = arith.constant 0 : i32
        %dma_wait3A_120 = tpu.memref_slice %arg2[%dma_wait3A_118, %dma_wait3A_119] : memref<80000x128xf32, #tpu.memory_space<hbm>> -> memref<80000x128xf32, #tpu.memory_space<hbm>>
        tpu.wait_indirect_dma semaphore(%arg12 : memref<!tpu.dma_semaphore, #tpu.memory_space<semaphore_mem>>) src(%dma_wait3A_120 : memref<80000x128xf32, #tpu.memory_space<hbm>>) dst(%arg10 : memref<128x128xf32, #tpu.memory_space<vmem>>)
        %add3A_121 = arith.constant 1 : i32
        %add3A_122 = arith.addi %add3A_90, %add3A_121 : i32
        "tpu.region"() ({
          %run_scoped3A_123 = tpu.sem_alloc : memref<!tpu.dma_semaphore, #tpu.memory_space<semaphore_mem>>
          %dma_start3A_124 = arith.constant 0 : i32
          %dma_start3A_125 = tpu.memref_slice %arg8[%add3A_122, %dma_start3A_124] : memref<64x128xi32, #tpu.memory_space<vmem>> -> memref<1x128xi32, #tpu.memory_space<vmem>>
          %dma_start3A_126 = tpu.memref_squeeze %dma_start3A_125 : memref<1x128xi32, #tpu.memory_space<vmem>> -> memref<128xi32, #tpu.memory_space<vmem>>
          %dma_start3A_127 = arith.constant 0 : i32
          %dma_start3A_128 = arith.constant 0 : i32
          %dma_start3A_129 = tpu.memref_slice %arg11[%dma_start3A_127, %dma_start3A_128] : memref<10112x128xf32, #tpu.memory_space<vmem_shared>> -> memref<10112x128xf32, #tpu.memory_space<vmem_shared>>
          tpu.enqueue_indirect_dma source(%arg10 : memref<128x128xf32, #tpu.memory_space<vmem>>) target(%dma_start3A_129 : memref<10112x128xf32, #tpu.memory_space<vmem_shared>>) offsets(%dma_start3A_126 : memref<128xi32, #tpu.memory_space<vmem>>) semaphore(%run_scoped3A_123 : memref<!tpu.dma_semaphore, #tpu.memory_space<semaphore_mem>>) {add = true}
          %dma_wait3A_130 = arith.constant 0 : i32
          %dma_wait3A_131 = tpu.memref_slice %arg8[%add3A_122, %dma_wait3A_130] : memref<64x128xi32, #tpu.memory_space<vmem>> -> memref<1x128xi32, #tpu.memory_space<vmem>>
          %dma_wait3A_132 = tpu.memref_squeeze %dma_wait3A_131 : memref<1x128xi32, #tpu.memory_space<vmem>> -> memref<128xi32, #tpu.memory_space<vmem>>
          %dma_wait3A_133 = arith.constant 0 : i32
          %dma_wait3A_134 = arith.constant 0 : i32
          %dma_wait3A_135 = tpu.memref_slice %arg11[%dma_wait3A_133, %dma_wait3A_134] : memref<10112x128xf32, #tpu.memory_space<vmem_shared>> -> memref<10112x128xf32, #tpu.memory_space<vmem_shared>>
          tpu.wait_indirect_dma semaphore(%run_scoped3A_123 : memref<!tpu.dma_semaphore, #tpu.memory_space<semaphore_mem>>) src(%arg10 : memref<128x128xf32, #tpu.memory_space<vmem>>) dst(%dma_wait3A_135 : memref<10112x128xf32, #tpu.memory_space<vmem_shared>>)
          tpu.yield
        }) : () -> ()
      }
      %scan3A_62 = arith.constant 31 : i32
      %dma_start3A_63 = arith.constant 63 : i32
      %dma_start3A_64 = arith.constant 0 : i32
      %dma_start3A_65 = tpu.memref_slice %arg7[%dma_start3A_63, %dma_start3A_64] : memref<64x128xi32, #tpu.memory_space<vmem>> -> memref<1x128xi32, #tpu.memory_space<vmem>>
      %dma_start3A_66 = tpu.memref_squeeze %dma_start3A_65 : memref<1x128xi32, #tpu.memory_space<vmem>> -> memref<128xi32, #tpu.memory_space<vmem>>
      %dma_start3A_67 = arith.constant 0 : i32
      %dma_start3A_68 = arith.constant 0 : i32
      %dma_start3A_69 = tpu.memref_slice %arg2[%dma_start3A_67, %dma_start3A_68] : memref<80000x128xf32, #tpu.memory_space<hbm>> -> memref<80000x128xf32, #tpu.memory_space<hbm>>
      tpu.enqueue_indirect_dma source(%dma_start3A_69 : memref<80000x128xf32, #tpu.memory_space<hbm>>) target(%arg10 : memref<128x128xf32, #tpu.memory_space<vmem>>) offsets(%dma_start3A_66 : memref<128xi32, #tpu.memory_space<vmem>>) semaphore(%arg12 : memref<!tpu.dma_semaphore, #tpu.memory_space<semaphore_mem>>)
      %dma_wait3A_70 = arith.constant 0 : i32
      %dma_wait3A_71 = arith.constant 0 : i32
      %dma_wait3A_72 = tpu.memref_slice %arg7[%dma_wait3A_70, %dma_wait3A_71] : memref<64x128xi32, #tpu.memory_space<vmem>> -> memref<1x128xi32, #tpu.memory_space<vmem>>
      %dma_wait3A_73 = tpu.memref_squeeze %dma_wait3A_72 : memref<1x128xi32, #tpu.memory_space<vmem>> -> memref<128xi32, #tpu.memory_space<vmem>>
      %dma_wait3A_74 = arith.constant 0 : i32
      %dma_wait3A_75 = arith.constant 0 : i32
      %dma_wait3A_76 = tpu.memref_slice %arg2[%dma_wait3A_74, %dma_wait3A_75] : memref<80000x128xf32, #tpu.memory_space<hbm>> -> memref<80000x128xf32, #tpu.memory_space<hbm>>
      tpu.wait_indirect_dma semaphore(%arg12 : memref<!tpu.dma_semaphore, #tpu.memory_space<semaphore_mem>>) src(%dma_wait3A_76 : memref<80000x128xf32, #tpu.memory_space<hbm>>) dst(%arg9 : memref<128x128xf32, #tpu.memory_space<vmem>>)
      %run_scoped3A_77 = arith.constant 62 : i32
      "tpu.region"() ({
        %run_scoped3A_86 = tpu.sem_alloc : memref<!tpu.dma_semaphore, #tpu.memory_space<semaphore_mem>>
        %dma_start3A_87 = arith.constant 0 : i32
        %dma_start3A_88 = tpu.memref_slice %arg8[%run_scoped3A_77, %dma_start3A_87] : memref<64x128xi32, #tpu.memory_space<vmem>> -> memref<1x128xi32, #tpu.memory_space<vmem>>
        %dma_start3A_89 = tpu.memref_squeeze %dma_start3A_88 : memref<1x128xi32, #tpu.memory_space<vmem>> -> memref<128xi32, #tpu.memory_space<vmem>>
        %dma_start3A_90 = arith.constant 0 : i32
        %dma_start3A_91 = arith.constant 0 : i32
        %dma_start3A_92 = tpu.memref_slice %arg11[%dma_start3A_90, %dma_start3A_91] : memref<10112x128xf32, #tpu.memory_space<vmem_shared>> -> memref<10112x128xf32, #tpu.memory_space<vmem_shared>>
        tpu.enqueue_indirect_dma source(%arg9 : memref<128x128xf32, #tpu.memory_space<vmem>>) target(%dma_start3A_92 : memref<10112x128xf32, #tpu.memory_space<vmem_shared>>) offsets(%dma_start3A_89 : memref<128xi32, #tpu.memory_space<vmem>>) semaphore(%run_scoped3A_86 : memref<!tpu.dma_semaphore, #tpu.memory_space<semaphore_mem>>) {add = true}
        %dma_wait3A_93 = arith.constant 0 : i32
        %dma_wait3A_94 = tpu.memref_slice %arg8[%run_scoped3A_77, %dma_wait3A_93] : memref<64x128xi32, #tpu.memory_space<vmem>> -> memref<1x128xi32, #tpu.memory_space<vmem>>
        %dma_wait3A_95 = tpu.memref_squeeze %dma_wait3A_94 : memref<1x128xi32, #tpu.memory_space<vmem>> -> memref<128xi32, #tpu.memory_space<vmem>>
        %dma_wait3A_96 = arith.constant 0 : i32
        %dma_wait3A_97 = arith.constant 0 : i32
        %dma_wait3A_98 = tpu.memref_slice %arg11[%dma_wait3A_96, %dma_wait3A_97] : memref<10112x128xf32, #tpu.memory_space<vmem_shared>> -> memref<10112x128xf32, #tpu.memory_space<vmem_shared>>
        tpu.wait_indirect_dma semaphore(%run_scoped3A_86 : memref<!tpu.dma_semaphore, #tpu.memory_space<semaphore_mem>>) src(%arg9 : memref<128x128xf32, #tpu.memory_space<vmem>>) dst(%dma_wait3A_98 : memref<10112x128xf32, #tpu.memory_space<vmem_shared>>)
        tpu.yield
      }) : () -> ()
      %dma_wait3A_78 = arith.constant 0 : i32
      %dma_wait3A_79 = arith.constant 0 : i32
      %dma_wait3A_80 = tpu.memref_slice %arg7[%dma_wait3A_78, %dma_wait3A_79] : memref<64x128xi32, #tpu.memory_space<vmem>> -> memref<1x128xi32, #tpu.memory_space<vmem>>
      %dma_wait3A_81 = tpu.memref_squeeze %dma_wait3A_80 : memref<1x128xi32, #tpu.memory_space<vmem>> -> memref<128xi32, #tpu.memory_space<vmem>>
      %dma_wait3A_82 = arith.constant 0 : i32
      %dma_wait3A_83 = arith.constant 0 : i32
      %dma_wait3A_84 = tpu.memref_slice %arg2[%dma_wait3A_82, %dma_wait3A_83] : memref<80000x128xf32, #tpu.memory_space<hbm>> -> memref<80000x128xf32, #tpu.memory_space<hbm>>
      tpu.wait_indirect_dma semaphore(%arg12 : memref<!tpu.dma_semaphore, #tpu.memory_space<semaphore_mem>>) src(%dma_wait3A_84 : memref<80000x128xf32, #tpu.memory_space<hbm>>) dst(%arg10 : memref<128x128xf32, #tpu.memory_space<vmem>>)
      %run_scoped3A_85 = arith.constant 63 : i32
      "tpu.region"() ({
        %run_scoped3A_86 = tpu.sem_alloc : memref<!tpu.dma_semaphore, #tpu.memory_space<semaphore_mem>>
        %dma_start3A_87 = arith.constant 0 : i32
        %dma_start3A_88 = tpu.memref_slice %arg8[%run_scoped3A_85, %dma_start3A_87] : memref<64x128xi32, #tpu.memory_space<vmem>> -> memref<1x128xi32, #tpu.memory_space<vmem>>
        %dma_start3A_89 = tpu.memref_squeeze %dma_start3A_88 : memref<1x128xi32, #tpu.memory_space<vmem>> -> memref<128xi32, #tpu.memory_space<vmem>>
        %dma_start3A_90 = arith.constant 0 : i32
        %dma_start3A_91 = arith.constant 0 : i32
        %dma_start3A_92 = tpu.memref_slice %arg11[%dma_start3A_90, %dma_start3A_91] : memref<10112x128xf32, #tpu.memory_space<vmem_shared>> -> memref<10112x128xf32, #tpu.memory_space<vmem_shared>>
        tpu.enqueue_indirect_dma source(%arg10 : memref<128x128xf32, #tpu.memory_space<vmem>>) target(%dma_start3A_92 : memref<10112x128xf32, #tpu.memory_space<vmem_shared>>) offsets(%dma_start3A_89 : memref<128xi32, #tpu.memory_space<vmem>>) semaphore(%run_scoped3A_86 : memref<!tpu.dma_semaphore, #tpu.memory_space<semaphore_mem>>) {add = true}
        %dma_wait3A_93 = arith.constant 0 : i32
        %dma_wait3A_94 = tpu.memref_slice %arg8[%run_scoped3A_85, %dma_wait3A_93] : memref<64x128xi32, #tpu.memory_space<vmem>> -> memref<1x128xi32, #tpu.memory_space<vmem>>
        %dma_wait3A_95 = tpu.memref_squeeze %dma_wait3A_94 : memref<1x128xi32, #tpu.memory_space<vmem>> -> memref<128xi32, #tpu.memory_space<vmem>>
        %dma_wait3A_96 = arith.constant 0 : i32
        %dma_wait3A_97 = arith.constant 0 : i32
        %dma_wait3A_98 = tpu.memref_slice %arg11[%dma_wait3A_96, %dma_wait3A_97] : memref<10112x128xf32, #tpu.memory_space<vmem_shared>> -> memref<10112x128xf32, #tpu.memory_space<vmem_shared>>
        tpu.wait_indirect_dma semaphore(%run_scoped3A_86 : memref<!tpu.dma_semaphore, #tpu.memory_space<semaphore_mem>>) src(%arg10 : memref<128x128xf32, #tpu.memory_space<vmem>>) dst(%dma_wait3A_98 : memref<10112x128xf32, #tpu.memory_space<vmem_shared>>)
        tpu.yield
      }) : () -> ()
    } else {
    }
    %eq3A_5 = arith.constant 1 : i32
    %eq3A_6 = arith.cmpi eq, %arg0, %eq3A_5 : i32
    %convert_element_type3A_7 = arith.extui %eq3A_6 : i1 to i32
    %cond3A_8 = arith.constant 0 : i32
    %cond3A_9 = arith.cmpi ne, %convert_element_type3A_7, %cond3A_8 : i32
    scf.if %cond3A_9 {
      %mul3A_15 = arith.constant 32 : i32
      %mul3A_16 = arith.muli %arg1, %mul3A_15 : i32
      %add3A = arith.constant 2048 : i32
      %add3A_17 = arith.addi %add3A, %mul3A_16 : i32
      %add3A_18 = arith.constant 0 : i32
      %add3A_19 = arith.addi %add3A_17, %add3A_18 : i32
      "tpu.region"() ({
        %run_scoped3A_88 = tpu.sem_alloc : memref<!tpu.dma_semaphore, #tpu.memory_space<semaphore_mem>>
        %dma_start3A_89 = arith.constant 0 : i32
        %dma_start3A_90 = arith.constant 0 : i32
        %dma_start3A_91 = tpu.memref_slice %arg7[%dma_start3A_89, %dma_start3A_90] : memref<64x128xi32, #tpu.memory_space<vmem>> -> memref<16x128xi32, #tpu.memory_space<vmem>>
        %dma_start3A_92 = arith.constant 0 : i32
        %dma_start3A_93 = tpu.memref_slice %arg3[%add3A_19, %dma_start3A_92] : memref<2560x128xi32, #tpu.memory_space<hbm>> -> memref<16x128xi32, #tpu.memory_space<hbm>>
        %dma_start3A_94 = arith.constant 0 : i32
        %dma_start3A_95 = arith.constant 0 : i32
        %dma_start3A_96 = tpu.memref_slice %arg7[%dma_start3A_94, %dma_start3A_95] : memref<64x128xi32, #tpu.memory_space<vmem>> -> memref<16x128xi32, #tpu.memory_space<vmem>>
        %dma_start3A_97 = arith.constant 0 : i32
        %dma_start3A_98 = tpu.memref_slice %arg3[%add3A_19, %dma_start3A_97] : memref<2560x128xi32, #tpu.memory_space<hbm>> -> memref<16x128xi32, #tpu.memory_space<hbm>>
        tpu.enqueue_dma source(%dma_start3A_98 : memref<16x128xi32, #tpu.memory_space<hbm>>) target(%dma_start3A_96 : memref<16x128xi32, #tpu.memory_space<vmem>>) target_semaphore(%run_scoped3A_88 : memref<!tpu.dma_semaphore, #tpu.memory_space<semaphore_mem>>)
        %dma_wait3A_99 = arith.constant 0 : i32
        %dma_wait3A_100 = arith.constant 0 : i32
        %dma_wait3A_101 = tpu.memref_slice %arg7[%dma_wait3A_99, %dma_wait3A_100] : memref<64x128xi32, #tpu.memory_space<vmem>> -> memref<16x128xi32, #tpu.memory_space<vmem>>
        %dma_wait3A_102 = arith.constant 0 : i32
        %dma_wait3A_103 = tpu.memref_slice %arg3[%add3A_19, %dma_wait3A_102] : memref<2560x128xi32, #tpu.memory_space<hbm>> -> memref<16x128xi32, #tpu.memory_space<hbm>>
        %dma_wait3A_104 = arith.constant 0 : i32
        %dma_wait3A_105 = arith.constant 0 : i32
        %dma_wait3A_106 = tpu.memref_slice %arg7[%dma_wait3A_104, %dma_wait3A_105] : memref<64x128xi32, #tpu.memory_space<vmem>> -> memref<16x128xi32, #tpu.memory_space<vmem>>
        %dma_wait3A_107 = arith.constant 0 : i32
        %dma_wait3A_108 = tpu.memref_slice %arg3[%add3A_19, %dma_wait3A_107] : memref<2560x128xi32, #tpu.memory_space<hbm>> -> memref<16x128xi32, #tpu.memory_space<hbm>>
        tpu.wait_dma2 semaphore(%run_scoped3A_88 : memref<!tpu.dma_semaphore, #tpu.memory_space<semaphore_mem>>) src(%dma_wait3A_108 : memref<16x128xi32, #tpu.memory_space<hbm>>) dst(%dma_wait3A_106 : memref<16x128xi32, #tpu.memory_space<vmem>>)
        tpu.yield
      }) : () -> ()
      "tpu.region"() ({
        %run_scoped3A_88 = tpu.sem_alloc : memref<!tpu.dma_semaphore, #tpu.memory_space<semaphore_mem>>
        %dma_start3A_89 = arith.constant 0 : i32
        %dma_start3A_90 = arith.constant 0 : i32
        %dma_start3A_91 = tpu.memref_slice %arg8[%dma_start3A_89, %dma_start3A_90] : memref<64x128xi32, #tpu.memory_space<vmem>> -> memref<16x128xi32, #tpu.memory_space<vmem>>
        %dma_start3A_92 = arith.constant 0 : i32
        %dma_start3A_93 = tpu.memref_slice %arg4[%add3A_19, %dma_start3A_92] : memref<2560x128xi32, #tpu.memory_space<hbm>> -> memref<16x128xi32, #tpu.memory_space<hbm>>
        %dma_start3A_94 = arith.constant 0 : i32
        %dma_start3A_95 = arith.constant 0 : i32
        %dma_start3A_96 = tpu.memref_slice %arg8[%dma_start3A_94, %dma_start3A_95] : memref<64x128xi32, #tpu.memory_space<vmem>> -> memref<16x128xi32, #tpu.memory_space<vmem>>
        %dma_start3A_97 = arith.constant 0 : i32
        %dma_start3A_98 = tpu.memref_slice %arg4[%add3A_19, %dma_start3A_97] : memref<2560x128xi32, #tpu.memory_space<hbm>> -> memref<16x128xi32, #tpu.memory_space<hbm>>
        tpu.enqueue_dma source(%dma_start3A_98 : memref<16x128xi32, #tpu.memory_space<hbm>>) target(%dma_start3A_96 : memref<16x128xi32, #tpu.memory_space<vmem>>) target_semaphore(%run_scoped3A_88 : memref<!tpu.dma_semaphore, #tpu.memory_space<semaphore_mem>>)
        %dma_wait3A_99 = arith.constant 0 : i32
        %dma_wait3A_100 = arith.constant 0 : i32
        %dma_wait3A_101 = tpu.memref_slice %arg8[%dma_wait3A_99, %dma_wait3A_100] : memref<64x128xi32, #tpu.memory_space<vmem>> -> memref<16x128xi32, #tpu.memory_space<vmem>>
        %dma_wait3A_102 = arith.constant 0 : i32
        %dma_wait3A_103 = tpu.memref_slice %arg4[%add3A_19, %dma_wait3A_102] : memref<2560x128xi32, #tpu.memory_space<hbm>> -> memref<16x128xi32, #tpu.memory_space<hbm>>
        %dma_wait3A_104 = arith.constant 0 : i32
        %dma_wait3A_105 = arith.constant 0 : i32
        %dma_wait3A_106 = tpu.memref_slice %arg8[%dma_wait3A_104, %dma_wait3A_105] : memref<64x128xi32, #tpu.memory_space<vmem>> -> memref<16x128xi32, #tpu.memory_space<vmem>>
        %dma_wait3A_107 = arith.constant 0 : i32
        %dma_wait3A_108 = tpu.memref_slice %arg4[%add3A_19, %dma_wait3A_107] : memref<2560x128xi32, #tpu.memory_space<hbm>> -> memref<16x128xi32, #tpu.memory_space<hbm>>
        tpu.wait_dma2 semaphore(%run_scoped3A_88 : memref<!tpu.dma_semaphore, #tpu.memory_space<semaphore_mem>>) src(%dma_wait3A_108 : memref<16x128xi32, #tpu.memory_space<hbm>>) dst(%dma_wait3A_106 : memref<16x128xi32, #tpu.memory_space<vmem>>)
        tpu.yield
      }) : () -> ()
      %dma_start3A = arith.constant 0 : i32
      %dma_start3A_20 = arith.constant 0 : i32
      %dma_start3A_21 = tpu.memref_slice %arg7[%dma_start3A, %dma_start3A_20] : memref<64x128xi32, #tpu.memory_space<vmem>> -> memref<1x128xi32, #tpu.memory_space<vmem>>
      %dma_start3A_22 = tpu.memref_squeeze %dma_start3A_21 : memref<1x128xi32, #tpu.memory_space<vmem>> -> memref<128xi32, #tpu.memory_space<vmem>>
      %dma_start3A_23 = arith.constant 0 : i32
      %dma_start3A_24 = arith.constant 0 : i32
      %dma_start3A_25 = tpu.memref_slice %arg2[%dma_start3A_23, %dma_start3A_24] : memref<80000x128xf32, #tpu.memory_space<hbm>> -> memref<80000x128xf32, #tpu.memory_space<hbm>>
      tpu.enqueue_indirect_dma source(%dma_start3A_25 : memref<80000x128xf32, #tpu.memory_space<hbm>>) target(%arg9 : memref<128x128xf32, #tpu.memory_space<vmem>>) offsets(%dma_start3A_22 : memref<128xi32, #tpu.memory_space<vmem>>) semaphore(%arg12 : memref<!tpu.dma_semaphore, #tpu.memory_space<semaphore_mem>>)
      %scan3A = arith.constant 0 : i32
      %scan3A_26 = arith.constant 7 : i32
      %scan3A_27 = arith.addi %scan3A, %scan3A_26 : i32
      %scan3A_28 = arith.constant 1 : i32
      scf.for %scan3A_88 = %scan3A to %scan3A_27 step %scan3A_28  : i32 {
        %mul3A_89 = arith.constant 2 : i32
        %mul3A_90 = arith.muli %scan3A_88, %mul3A_89 : i32
        %add3A_91 = arith.constant 0 : i32
        %add3A_92 = arith.addi %add3A_91, %mul3A_90 : i32
        %add3A_93 = arith.constant 1 : i32
        %add3A_94 = arith.addi %add3A_92, %add3A_93 : i32
        %dma_start3A_95 = arith.constant 0 : i32
        %dma_start3A_96 = tpu.memref_slice %arg7[%add3A_94, %dma_start3A_95] : memref<64x128xi32, #tpu.memory_space<vmem>> -> memref<1x128xi32, #tpu.memory_space<vmem>>
        %dma_start3A_97 = tpu.memref_squeeze %dma_start3A_96 : memref<1x128xi32, #tpu.memory_space<vmem>> -> memref<128xi32, #tpu.memory_space<vmem>>
        %dma_start3A_98 = arith.constant 0 : i32
        %dma_start3A_99 = arith.constant 0 : i32
        %dma_start3A_100 = tpu.memref_slice %arg2[%dma_start3A_98, %dma_start3A_99] : memref<80000x128xf32, #tpu.memory_space<hbm>> -> memref<80000x128xf32, #tpu.memory_space<hbm>>
        tpu.enqueue_indirect_dma source(%dma_start3A_100 : memref<80000x128xf32, #tpu.memory_space<hbm>>) target(%arg10 : memref<128x128xf32, #tpu.memory_space<vmem>>) offsets(%dma_start3A_97 : memref<128xi32, #tpu.memory_space<vmem>>) semaphore(%arg12 : memref<!tpu.dma_semaphore, #tpu.memory_space<semaphore_mem>>)
        %dma_wait3A_101 = arith.constant 0 : i32
        %dma_wait3A_102 = arith.constant 0 : i32
        %dma_wait3A_103 = tpu.memref_slice %arg7[%dma_wait3A_101, %dma_wait3A_102] : memref<64x128xi32, #tpu.memory_space<vmem>> -> memref<1x128xi32, #tpu.memory_space<vmem>>
        %dma_wait3A_104 = tpu.memref_squeeze %dma_wait3A_103 : memref<1x128xi32, #tpu.memory_space<vmem>> -> memref<128xi32, #tpu.memory_space<vmem>>
        %dma_wait3A_105 = arith.constant 0 : i32
        %dma_wait3A_106 = arith.constant 0 : i32
        %dma_wait3A_107 = tpu.memref_slice %arg2[%dma_wait3A_105, %dma_wait3A_106] : memref<80000x128xf32, #tpu.memory_space<hbm>> -> memref<80000x128xf32, #tpu.memory_space<hbm>>
        tpu.wait_indirect_dma semaphore(%arg12 : memref<!tpu.dma_semaphore, #tpu.memory_space<semaphore_mem>>) src(%dma_wait3A_107 : memref<80000x128xf32, #tpu.memory_space<hbm>>) dst(%arg9 : memref<128x128xf32, #tpu.memory_space<vmem>>)
        "tpu.region"() ({
          %run_scoped3A_125 = tpu.sem_alloc : memref<!tpu.dma_semaphore, #tpu.memory_space<semaphore_mem>>
          %dma_start3A_126 = arith.constant 0 : i32
          %dma_start3A_127 = tpu.memref_slice %arg8[%add3A_92, %dma_start3A_126] : memref<64x128xi32, #tpu.memory_space<vmem>> -> memref<1x128xi32, #tpu.memory_space<vmem>>
          %dma_start3A_128 = tpu.memref_squeeze %dma_start3A_127 : memref<1x128xi32, #tpu.memory_space<vmem>> -> memref<128xi32, #tpu.memory_space<vmem>>
          %dma_start3A_129 = arith.constant 0 : i32
          %dma_start3A_130 = arith.constant 0 : i32
          %dma_start3A_131 = tpu.memref_slice %arg11[%dma_start3A_129, %dma_start3A_130] : memref<10112x128xf32, #tpu.memory_space<vmem_shared>> -> memref<10112x128xf32, #tpu.memory_space<vmem_shared>>
          tpu.enqueue_indirect_dma source(%arg9 : memref<128x128xf32, #tpu.memory_space<vmem>>) target(%dma_start3A_131 : memref<10112x128xf32, #tpu.memory_space<vmem_shared>>) offsets(%dma_start3A_128 : memref<128xi32, #tpu.memory_space<vmem>>) semaphore(%run_scoped3A_125 : memref<!tpu.dma_semaphore, #tpu.memory_space<semaphore_mem>>) {add = true}
          %dma_wait3A_132 = arith.constant 0 : i32
          %dma_wait3A_133 = tpu.memref_slice %arg8[%add3A_92, %dma_wait3A_132] : memref<64x128xi32, #tpu.memory_space<vmem>> -> memref<1x128xi32, #tpu.memory_space<vmem>>
          %dma_wait3A_134 = tpu.memref_squeeze %dma_wait3A_133 : memref<1x128xi32, #tpu.memory_space<vmem>> -> memref<128xi32, #tpu.memory_space<vmem>>
          %dma_wait3A_135 = arith.constant 0 : i32
          %dma_wait3A_136 = arith.constant 0 : i32
          %dma_wait3A_137 = tpu.memref_slice %arg11[%dma_wait3A_135, %dma_wait3A_136] : memref<10112x128xf32, #tpu.memory_space<vmem_shared>> -> memref<10112x128xf32, #tpu.memory_space<vmem_shared>>
          tpu.wait_indirect_dma semaphore(%run_scoped3A_125 : memref<!tpu.dma_semaphore, #tpu.memory_space<semaphore_mem>>) src(%arg9 : memref<128x128xf32, #tpu.memory_space<vmem>>) dst(%dma_wait3A_137 : memref<10112x128xf32, #tpu.memory_space<vmem_shared>>)
          tpu.yield
        }) : () -> ()
        %add3A_108 = arith.constant 2 : i32
        %add3A_109 = arith.addi %add3A_92, %add3A_108 : i32
        %dma_start3A_110 = arith.constant 0 : i32
        %dma_start3A_111 = tpu.memref_slice %arg7[%add3A_109, %dma_start3A_110] : memref<64x128xi32, #tpu.memory_space<vmem>> -> memref<1x128xi32, #tpu.memory_space<vmem>>
        %dma_start3A_112 = tpu.memref_squeeze %dma_start3A_111 : memref<1x128xi32, #tpu.memory_space<vmem>> -> memref<128xi32, #tpu.memory_space<vmem>>
        %dma_start3A_113 = arith.constant 0 : i32
        %dma_start3A_114 = arith.constant 0 : i32
        %dma_start3A_115 = tpu.memref_slice %arg2[%dma_start3A_113, %dma_start3A_114] : memref<80000x128xf32, #tpu.memory_space<hbm>> -> memref<80000x128xf32, #tpu.memory_space<hbm>>
        tpu.enqueue_indirect_dma source(%dma_start3A_115 : memref<80000x128xf32, #tpu.memory_space<hbm>>) target(%arg9 : memref<128x128xf32, #tpu.memory_space<vmem>>) offsets(%dma_start3A_112 : memref<128xi32, #tpu.memory_space<vmem>>) semaphore(%arg12 : memref<!tpu.dma_semaphore, #tpu.memory_space<semaphore_mem>>)
        %dma_wait3A_116 = arith.constant 0 : i32
        %dma_wait3A_117 = arith.constant 0 : i32
        %dma_wait3A_118 = tpu.memref_slice %arg7[%dma_wait3A_116, %dma_wait3A_117] : memref<64x128xi32, #tpu.memory_space<vmem>> -> memref<1x128xi32, #tpu.memory_space<vmem>>
        %dma_wait3A_119 = tpu.memref_squeeze %dma_wait3A_118 : memref<1x128xi32, #tpu.memory_space<vmem>> -> memref<128xi32, #tpu.memory_space<vmem>>
        %dma_wait3A_120 = arith.constant 0 : i32
        %dma_wait3A_121 = arith.constant 0 : i32
        %dma_wait3A_122 = tpu.memref_slice %arg2[%dma_wait3A_120, %dma_wait3A_121] : memref<80000x128xf32, #tpu.memory_space<hbm>> -> memref<80000x128xf32, #tpu.memory_space<hbm>>
        tpu.wait_indirect_dma semaphore(%arg12 : memref<!tpu.dma_semaphore, #tpu.memory_space<semaphore_mem>>) src(%dma_wait3A_122 : memref<80000x128xf32, #tpu.memory_space<hbm>>) dst(%arg10 : memref<128x128xf32, #tpu.memory_space<vmem>>)
        %add3A_123 = arith.constant 1 : i32
        %add3A_124 = arith.addi %add3A_92, %add3A_123 : i32
        "tpu.region"() ({
          %run_scoped3A_125 = tpu.sem_alloc : memref<!tpu.dma_semaphore, #tpu.memory_space<semaphore_mem>>
          %dma_start3A_126 = arith.constant 0 : i32
          %dma_start3A_127 = tpu.memref_slice %arg8[%add3A_124, %dma_start3A_126] : memref<64x128xi32, #tpu.memory_space<vmem>> -> memref<1x128xi32, #tpu.memory_space<vmem>>
          %dma_start3A_128 = tpu.memref_squeeze %dma_start3A_127 : memref<1x128xi32, #tpu.memory_space<vmem>> -> memref<128xi32, #tpu.memory_space<vmem>>
          %dma_start3A_129 = arith.constant 0 : i32
          %dma_start3A_130 = arith.constant 0 : i32
          %dma_start3A_131 = tpu.memref_slice %arg11[%dma_start3A_129, %dma_start3A_130] : memref<10112x128xf32, #tpu.memory_space<vmem_shared>> -> memref<10112x128xf32, #tpu.memory_space<vmem_shared>>
          tpu.enqueue_indirect_dma source(%arg10 : memref<128x128xf32, #tpu.memory_space<vmem>>) target(%dma_start3A_131 : memref<10112x128xf32, #tpu.memory_space<vmem_shared>>) offsets(%dma_start3A_128 : memref<128xi32, #tpu.memory_space<vmem>>) semaphore(%run_scoped3A_125 : memref<!tpu.dma_semaphore, #tpu.memory_space<semaphore_mem>>) {add = true}
          %dma_wait3A_132 = arith.constant 0 : i32
          %dma_wait3A_133 = tpu.memref_slice %arg8[%add3A_124, %dma_wait3A_132] : memref<64x128xi32, #tpu.memory_space<vmem>> -> memref<1x128xi32, #tpu.memory_space<vmem>>
          %dma_wait3A_134 = tpu.memref_squeeze %dma_wait3A_133 : memref<1x128xi32, #tpu.memory_space<vmem>> -> memref<128xi32, #tpu.memory_space<vmem>>
          %dma_wait3A_135 = arith.constant 0 : i32
          %dma_wait3A_136 = arith.constant 0 : i32
          %dma_wait3A_137 = tpu.memref_slice %arg11[%dma_wait3A_135, %dma_wait3A_136] : memref<10112x128xf32, #tpu.memory_space<vmem_shared>> -> memref<10112x128xf32, #tpu.memory_space<vmem_shared>>
          tpu.wait_indirect_dma semaphore(%run_scoped3A_125 : memref<!tpu.dma_semaphore, #tpu.memory_space<semaphore_mem>>) src(%arg10 : memref<128x128xf32, #tpu.memory_space<vmem>>) dst(%dma_wait3A_137 : memref<10112x128xf32, #tpu.memory_space<vmem_shared>>)
          tpu.yield
        }) : () -> ()
      }
      %scan3A_29 = arith.constant 7 : i32
      %dma_start3A_30 = arith.constant 15 : i32
      %dma_start3A_31 = arith.constant 0 : i32
      %dma_start3A_32 = tpu.memref_slice %arg7[%dma_start3A_30, %dma_start3A_31] : memref<64x128xi32, #tpu.memory_space<vmem>> -> memref<1x128xi32, #tpu.memory_space<vmem>>
      %dma_start3A_33 = tpu.memref_squeeze %dma_start3A_32 : memref<1x128xi32, #tpu.memory_space<vmem>> -> memref<128xi32, #tpu.memory_space<vmem>>
      %dma_start3A_34 = arith.constant 0 : i32
      %dma_start3A_35 = arith.constant 0 : i32
      %dma_start3A_36 = tpu.memref_slice %arg2[%dma_start3A_34, %dma_start3A_35] : memref<80000x128xf32, #tpu.memory_space<hbm>> -> memref<80000x128xf32, #tpu.memory_space<hbm>>
      tpu.enqueue_indirect_dma source(%dma_start3A_36 : memref<80000x128xf32, #tpu.memory_space<hbm>>) target(%arg10 : memref<128x128xf32, #tpu.memory_space<vmem>>) offsets(%dma_start3A_33 : memref<128xi32, #tpu.memory_space<vmem>>) semaphore(%arg12 : memref<!tpu.dma_semaphore, #tpu.memory_space<semaphore_mem>>)
      %dma_wait3A = arith.constant 0 : i32
      %dma_wait3A_37 = arith.constant 0 : i32
      %dma_wait3A_38 = tpu.memref_slice %arg7[%dma_wait3A, %dma_wait3A_37] : memref<64x128xi32, #tpu.memory_space<vmem>> -> memref<1x128xi32, #tpu.memory_space<vmem>>
      %dma_wait3A_39 = tpu.memref_squeeze %dma_wait3A_38 : memref<1x128xi32, #tpu.memory_space<vmem>> -> memref<128xi32, #tpu.memory_space<vmem>>
      %dma_wait3A_40 = arith.constant 0 : i32
      %dma_wait3A_41 = arith.constant 0 : i32
      %dma_wait3A_42 = tpu.memref_slice %arg2[%dma_wait3A_40, %dma_wait3A_41] : memref<80000x128xf32, #tpu.memory_space<hbm>> -> memref<80000x128xf32, #tpu.memory_space<hbm>>
      tpu.wait_indirect_dma semaphore(%arg12 : memref<!tpu.dma_semaphore, #tpu.memory_space<semaphore_mem>>) src(%dma_wait3A_42 : memref<80000x128xf32, #tpu.memory_space<hbm>>) dst(%arg9 : memref<128x128xf32, #tpu.memory_space<vmem>>)
      %run_scoped3A = arith.constant 14 : i32
      "tpu.region"() ({
        %run_scoped3A_88 = tpu.sem_alloc : memref<!tpu.dma_semaphore, #tpu.memory_space<semaphore_mem>>
        %dma_start3A_89 = arith.constant 0 : i32
        %dma_start3A_90 = tpu.memref_slice %arg8[%run_scoped3A, %dma_start3A_89] : memref<64x128xi32, #tpu.memory_space<vmem>> -> memref<1x128xi32, #tpu.memory_space<vmem>>
        %dma_start3A_91 = tpu.memref_squeeze %dma_start3A_90 : memref<1x128xi32, #tpu.memory_space<vmem>> -> memref<128xi32, #tpu.memory_space<vmem>>
        %dma_start3A_92 = arith.constant 0 : i32
        %dma_start3A_93 = arith.constant 0 : i32
        %dma_start3A_94 = tpu.memref_slice %arg11[%dma_start3A_92, %dma_start3A_93] : memref<10112x128xf32, #tpu.memory_space<vmem_shared>> -> memref<10112x128xf32, #tpu.memory_space<vmem_shared>>
        tpu.enqueue_indirect_dma source(%arg9 : memref<128x128xf32, #tpu.memory_space<vmem>>) target(%dma_start3A_94 : memref<10112x128xf32, #tpu.memory_space<vmem_shared>>) offsets(%dma_start3A_91 : memref<128xi32, #tpu.memory_space<vmem>>) semaphore(%run_scoped3A_88 : memref<!tpu.dma_semaphore, #tpu.memory_space<semaphore_mem>>) {add = true}
        %dma_wait3A_95 = arith.constant 0 : i32
        %dma_wait3A_96 = tpu.memref_slice %arg8[%run_scoped3A, %dma_wait3A_95] : memref<64x128xi32, #tpu.memory_space<vmem>> -> memref<1x128xi32, #tpu.memory_space<vmem>>
        %dma_wait3A_97 = tpu.memref_squeeze %dma_wait3A_96 : memref<1x128xi32, #tpu.memory_space<vmem>> -> memref<128xi32, #tpu.memory_space<vmem>>
        %dma_wait3A_98 = arith.constant 0 : i32
        %dma_wait3A_99 = arith.constant 0 : i32
        %dma_wait3A_100 = tpu.memref_slice %arg11[%dma_wait3A_98, %dma_wait3A_99] : memref<10112x128xf32, #tpu.memory_space<vmem_shared>> -> memref<10112x128xf32, #tpu.memory_space<vmem_shared>>
        tpu.wait_indirect_dma semaphore(%run_scoped3A_88 : memref<!tpu.dma_semaphore, #tpu.memory_space<semaphore_mem>>) src(%arg9 : memref<128x128xf32, #tpu.memory_space<vmem>>) dst(%dma_wait3A_100 : memref<10112x128xf32, #tpu.memory_space<vmem_shared>>)
        tpu.yield
      }) : () -> ()
      %dma_wait3A_43 = arith.constant 0 : i32
      %dma_wait3A_44 = arith.constant 0 : i32
      %dma_wait3A_45 = tpu.memref_slice %arg7[%dma_wait3A_43, %dma_wait3A_44] : memref<64x128xi32, #tpu.memory_space<vmem>> -> memref<1x128xi32, #tpu.memory_space<vmem>>
      %dma_wait3A_46 = tpu.memref_squeeze %dma_wait3A_45 : memref<1x128xi32, #tpu.memory_space<vmem>> -> memref<128xi32, #tpu.memory_space<vmem>>
      %dma_wait3A_47 = arith.constant 0 : i32
      %dma_wait3A_48 = arith.constant 0 : i32
      %dma_wait3A_49 = tpu.memref_slice %arg2[%dma_wait3A_47, %dma_wait3A_48] : memref<80000x128xf32, #tpu.memory_space<hbm>> -> memref<80000x128xf32, #tpu.memory_space<hbm>>
      tpu.wait_indirect_dma semaphore(%arg12 : memref<!tpu.dma_semaphore, #tpu.memory_space<semaphore_mem>>) src(%dma_wait3A_49 : memref<80000x128xf32, #tpu.memory_space<hbm>>) dst(%arg10 : memref<128x128xf32, #tpu.memory_space<vmem>>)
      %run_scoped3A_50 = arith.constant 15 : i32
      "tpu.region"() ({
        %run_scoped3A_88 = tpu.sem_alloc : memref<!tpu.dma_semaphore, #tpu.memory_space<semaphore_mem>>
        %dma_start3A_89 = arith.constant 0 : i32
        %dma_start3A_90 = tpu.memref_slice %arg8[%run_scoped3A_50, %dma_start3A_89] : memref<64x128xi32, #tpu.memory_space<vmem>> -> memref<1x128xi32, #tpu.memory_space<vmem>>
        %dma_start3A_91 = tpu.memref_squeeze %dma_start3A_90 : memref<1x128xi32, #tpu.memory_space<vmem>> -> memref<128xi32, #tpu.memory_space<vmem>>
        %dma_start3A_92 = arith.constant 0 : i32
        %dma_start3A_93 = arith.constant 0 : i32
        %dma_start3A_94 = tpu.memref_slice %arg11[%dma_start3A_92, %dma_start3A_93] : memref<10112x128xf32, #tpu.memory_space<vmem_shared>> -> memref<10112x128xf32, #tpu.memory_space<vmem_shared>>
        tpu.enqueue_indirect_dma source(%arg10 : memref<128x128xf32, #tpu.memory_space<vmem>>) target(%dma_start3A_94 : memref<10112x128xf32, #tpu.memory_space<vmem_shared>>) offsets(%dma_start3A_91 : memref<128xi32, #tpu.memory_space<vmem>>) semaphore(%run_scoped3A_88 : memref<!tpu.dma_semaphore, #tpu.memory_space<semaphore_mem>>) {add = true}
        %dma_wait3A_95 = arith.constant 0 : i32
        %dma_wait3A_96 = tpu.memref_slice %arg8[%run_scoped3A_50, %dma_wait3A_95] : memref<64x128xi32, #tpu.memory_space<vmem>> -> memref<1x128xi32, #tpu.memory_space<vmem>>
        %dma_wait3A_97 = tpu.memref_squeeze %dma_wait3A_96 : memref<1x128xi32, #tpu.memory_space<vmem>> -> memref<128xi32, #tpu.memory_space<vmem>>
        %dma_wait3A_98 = arith.constant 0 : i32
        %dma_wait3A_99 = arith.constant 0 : i32
        %dma_wait3A_100 = tpu.memref_slice %arg11[%dma_wait3A_98, %dma_wait3A_99] : memref<10112x128xf32, #tpu.memory_space<vmem_shared>> -> memref<10112x128xf32, #tpu.memory_space<vmem_shared>>
        tpu.wait_indirect_dma semaphore(%run_scoped3A_88 : memref<!tpu.dma_semaphore, #tpu.memory_space<semaphore_mem>>) src(%arg10 : memref<128x128xf32, #tpu.memory_space<vmem>>) dst(%dma_wait3A_100 : memref<10112x128xf32, #tpu.memory_space<vmem_shared>>)
        tpu.yield
      }) : () -> ()
      %add3A_51 = arith.constant 16 : i32
      %add3A_52 = arith.addi %add3A_17, %add3A_51 : i32
      "tpu.region"() ({
        %run_scoped3A_88 = tpu.sem_alloc : memref<!tpu.dma_semaphore, #tpu.memory_space<semaphore_mem>>
        %dma_start3A_89 = arith.constant 0 : i32
        %dma_start3A_90 = arith.constant 0 : i32
        %dma_start3A_91 = tpu.memref_slice %arg7[%dma_start3A_89, %dma_start3A_90] : memref<64x128xi32, #tpu.memory_space<vmem>> -> memref<16x128xi32, #tpu.memory_space<vmem>>
        %dma_start3A_92 = arith.constant 0 : i32
        %dma_start3A_93 = tpu.memref_slice %arg3[%add3A_52, %dma_start3A_92] : memref<2560x128xi32, #tpu.memory_space<hbm>> -> memref<16x128xi32, #tpu.memory_space<hbm>>
        %dma_start3A_94 = arith.constant 0 : i32
        %dma_start3A_95 = arith.constant 0 : i32
        %dma_start3A_96 = tpu.memref_slice %arg7[%dma_start3A_94, %dma_start3A_95] : memref<64x128xi32, #tpu.memory_space<vmem>> -> memref<16x128xi32, #tpu.memory_space<vmem>>
        %dma_start3A_97 = arith.constant 0 : i32
        %dma_start3A_98 = tpu.memref_slice %arg3[%add3A_52, %dma_start3A_97] : memref<2560x128xi32, #tpu.memory_space<hbm>> -> memref<16x128xi32, #tpu.memory_space<hbm>>
        tpu.enqueue_dma source(%dma_start3A_98 : memref<16x128xi32, #tpu.memory_space<hbm>>) target(%dma_start3A_96 : memref<16x128xi32, #tpu.memory_space<vmem>>) target_semaphore(%run_scoped3A_88 : memref<!tpu.dma_semaphore, #tpu.memory_space<semaphore_mem>>)
        %dma_wait3A_99 = arith.constant 0 : i32
        %dma_wait3A_100 = arith.constant 0 : i32
        %dma_wait3A_101 = tpu.memref_slice %arg7[%dma_wait3A_99, %dma_wait3A_100] : memref<64x128xi32, #tpu.memory_space<vmem>> -> memref<16x128xi32, #tpu.memory_space<vmem>>
        %dma_wait3A_102 = arith.constant 0 : i32
        %dma_wait3A_103 = tpu.memref_slice %arg3[%add3A_52, %dma_wait3A_102] : memref<2560x128xi32, #tpu.memory_space<hbm>> -> memref<16x128xi32, #tpu.memory_space<hbm>>
        %dma_wait3A_104 = arith.constant 0 : i32
        %dma_wait3A_105 = arith.constant 0 : i32
        %dma_wait3A_106 = tpu.memref_slice %arg7[%dma_wait3A_104, %dma_wait3A_105] : memref<64x128xi32, #tpu.memory_space<vmem>> -> memref<16x128xi32, #tpu.memory_space<vmem>>
        %dma_wait3A_107 = arith.constant 0 : i32
        %dma_wait3A_108 = tpu.memref_slice %arg3[%add3A_52, %dma_wait3A_107] : memref<2560x128xi32, #tpu.memory_space<hbm>> -> memref<16x128xi32, #tpu.memory_space<hbm>>
        tpu.wait_dma2 semaphore(%run_scoped3A_88 : memref<!tpu.dma_semaphore, #tpu.memory_space<semaphore_mem>>) src(%dma_wait3A_108 : memref<16x128xi32, #tpu.memory_space<hbm>>) dst(%dma_wait3A_106 : memref<16x128xi32, #tpu.memory_space<vmem>>)
        tpu.yield
      }) : () -> ()
      "tpu.region"() ({
        %run_scoped3A_88 = tpu.sem_alloc : memref<!tpu.dma_semaphore, #tpu.memory_space<semaphore_mem>>
        %dma_start3A_89 = arith.constant 0 : i32
        %dma_start3A_90 = arith.constant 0 : i32
        %dma_start3A_91 = tpu.memref_slice %arg8[%dma_start3A_89, %dma_start3A_90] : memref<64x128xi32, #tpu.memory_space<vmem>> -> memref<16x128xi32, #tpu.memory_space<vmem>>
        %dma_start3A_92 = arith.constant 0 : i32
        %dma_start3A_93 = tpu.memref_slice %arg4[%add3A_52, %dma_start3A_92] : memref<2560x128xi32, #tpu.memory_space<hbm>> -> memref<16x128xi32, #tpu.memory_space<hbm>>
        %dma_start3A_94 = arith.constant 0 : i32
        %dma_start3A_95 = arith.constant 0 : i32
        %dma_start3A_96 = tpu.memref_slice %arg8[%dma_start3A_94, %dma_start3A_95] : memref<64x128xi32, #tpu.memory_space<vmem>> -> memref<16x128xi32, #tpu.memory_space<vmem>>
        %dma_start3A_97 = arith.constant 0 : i32
        %dma_start3A_98 = tpu.memref_slice %arg4[%add3A_52, %dma_start3A_97] : memref<2560x128xi32, #tpu.memory_space<hbm>> -> memref<16x128xi32, #tpu.memory_space<hbm>>
        tpu.enqueue_dma source(%dma_start3A_98 : memref<16x128xi32, #tpu.memory_space<hbm>>) target(%dma_start3A_96 : memref<16x128xi32, #tpu.memory_space<vmem>>) target_semaphore(%run_scoped3A_88 : memref<!tpu.dma_semaphore, #tpu.memory_space<semaphore_mem>>)
        %dma_wait3A_99 = arith.constant 0 : i32
        %dma_wait3A_100 = arith.constant 0 : i32
        %dma_wait3A_101 = tpu.memref_slice %arg8[%dma_wait3A_99, %dma_wait3A_100] : memref<64x128xi32, #tpu.memory_space<vmem>> -> memref<16x128xi32, #tpu.memory_space<vmem>>
        %dma_wait3A_102 = arith.constant 0 : i32
        %dma_wait3A_103 = tpu.memref_slice %arg4[%add3A_52, %dma_wait3A_102] : memref<2560x128xi32, #tpu.memory_space<hbm>> -> memref<16x128xi32, #tpu.memory_space<hbm>>
        %dma_wait3A_104 = arith.constant 0 : i32
        %dma_wait3A_105 = arith.constant 0 : i32
        %dma_wait3A_106 = tpu.memref_slice %arg8[%dma_wait3A_104, %dma_wait3A_105] : memref<64x128xi32, #tpu.memory_space<vmem>> -> memref<16x128xi32, #tpu.memory_space<vmem>>
        %dma_wait3A_107 = arith.constant 0 : i32
        %dma_wait3A_108 = tpu.memref_slice %arg4[%add3A_52, %dma_wait3A_107] : memref<2560x128xi32, #tpu.memory_space<hbm>> -> memref<16x128xi32, #tpu.memory_space<hbm>>
        tpu.wait_dma2 semaphore(%run_scoped3A_88 : memref<!tpu.dma_semaphore, #tpu.memory_space<semaphore_mem>>) src(%dma_wait3A_108 : memref<16x128xi32, #tpu.memory_space<hbm>>) dst(%dma_wait3A_106 : memref<16x128xi32, #tpu.memory_space<vmem>>)
        tpu.yield
      }) : () -> ()
      %dma_start3A_53 = arith.constant 0 : i32
      %dma_start3A_54 = arith.constant 0 : i32
      %dma_start3A_55 = tpu.memref_slice %arg7[%dma_start3A_53, %dma_start3A_54] : memref<64x128xi32, #tpu.memory_space<vmem>> -> memref<1x128xi32, #tpu.memory_space<vmem>>
      %dma_start3A_56 = tpu.memref_squeeze %dma_start3A_55 : memref<1x128xi32, #tpu.memory_space<vmem>> -> memref<128xi32, #tpu.memory_space<vmem>>
      %dma_start3A_57 = arith.constant 0 : i32
      %dma_start3A_58 = arith.constant 0 : i32
      %dma_start3A_59 = tpu.memref_slice %arg2[%dma_start3A_57, %dma_start3A_58] : memref<80000x128xf32, #tpu.memory_space<hbm>> -> memref<80000x128xf32, #tpu.memory_space<hbm>>
      tpu.enqueue_indirect_dma source(%dma_start3A_59 : memref<80000x128xf32, #tpu.memory_space<hbm>>) target(%arg9 : memref<128x128xf32, #tpu.memory_space<vmem>>) offsets(%dma_start3A_56 : memref<128xi32, #tpu.memory_space<vmem>>) semaphore(%arg12 : memref<!tpu.dma_semaphore, #tpu.memory_space<semaphore_mem>>)
      %scan3A_60 = arith.constant 0 : i32
      %scan3A_61 = arith.constant 7 : i32
      %scan3A_62 = arith.addi %scan3A_60, %scan3A_61 : i32
      %scan3A_63 = arith.constant 1 : i32
      scf.for %scan3A_88 = %scan3A_60 to %scan3A_62 step %scan3A_63  : i32 {
        %mul3A_89 = arith.constant 2 : i32
        %mul3A_90 = arith.muli %scan3A_88, %mul3A_89 : i32
        %add3A_91 = arith.constant 0 : i32
        %add3A_92 = arith.addi %add3A_91, %mul3A_90 : i32
        %add3A_93 = arith.constant 1 : i32
        %add3A_94 = arith.addi %add3A_92, %add3A_93 : i32
        %dma_start3A_95 = arith.constant 0 : i32
        %dma_start3A_96 = tpu.memref_slice %arg7[%add3A_94, %dma_start3A_95] : memref<64x128xi32, #tpu.memory_space<vmem>> -> memref<1x128xi32, #tpu.memory_space<vmem>>
        %dma_start3A_97 = tpu.memref_squeeze %dma_start3A_96 : memref<1x128xi32, #tpu.memory_space<vmem>> -> memref<128xi32, #tpu.memory_space<vmem>>
        %dma_start3A_98 = arith.constant 0 : i32
        %dma_start3A_99 = arith.constant 0 : i32
        %dma_start3A_100 = tpu.memref_slice %arg2[%dma_start3A_98, %dma_start3A_99] : memref<80000x128xf32, #tpu.memory_space<hbm>> -> memref<80000x128xf32, #tpu.memory_space<hbm>>
        tpu.enqueue_indirect_dma source(%dma_start3A_100 : memref<80000x128xf32, #tpu.memory_space<hbm>>) target(%arg10 : memref<128x128xf32, #tpu.memory_space<vmem>>) offsets(%dma_start3A_97 : memref<128xi32, #tpu.memory_space<vmem>>) semaphore(%arg12 : memref<!tpu.dma_semaphore, #tpu.memory_space<semaphore_mem>>)
        %dma_wait3A_101 = arith.constant 0 : i32
        %dma_wait3A_102 = arith.constant 0 : i32
        %dma_wait3A_103 = tpu.memref_slice %arg7[%dma_wait3A_101, %dma_wait3A_102] : memref<64x128xi32, #tpu.memory_space<vmem>> -> memref<1x128xi32, #tpu.memory_space<vmem>>
        %dma_wait3A_104 = tpu.memref_squeeze %dma_wait3A_103 : memref<1x128xi32, #tpu.memory_space<vmem>> -> memref<128xi32, #tpu.memory_space<vmem>>
        %dma_wait3A_105 = arith.constant 0 : i32
        %dma_wait3A_106 = arith.constant 0 : i32
        %dma_wait3A_107 = tpu.memref_slice %arg2[%dma_wait3A_105, %dma_wait3A_106] : memref<80000x128xf32, #tpu.memory_space<hbm>> -> memref<80000x128xf32, #tpu.memory_space<hbm>>
        tpu.wait_indirect_dma semaphore(%arg12 : memref<!tpu.dma_semaphore, #tpu.memory_space<semaphore_mem>>) src(%dma_wait3A_107 : memref<80000x128xf32, #tpu.memory_space<hbm>>) dst(%arg9 : memref<128x128xf32, #tpu.memory_space<vmem>>)
        "tpu.region"() ({
          %run_scoped3A_125 = tpu.sem_alloc : memref<!tpu.dma_semaphore, #tpu.memory_space<semaphore_mem>>
          %dma_start3A_126 = arith.constant 0 : i32
          %dma_start3A_127 = tpu.memref_slice %arg8[%add3A_92, %dma_start3A_126] : memref<64x128xi32, #tpu.memory_space<vmem>> -> memref<1x128xi32, #tpu.memory_space<vmem>>
          %dma_start3A_128 = tpu.memref_squeeze %dma_start3A_127 : memref<1x128xi32, #tpu.memory_space<vmem>> -> memref<128xi32, #tpu.memory_space<vmem>>
          %dma_start3A_129 = arith.constant 0 : i32
          %dma_start3A_130 = arith.constant 0 : i32
          %dma_start3A_131 = tpu.memref_slice %arg11[%dma_start3A_129, %dma_start3A_130] : memref<10112x128xf32, #tpu.memory_space<vmem_shared>> -> memref<10112x128xf32, #tpu.memory_space<vmem_shared>>
          tpu.enqueue_indirect_dma source(%arg9 : memref<128x128xf32, #tpu.memory_space<vmem>>) target(%dma_start3A_131 : memref<10112x128xf32, #tpu.memory_space<vmem_shared>>) offsets(%dma_start3A_128 : memref<128xi32, #tpu.memory_space<vmem>>) semaphore(%run_scoped3A_125 : memref<!tpu.dma_semaphore, #tpu.memory_space<semaphore_mem>>) {add = true}
          %dma_wait3A_132 = arith.constant 0 : i32
          %dma_wait3A_133 = tpu.memref_slice %arg8[%add3A_92, %dma_wait3A_132] : memref<64x128xi32, #tpu.memory_space<vmem>> -> memref<1x128xi32, #tpu.memory_space<vmem>>
          %dma_wait3A_134 = tpu.memref_squeeze %dma_wait3A_133 : memref<1x128xi32, #tpu.memory_space<vmem>> -> memref<128xi32, #tpu.memory_space<vmem>>
          %dma_wait3A_135 = arith.constant 0 : i32
          %dma_wait3A_136 = arith.constant 0 : i32
          %dma_wait3A_137 = tpu.memref_slice %arg11[%dma_wait3A_135, %dma_wait3A_136] : memref<10112x128xf32, #tpu.memory_space<vmem_shared>> -> memref<10112x128xf32, #tpu.memory_space<vmem_shared>>
          tpu.wait_indirect_dma semaphore(%run_scoped3A_125 : memref<!tpu.dma_semaphore, #tpu.memory_space<semaphore_mem>>) src(%arg9 : memref<128x128xf32, #tpu.memory_space<vmem>>) dst(%dma_wait3A_137 : memref<10112x128xf32, #tpu.memory_space<vmem_shared>>)
          tpu.yield
        }) : () -> ()
        %add3A_108 = arith.constant 2 : i32
        %add3A_109 = arith.addi %add3A_92, %add3A_108 : i32
        %dma_start3A_110 = arith.constant 0 : i32
        %dma_start3A_111 = tpu.memref_slice %arg7[%add3A_109, %dma_start3A_110] : memref<64x128xi32, #tpu.memory_space<vmem>> -> memref<1x128xi32, #tpu.memory_space<vmem>>
        %dma_start3A_112 = tpu.memref_squeeze %dma_start3A_111 : memref<1x128xi32, #tpu.memory_space<vmem>> -> memref<128xi32, #tpu.memory_space<vmem>>
        %dma_start3A_113 = arith.constant 0 : i32
        %dma_start3A_114 = arith.constant 0 : i32
        %dma_start3A_115 = tpu.memref_slice %arg2[%dma_start3A_113, %dma_start3A_114] : memref<80000x128xf32, #tpu.memory_space<hbm>> -> memref<80000x128xf32, #tpu.memory_space<hbm>>
        tpu.enqueue_indirect_dma source(%dma_start3A_115 : memref<80000x128xf32, #tpu.memory_space<hbm>>) target(%arg9 : memref<128x128xf32, #tpu.memory_space<vmem>>) offsets(%dma_start3A_112 : memref<128xi32, #tpu.memory_space<vmem>>) semaphore(%arg12 : memref<!tpu.dma_semaphore, #tpu.memory_space<semaphore_mem>>)
        %dma_wait3A_116 = arith.constant 0 : i32
        %dma_wait3A_117 = arith.constant 0 : i32
        %dma_wait3A_118 = tpu.memref_slice %arg7[%dma_wait3A_116, %dma_wait3A_117] : memref<64x128xi32, #tpu.memory_space<vmem>> -> memref<1x128xi32, #tpu.memory_space<vmem>>
        %dma_wait3A_119 = tpu.memref_squeeze %dma_wait3A_118 : memref<1x128xi32, #tpu.memory_space<vmem>> -> memref<128xi32, #tpu.memory_space<vmem>>
        %dma_wait3A_120 = arith.constant 0 : i32
        %dma_wait3A_121 = arith.constant 0 : i32
        %dma_wait3A_122 = tpu.memref_slice %arg2[%dma_wait3A_120, %dma_wait3A_121] : memref<80000x128xf32, #tpu.memory_space<hbm>> -> memref<80000x128xf32, #tpu.memory_space<hbm>>
        tpu.wait_indirect_dma semaphore(%arg12 : memref<!tpu.dma_semaphore, #tpu.memory_space<semaphore_mem>>) src(%dma_wait3A_122 : memref<80000x128xf32, #tpu.memory_space<hbm>>) dst(%arg10 : memref<128x128xf32, #tpu.memory_space<vmem>>)
        %add3A_123 = arith.constant 1 : i32
        %add3A_124 = arith.addi %add3A_92, %add3A_123 : i32
        "tpu.region"() ({
          %run_scoped3A_125 = tpu.sem_alloc : memref<!tpu.dma_semaphore, #tpu.memory_space<semaphore_mem>>
          %dma_start3A_126 = arith.constant 0 : i32
          %dma_start3A_127 = tpu.memref_slice %arg8[%add3A_124, %dma_start3A_126] : memref<64x128xi32, #tpu.memory_space<vmem>> -> memref<1x128xi32, #tpu.memory_space<vmem>>
          %dma_start3A_128 = tpu.memref_squeeze %dma_start3A_127 : memref<1x128xi32, #tpu.memory_space<vmem>> -> memref<128xi32, #tpu.memory_space<vmem>>
          %dma_start3A_129 = arith.constant 0 : i32
          %dma_start3A_130 = arith.constant 0 : i32
          %dma_start3A_131 = tpu.memref_slice %arg11[%dma_start3A_129, %dma_start3A_130] : memref<10112x128xf32, #tpu.memory_space<vmem_shared>> -> memref<10112x128xf32, #tpu.memory_space<vmem_shared>>
          tpu.enqueue_indirect_dma source(%arg10 : memref<128x128xf32, #tpu.memory_space<vmem>>) target(%dma_start3A_131 : memref<10112x128xf32, #tpu.memory_space<vmem_shared>>) offsets(%dma_start3A_128 : memref<128xi32, #tpu.memory_space<vmem>>) semaphore(%run_scoped3A_125 : memref<!tpu.dma_semaphore, #tpu.memory_space<semaphore_mem>>) {add = true}
          %dma_wait3A_132 = arith.constant 0 : i32
          %dma_wait3A_133 = tpu.memref_slice %arg8[%add3A_124, %dma_wait3A_132] : memref<64x128xi32, #tpu.memory_space<vmem>> -> memref<1x128xi32, #tpu.memory_space<vmem>>
          %dma_wait3A_134 = tpu.memref_squeeze %dma_wait3A_133 : memref<1x128xi32, #tpu.memory_space<vmem>> -> memref<128xi32, #tpu.memory_space<vmem>>
          %dma_wait3A_135 = arith.constant 0 : i32
          %dma_wait3A_136 = arith.constant 0 : i32
          %dma_wait3A_137 = tpu.memref_slice %arg11[%dma_wait3A_135, %dma_wait3A_136] : memref<10112x128xf32, #tpu.memory_space<vmem_shared>> -> memref<10112x128xf32, #tpu.memory_space<vmem_shared>>
          tpu.wait_indirect_dma semaphore(%run_scoped3A_125 : memref<!tpu.dma_semaphore, #tpu.memory_space<semaphore_mem>>) src(%arg10 : memref<128x128xf32, #tpu.memory_space<vmem>>) dst(%dma_wait3A_137 : memref<10112x128xf32, #tpu.memory_space<vmem_shared>>)
          tpu.yield
        }) : () -> ()
      }
      %scan3A_64 = arith.constant 7 : i32
      %dma_start3A_65 = arith.constant 15 : i32
      %dma_start3A_66 = arith.constant 0 : i32
      %dma_start3A_67 = tpu.memref_slice %arg7[%dma_start3A_65, %dma_start3A_66] : memref<64x128xi32, #tpu.memory_space<vmem>> -> memref<1x128xi32, #tpu.memory_space<vmem>>
      %dma_start3A_68 = tpu.memref_squeeze %dma_start3A_67 : memref<1x128xi32, #tpu.memory_space<vmem>> -> memref<128xi32, #tpu.memory_space<vmem>>
      %dma_start3A_69 = arith.constant 0 : i32
      %dma_start3A_70 = arith.constant 0 : i32
      %dma_start3A_71 = tpu.memref_slice %arg2[%dma_start3A_69, %dma_start3A_70] : memref<80000x128xf32, #tpu.memory_space<hbm>> -> memref<80000x128xf32, #tpu.memory_space<hbm>>
      tpu.enqueue_indirect_dma source(%dma_start3A_71 : memref<80000x128xf32, #tpu.memory_space<hbm>>) target(%arg10 : memref<128x128xf32, #tpu.memory_space<vmem>>) offsets(%dma_start3A_68 : memref<128xi32, #tpu.memory_space<vmem>>) semaphore(%arg12 : memref<!tpu.dma_semaphore, #tpu.memory_space<semaphore_mem>>)
      %dma_wait3A_72 = arith.constant 0 : i32
      %dma_wait3A_73 = arith.constant 0 : i32
      %dma_wait3A_74 = tpu.memref_slice %arg7[%dma_wait3A_72, %dma_wait3A_73] : memref<64x128xi32, #tpu.memory_space<vmem>> -> memref<1x128xi32, #tpu.memory_space<vmem>>
      %dma_wait3A_75 = tpu.memref_squeeze %dma_wait3A_74 : memref<1x128xi32, #tpu.memory_space<vmem>> -> memref<128xi32, #tpu.memory_space<vmem>>
      %dma_wait3A_76 = arith.constant 0 : i32
      %dma_wait3A_77 = arith.constant 0 : i32
      %dma_wait3A_78 = tpu.memref_slice %arg2[%dma_wait3A_76, %dma_wait3A_77] : memref<80000x128xf32, #tpu.memory_space<hbm>> -> memref<80000x128xf32, #tpu.memory_space<hbm>>
      tpu.wait_indirect_dma semaphore(%arg12 : memref<!tpu.dma_semaphore, #tpu.memory_space<semaphore_mem>>) src(%dma_wait3A_78 : memref<80000x128xf32, #tpu.memory_space<hbm>>) dst(%arg9 : memref<128x128xf32, #tpu.memory_space<vmem>>)
      %run_scoped3A_79 = arith.constant 14 : i32
      "tpu.region"() ({
        %run_scoped3A_88 = tpu.sem_alloc : memref<!tpu.dma_semaphore, #tpu.memory_space<semaphore_mem>>
        %dma_start3A_89 = arith.constant 0 : i32
        %dma_start3A_90 = tpu.memref_slice %arg8[%run_scoped3A_79, %dma_start3A_89] : memref<64x128xi32, #tpu.memory_space<vmem>> -> memref<1x128xi32, #tpu.memory_space<vmem>>
        %dma_start3A_91 = tpu.memref_squeeze %dma_start3A_90 : memref<1x128xi32, #tpu.memory_space<vmem>> -> memref<128xi32, #tpu.memory_space<vmem>>
        %dma_start3A_92 = arith.constant 0 : i32
        %dma_start3A_93 = arith.constant 0 : i32
        %dma_start3A_94 = tpu.memref_slice %arg11[%dma_start3A_92, %dma_start3A_93] : memref<10112x128xf32, #tpu.memory_space<vmem_shared>> -> memref<10112x128xf32, #tpu.memory_space<vmem_shared>>
        tpu.enqueue_indirect_dma source(%arg9 : memref<128x128xf32, #tpu.memory_space<vmem>>) target(%dma_start3A_94 : memref<10112x128xf32, #tpu.memory_space<vmem_shared>>) offsets(%dma_start3A_91 : memref<128xi32, #tpu.memory_space<vmem>>) semaphore(%run_scoped3A_88 : memref<!tpu.dma_semaphore, #tpu.memory_space<semaphore_mem>>) {add = true}
        %dma_wait3A_95 = arith.constant 0 : i32
        %dma_wait3A_96 = tpu.memref_slice %arg8[%run_scoped3A_79, %dma_wait3A_95] : memref<64x128xi32, #tpu.memory_space<vmem>> -> memref<1x128xi32, #tpu.memory_space<vmem>>
        %dma_wait3A_97 = tpu.memref_squeeze %dma_wait3A_96 : memref<1x128xi32, #tpu.memory_space<vmem>> -> memref<128xi32, #tpu.memory_space<vmem>>
        %dma_wait3A_98 = arith.constant 0 : i32
        %dma_wait3A_99 = arith.constant 0 : i32
        %dma_wait3A_100 = tpu.memref_slice %arg11[%dma_wait3A_98, %dma_wait3A_99] : memref<10112x128xf32, #tpu.memory_space<vmem_shared>> -> memref<10112x128xf32, #tpu.memory_space<vmem_shared>>
        tpu.wait_indirect_dma semaphore(%run_scoped3A_88 : memref<!tpu.dma_semaphore, #tpu.memory_space<semaphore_mem>>) src(%arg9 : memref<128x128xf32, #tpu.memory_space<vmem>>) dst(%dma_wait3A_100 : memref<10112x128xf32, #tpu.memory_space<vmem_shared>>)
        tpu.yield
      }) : () -> ()
      %dma_wait3A_80 = arith.constant 0 : i32
      %dma_wait3A_81 = arith.constant 0 : i32
      %dma_wait3A_82 = tpu.memref_slice %arg7[%dma_wait3A_80, %dma_wait3A_81] : memref<64x128xi32, #tpu.memory_space<vmem>> -> memref<1x128xi32, #tpu.memory_space<vmem>>
      %dma_wait3A_83 = tpu.memref_squeeze %dma_wait3A_82 : memref<1x128xi32, #tpu.memory_space<vmem>> -> memref<128xi32, #tpu.memory_space<vmem>>
      %dma_wait3A_84 = arith.constant 0 : i32
      %dma_wait3A_85 = arith.constant 0 : i32
      %dma_wait3A_86 = tpu.memref_slice %arg2[%dma_wait3A_84, %dma_wait3A_85] : memref<80000x128xf32, #tpu.memory_space<hbm>> -> memref<80000x128xf32, #tpu.memory_space<hbm>>
      tpu.wait_indirect_dma semaphore(%arg12 : memref<!tpu.dma_semaphore, #tpu.memory_space<semaphore_mem>>) src(%dma_wait3A_86 : memref<80000x128xf32, #tpu.memory_space<hbm>>) dst(%arg10 : memref<128x128xf32, #tpu.memory_space<vmem>>)
      %run_scoped3A_87 = arith.constant 15 : i32
      "tpu.region"() ({
        %run_scoped3A_88 = tpu.sem_alloc : memref<!tpu.dma_semaphore, #tpu.memory_space<semaphore_mem>>
        %dma_start3A_89 = arith.constant 0 : i32
        %dma_start3A_90 = tpu.memref_slice %arg8[%run_scoped3A_87, %dma_start3A_89] : memref<64x128xi32, #tpu.memory_space<vmem>> -> memref<1x128xi32, #tpu.memory_space<vmem>>
        %dma_start3A_91 = tpu.memref_squeeze %dma_start3A_90 : memref<1x128xi32, #tpu.memory_space<vmem>> -> memref<128xi32, #tpu.memory_space<vmem>>
        %dma_start3A_92 = arith.constant 0 : i32
        %dma_start3A_93 = arith.constant 0 : i32
        %dma_start3A_94 = tpu.memref_slice %arg11[%dma_start3A_92, %dma_start3A_93] : memref<10112x128xf32, #tpu.memory_space<vmem_shared>> -> memref<10112x128xf32, #tpu.memory_space<vmem_shared>>
        tpu.enqueue_indirect_dma source(%arg10 : memref<128x128xf32, #tpu.memory_space<vmem>>) target(%dma_start3A_94 : memref<10112x128xf32, #tpu.memory_space<vmem_shared>>) offsets(%dma_start3A_91 : memref<128xi32, #tpu.memory_space<vmem>>) semaphore(%run_scoped3A_88 : memref<!tpu.dma_semaphore, #tpu.memory_space<semaphore_mem>>) {add = true}
        %dma_wait3A_95 = arith.constant 0 : i32
        %dma_wait3A_96 = tpu.memref_slice %arg8[%run_scoped3A_87, %dma_wait3A_95] : memref<64x128xi32, #tpu.memory_space<vmem>> -> memref<1x128xi32, #tpu.memory_space<vmem>>
        %dma_wait3A_97 = tpu.memref_squeeze %dma_wait3A_96 : memref<1x128xi32, #tpu.memory_space<vmem>> -> memref<128xi32, #tpu.memory_space<vmem>>
        %dma_wait3A_98 = arith.constant 0 : i32
        %dma_wait3A_99 = arith.constant 0 : i32
        %dma_wait3A_100 = tpu.memref_slice %arg11[%dma_wait3A_98, %dma_wait3A_99] : memref<10112x128xf32, #tpu.memory_space<vmem_shared>> -> memref<10112x128xf32, #tpu.memory_space<vmem_shared>>
        tpu.wait_indirect_dma semaphore(%run_scoped3A_88 : memref<!tpu.dma_semaphore, #tpu.memory_space<semaphore_mem>>) src(%arg10 : memref<128x128xf32, #tpu.memory_space<vmem>>) dst(%dma_wait3A_100 : memref<10112x128xf32, #tpu.memory_space<vmem_shared>>)
        tpu.yield
      }) : () -> ()
    } else {
    }
    %barrier3A_10 = arith.constant 0 : index
    tpu.barrier barrier_id(%barrier3A_10)
    %mul3A_11 = arith.constant 632 : i32
    %mul3A_12 = arith.muli %arg1, %mul3A_11 : i32
    %mul3A_13 = arith.constant 632 : i32
    %mul3A_14 = arith.muli %arg1, %mul3A_13 : i32
    "tpu.region"() ({
      %run_scoped3A = tpu.sem_alloc : memref<!tpu.dma_semaphore, #tpu.memory_space<semaphore_mem>>
      %dma_start3A = arith.constant 0 : i32
      %dma_start3A_15 = tpu.memref_slice %arg6[%arg0, %mul3A_14, %dma_start3A] : memref<2x10112x128xf32, #tpu.memory_space<hbm>> -> memref<1x632x128xf32, #tpu.memory_space<hbm>>
      %dma_start3A_16 = tpu.memref_squeeze %dma_start3A_15 : memref<1x632x128xf32, #tpu.memory_space<hbm>> -> memref<632x128xf32, #tpu.memory_space<hbm>>
      %dma_start3A_17 = arith.constant 0 : i32
      %dma_start3A_18 = tpu.memref_slice %arg11[%mul3A_12, %dma_start3A_17] : memref<10112x128xf32, #tpu.memory_space<vmem_shared>> -> memref<632x128xf32, #tpu.memory_space<vmem_shared>>
      tpu.enqueue_dma source(%dma_start3A_18 : memref<632x128xf32, #tpu.memory_space<vmem_shared>>) target(%dma_start3A_16 : memref<632x128xf32, #tpu.memory_space<hbm>>) target_semaphore(%run_scoped3A : memref<!tpu.dma_semaphore, #tpu.memory_space<semaphore_mem>>)
      %dma_wait3A = arith.constant 0 : i32
      %dma_wait3A_19 = tpu.memref_slice %arg6[%arg0, %mul3A_14, %dma_wait3A] : memref<2x10112x128xf32, #tpu.memory_space<hbm>> -> memref<1x632x128xf32, #tpu.memory_space<hbm>>
      %dma_wait3A_20 = tpu.memref_squeeze %dma_wait3A_19 : memref<1x632x128xf32, #tpu.memory_space<hbm>> -> memref<632x128xf32, #tpu.memory_space<hbm>>
      %dma_wait3A_21 = arith.constant 0 : i32
      %dma_wait3A_22 = tpu.memref_slice %arg11[%mul3A_12, %dma_wait3A_21] : memref<10112x128xf32, #tpu.memory_space<vmem_shared>> -> memref<632x128xf32, #tpu.memory_space<vmem_shared>>
      tpu.wait_dma2 semaphore(%run_scoped3A : memref<!tpu.dma_semaphore, #tpu.memory_space<semaphore_mem>>) src(%dma_wait3A_22 : memref<632x128xf32, #tpu.memory_space<vmem_shared>>) dst(%dma_wait3A_20 : memref<632x128xf32, #tpu.memory_space<hbm>>)
      tpu.yield
    }) : () -> ()
    return
  }
}

#map = affine_map<(d0, d1) -> (0, 0)>
#map1 = affine_map<(d0, d1) -> (0, 0, 0)>
module attributes {stable_mosaic.version = 14 : i64} {
  func.func @sc_messages(%arg0: i32, %arg1: i32, %arg2: memref<80000x128xf32, #tpu.memory_space<hbm>>, %arg3: memref<2560x128xi32, #tpu.memory_space<hbm>>, %arg4: memref<2560x128xi32, #tpu.memory_space<hbm>>, %arg5: memref<10112x128xf32, #tpu.memory_space<hbm>>, %arg6: memref<2x10112x128xf32, #tpu.memory_space<hbm>>, %arg7: memref<64x128xi32, #tpu.memory_space<vmem>>, %arg8: memref<64x128xi32, #tpu.memory_space<vmem>>, %arg9: memref<128x128xf32, #tpu.memory_space<vmem>>, %arg10: memref<128x128xf32, #tpu.memory_space<vmem>>, %arg11: memref<10112x128xf32, #tpu.memory_space<vmem_shared>>, %arg12: memref<!tpu.dma_semaphore, #tpu.memory_space<semaphore_mem>>) attributes {dimension_semantics = [#tpu.dimension_semantics<core_parallel>, #tpu.dimension_semantics<subcore_parallel>], iteration_bounds = array<i64: 2, 16>, scalar_prefetch = 0 : i64, scratch_operands = 6 : i64, tpu.core_type = #tpu.core_type<sc_vector_subcore>, window_params = [{transform_indices = #map}, {transform_indices = #map}, {transform_indices = #map}, {transform_indices = #map}, {transform_indices = #map1}]} {
    %mul3A = arith.constant 632 : i32
    %mul3A_0 = arith.muli %arg1, %mul3A : i32
    %mul3A_1 = arith.constant 632 : i32
    %mul3A_2 = arith.muli %arg1, %mul3A_1 : i32
    "tpu.region"() ({
      %run_scoped3A = tpu.sem_alloc : memref<!tpu.dma_semaphore, #tpu.memory_space<semaphore_mem>>
      %dma_start3A = arith.constant 0 : i32
      %dma_start3A_15 = tpu.memref_slice %arg11[%mul3A_2, %dma_start3A] : memref<10112x128xf32, #tpu.memory_space<vmem_shared>> -> memref<632x128xf32, #tpu.memory_space<vmem_shared>>
      %dma_start3A_16 = arith.constant 0 : i32
      %dma_start3A_17 = tpu.memref_slice %arg5[%mul3A_0, %dma_start3A_16] : memref<10112x128xf32, #tpu.memory_space<hbm>> -> memref<632x128xf32, #tpu.memory_space<hbm>>
      tpu.enqueue_dma source(%dma_start3A_17 : memref<632x128xf32, #tpu.memory_space<hbm>>) target(%dma_start3A_15 : memref<632x128xf32, #tpu.memory_space<vmem_shared>>) target_semaphore(%run_scoped3A : memref<!tpu.dma_semaphore, #tpu.memory_space<semaphore_mem>>)
      %dma_wait3A = arith.constant 0 : i32
      %dma_wait3A_18 = tpu.memref_slice %arg11[%mul3A_2, %dma_wait3A] : memref<10112x128xf32, #tpu.memory_space<vmem_shared>> -> memref<632x128xf32, #tpu.memory_space<vmem_shared>>
      %dma_wait3A_19 = arith.constant 0 : i32
      %dma_wait3A_20 = tpu.memref_slice %arg5[%mul3A_0, %dma_wait3A_19] : memref<10112x128xf32, #tpu.memory_space<hbm>> -> memref<632x128xf32, #tpu.memory_space<hbm>>
      tpu.wait_dma2 semaphore(%run_scoped3A : memref<!tpu.dma_semaphore, #tpu.memory_space<semaphore_mem>>) src(%dma_wait3A_20 : memref<632x128xf32, #tpu.memory_space<hbm>>) dst(%dma_wait3A_18 : memref<632x128xf32, #tpu.memory_space<vmem_shared>>)
      tpu.yield
    }) : () -> ()
    %barrier3A = arith.constant 0 : index
    tpu.barrier barrier_id(%barrier3A)
    %eq3A = arith.constant 0 : i32
    %eq3A_3 = arith.cmpi eq, %arg0, %eq3A : i32
    %convert_element_type3A = arith.extui %eq3A_3 : i1 to i32
    %cond3A = arith.constant 0 : i32
    %cond3A_4 = arith.cmpi ne, %convert_element_type3A, %cond3A : i32
    scf.if %cond3A_4 {
      %mul3A_15 = arith.constant 128 : i32
      %mul3A_16 = arith.muli %arg1, %mul3A_15 : i32
      %add3A = arith.constant 0 : i32
      %add3A_17 = arith.addi %mul3A_16, %add3A : i32
      "tpu.region"() ({
        %run_scoped3A_86 = tpu.sem_alloc : memref<!tpu.dma_semaphore, #tpu.memory_space<semaphore_mem>>
        %dma_start3A_87 = arith.constant 0 : i32
        %dma_start3A_88 = arith.constant 0 : i32
        %dma_start3A_89 = tpu.memref_slice %arg7[%dma_start3A_87, %dma_start3A_88] : memref<64x128xi32, #tpu.memory_space<vmem>> -> memref<64x128xi32, #tpu.memory_space<vmem>>
        %dma_start3A_90 = arith.constant 0 : i32
        %dma_start3A_91 = tpu.memref_slice %arg3[%add3A_17, %dma_start3A_90] : memref<2560x128xi32, #tpu.memory_space<hbm>> -> memref<64x128xi32, #tpu.memory_space<hbm>>
        %dma_start3A_92 = arith.constant 0 : i32
        %dma_start3A_93 = arith.constant 0 : i32
        %dma_start3A_94 = tpu.memref_slice %arg7[%dma_start3A_92, %dma_start3A_93] : memref<64x128xi32, #tpu.memory_space<vmem>> -> memref<64x128xi32, #tpu.memory_space<vmem>>
        %dma_start3A_95 = arith.constant 0 : i32
        %dma_start3A_96 = tpu.memref_slice %arg3[%add3A_17, %dma_start3A_95] : memref<2560x128xi32, #tpu.memory_space<hbm>> -> memref<64x128xi32, #tpu.memory_space<hbm>>
        tpu.enqueue_dma source(%dma_start3A_96 : memref<64x128xi32, #tpu.memory_space<hbm>>) target(%dma_start3A_94 : memref<64x128xi32, #tpu.memory_space<vmem>>) target_semaphore(%run_scoped3A_86 : memref<!tpu.dma_semaphore, #tpu.memory_space<semaphore_mem>>)
        %dma_wait3A_97 = arith.constant 0 : i32
        %dma_wait3A_98 = arith.constant 0 : i32
        %dma_wait3A_99 = tpu.memref_slice %arg7[%dma_wait3A_97, %dma_wait3A_98] : memref<64x128xi32, #tpu.memory_space<vmem>> -> memref<64x128xi32, #tpu.memory_space<vmem>>
        %dma_wait3A_100 = arith.constant 0 : i32
        %dma_wait3A_101 = tpu.memref_slice %arg3[%add3A_17, %dma_wait3A_100] : memref<2560x128xi32, #tpu.memory_space<hbm>> -> memref<64x128xi32, #tpu.memory_space<hbm>>
        %dma_wait3A_102 = arith.constant 0 : i32
        %dma_wait3A_103 = arith.constant 0 : i32
        %dma_wait3A_104 = tpu.memref_slice %arg7[%dma_wait3A_102, %dma_wait3A_103] : memref<64x128xi32, #tpu.memory_space<vmem>> -> memref<64x128xi32, #tpu.memory_space<vmem>>
        %dma_wait3A_105 = arith.constant 0 : i32
        %dma_wait3A_106 = tpu.memref_slice %arg3[%add3A_17, %dma_wait3A_105] : memref<2560x128xi32, #tpu.memory_space<hbm>> -> memref<64x128xi32, #tpu.memory_space<hbm>>
        tpu.wait_dma2 semaphore(%run_scoped3A_86 : memref<!tpu.dma_semaphore, #tpu.memory_space<semaphore_mem>>) src(%dma_wait3A_106 : memref<64x128xi32, #tpu.memory_space<hbm>>) dst(%dma_wait3A_104 : memref<64x128xi32, #tpu.memory_space<vmem>>)
        tpu.yield
      }) : () -> ()
      "tpu.region"() ({
        %run_scoped3A_86 = tpu.sem_alloc : memref<!tpu.dma_semaphore, #tpu.memory_space<semaphore_mem>>
        %dma_start3A_87 = arith.constant 0 : i32
        %dma_start3A_88 = arith.constant 0 : i32
        %dma_start3A_89 = tpu.memref_slice %arg8[%dma_start3A_87, %dma_start3A_88] : memref<64x128xi32, #tpu.memory_space<vmem>> -> memref<64x128xi32, #tpu.memory_space<vmem>>
        %dma_start3A_90 = arith.constant 0 : i32
        %dma_start3A_91 = tpu.memref_slice %arg4[%add3A_17, %dma_start3A_90] : memref<2560x128xi32, #tpu.memory_space<hbm>> -> memref<64x128xi32, #tpu.memory_space<hbm>>
        %dma_start3A_92 = arith.constant 0 : i32
        %dma_start3A_93 = arith.constant 0 : i32
        %dma_start3A_94 = tpu.memref_slice %arg8[%dma_start3A_92, %dma_start3A_93] : memref<64x128xi32, #tpu.memory_space<vmem>> -> memref<64x128xi32, #tpu.memory_space<vmem>>
        %dma_start3A_95 = arith.constant 0 : i32
        %dma_start3A_96 = tpu.memref_slice %arg4[%add3A_17, %dma_start3A_95] : memref<2560x128xi32, #tpu.memory_space<hbm>> -> memref<64x128xi32, #tpu.memory_space<hbm>>
        tpu.enqueue_dma source(%dma_start3A_96 : memref<64x128xi32, #tpu.memory_space<hbm>>) target(%dma_start3A_94 : memref<64x128xi32, #tpu.memory_space<vmem>>) target_semaphore(%run_scoped3A_86 : memref<!tpu.dma_semaphore, #tpu.memory_space<semaphore_mem>>)
        %dma_wait3A_97 = arith.constant 0 : i32
        %dma_wait3A_98 = arith.constant 0 : i32
        %dma_wait3A_99 = tpu.memref_slice %arg8[%dma_wait3A_97, %dma_wait3A_98] : memref<64x128xi32, #tpu.memory_space<vmem>> -> memref<64x128xi32, #tpu.memory_space<vmem>>
        %dma_wait3A_100 = arith.constant 0 : i32
        %dma_wait3A_101 = tpu.memref_slice %arg4[%add3A_17, %dma_wait3A_100] : memref<2560x128xi32, #tpu.memory_space<hbm>> -> memref<64x128xi32, #tpu.memory_space<hbm>>
        %dma_wait3A_102 = arith.constant 0 : i32
        %dma_wait3A_103 = arith.constant 0 : i32
        %dma_wait3A_104 = tpu.memref_slice %arg8[%dma_wait3A_102, %dma_wait3A_103] : memref<64x128xi32, #tpu.memory_space<vmem>> -> memref<64x128xi32, #tpu.memory_space<vmem>>
        %dma_wait3A_105 = arith.constant 0 : i32
        %dma_wait3A_106 = tpu.memref_slice %arg4[%add3A_17, %dma_wait3A_105] : memref<2560x128xi32, #tpu.memory_space<hbm>> -> memref<64x128xi32, #tpu.memory_space<hbm>>
        tpu.wait_dma2 semaphore(%run_scoped3A_86 : memref<!tpu.dma_semaphore, #tpu.memory_space<semaphore_mem>>) src(%dma_wait3A_106 : memref<64x128xi32, #tpu.memory_space<hbm>>) dst(%dma_wait3A_104 : memref<64x128xi32, #tpu.memory_space<vmem>>)
        tpu.yield
      }) : () -> ()
      %dma_start3A = arith.constant 0 : i32
      %dma_start3A_18 = arith.constant 0 : i32
      %dma_start3A_19 = tpu.memref_slice %arg7[%dma_start3A, %dma_start3A_18] : memref<64x128xi32, #tpu.memory_space<vmem>> -> memref<1x128xi32, #tpu.memory_space<vmem>>
      %dma_start3A_20 = tpu.memref_squeeze %dma_start3A_19 : memref<1x128xi32, #tpu.memory_space<vmem>> -> memref<128xi32, #tpu.memory_space<vmem>>
      %dma_start3A_21 = arith.constant 0 : i32
      %dma_start3A_22 = arith.constant 0 : i32
      %dma_start3A_23 = tpu.memref_slice %arg2[%dma_start3A_21, %dma_start3A_22] : memref<80000x128xf32, #tpu.memory_space<hbm>> -> memref<80000x128xf32, #tpu.memory_space<hbm>>
      tpu.enqueue_indirect_dma source(%dma_start3A_23 : memref<80000x128xf32, #tpu.memory_space<hbm>>) target(%arg9 : memref<128x128xf32, #tpu.memory_space<vmem>>) offsets(%dma_start3A_20 : memref<128xi32, #tpu.memory_space<vmem>>) semaphore(%arg12 : memref<!tpu.dma_semaphore, #tpu.memory_space<semaphore_mem>>)
      %scan3A = arith.constant 0 : i32
      %scan3A_24 = arith.constant 31 : i32
      %scan3A_25 = arith.addi %scan3A, %scan3A_24 : i32
      %scan3A_26 = arith.constant 1 : i32
      scf.for %scan3A_86 = %scan3A to %scan3A_25 step %scan3A_26  : i32 {
        %mul3A_87 = arith.constant 2 : i32
        %mul3A_88 = arith.muli %scan3A_86, %mul3A_87 : i32
        %add3A_89 = arith.constant 0 : i32
        %add3A_90 = arith.addi %add3A_89, %mul3A_88 : i32
        %add3A_91 = arith.constant 1 : i32
        %add3A_92 = arith.addi %add3A_90, %add3A_91 : i32
        %dma_start3A_93 = arith.constant 0 : i32
        %dma_start3A_94 = tpu.memref_slice %arg7[%add3A_92, %dma_start3A_93] : memref<64x128xi32, #tpu.memory_space<vmem>> -> memref<1x128xi32, #tpu.memory_space<vmem>>
        %dma_start3A_95 = tpu.memref_squeeze %dma_start3A_94 : memref<1x128xi32, #tpu.memory_space<vmem>> -> memref<128xi32, #tpu.memory_space<vmem>>
        %dma_start3A_96 = arith.constant 0 : i32
        %dma_start3A_97 = arith.constant 0 : i32
        %dma_start3A_98 = tpu.memref_slice %arg2[%dma_start3A_96, %dma_start3A_97] : memref<80000x128xf32, #tpu.memory_space<hbm>> -> memref<80000x128xf32, #tpu.memory_space<hbm>>
        tpu.enqueue_indirect_dma source(%dma_start3A_98 : memref<80000x128xf32, #tpu.memory_space<hbm>>) target(%arg10 : memref<128x128xf32, #tpu.memory_space<vmem>>) offsets(%dma_start3A_95 : memref<128xi32, #tpu.memory_space<vmem>>) semaphore(%arg12 : memref<!tpu.dma_semaphore, #tpu.memory_space<semaphore_mem>>)
        %dma_wait3A_99 = arith.constant 0 : i32
        %dma_wait3A_100 = arith.constant 0 : i32
        %dma_wait3A_101 = tpu.memref_slice %arg7[%dma_wait3A_99, %dma_wait3A_100] : memref<64x128xi32, #tpu.memory_space<vmem>> -> memref<1x128xi32, #tpu.memory_space<vmem>>
        %dma_wait3A_102 = tpu.memref_squeeze %dma_wait3A_101 : memref<1x128xi32, #tpu.memory_space<vmem>> -> memref<128xi32, #tpu.memory_space<vmem>>
        %dma_wait3A_103 = arith.constant 0 : i32
        %dma_wait3A_104 = arith.constant 0 : i32
        %dma_wait3A_105 = tpu.memref_slice %arg2[%dma_wait3A_103, %dma_wait3A_104] : memref<80000x128xf32, #tpu.memory_space<hbm>> -> memref<80000x128xf32, #tpu.memory_space<hbm>>
        tpu.wait_indirect_dma semaphore(%arg12 : memref<!tpu.dma_semaphore, #tpu.memory_space<semaphore_mem>>) src(%dma_wait3A_105 : memref<80000x128xf32, #tpu.memory_space<hbm>>) dst(%arg9 : memref<128x128xf32, #tpu.memory_space<vmem>>)
        "tpu.region"() ({
          %run_scoped3A_123 = tpu.sem_alloc : memref<!tpu.dma_semaphore, #tpu.memory_space<semaphore_mem>>
          %dma_start3A_124 = arith.constant 0 : i32
          %dma_start3A_125 = tpu.memref_slice %arg8[%add3A_90, %dma_start3A_124] : memref<64x128xi32, #tpu.memory_space<vmem>> -> memref<1x128xi32, #tpu.memory_space<vmem>>
          %dma_start3A_126 = tpu.memref_squeeze %dma_start3A_125 : memref<1x128xi32, #tpu.memory_space<vmem>> -> memref<128xi32, #tpu.memory_space<vmem>>
          %dma_start3A_127 = arith.constant 0 : i32
          %dma_start3A_128 = arith.constant 0 : i32
          %dma_start3A_129 = tpu.memref_slice %arg11[%dma_start3A_127, %dma_start3A_128] : memref<10112x128xf32, #tpu.memory_space<vmem_shared>> -> memref<10112x128xf32, #tpu.memory_space<vmem_shared>>
          tpu.enqueue_indirect_dma source(%arg9 : memref<128x128xf32, #tpu.memory_space<vmem>>) target(%dma_start3A_129 : memref<10112x128xf32, #tpu.memory_space<vmem_shared>>) offsets(%dma_start3A_126 : memref<128xi32, #tpu.memory_space<vmem>>) semaphore(%run_scoped3A_123 : memref<!tpu.dma_semaphore, #tpu.memory_space<semaphore_mem>>) {add = true}
          %dma_wait3A_130 = arith.constant 0 : i32
          %dma_wait3A_131 = tpu.memref_slice %arg8[%add3A_90, %dma_wait3A_130] : memref<64x128xi32, #tpu.memory_space<vmem>> -> memref<1x128xi32, #tpu.memory_space<vmem>>
          %dma_wait3A_132 = tpu.memref_squeeze %dma_wait3A_131 : memref<1x128xi32, #tpu.memory_space<vmem>> -> memref<128xi32, #tpu.memory_space<vmem>>
          %dma_wait3A_133 = arith.constant 0 : i32
          %dma_wait3A_134 = arith.constant 0 : i32
          %dma_wait3A_135 = tpu.memref_slice %arg11[%dma_wait3A_133, %dma_wait3A_134] : memref<10112x128xf32, #tpu.memory_space<vmem_shared>> -> memref<10112x128xf32, #tpu.memory_space<vmem_shared>>
          tpu.wait_indirect_dma semaphore(%run_scoped3A_123 : memref<!tpu.dma_semaphore, #tpu.memory_space<semaphore_mem>>) src(%arg9 : memref<128x128xf32, #tpu.memory_space<vmem>>) dst(%dma_wait3A_135 : memref<10112x128xf32, #tpu.memory_space<vmem_shared>>)
          tpu.yield
        }) : () -> ()
        %add3A_106 = arith.constant 2 : i32
        %add3A_107 = arith.addi %add3A_90, %add3A_106 : i32
        %dma_start3A_108 = arith.constant 0 : i32
        %dma_start3A_109 = tpu.memref_slice %arg7[%add3A_107, %dma_start3A_108] : memref<64x128xi32, #tpu.memory_space<vmem>> -> memref<1x128xi32, #tpu.memory_space<vmem>>
        %dma_start3A_110 = tpu.memref_squeeze %dma_start3A_109 : memref<1x128xi32, #tpu.memory_space<vmem>> -> memref<128xi32, #tpu.memory_space<vmem>>
        %dma_start3A_111 = arith.constant 0 : i32
        %dma_start3A_112 = arith.constant 0 : i32
        %dma_start3A_113 = tpu.memref_slice %arg2[%dma_start3A_111, %dma_start3A_112] : memref<80000x128xf32, #tpu.memory_space<hbm>> -> memref<80000x128xf32, #tpu.memory_space<hbm>>
        tpu.enqueue_indirect_dma source(%dma_start3A_113 : memref<80000x128xf32, #tpu.memory_space<hbm>>) target(%arg9 : memref<128x128xf32, #tpu.memory_space<vmem>>) offsets(%dma_start3A_110 : memref<128xi32, #tpu.memory_space<vmem>>) semaphore(%arg12 : memref<!tpu.dma_semaphore, #tpu.memory_space<semaphore_mem>>)
        %dma_wait3A_114 = arith.constant 0 : i32
        %dma_wait3A_115 = arith.constant 0 : i32
        %dma_wait3A_116 = tpu.memref_slice %arg7[%dma_wait3A_114, %dma_wait3A_115] : memref<64x128xi32, #tpu.memory_space<vmem>> -> memref<1x128xi32, #tpu.memory_space<vmem>>
        %dma_wait3A_117 = tpu.memref_squeeze %dma_wait3A_116 : memref<1x128xi32, #tpu.memory_space<vmem>> -> memref<128xi32, #tpu.memory_space<vmem>>
        %dma_wait3A_118 = arith.constant 0 : i32
        %dma_wait3A_119 = arith.constant 0 : i32
        %dma_wait3A_120 = tpu.memref_slice %arg2[%dma_wait3A_118, %dma_wait3A_119] : memref<80000x128xf32, #tpu.memory_space<hbm>> -> memref<80000x128xf32, #tpu.memory_space<hbm>>
        tpu.wait_indirect_dma semaphore(%arg12 : memref<!tpu.dma_semaphore, #tpu.memory_space<semaphore_mem>>) src(%dma_wait3A_120 : memref<80000x128xf32, #tpu.memory_space<hbm>>) dst(%arg10 : memref<128x128xf32, #tpu.memory_space<vmem>>)
        %add3A_121 = arith.constant 1 : i32
        %add3A_122 = arith.addi %add3A_90, %add3A_121 : i32
        "tpu.region"() ({
          %run_scoped3A_123 = tpu.sem_alloc : memref<!tpu.dma_semaphore, #tpu.memory_space<semaphore_mem>>
          %dma_start3A_124 = arith.constant 0 : i32
          %dma_start3A_125 = tpu.memref_slice %arg8[%add3A_122, %dma_start3A_124] : memref<64x128xi32, #tpu.memory_space<vmem>> -> memref<1x128xi32, #tpu.memory_space<vmem>>
          %dma_start3A_126 = tpu.memref_squeeze %dma_start3A_125 : memref<1x128xi32, #tpu.memory_space<vmem>> -> memref<128xi32, #tpu.memory_space<vmem>>
          %dma_start3A_127 = arith.constant 0 : i32
          %dma_start3A_128 = arith.constant 0 : i32
          %dma_start3A_129 = tpu.memref_slice %arg11[%dma_start3A_127, %dma_start3A_128] : memref<10112x128xf32, #tpu.memory_space<vmem_shared>> -> memref<10112x128xf32, #tpu.memory_space<vmem_shared>>
          tpu.enqueue_indirect_dma source(%arg10 : memref<128x128xf32, #tpu.memory_space<vmem>>) target(%dma_start3A_129 : memref<10112x128xf32, #tpu.memory_space<vmem_shared>>) offsets(%dma_start3A_126 : memref<128xi32, #tpu.memory_space<vmem>>) semaphore(%run_scoped3A_123 : memref<!tpu.dma_semaphore, #tpu.memory_space<semaphore_mem>>) {add = true}
          %dma_wait3A_130 = arith.constant 0 : i32
          %dma_wait3A_131 = tpu.memref_slice %arg8[%add3A_122, %dma_wait3A_130] : memref<64x128xi32, #tpu.memory_space<vmem>> -> memref<1x128xi32, #tpu.memory_space<vmem>>
          %dma_wait3A_132 = tpu.memref_squeeze %dma_wait3A_131 : memref<1x128xi32, #tpu.memory_space<vmem>> -> memref<128xi32, #tpu.memory_space<vmem>>
          %dma_wait3A_133 = arith.constant 0 : i32
          %dma_wait3A_134 = arith.constant 0 : i32
          %dma_wait3A_135 = tpu.memref_slice %arg11[%dma_wait3A_133, %dma_wait3A_134] : memref<10112x128xf32, #tpu.memory_space<vmem_shared>> -> memref<10112x128xf32, #tpu.memory_space<vmem_shared>>
          tpu.wait_indirect_dma semaphore(%run_scoped3A_123 : memref<!tpu.dma_semaphore, #tpu.memory_space<semaphore_mem>>) src(%arg10 : memref<128x128xf32, #tpu.memory_space<vmem>>) dst(%dma_wait3A_135 : memref<10112x128xf32, #tpu.memory_space<vmem_shared>>)
          tpu.yield
        }) : () -> ()
      }
      %scan3A_27 = arith.constant 31 : i32
      %dma_start3A_28 = arith.constant 63 : i32
      %dma_start3A_29 = arith.constant 0 : i32
      %dma_start3A_30 = tpu.memref_slice %arg7[%dma_start3A_28, %dma_start3A_29] : memref<64x128xi32, #tpu.memory_space<vmem>> -> memref<1x128xi32, #tpu.memory_space<vmem>>
      %dma_start3A_31 = tpu.memref_squeeze %dma_start3A_30 : memref<1x128xi32, #tpu.memory_space<vmem>> -> memref<128xi32, #tpu.memory_space<vmem>>
      %dma_start3A_32 = arith.constant 0 : i32
      %dma_start3A_33 = arith.constant 0 : i32
      %dma_start3A_34 = tpu.memref_slice %arg2[%dma_start3A_32, %dma_start3A_33] : memref<80000x128xf32, #tpu.memory_space<hbm>> -> memref<80000x128xf32, #tpu.memory_space<hbm>>
      tpu.enqueue_indirect_dma source(%dma_start3A_34 : memref<80000x128xf32, #tpu.memory_space<hbm>>) target(%arg10 : memref<128x128xf32, #tpu.memory_space<vmem>>) offsets(%dma_start3A_31 : memref<128xi32, #tpu.memory_space<vmem>>) semaphore(%arg12 : memref<!tpu.dma_semaphore, #tpu.memory_space<semaphore_mem>>)
      %dma_wait3A = arith.constant 0 : i32
      %dma_wait3A_35 = arith.constant 0 : i32
      %dma_wait3A_36 = tpu.memref_slice %arg7[%dma_wait3A, %dma_wait3A_35] : memref<64x128xi32, #tpu.memory_space<vmem>> -> memref<1x128xi32, #tpu.memory_space<vmem>>
      %dma_wait3A_37 = tpu.memref_squeeze %dma_wait3A_36 : memref<1x128xi32, #tpu.memory_space<vmem>> -> memref<128xi32, #tpu.memory_space<vmem>>
      %dma_wait3A_38 = arith.constant 0 : i32
      %dma_wait3A_39 = arith.constant 0 : i32
      %dma_wait3A_40 = tpu.memref_slice %arg2[%dma_wait3A_38, %dma_wait3A_39] : memref<80000x128xf32, #tpu.memory_space<hbm>> -> memref<80000x128xf32, #tpu.memory_space<hbm>>
      tpu.wait_indirect_dma semaphore(%arg12 : memref<!tpu.dma_semaphore, #tpu.memory_space<semaphore_mem>>) src(%dma_wait3A_40 : memref<80000x128xf32, #tpu.memory_space<hbm>>) dst(%arg9 : memref<128x128xf32, #tpu.memory_space<vmem>>)
      %run_scoped3A = arith.constant 62 : i32
      "tpu.region"() ({
        %run_scoped3A_86 = tpu.sem_alloc : memref<!tpu.dma_semaphore, #tpu.memory_space<semaphore_mem>>
        %dma_start3A_87 = arith.constant 0 : i32
        %dma_start3A_88 = tpu.memref_slice %arg8[%run_scoped3A, %dma_start3A_87] : memref<64x128xi32, #tpu.memory_space<vmem>> -> memref<1x128xi32, #tpu.memory_space<vmem>>
        %dma_start3A_89 = tpu.memref_squeeze %dma_start3A_88 : memref<1x128xi32, #tpu.memory_space<vmem>> -> memref<128xi32, #tpu.memory_space<vmem>>
        %dma_start3A_90 = arith.constant 0 : i32
        %dma_start3A_91 = arith.constant 0 : i32
        %dma_start3A_92 = tpu.memref_slice %arg11[%dma_start3A_90, %dma_start3A_91] : memref<10112x128xf32, #tpu.memory_space<vmem_shared>> -> memref<10112x128xf32, #tpu.memory_space<vmem_shared>>
        tpu.enqueue_indirect_dma source(%arg9 : memref<128x128xf32, #tpu.memory_space<vmem>>) target(%dma_start3A_92 : memref<10112x128xf32, #tpu.memory_space<vmem_shared>>) offsets(%dma_start3A_89 : memref<128xi32, #tpu.memory_space<vmem>>) semaphore(%run_scoped3A_86 : memref<!tpu.dma_semaphore, #tpu.memory_space<semaphore_mem>>) {add = true}
        %dma_wait3A_93 = arith.constant 0 : i32
        %dma_wait3A_94 = tpu.memref_slice %arg8[%run_scoped3A, %dma_wait3A_93] : memref<64x128xi32, #tpu.memory_space<vmem>> -> memref<1x128xi32, #tpu.memory_space<vmem>>
        %dma_wait3A_95 = tpu.memref_squeeze %dma_wait3A_94 : memref<1x128xi32, #tpu.memory_space<vmem>> -> memref<128xi32, #tpu.memory_space<vmem>>
        %dma_wait3A_96 = arith.constant 0 : i32
        %dma_wait3A_97 = arith.constant 0 : i32
        %dma_wait3A_98 = tpu.memref_slice %arg11[%dma_wait3A_96, %dma_wait3A_97] : memref<10112x128xf32, #tpu.memory_space<vmem_shared>> -> memref<10112x128xf32, #tpu.memory_space<vmem_shared>>
        tpu.wait_indirect_dma semaphore(%run_scoped3A_86 : memref<!tpu.dma_semaphore, #tpu.memory_space<semaphore_mem>>) src(%arg9 : memref<128x128xf32, #tpu.memory_space<vmem>>) dst(%dma_wait3A_98 : memref<10112x128xf32, #tpu.memory_space<vmem_shared>>)
        tpu.yield
      }) : () -> ()
      %dma_wait3A_41 = arith.constant 0 : i32
      %dma_wait3A_42 = arith.constant 0 : i32
      %dma_wait3A_43 = tpu.memref_slice %arg7[%dma_wait3A_41, %dma_wait3A_42] : memref<64x128xi32, #tpu.memory_space<vmem>> -> memref<1x128xi32, #tpu.memory_space<vmem>>
      %dma_wait3A_44 = tpu.memref_squeeze %dma_wait3A_43 : memref<1x128xi32, #tpu.memory_space<vmem>> -> memref<128xi32, #tpu.memory_space<vmem>>
      %dma_wait3A_45 = arith.constant 0 : i32
      %dma_wait3A_46 = arith.constant 0 : i32
      %dma_wait3A_47 = tpu.memref_slice %arg2[%dma_wait3A_45, %dma_wait3A_46] : memref<80000x128xf32, #tpu.memory_space<hbm>> -> memref<80000x128xf32, #tpu.memory_space<hbm>>
      tpu.wait_indirect_dma semaphore(%arg12 : memref<!tpu.dma_semaphore, #tpu.memory_space<semaphore_mem>>) src(%dma_wait3A_47 : memref<80000x128xf32, #tpu.memory_space<hbm>>) dst(%arg10 : memref<128x128xf32, #tpu.memory_space<vmem>>)
      %run_scoped3A_48 = arith.constant 63 : i32
      "tpu.region"() ({
        %run_scoped3A_86 = tpu.sem_alloc : memref<!tpu.dma_semaphore, #tpu.memory_space<semaphore_mem>>
        %dma_start3A_87 = arith.constant 0 : i32
        %dma_start3A_88 = tpu.memref_slice %arg8[%run_scoped3A_48, %dma_start3A_87] : memref<64x128xi32, #tpu.memory_space<vmem>> -> memref<1x128xi32, #tpu.memory_space<vmem>>
        %dma_start3A_89 = tpu.memref_squeeze %dma_start3A_88 : memref<1x128xi32, #tpu.memory_space<vmem>> -> memref<128xi32, #tpu.memory_space<vmem>>
        %dma_start3A_90 = arith.constant 0 : i32
        %dma_start3A_91 = arith.constant 0 : i32
        %dma_start3A_92 = tpu.memref_slice %arg11[%dma_start3A_90, %dma_start3A_91] : memref<10112x128xf32, #tpu.memory_space<vmem_shared>> -> memref<10112x128xf32, #tpu.memory_space<vmem_shared>>
        tpu.enqueue_indirect_dma source(%arg10 : memref<128x128xf32, #tpu.memory_space<vmem>>) target(%dma_start3A_92 : memref<10112x128xf32, #tpu.memory_space<vmem_shared>>) offsets(%dma_start3A_89 : memref<128xi32, #tpu.memory_space<vmem>>) semaphore(%run_scoped3A_86 : memref<!tpu.dma_semaphore, #tpu.memory_space<semaphore_mem>>) {add = true}
        %dma_wait3A_93 = arith.constant 0 : i32
        %dma_wait3A_94 = tpu.memref_slice %arg8[%run_scoped3A_48, %dma_wait3A_93] : memref<64x128xi32, #tpu.memory_space<vmem>> -> memref<1x128xi32, #tpu.memory_space<vmem>>
        %dma_wait3A_95 = tpu.memref_squeeze %dma_wait3A_94 : memref<1x128xi32, #tpu.memory_space<vmem>> -> memref<128xi32, #tpu.memory_space<vmem>>
        %dma_wait3A_96 = arith.constant 0 : i32
        %dma_wait3A_97 = arith.constant 0 : i32
        %dma_wait3A_98 = tpu.memref_slice %arg11[%dma_wait3A_96, %dma_wait3A_97] : memref<10112x128xf32, #tpu.memory_space<vmem_shared>> -> memref<10112x128xf32, #tpu.memory_space<vmem_shared>>
        tpu.wait_indirect_dma semaphore(%run_scoped3A_86 : memref<!tpu.dma_semaphore, #tpu.memory_space<semaphore_mem>>) src(%arg10 : memref<128x128xf32, #tpu.memory_space<vmem>>) dst(%dma_wait3A_98 : memref<10112x128xf32, #tpu.memory_space<vmem_shared>>)
        tpu.yield
      }) : () -> ()
      %add3A_49 = arith.constant 64 : i32
      %add3A_50 = arith.addi %mul3A_16, %add3A_49 : i32
      "tpu.region"() ({
        %run_scoped3A_86 = tpu.sem_alloc : memref<!tpu.dma_semaphore, #tpu.memory_space<semaphore_mem>>
        %dma_start3A_87 = arith.constant 0 : i32
        %dma_start3A_88 = arith.constant 0 : i32
        %dma_start3A_89 = tpu.memref_slice %arg7[%dma_start3A_87, %dma_start3A_88] : memref<64x128xi32, #tpu.memory_space<vmem>> -> memref<64x128xi32, #tpu.memory_space<vmem>>
        %dma_start3A_90 = arith.constant 0 : i32
        %dma_start3A_91 = tpu.memref_slice %arg3[%add3A_50, %dma_start3A_90] : memref<2560x128xi32, #tpu.memory_space<hbm>> -> memref<64x128xi32, #tpu.memory_space<hbm>>
        %dma_start3A_92 = arith.constant 0 : i32
        %dma_start3A_93 = arith.constant 0 : i32
        %dma_start3A_94 = tpu.memref_slice %arg7[%dma_start3A_92, %dma_start3A_93] : memref<64x128xi32, #tpu.memory_space<vmem>> -> memref<64x128xi32, #tpu.memory_space<vmem>>
        %dma_start3A_95 = arith.constant 0 : i32
        %dma_start3A_96 = tpu.memref_slice %arg3[%add3A_50, %dma_start3A_95] : memref<2560x128xi32, #tpu.memory_space<hbm>> -> memref<64x128xi32, #tpu.memory_space<hbm>>
        tpu.enqueue_dma source(%dma_start3A_96 : memref<64x128xi32, #tpu.memory_space<hbm>>) target(%dma_start3A_94 : memref<64x128xi32, #tpu.memory_space<vmem>>) target_semaphore(%run_scoped3A_86 : memref<!tpu.dma_semaphore, #tpu.memory_space<semaphore_mem>>)
        %dma_wait3A_97 = arith.constant 0 : i32
        %dma_wait3A_98 = arith.constant 0 : i32
        %dma_wait3A_99 = tpu.memref_slice %arg7[%dma_wait3A_97, %dma_wait3A_98] : memref<64x128xi32, #tpu.memory_space<vmem>> -> memref<64x128xi32, #tpu.memory_space<vmem>>
        %dma_wait3A_100 = arith.constant 0 : i32
        %dma_wait3A_101 = tpu.memref_slice %arg3[%add3A_50, %dma_wait3A_100] : memref<2560x128xi32, #tpu.memory_space<hbm>> -> memref<64x128xi32, #tpu.memory_space<hbm>>
        %dma_wait3A_102 = arith.constant 0 : i32
        %dma_wait3A_103 = arith.constant 0 : i32
        %dma_wait3A_104 = tpu.memref_slice %arg7[%dma_wait3A_102, %dma_wait3A_103] : memref<64x128xi32, #tpu.memory_space<vmem>> -> memref<64x128xi32, #tpu.memory_space<vmem>>
        %dma_wait3A_105 = arith.constant 0 : i32
        %dma_wait3A_106 = tpu.memref_slice %arg3[%add3A_50, %dma_wait3A_105] : memref<2560x128xi32, #tpu.memory_space<hbm>> -> memref<64x128xi32, #tpu.memory_space<hbm>>
        tpu.wait_dma2 semaphore(%run_scoped3A_86 : memref<!tpu.dma_semaphore, #tpu.memory_space<semaphore_mem>>) src(%dma_wait3A_106 : memref<64x128xi32, #tpu.memory_space<hbm>>) dst(%dma_wait3A_104 : memref<64x128xi32, #tpu.memory_space<vmem>>)
        tpu.yield
      }) : () -> ()
      "tpu.region"() ({
        %run_scoped3A_86 = tpu.sem_alloc : memref<!tpu.dma_semaphore, #tpu.memory_space<semaphore_mem>>
        %dma_start3A_87 = arith.constant 0 : i32
        %dma_start3A_88 = arith.constant 0 : i32
        %dma_start3A_89 = tpu.memref_slice %arg8[%dma_start3A_87, %dma_start3A_88] : memref<64x128xi32, #tpu.memory_space<vmem>> -> memref<64x128xi32, #tpu.memory_space<vmem>>
        %dma_start3A_90 = arith.constant 0 : i32
        %dma_start3A_91 = tpu.memref_slice %arg4[%add3A_50, %dma_start3A_90] : memref<2560x128xi32, #tpu.memory_space<hbm>> -> memref<64x128xi32, #tpu.memory_space<hbm>>
        %dma_start3A_92 = arith.constant 0 : i32
        %dma_start3A_93 = arith.constant 0 : i32
        %dma_start3A_94 = tpu.memref_slice %arg8[%dma_start3A_92, %dma_start3A_93] : memref<64x128xi32, #tpu.memory_space<vmem>> -> memref<64x128xi32, #tpu.memory_space<vmem>>
        %dma_start3A_95 = arith.constant 0 : i32
        %dma_start3A_96 = tpu.memref_slice %arg4[%add3A_50, %dma_start3A_95] : memref<2560x128xi32, #tpu.memory_space<hbm>> -> memref<64x128xi32, #tpu.memory_space<hbm>>
        tpu.enqueue_dma source(%dma_start3A_96 : memref<64x128xi32, #tpu.memory_space<hbm>>) target(%dma_start3A_94 : memref<64x128xi32, #tpu.memory_space<vmem>>) target_semaphore(%run_scoped3A_86 : memref<!tpu.dma_semaphore, #tpu.memory_space<semaphore_mem>>)
        %dma_wait3A_97 = arith.constant 0 : i32
        %dma_wait3A_98 = arith.constant 0 : i32
        %dma_wait3A_99 = tpu.memref_slice %arg8[%dma_wait3A_97, %dma_wait3A_98] : memref<64x128xi32, #tpu.memory_space<vmem>> -> memref<64x128xi32, #tpu.memory_space<vmem>>
        %dma_wait3A_100 = arith.constant 0 : i32
        %dma_wait3A_101 = tpu.memref_slice %arg4[%add3A_50, %dma_wait3A_100] : memref<2560x128xi32, #tpu.memory_space<hbm>> -> memref<64x128xi32, #tpu.memory_space<hbm>>
        %dma_wait3A_102 = arith.constant 0 : i32
        %dma_wait3A_103 = arith.constant 0 : i32
        %dma_wait3A_104 = tpu.memref_slice %arg8[%dma_wait3A_102, %dma_wait3A_103] : memref<64x128xi32, #tpu.memory_space<vmem>> -> memref<64x128xi32, #tpu.memory_space<vmem>>
        %dma_wait3A_105 = arith.constant 0 : i32
        %dma_wait3A_106 = tpu.memref_slice %arg4[%add3A_50, %dma_wait3A_105] : memref<2560x128xi32, #tpu.memory_space<hbm>> -> memref<64x128xi32, #tpu.memory_space<hbm>>
        tpu.wait_dma2 semaphore(%run_scoped3A_86 : memref<!tpu.dma_semaphore, #tpu.memory_space<semaphore_mem>>) src(%dma_wait3A_106 : memref<64x128xi32, #tpu.memory_space<hbm>>) dst(%dma_wait3A_104 : memref<64x128xi32, #tpu.memory_space<vmem>>)
        tpu.yield
      }) : () -> ()
      %dma_start3A_51 = arith.constant 0 : i32
      %dma_start3A_52 = arith.constant 0 : i32
      %dma_start3A_53 = tpu.memref_slice %arg7[%dma_start3A_51, %dma_start3A_52] : memref<64x128xi32, #tpu.memory_space<vmem>> -> memref<1x128xi32, #tpu.memory_space<vmem>>
      %dma_start3A_54 = tpu.memref_squeeze %dma_start3A_53 : memref<1x128xi32, #tpu.memory_space<vmem>> -> memref<128xi32, #tpu.memory_space<vmem>>
      %dma_start3A_55 = arith.constant 0 : i32
      %dma_start3A_56 = arith.constant 0 : i32
      %dma_start3A_57 = tpu.memref_slice %arg2[%dma_start3A_55, %dma_start3A_56] : memref<80000x128xf32, #tpu.memory_space<hbm>> -> memref<80000x128xf32, #tpu.memory_space<hbm>>
      tpu.enqueue_indirect_dma source(%dma_start3A_57 : memref<80000x128xf32, #tpu.memory_space<hbm>>) target(%arg9 : memref<128x128xf32, #tpu.memory_space<vmem>>) offsets(%dma_start3A_54 : memref<128xi32, #tpu.memory_space<vmem>>) semaphore(%arg12 : memref<!tpu.dma_semaphore, #tpu.memory_space<semaphore_mem>>)
      %scan3A_58 = arith.constant 0 : i32
      %scan3A_59 = arith.constant 31 : i32
      %scan3A_60 = arith.addi %scan3A_58, %scan3A_59 : i32
      %scan3A_61 = arith.constant 1 : i32
      scf.for %scan3A_86 = %scan3A_58 to %scan3A_60 step %scan3A_61  : i32 {
        %mul3A_87 = arith.constant 2 : i32
        %mul3A_88 = arith.muli %scan3A_86, %mul3A_87 : i32
        %add3A_89 = arith.constant 0 : i32
        %add3A_90 = arith.addi %add3A_89, %mul3A_88 : i32
        %add3A_91 = arith.constant 1 : i32
        %add3A_92 = arith.addi %add3A_90, %add3A_91 : i32
        %dma_start3A_93 = arith.constant 0 : i32
        %dma_start3A_94 = tpu.memref_slice %arg7[%add3A_92, %dma_start3A_93] : memref<64x128xi32, #tpu.memory_space<vmem>> -> memref<1x128xi32, #tpu.memory_space<vmem>>
        %dma_start3A_95 = tpu.memref_squeeze %dma_start3A_94 : memref<1x128xi32, #tpu.memory_space<vmem>> -> memref<128xi32, #tpu.memory_space<vmem>>
        %dma_start3A_96 = arith.constant 0 : i32
        %dma_start3A_97 = arith.constant 0 : i32
        %dma_start3A_98 = tpu.memref_slice %arg2[%dma_start3A_96, %dma_start3A_97] : memref<80000x128xf32, #tpu.memory_space<hbm>> -> memref<80000x128xf32, #tpu.memory_space<hbm>>
        tpu.enqueue_indirect_dma source(%dma_start3A_98 : memref<80000x128xf32, #tpu.memory_space<hbm>>) target(%arg10 : memref<128x128xf32, #tpu.memory_space<vmem>>) offsets(%dma_start3A_95 : memref<128xi32, #tpu.memory_space<vmem>>) semaphore(%arg12 : memref<!tpu.dma_semaphore, #tpu.memory_space<semaphore_mem>>)
        %dma_wait3A_99 = arith.constant 0 : i32
        %dma_wait3A_100 = arith.constant 0 : i32
        %dma_wait3A_101 = tpu.memref_slice %arg7[%dma_wait3A_99, %dma_wait3A_100] : memref<64x128xi32, #tpu.memory_space<vmem>> -> memref<1x128xi32, #tpu.memory_space<vmem>>
        %dma_wait3A_102 = tpu.memref_squeeze %dma_wait3A_101 : memref<1x128xi32, #tpu.memory_space<vmem>> -> memref<128xi32, #tpu.memory_space<vmem>>
        %dma_wait3A_103 = arith.constant 0 : i32
        %dma_wait3A_104 = arith.constant 0 : i32
        %dma_wait3A_105 = tpu.memref_slice %arg2[%dma_wait3A_103, %dma_wait3A_104] : memref<80000x128xf32, #tpu.memory_space<hbm>> -> memref<80000x128xf32, #tpu.memory_space<hbm>>
        tpu.wait_indirect_dma semaphore(%arg12 : memref<!tpu.dma_semaphore, #tpu.memory_space<semaphore_mem>>) src(%dma_wait3A_105 : memref<80000x128xf32, #tpu.memory_space<hbm>>) dst(%arg9 : memref<128x128xf32, #tpu.memory_space<vmem>>)
        "tpu.region"() ({
          %run_scoped3A_123 = tpu.sem_alloc : memref<!tpu.dma_semaphore, #tpu.memory_space<semaphore_mem>>
          %dma_start3A_124 = arith.constant 0 : i32
          %dma_start3A_125 = tpu.memref_slice %arg8[%add3A_90, %dma_start3A_124] : memref<64x128xi32, #tpu.memory_space<vmem>> -> memref<1x128xi32, #tpu.memory_space<vmem>>
          %dma_start3A_126 = tpu.memref_squeeze %dma_start3A_125 : memref<1x128xi32, #tpu.memory_space<vmem>> -> memref<128xi32, #tpu.memory_space<vmem>>
          %dma_start3A_127 = arith.constant 0 : i32
          %dma_start3A_128 = arith.constant 0 : i32
          %dma_start3A_129 = tpu.memref_slice %arg11[%dma_start3A_127, %dma_start3A_128] : memref<10112x128xf32, #tpu.memory_space<vmem_shared>> -> memref<10112x128xf32, #tpu.memory_space<vmem_shared>>
          tpu.enqueue_indirect_dma source(%arg9 : memref<128x128xf32, #tpu.memory_space<vmem>>) target(%dma_start3A_129 : memref<10112x128xf32, #tpu.memory_space<vmem_shared>>) offsets(%dma_start3A_126 : memref<128xi32, #tpu.memory_space<vmem>>) semaphore(%run_scoped3A_123 : memref<!tpu.dma_semaphore, #tpu.memory_space<semaphore_mem>>) {add = true}
          %dma_wait3A_130 = arith.constant 0 : i32
          %dma_wait3A_131 = tpu.memref_slice %arg8[%add3A_90, %dma_wait3A_130] : memref<64x128xi32, #tpu.memory_space<vmem>> -> memref<1x128xi32, #tpu.memory_space<vmem>>
          %dma_wait3A_132 = tpu.memref_squeeze %dma_wait3A_131 : memref<1x128xi32, #tpu.memory_space<vmem>> -> memref<128xi32, #tpu.memory_space<vmem>>
          %dma_wait3A_133 = arith.constant 0 : i32
          %dma_wait3A_134 = arith.constant 0 : i32
          %dma_wait3A_135 = tpu.memref_slice %arg11[%dma_wait3A_133, %dma_wait3A_134] : memref<10112x128xf32, #tpu.memory_space<vmem_shared>> -> memref<10112x128xf32, #tpu.memory_space<vmem_shared>>
          tpu.wait_indirect_dma semaphore(%run_scoped3A_123 : memref<!tpu.dma_semaphore, #tpu.memory_space<semaphore_mem>>) src(%arg9 : memref<128x128xf32, #tpu.memory_space<vmem>>) dst(%dma_wait3A_135 : memref<10112x128xf32, #tpu.memory_space<vmem_shared>>)
          tpu.yield
        }) : () -> ()
        %add3A_106 = arith.constant 2 : i32
        %add3A_107 = arith.addi %add3A_90, %add3A_106 : i32
        %dma_start3A_108 = arith.constant 0 : i32
        %dma_start3A_109 = tpu.memref_slice %arg7[%add3A_107, %dma_start3A_108] : memref<64x128xi32, #tpu.memory_space<vmem>> -> memref<1x128xi32, #tpu.memory_space<vmem>>
        %dma_start3A_110 = tpu.memref_squeeze %dma_start3A_109 : memref<1x128xi32, #tpu.memory_space<vmem>> -> memref<128xi32, #tpu.memory_space<vmem>>
        %dma_start3A_111 = arith.constant 0 : i32
        %dma_start3A_112 = arith.constant 0 : i32
        %dma_start3A_113 = tpu.memref_slice %arg2[%dma_start3A_111, %dma_start3A_112] : memref<80000x128xf32, #tpu.memory_space<hbm>> -> memref<80000x128xf32, #tpu.memory_space<hbm>>
        tpu.enqueue_indirect_dma source(%dma_start3A_113 : memref<80000x128xf32, #tpu.memory_space<hbm>>) target(%arg9 : memref<128x128xf32, #tpu.memory_space<vmem>>) offsets(%dma_start3A_110 : memref<128xi32, #tpu.memory_space<vmem>>) semaphore(%arg12 : memref<!tpu.dma_semaphore, #tpu.memory_space<semaphore_mem>>)
        %dma_wait3A_114 = arith.constant 0 : i32
        %dma_wait3A_115 = arith.constant 0 : i32
        %dma_wait3A_116 = tpu.memref_slice %arg7[%dma_wait3A_114, %dma_wait3A_115] : memref<64x128xi32, #tpu.memory_space<vmem>> -> memref<1x128xi32, #tpu.memory_space<vmem>>
        %dma_wait3A_117 = tpu.memref_squeeze %dma_wait3A_116 : memref<1x128xi32, #tpu.memory_space<vmem>> -> memref<128xi32, #tpu.memory_space<vmem>>
        %dma_wait3A_118 = arith.constant 0 : i32
        %dma_wait3A_119 = arith.constant 0 : i32
        %dma_wait3A_120 = tpu.memref_slice %arg2[%dma_wait3A_118, %dma_wait3A_119] : memref<80000x128xf32, #tpu.memory_space<hbm>> -> memref<80000x128xf32, #tpu.memory_space<hbm>>
        tpu.wait_indirect_dma semaphore(%arg12 : memref<!tpu.dma_semaphore, #tpu.memory_space<semaphore_mem>>) src(%dma_wait3A_120 : memref<80000x128xf32, #tpu.memory_space<hbm>>) dst(%arg10 : memref<128x128xf32, #tpu.memory_space<vmem>>)
        %add3A_121 = arith.constant 1 : i32
        %add3A_122 = arith.addi %add3A_90, %add3A_121 : i32
        "tpu.region"() ({
          %run_scoped3A_123 = tpu.sem_alloc : memref<!tpu.dma_semaphore, #tpu.memory_space<semaphore_mem>>
          %dma_start3A_124 = arith.constant 0 : i32
          %dma_start3A_125 = tpu.memref_slice %arg8[%add3A_122, %dma_start3A_124] : memref<64x128xi32, #tpu.memory_space<vmem>> -> memref<1x128xi32, #tpu.memory_space<vmem>>
          %dma_start3A_126 = tpu.memref_squeeze %dma_start3A_125 : memref<1x128xi32, #tpu.memory_space<vmem>> -> memref<128xi32, #tpu.memory_space<vmem>>
          %dma_start3A_127 = arith.constant 0 : i32
          %dma_start3A_128 = arith.constant 0 : i32
          %dma_start3A_129 = tpu.memref_slice %arg11[%dma_start3A_127, %dma_start3A_128] : memref<10112x128xf32, #tpu.memory_space<vmem_shared>> -> memref<10112x128xf32, #tpu.memory_space<vmem_shared>>
          tpu.enqueue_indirect_dma source(%arg10 : memref<128x128xf32, #tpu.memory_space<vmem>>) target(%dma_start3A_129 : memref<10112x128xf32, #tpu.memory_space<vmem_shared>>) offsets(%dma_start3A_126 : memref<128xi32, #tpu.memory_space<vmem>>) semaphore(%run_scoped3A_123 : memref<!tpu.dma_semaphore, #tpu.memory_space<semaphore_mem>>) {add = true}
          %dma_wait3A_130 = arith.constant 0 : i32
          %dma_wait3A_131 = tpu.memref_slice %arg8[%add3A_122, %dma_wait3A_130] : memref<64x128xi32, #tpu.memory_space<vmem>> -> memref<1x128xi32, #tpu.memory_space<vmem>>
          %dma_wait3A_132 = tpu.memref_squeeze %dma_wait3A_131 : memref<1x128xi32, #tpu.memory_space<vmem>> -> memref<128xi32, #tpu.memory_space<vmem>>
          %dma_wait3A_133 = arith.constant 0 : i32
          %dma_wait3A_134 = arith.constant 0 : i32
          %dma_wait3A_135 = tpu.memref_slice %arg11[%dma_wait3A_133, %dma_wait3A_134] : memref<10112x128xf32, #tpu.memory_space<vmem_shared>> -> memref<10112x128xf32, #tpu.memory_space<vmem_shared>>
          tpu.wait_indirect_dma semaphore(%run_scoped3A_123 : memref<!tpu.dma_semaphore, #tpu.memory_space<semaphore_mem>>) src(%arg10 : memref<128x128xf32, #tpu.memory_space<vmem>>) dst(%dma_wait3A_135 : memref<10112x128xf32, #tpu.memory_space<vmem_shared>>)
          tpu.yield
        }) : () -> ()
      }
      %scan3A_62 = arith.constant 31 : i32
      %dma_start3A_63 = arith.constant 63 : i32
      %dma_start3A_64 = arith.constant 0 : i32
      %dma_start3A_65 = tpu.memref_slice %arg7[%dma_start3A_63, %dma_start3A_64] : memref<64x128xi32, #tpu.memory_space<vmem>> -> memref<1x128xi32, #tpu.memory_space<vmem>>
      %dma_start3A_66 = tpu.memref_squeeze %dma_start3A_65 : memref<1x128xi32, #tpu.memory_space<vmem>> -> memref<128xi32, #tpu.memory_space<vmem>>
      %dma_start3A_67 = arith.constant 0 : i32
      %dma_start3A_68 = arith.constant 0 : i32
      %dma_start3A_69 = tpu.memref_slice %arg2[%dma_start3A_67, %dma_start3A_68] : memref<80000x128xf32, #tpu.memory_space<hbm>> -> memref<80000x128xf32, #tpu.memory_space<hbm>>
      tpu.enqueue_indirect_dma source(%dma_start3A_69 : memref<80000x128xf32, #tpu.memory_space<hbm>>) target(%arg10 : memref<128x128xf32, #tpu.memory_space<vmem>>) offsets(%dma_start3A_66 : memref<128xi32, #tpu.memory_space<vmem>>) semaphore(%arg12 : memref<!tpu.dma_semaphore, #tpu.memory_space<semaphore_mem>>)
      %dma_wait3A_70 = arith.constant 0 : i32
      %dma_wait3A_71 = arith.constant 0 : i32
      %dma_wait3A_72 = tpu.memref_slice %arg7[%dma_wait3A_70, %dma_wait3A_71] : memref<64x128xi32, #tpu.memory_space<vmem>> -> memref<1x128xi32, #tpu.memory_space<vmem>>
      %dma_wait3A_73 = tpu.memref_squeeze %dma_wait3A_72 : memref<1x128xi32, #tpu.memory_space<vmem>> -> memref<128xi32, #tpu.memory_space<vmem>>
      %dma_wait3A_74 = arith.constant 0 : i32
      %dma_wait3A_75 = arith.constant 0 : i32
      %dma_wait3A_76 = tpu.memref_slice %arg2[%dma_wait3A_74, %dma_wait3A_75] : memref<80000x128xf32, #tpu.memory_space<hbm>> -> memref<80000x128xf32, #tpu.memory_space<hbm>>
      tpu.wait_indirect_dma semaphore(%arg12 : memref<!tpu.dma_semaphore, #tpu.memory_space<semaphore_mem>>) src(%dma_wait3A_76 : memref<80000x128xf32, #tpu.memory_space<hbm>>) dst(%arg9 : memref<128x128xf32, #tpu.memory_space<vmem>>)
      %run_scoped3A_77 = arith.constant 62 : i32
      "tpu.region"() ({
        %run_scoped3A_86 = tpu.sem_alloc : memref<!tpu.dma_semaphore, #tpu.memory_space<semaphore_mem>>
        %dma_start3A_87 = arith.constant 0 : i32
        %dma_start3A_88 = tpu.memref_slice %arg8[%run_scoped3A_77, %dma_start3A_87] : memref<64x128xi32, #tpu.memory_space<vmem>> -> memref<1x128xi32, #tpu.memory_space<vmem>>
        %dma_start3A_89 = tpu.memref_squeeze %dma_start3A_88 : memref<1x128xi32, #tpu.memory_space<vmem>> -> memref<128xi32, #tpu.memory_space<vmem>>
        %dma_start3A_90 = arith.constant 0 : i32
        %dma_start3A_91 = arith.constant 0 : i32
        %dma_start3A_92 = tpu.memref_slice %arg11[%dma_start3A_90, %dma_start3A_91] : memref<10112x128xf32, #tpu.memory_space<vmem_shared>> -> memref<10112x128xf32, #tpu.memory_space<vmem_shared>>
        tpu.enqueue_indirect_dma source(%arg9 : memref<128x128xf32, #tpu.memory_space<vmem>>) target(%dma_start3A_92 : memref<10112x128xf32, #tpu.memory_space<vmem_shared>>) offsets(%dma_start3A_89 : memref<128xi32, #tpu.memory_space<vmem>>) semaphore(%run_scoped3A_86 : memref<!tpu.dma_semaphore, #tpu.memory_space<semaphore_mem>>) {add = true}
        %dma_wait3A_93 = arith.constant 0 : i32
        %dma_wait3A_94 = tpu.memref_slice %arg8[%run_scoped3A_77, %dma_wait3A_93] : memref<64x128xi32, #tpu.memory_space<vmem>> -> memref<1x128xi32, #tpu.memory_space<vmem>>
        %dma_wait3A_95 = tpu.memref_squeeze %dma_wait3A_94 : memref<1x128xi32, #tpu.memory_space<vmem>> -> memref<128xi32, #tpu.memory_space<vmem>>
        %dma_wait3A_96 = arith.constant 0 : i32
        %dma_wait3A_97 = arith.constant 0 : i32
        %dma_wait3A_98 = tpu.memref_slice %arg11[%dma_wait3A_96, %dma_wait3A_97] : memref<10112x128xf32, #tpu.memory_space<vmem_shared>> -> memref<10112x128xf32, #tpu.memory_space<vmem_shared>>
        tpu.wait_indirect_dma semaphore(%run_scoped3A_86 : memref<!tpu.dma_semaphore, #tpu.memory_space<semaphore_mem>>) src(%arg9 : memref<128x128xf32, #tpu.memory_space<vmem>>) dst(%dma_wait3A_98 : memref<10112x128xf32, #tpu.memory_space<vmem_shared>>)
        tpu.yield
      }) : () -> ()
      %dma_wait3A_78 = arith.constant 0 : i32
      %dma_wait3A_79 = arith.constant 0 : i32
      %dma_wait3A_80 = tpu.memref_slice %arg7[%dma_wait3A_78, %dma_wait3A_79] : memref<64x128xi32, #tpu.memory_space<vmem>> -> memref<1x128xi32, #tpu.memory_space<vmem>>
      %dma_wait3A_81 = tpu.memref_squeeze %dma_wait3A_80 : memref<1x128xi32, #tpu.memory_space<vmem>> -> memref<128xi32, #tpu.memory_space<vmem>>
      %dma_wait3A_82 = arith.constant 0 : i32
      %dma_wait3A_83 = arith.constant 0 : i32
      %dma_wait3A_84 = tpu.memref_slice %arg2[%dma_wait3A_82, %dma_wait3A_83] : memref<80000x128xf32, #tpu.memory_space<hbm>> -> memref<80000x128xf32, #tpu.memory_space<hbm>>
      tpu.wait_indirect_dma semaphore(%arg12 : memref<!tpu.dma_semaphore, #tpu.memory_space<semaphore_mem>>) src(%dma_wait3A_84 : memref<80000x128xf32, #tpu.memory_space<hbm>>) dst(%arg10 : memref<128x128xf32, #tpu.memory_space<vmem>>)
      %run_scoped3A_85 = arith.constant 63 : i32
      "tpu.region"() ({
        %run_scoped3A_86 = tpu.sem_alloc : memref<!tpu.dma_semaphore, #tpu.memory_space<semaphore_mem>>
        %dma_start3A_87 = arith.constant 0 : i32
        %dma_start3A_88 = tpu.memref_slice %arg8[%run_scoped3A_85, %dma_start3A_87] : memref<64x128xi32, #tpu.memory_space<vmem>> -> memref<1x128xi32, #tpu.memory_space<vmem>>
        %dma_start3A_89 = tpu.memref_squeeze %dma_start3A_88 : memref<1x128xi32, #tpu.memory_space<vmem>> -> memref<128xi32, #tpu.memory_space<vmem>>
        %dma_start3A_90 = arith.constant 0 : i32
        %dma_start3A_91 = arith.constant 0 : i32
        %dma_start3A_92 = tpu.memref_slice %arg11[%dma_start3A_90, %dma_start3A_91] : memref<10112x128xf32, #tpu.memory_space<vmem_shared>> -> memref<10112x128xf32, #tpu.memory_space<vmem_shared>>
        tpu.enqueue_indirect_dma source(%arg10 : memref<128x128xf32, #tpu.memory_space<vmem>>) target(%dma_start3A_92 : memref<10112x128xf32, #tpu.memory_space<vmem_shared>>) offsets(%dma_start3A_89 : memref<128xi32, #tpu.memory_space<vmem>>) semaphore(%run_scoped3A_86 : memref<!tpu.dma_semaphore, #tpu.memory_space<semaphore_mem>>) {add = true}
        %dma_wait3A_93 = arith.constant 0 : i32
        %dma_wait3A_94 = tpu.memref_slice %arg8[%run_scoped3A_85, %dma_wait3A_93] : memref<64x128xi32, #tpu.memory_space<vmem>> -> memref<1x128xi32, #tpu.memory_space<vmem>>
        %dma_wait3A_95 = tpu.memref_squeeze %dma_wait3A_94 : memref<1x128xi32, #tpu.memory_space<vmem>> -> memref<128xi32, #tpu.memory_space<vmem>>
        %dma_wait3A_96 = arith.constant 0 : i32
        %dma_wait3A_97 = arith.constant 0 : i32
        %dma_wait3A_98 = tpu.memref_slice %arg11[%dma_wait3A_96, %dma_wait3A_97] : memref<10112x128xf32, #tpu.memory_space<vmem_shared>> -> memref<10112x128xf32, #tpu.memory_space<vmem_shared>>
        tpu.wait_indirect_dma semaphore(%run_scoped3A_86 : memref<!tpu.dma_semaphore, #tpu.memory_space<semaphore_mem>>) src(%arg10 : memref<128x128xf32, #tpu.memory_space<vmem>>) dst(%dma_wait3A_98 : memref<10112x128xf32, #tpu.memory_space<vmem_shared>>)
        tpu.yield
      }) : () -> ()
    } else {
    }
    %eq3A_5 = arith.constant 1 : i32
    %eq3A_6 = arith.cmpi eq, %arg0, %eq3A_5 : i32
    %convert_element_type3A_7 = arith.extui %eq3A_6 : i1 to i32
    %cond3A_8 = arith.constant 0 : i32
    %cond3A_9 = arith.cmpi ne, %convert_element_type3A_7, %cond3A_8 : i32
    scf.if %cond3A_9 {
      %mul3A_15 = arith.constant 32 : i32
      %mul3A_16 = arith.muli %arg1, %mul3A_15 : i32
      %add3A = arith.constant 2048 : i32
      %add3A_17 = arith.addi %add3A, %mul3A_16 : i32
      %add3A_18 = arith.constant 0 : i32
      %add3A_19 = arith.addi %add3A_17, %add3A_18 : i32
      "tpu.region"() ({
        %run_scoped3A_88 = tpu.sem_alloc : memref<!tpu.dma_semaphore, #tpu.memory_space<semaphore_mem>>
        %dma_start3A_89 = arith.constant 0 : i32
        %dma_start3A_90 = arith.constant 0 : i32
        %dma_start3A_91 = tpu.memref_slice %arg7[%dma_start3A_89, %dma_start3A_90] : memref<64x128xi32, #tpu.memory_space<vmem>> -> memref<16x128xi32, #tpu.memory_space<vmem>>
        %dma_start3A_92 = arith.constant 0 : i32
        %dma_start3A_93 = tpu.memref_slice %arg3[%add3A_19, %dma_start3A_92] : memref<2560x128xi32, #tpu.memory_space<hbm>> -> memref<16x128xi32, #tpu.memory_space<hbm>>
        %dma_start3A_94 = arith.constant 0 : i32
        %dma_start3A_95 = arith.constant 0 : i32
        %dma_start3A_96 = tpu.memref_slice %arg7[%dma_start3A_94, %dma_start3A_95] : memref<64x128xi32, #tpu.memory_space<vmem>> -> memref<16x128xi32, #tpu.memory_space<vmem>>
        %dma_start3A_97 = arith.constant 0 : i32
        %dma_start3A_98 = tpu.memref_slice %arg3[%add3A_19, %dma_start3A_97] : memref<2560x128xi32, #tpu.memory_space<hbm>> -> memref<16x128xi32, #tpu.memory_space<hbm>>
        tpu.enqueue_dma source(%dma_start3A_98 : memref<16x128xi32, #tpu.memory_space<hbm>>) target(%dma_start3A_96 : memref<16x128xi32, #tpu.memory_space<vmem>>) target_semaphore(%run_scoped3A_88 : memref<!tpu.dma_semaphore, #tpu.memory_space<semaphore_mem>>)
        %dma_wait3A_99 = arith.constant 0 : i32
        %dma_wait3A_100 = arith.constant 0 : i32
        %dma_wait3A_101 = tpu.memref_slice %arg7[%dma_wait3A_99, %dma_wait3A_100] : memref<64x128xi32, #tpu.memory_space<vmem>> -> memref<16x128xi32, #tpu.memory_space<vmem>>
        %dma_wait3A_102 = arith.constant 0 : i32
        %dma_wait3A_103 = tpu.memref_slice %arg3[%add3A_19, %dma_wait3A_102] : memref<2560x128xi32, #tpu.memory_space<hbm>> -> memref<16x128xi32, #tpu.memory_space<hbm>>
        %dma_wait3A_104 = arith.constant 0 : i32
        %dma_wait3A_105 = arith.constant 0 : i32
        %dma_wait3A_106 = tpu.memref_slice %arg7[%dma_wait3A_104, %dma_wait3A_105] : memref<64x128xi32, #tpu.memory_space<vmem>> -> memref<16x128xi32, #tpu.memory_space<vmem>>
        %dma_wait3A_107 = arith.constant 0 : i32
        %dma_wait3A_108 = tpu.memref_slice %arg3[%add3A_19, %dma_wait3A_107] : memref<2560x128xi32, #tpu.memory_space<hbm>> -> memref<16x128xi32, #tpu.memory_space<hbm>>
        tpu.wait_dma2 semaphore(%run_scoped3A_88 : memref<!tpu.dma_semaphore, #tpu.memory_space<semaphore_mem>>) src(%dma_wait3A_108 : memref<16x128xi32, #tpu.memory_space<hbm>>) dst(%dma_wait3A_106 : memref<16x128xi32, #tpu.memory_space<vmem>>)
        tpu.yield
      }) : () -> ()
      "tpu.region"() ({
        %run_scoped3A_88 = tpu.sem_alloc : memref<!tpu.dma_semaphore, #tpu.memory_space<semaphore_mem>>
        %dma_start3A_89 = arith.constant 0 : i32
        %dma_start3A_90 = arith.constant 0 : i32
        %dma_start3A_91 = tpu.memref_slice %arg8[%dma_start3A_89, %dma_start3A_90] : memref<64x128xi32, #tpu.memory_space<vmem>> -> memref<16x128xi32, #tpu.memory_space<vmem>>
        %dma_start3A_92 = arith.constant 0 : i32
        %dma_start3A_93 = tpu.memref_slice %arg4[%add3A_19, %dma_start3A_92] : memref<2560x128xi32, #tpu.memory_space<hbm>> -> memref<16x128xi32, #tpu.memory_space<hbm>>
        %dma_start3A_94 = arith.constant 0 : i32
        %dma_start3A_95 = arith.constant 0 : i32
        %dma_start3A_96 = tpu.memref_slice %arg8[%dma_start3A_94, %dma_start3A_95] : memref<64x128xi32, #tpu.memory_space<vmem>> -> memref<16x128xi32, #tpu.memory_space<vmem>>
        %dma_start3A_97 = arith.constant 0 : i32
        %dma_start3A_98 = tpu.memref_slice %arg4[%add3A_19, %dma_start3A_97] : memref<2560x128xi32, #tpu.memory_space<hbm>> -> memref<16x128xi32, #tpu.memory_space<hbm>>
        tpu.enqueue_dma source(%dma_start3A_98 : memref<16x128xi32, #tpu.memory_space<hbm>>) target(%dma_start3A_96 : memref<16x128xi32, #tpu.memory_space<vmem>>) target_semaphore(%run_scoped3A_88 : memref<!tpu.dma_semaphore, #tpu.memory_space<semaphore_mem>>)
        %dma_wait3A_99 = arith.constant 0 : i32
        %dma_wait3A_100 = arith.constant 0 : i32
        %dma_wait3A_101 = tpu.memref_slice %arg8[%dma_wait3A_99, %dma_wait3A_100] : memref<64x128xi32, #tpu.memory_space<vmem>> -> memref<16x128xi32, #tpu.memory_space<vmem>>
        %dma_wait3A_102 = arith.constant 0 : i32
        %dma_wait3A_103 = tpu.memref_slice %arg4[%add3A_19, %dma_wait3A_102] : memref<2560x128xi32, #tpu.memory_space<hbm>> -> memref<16x128xi32, #tpu.memory_space<hbm>>
        %dma_wait3A_104 = arith.constant 0 : i32
        %dma_wait3A_105 = arith.constant 0 : i32
        %dma_wait3A_106 = tpu.memref_slice %arg8[%dma_wait3A_104, %dma_wait3A_105] : memref<64x128xi32, #tpu.memory_space<vmem>> -> memref<16x128xi32, #tpu.memory_space<vmem>>
        %dma_wait3A_107 = arith.constant 0 : i32
        %dma_wait3A_108 = tpu.memref_slice %arg4[%add3A_19, %dma_wait3A_107] : memref<2560x128xi32, #tpu.memory_space<hbm>> -> memref<16x128xi32, #tpu.memory_space<hbm>>
        tpu.wait_dma2 semaphore(%run_scoped3A_88 : memref<!tpu.dma_semaphore, #tpu.memory_space<semaphore_mem>>) src(%dma_wait3A_108 : memref<16x128xi32, #tpu.memory_space<hbm>>) dst(%dma_wait3A_106 : memref<16x128xi32, #tpu.memory_space<vmem>>)
        tpu.yield
      }) : () -> ()
      %dma_start3A = arith.constant 0 : i32
      %dma_start3A_20 = arith.constant 0 : i32
      %dma_start3A_21 = tpu.memref_slice %arg7[%dma_start3A, %dma_start3A_20] : memref<64x128xi32, #tpu.memory_space<vmem>> -> memref<1x128xi32, #tpu.memory_space<vmem>>
      %dma_start3A_22 = tpu.memref_squeeze %dma_start3A_21 : memref<1x128xi32, #tpu.memory_space<vmem>> -> memref<128xi32, #tpu.memory_space<vmem>>
      %dma_start3A_23 = arith.constant 0 : i32
      %dma_start3A_24 = arith.constant 0 : i32
      %dma_start3A_25 = tpu.memref_slice %arg2[%dma_start3A_23, %dma_start3A_24] : memref<80000x128xf32, #tpu.memory_space<hbm>> -> memref<80000x128xf32, #tpu.memory_space<hbm>>
      tpu.enqueue_indirect_dma source(%dma_start3A_25 : memref<80000x128xf32, #tpu.memory_space<hbm>>) target(%arg9 : memref<128x128xf32, #tpu.memory_space<vmem>>) offsets(%dma_start3A_22 : memref<128xi32, #tpu.memory_space<vmem>>) semaphore(%arg12 : memref<!tpu.dma_semaphore, #tpu.memory_space<semaphore_mem>>)
      %scan3A = arith.constant 0 : i32
      %scan3A_26 = arith.constant 7 : i32
      %scan3A_27 = arith.addi %scan3A, %scan3A_26 : i32
      %scan3A_28 = arith.constant 1 : i32
      scf.for %scan3A_88 = %scan3A to %scan3A_27 step %scan3A_28  : i32 {
        %mul3A_89 = arith.constant 2 : i32
        %mul3A_90 = arith.muli %scan3A_88, %mul3A_89 : i32
        %add3A_91 = arith.constant 0 : i32
        %add3A_92 = arith.addi %add3A_91, %mul3A_90 : i32
        %add3A_93 = arith.constant 1 : i32
        %add3A_94 = arith.addi %add3A_92, %add3A_93 : i32
        %dma_start3A_95 = arith.constant 0 : i32
        %dma_start3A_96 = tpu.memref_slice %arg7[%add3A_94, %dma_start3A_95] : memref<64x128xi32, #tpu.memory_space<vmem>> -> memref<1x128xi32, #tpu.memory_space<vmem>>
        %dma_start3A_97 = tpu.memref_squeeze %dma_start3A_96 : memref<1x128xi32, #tpu.memory_space<vmem>> -> memref<128xi32, #tpu.memory_space<vmem>>
        %dma_start3A_98 = arith.constant 0 : i32
        %dma_start3A_99 = arith.constant 0 : i32
        %dma_start3A_100 = tpu.memref_slice %arg2[%dma_start3A_98, %dma_start3A_99] : memref<80000x128xf32, #tpu.memory_space<hbm>> -> memref<80000x128xf32, #tpu.memory_space<hbm>>
        tpu.enqueue_indirect_dma source(%dma_start3A_100 : memref<80000x128xf32, #tpu.memory_space<hbm>>) target(%arg10 : memref<128x128xf32, #tpu.memory_space<vmem>>) offsets(%dma_start3A_97 : memref<128xi32, #tpu.memory_space<vmem>>) semaphore(%arg12 : memref<!tpu.dma_semaphore, #tpu.memory_space<semaphore_mem>>)
        %dma_wait3A_101 = arith.constant 0 : i32
        %dma_wait3A_102 = arith.constant 0 : i32
        %dma_wait3A_103 = tpu.memref_slice %arg7[%dma_wait3A_101, %dma_wait3A_102] : memref<64x128xi32, #tpu.memory_space<vmem>> -> memref<1x128xi32, #tpu.memory_space<vmem>>
        %dma_wait3A_104 = tpu.memref_squeeze %dma_wait3A_103 : memref<1x128xi32, #tpu.memory_space<vmem>> -> memref<128xi32, #tpu.memory_space<vmem>>
        %dma_wait3A_105 = arith.constant 0 : i32
        %dma_wait3A_106 = arith.constant 0 : i32
        %dma_wait3A_107 = tpu.memref_slice %arg2[%dma_wait3A_105, %dma_wait3A_106] : memref<80000x128xf32, #tpu.memory_space<hbm>> -> memref<80000x128xf32, #tpu.memory_space<hbm>>
        tpu.wait_indirect_dma semaphore(%arg12 : memref<!tpu.dma_semaphore, #tpu.memory_space<semaphore_mem>>) src(%dma_wait3A_107 : memref<80000x128xf32, #tpu.memory_space<hbm>>) dst(%arg9 : memref<128x128xf32, #tpu.memory_space<vmem>>)
        "tpu.region"() ({
          %run_scoped3A_125 = tpu.sem_alloc : memref<!tpu.dma_semaphore, #tpu.memory_space<semaphore_mem>>
          %dma_start3A_126 = arith.constant 0 : i32
          %dma_start3A_127 = tpu.memref_slice %arg8[%add3A_92, %dma_start3A_126] : memref<64x128xi32, #tpu.memory_space<vmem>> -> memref<1x128xi32, #tpu.memory_space<vmem>>
          %dma_start3A_128 = tpu.memref_squeeze %dma_start3A_127 : memref<1x128xi32, #tpu.memory_space<vmem>> -> memref<128xi32, #tpu.memory_space<vmem>>
          %dma_start3A_129 = arith.constant 0 : i32
          %dma_start3A_130 = arith.constant 0 : i32
          %dma_start3A_131 = tpu.memref_slice %arg11[%dma_start3A_129, %dma_start3A_130] : memref<10112x128xf32, #tpu.memory_space<vmem_shared>> -> memref<10112x128xf32, #tpu.memory_space<vmem_shared>>
          tpu.enqueue_indirect_dma source(%arg9 : memref<128x128xf32, #tpu.memory_space<vmem>>) target(%dma_start3A_131 : memref<10112x128xf32, #tpu.memory_space<vmem_shared>>) offsets(%dma_start3A_128 : memref<128xi32, #tpu.memory_space<vmem>>) semaphore(%run_scoped3A_125 : memref<!tpu.dma_semaphore, #tpu.memory_space<semaphore_mem>>) {add = true}
          %dma_wait3A_132 = arith.constant 0 : i32
          %dma_wait3A_133 = tpu.memref_slice %arg8[%add3A_92, %dma_wait3A_132] : memref<64x128xi32, #tpu.memory_space<vmem>> -> memref<1x128xi32, #tpu.memory_space<vmem>>
          %dma_wait3A_134 = tpu.memref_squeeze %dma_wait3A_133 : memref<1x128xi32, #tpu.memory_space<vmem>> -> memref<128xi32, #tpu.memory_space<vmem>>
          %dma_wait3A_135 = arith.constant 0 : i32
          %dma_wait3A_136 = arith.constant 0 : i32
          %dma_wait3A_137 = tpu.memref_slice %arg11[%dma_wait3A_135, %dma_wait3A_136] : memref<10112x128xf32, #tpu.memory_space<vmem_shared>> -> memref<10112x128xf32, #tpu.memory_space<vmem_shared>>
          tpu.wait_indirect_dma semaphore(%run_scoped3A_125 : memref<!tpu.dma_semaphore, #tpu.memory_space<semaphore_mem>>) src(%arg9 : memref<128x128xf32, #tpu.memory_space<vmem>>) dst(%dma_wait3A_137 : memref<10112x128xf32, #tpu.memory_space<vmem_shared>>)
          tpu.yield
        }) : () -> ()
        %add3A_108 = arith.constant 2 : i32
        %add3A_109 = arith.addi %add3A_92, %add3A_108 : i32
        %dma_start3A_110 = arith.constant 0 : i32
        %dma_start3A_111 = tpu.memref_slice %arg7[%add3A_109, %dma_start3A_110] : memref<64x128xi32, #tpu.memory_space<vmem>> -> memref<1x128xi32, #tpu.memory_space<vmem>>
        %dma_start3A_112 = tpu.memref_squeeze %dma_start3A_111 : memref<1x128xi32, #tpu.memory_space<vmem>> -> memref<128xi32, #tpu.memory_space<vmem>>
        %dma_start3A_113 = arith.constant 0 : i32
        %dma_start3A_114 = arith.constant 0 : i32
        %dma_start3A_115 = tpu.memref_slice %arg2[%dma_start3A_113, %dma_start3A_114] : memref<80000x128xf32, #tpu.memory_space<hbm>> -> memref<80000x128xf32, #tpu.memory_space<hbm>>
        tpu.enqueue_indirect_dma source(%dma_start3A_115 : memref<80000x128xf32, #tpu.memory_space<hbm>>) target(%arg9 : memref<128x128xf32, #tpu.memory_space<vmem>>) offsets(%dma_start3A_112 : memref<128xi32, #tpu.memory_space<vmem>>) semaphore(%arg12 : memref<!tpu.dma_semaphore, #tpu.memory_space<semaphore_mem>>)
        %dma_wait3A_116 = arith.constant 0 : i32
        %dma_wait3A_117 = arith.constant 0 : i32
        %dma_wait3A_118 = tpu.memref_slice %arg7[%dma_wait3A_116, %dma_wait3A_117] : memref<64x128xi32, #tpu.memory_space<vmem>> -> memref<1x128xi32, #tpu.memory_space<vmem>>
        %dma_wait3A_119 = tpu.memref_squeeze %dma_wait3A_118 : memref<1x128xi32, #tpu.memory_space<vmem>> -> memref<128xi32, #tpu.memory_space<vmem>>
        %dma_wait3A_120 = arith.constant 0 : i32
        %dma_wait3A_121 = arith.constant 0 : i32
        %dma_wait3A_122 = tpu.memref_slice %arg2[%dma_wait3A_120, %dma_wait3A_121] : memref<80000x128xf32, #tpu.memory_space<hbm>> -> memref<80000x128xf32, #tpu.memory_space<hbm>>
        tpu.wait_indirect_dma semaphore(%arg12 : memref<!tpu.dma_semaphore, #tpu.memory_space<semaphore_mem>>) src(%dma_wait3A_122 : memref<80000x128xf32, #tpu.memory_space<hbm>>) dst(%arg10 : memref<128x128xf32, #tpu.memory_space<vmem>>)
        %add3A_123 = arith.constant 1 : i32
        %add3A_124 = arith.addi %add3A_92, %add3A_123 : i32
        "tpu.region"() ({
          %run_scoped3A_125 = tpu.sem_alloc : memref<!tpu.dma_semaphore, #tpu.memory_space<semaphore_mem>>
          %dma_start3A_126 = arith.constant 0 : i32
          %dma_start3A_127 = tpu.memref_slice %arg8[%add3A_124, %dma_start3A_126] : memref<64x128xi32, #tpu.memory_space<vmem>> -> memref<1x128xi32, #tpu.memory_space<vmem>>
          %dma_start3A_128 = tpu.memref_squeeze %dma_start3A_127 : memref<1x128xi32, #tpu.memory_space<vmem>> -> memref<128xi32, #tpu.memory_space<vmem>>
          %dma_start3A_129 = arith.constant 0 : i32
          %dma_start3A_130 = arith.constant 0 : i32
          %dma_start3A_131 = tpu.memref_slice %arg11[%dma_start3A_129, %dma_start3A_130] : memref<10112x128xf32, #tpu.memory_space<vmem_shared>> -> memref<10112x128xf32, #tpu.memory_space<vmem_shared>>
          tpu.enqueue_indirect_dma source(%arg10 : memref<128x128xf32, #tpu.memory_space<vmem>>) target(%dma_start3A_131 : memref<10112x128xf32, #tpu.memory_space<vmem_shared>>) offsets(%dma_start3A_128 : memref<128xi32, #tpu.memory_space<vmem>>) semaphore(%run_scoped3A_125 : memref<!tpu.dma_semaphore, #tpu.memory_space<semaphore_mem>>) {add = true}
          %dma_wait3A_132 = arith.constant 0 : i32
          %dma_wait3A_133 = tpu.memref_slice %arg8[%add3A_124, %dma_wait3A_132] : memref<64x128xi32, #tpu.memory_space<vmem>> -> memref<1x128xi32, #tpu.memory_space<vmem>>
          %dma_wait3A_134 = tpu.memref_squeeze %dma_wait3A_133 : memref<1x128xi32, #tpu.memory_space<vmem>> -> memref<128xi32, #tpu.memory_space<vmem>>
          %dma_wait3A_135 = arith.constant 0 : i32
          %dma_wait3A_136 = arith.constant 0 : i32
          %dma_wait3A_137 = tpu.memref_slice %arg11[%dma_wait3A_135, %dma_wait3A_136] : memref<10112x128xf32, #tpu.memory_space<vmem_shared>> -> memref<10112x128xf32, #tpu.memory_space<vmem_shared>>
          tpu.wait_indirect_dma semaphore(%run_scoped3A_125 : memref<!tpu.dma_semaphore, #tpu.memory_space<semaphore_mem>>) src(%arg10 : memref<128x128xf32, #tpu.memory_space<vmem>>) dst(%dma_wait3A_137 : memref<10112x128xf32, #tpu.memory_space<vmem_shared>>)
          tpu.yield
        }) : () -> ()
      }
      %scan3A_29 = arith.constant 7 : i32
      %dma_start3A_30 = arith.constant 15 : i32
      %dma_start3A_31 = arith.constant 0 : i32
      %dma_start3A_32 = tpu.memref_slice %arg7[%dma_start3A_30, %dma_start3A_31] : memref<64x128xi32, #tpu.memory_space<vmem>> -> memref<1x128xi32, #tpu.memory_space<vmem>>
      %dma_start3A_33 = tpu.memref_squeeze %dma_start3A_32 : memref<1x128xi32, #tpu.memory_space<vmem>> -> memref<128xi32, #tpu.memory_space<vmem>>
      %dma_start3A_34 = arith.constant 0 : i32
      %dma_start3A_35 = arith.constant 0 : i32
      %dma_start3A_36 = tpu.memref_slice %arg2[%dma_start3A_34, %dma_start3A_35] : memref<80000x128xf32, #tpu.memory_space<hbm>> -> memref<80000x128xf32, #tpu.memory_space<hbm>>
      tpu.enqueue_indirect_dma source(%dma_start3A_36 : memref<80000x128xf32, #tpu.memory_space<hbm>>) target(%arg10 : memref<128x128xf32, #tpu.memory_space<vmem>>) offsets(%dma_start3A_33 : memref<128xi32, #tpu.memory_space<vmem>>) semaphore(%arg12 : memref<!tpu.dma_semaphore, #tpu.memory_space<semaphore_mem>>)
      %dma_wait3A = arith.constant 0 : i32
      %dma_wait3A_37 = arith.constant 0 : i32
      %dma_wait3A_38 = tpu.memref_slice %arg7[%dma_wait3A, %dma_wait3A_37] : memref<64x128xi32, #tpu.memory_space<vmem>> -> memref<1x128xi32, #tpu.memory_space<vmem>>
      %dma_wait3A_39 = tpu.memref_squeeze %dma_wait3A_38 : memref<1x128xi32, #tpu.memory_space<vmem>> -> memref<128xi32, #tpu.memory_space<vmem>>
      %dma_wait3A_40 = arith.constant 0 : i32
      %dma_wait3A_41 = arith.constant 0 : i32
      %dma_wait3A_42 = tpu.memref_slice %arg2[%dma_wait3A_40, %dma_wait3A_41] : memref<80000x128xf32, #tpu.memory_space<hbm>> -> memref<80000x128xf32, #tpu.memory_space<hbm>>
      tpu.wait_indirect_dma semaphore(%arg12 : memref<!tpu.dma_semaphore, #tpu.memory_space<semaphore_mem>>) src(%dma_wait3A_42 : memref<80000x128xf32, #tpu.memory_space<hbm>>) dst(%arg9 : memref<128x128xf32, #tpu.memory_space<vmem>>)
      %run_scoped3A = arith.constant 14 : i32
      "tpu.region"() ({
        %run_scoped3A_88 = tpu.sem_alloc : memref<!tpu.dma_semaphore, #tpu.memory_space<semaphore_mem>>
        %dma_start3A_89 = arith.constant 0 : i32
        %dma_start3A_90 = tpu.memref_slice %arg8[%run_scoped3A, %dma_start3A_89] : memref<64x128xi32, #tpu.memory_space<vmem>> -> memref<1x128xi32, #tpu.memory_space<vmem>>
        %dma_start3A_91 = tpu.memref_squeeze %dma_start3A_90 : memref<1x128xi32, #tpu.memory_space<vmem>> -> memref<128xi32, #tpu.memory_space<vmem>>
        %dma_start3A_92 = arith.constant 0 : i32
        %dma_start3A_93 = arith.constant 0 : i32
        %dma_start3A_94 = tpu.memref_slice %arg11[%dma_start3A_92, %dma_start3A_93] : memref<10112x128xf32, #tpu.memory_space<vmem_shared>> -> memref<10112x128xf32, #tpu.memory_space<vmem_shared>>
        tpu.enqueue_indirect_dma source(%arg9 : memref<128x128xf32, #tpu.memory_space<vmem>>) target(%dma_start3A_94 : memref<10112x128xf32, #tpu.memory_space<vmem_shared>>) offsets(%dma_start3A_91 : memref<128xi32, #tpu.memory_space<vmem>>) semaphore(%run_scoped3A_88 : memref<!tpu.dma_semaphore, #tpu.memory_space<semaphore_mem>>) {add = true}
        %dma_wait3A_95 = arith.constant 0 : i32
        %dma_wait3A_96 = tpu.memref_slice %arg8[%run_scoped3A, %dma_wait3A_95] : memref<64x128xi32, #tpu.memory_space<vmem>> -> memref<1x128xi32, #tpu.memory_space<vmem>>
        %dma_wait3A_97 = tpu.memref_squeeze %dma_wait3A_96 : memref<1x128xi32, #tpu.memory_space<vmem>> -> memref<128xi32, #tpu.memory_space<vmem>>
        %dma_wait3A_98 = arith.constant 0 : i32
        %dma_wait3A_99 = arith.constant 0 : i32
        %dma_wait3A_100 = tpu.memref_slice %arg11[%dma_wait3A_98, %dma_wait3A_99] : memref<10112x128xf32, #tpu.memory_space<vmem_shared>> -> memref<10112x128xf32, #tpu.memory_space<vmem_shared>>
        tpu.wait_indirect_dma semaphore(%run_scoped3A_88 : memref<!tpu.dma_semaphore, #tpu.memory_space<semaphore_mem>>) src(%arg9 : memref<128x128xf32, #tpu.memory_space<vmem>>) dst(%dma_wait3A_100 : memref<10112x128xf32, #tpu.memory_space<vmem_shared>>)
        tpu.yield
      }) : () -> ()
      %dma_wait3A_43 = arith.constant 0 : i32
      %dma_wait3A_44 = arith.constant 0 : i32
      %dma_wait3A_45 = tpu.memref_slice %arg7[%dma_wait3A_43, %dma_wait3A_44] : memref<64x128xi32, #tpu.memory_space<vmem>> -> memref<1x128xi32, #tpu.memory_space<vmem>>
      %dma_wait3A_46 = tpu.memref_squeeze %dma_wait3A_45 : memref<1x128xi32, #tpu.memory_space<vmem>> -> memref<128xi32, #tpu.memory_space<vmem>>
      %dma_wait3A_47 = arith.constant 0 : i32
      %dma_wait3A_48 = arith.constant 0 : i32
      %dma_wait3A_49 = tpu.memref_slice %arg2[%dma_wait3A_47, %dma_wait3A_48] : memref<80000x128xf32, #tpu.memory_space<hbm>> -> memref<80000x128xf32, #tpu.memory_space<hbm>>
      tpu.wait_indirect_dma semaphore(%arg12 : memref<!tpu.dma_semaphore, #tpu.memory_space<semaphore_mem>>) src(%dma_wait3A_49 : memref<80000x128xf32, #tpu.memory_space<hbm>>) dst(%arg10 : memref<128x128xf32, #tpu.memory_space<vmem>>)
      %run_scoped3A_50 = arith.constant 15 : i32
      "tpu.region"() ({
        %run_scoped3A_88 = tpu.sem_alloc : memref<!tpu.dma_semaphore, #tpu.memory_space<semaphore_mem>>
        %dma_start3A_89 = arith.constant 0 : i32
        %dma_start3A_90 = tpu.memref_slice %arg8[%run_scoped3A_50, %dma_start3A_89] : memref<64x128xi32, #tpu.memory_space<vmem>> -> memref<1x128xi32, #tpu.memory_space<vmem>>
        %dma_start3A_91 = tpu.memref_squeeze %dma_start3A_90 : memref<1x128xi32, #tpu.memory_space<vmem>> -> memref<128xi32, #tpu.memory_space<vmem>>
        %dma_start3A_92 = arith.constant 0 : i32
        %dma_start3A_93 = arith.constant 0 : i32
        %dma_start3A_94 = tpu.memref_slice %arg11[%dma_start3A_92, %dma_start3A_93] : memref<10112x128xf32, #tpu.memory_space<vmem_shared>> -> memref<10112x128xf32, #tpu.memory_space<vmem_shared>>
        tpu.enqueue_indirect_dma source(%arg10 : memref<128x128xf32, #tpu.memory_space<vmem>>) target(%dma_start3A_94 : memref<10112x128xf32, #tpu.memory_space<vmem_shared>>) offsets(%dma_start3A_91 : memref<128xi32, #tpu.memory_space<vmem>>) semaphore(%run_scoped3A_88 : memref<!tpu.dma_semaphore, #tpu.memory_space<semaphore_mem>>) {add = true}
        %dma_wait3A_95 = arith.constant 0 : i32
        %dma_wait3A_96 = tpu.memref_slice %arg8[%run_scoped3A_50, %dma_wait3A_95] : memref<64x128xi32, #tpu.memory_space<vmem>> -> memref<1x128xi32, #tpu.memory_space<vmem>>
        %dma_wait3A_97 = tpu.memref_squeeze %dma_wait3A_96 : memref<1x128xi32, #tpu.memory_space<vmem>> -> memref<128xi32, #tpu.memory_space<vmem>>
        %dma_wait3A_98 = arith.constant 0 : i32
        %dma_wait3A_99 = arith.constant 0 : i32
        %dma_wait3A_100 = tpu.memref_slice %arg11[%dma_wait3A_98, %dma_wait3A_99] : memref<10112x128xf32, #tpu.memory_space<vmem_shared>> -> memref<10112x128xf32, #tpu.memory_space<vmem_shared>>
        tpu.wait_indirect_dma semaphore(%run_scoped3A_88 : memref<!tpu.dma_semaphore, #tpu.memory_space<semaphore_mem>>) src(%arg10 : memref<128x128xf32, #tpu.memory_space<vmem>>) dst(%dma_wait3A_100 : memref<10112x128xf32, #tpu.memory_space<vmem_shared>>)
        tpu.yield
      }) : () -> ()
      %add3A_51 = arith.constant 16 : i32
      %add3A_52 = arith.addi %add3A_17, %add3A_51 : i32
      "tpu.region"() ({
        %run_scoped3A_88 = tpu.sem_alloc : memref<!tpu.dma_semaphore, #tpu.memory_space<semaphore_mem>>
        %dma_start3A_89 = arith.constant 0 : i32
        %dma_start3A_90 = arith.constant 0 : i32
        %dma_start3A_91 = tpu.memref_slice %arg7[%dma_start3A_89, %dma_start3A_90] : memref<64x128xi32, #tpu.memory_space<vmem>> -> memref<16x128xi32, #tpu.memory_space<vmem>>
        %dma_start3A_92 = arith.constant 0 : i32
        %dma_start3A_93 = tpu.memref_slice %arg3[%add3A_52, %dma_start3A_92] : memref<2560x128xi32, #tpu.memory_space<hbm>> -> memref<16x128xi32, #tpu.memory_space<hbm>>
        %dma_start3A_94 = arith.constant 0 : i32
        %dma_start3A_95 = arith.constant 0 : i32
        %dma_start3A_96 = tpu.memref_slice %arg7[%dma_start3A_94, %dma_start3A_95] : memref<64x128xi32, #tpu.memory_space<vmem>> -> memref<16x128xi32, #tpu.memory_space<vmem>>
        %dma_start3A_97 = arith.constant 0 : i32
        %dma_start3A_98 = tpu.memref_slice %arg3[%add3A_52, %dma_start3A_97] : memref<2560x128xi32, #tpu.memory_space<hbm>> -> memref<16x128xi32, #tpu.memory_space<hbm>>
        tpu.enqueue_dma source(%dma_start3A_98 : memref<16x128xi32, #tpu.memory_space<hbm>>) target(%dma_start3A_96 : memref<16x128xi32, #tpu.memory_space<vmem>>) target_semaphore(%run_scoped3A_88 : memref<!tpu.dma_semaphore, #tpu.memory_space<semaphore_mem>>)
        %dma_wait3A_99 = arith.constant 0 : i32
        %dma_wait3A_100 = arith.constant 0 : i32
        %dma_wait3A_101 = tpu.memref_slice %arg7[%dma_wait3A_99, %dma_wait3A_100] : memref<64x128xi32, #tpu.memory_space<vmem>> -> memref<16x128xi32, #tpu.memory_space<vmem>>
        %dma_wait3A_102 = arith.constant 0 : i32
        %dma_wait3A_103 = tpu.memref_slice %arg3[%add3A_52, %dma_wait3A_102] : memref<2560x128xi32, #tpu.memory_space<hbm>> -> memref<16x128xi32, #tpu.memory_space<hbm>>
        %dma_wait3A_104 = arith.constant 0 : i32
        %dma_wait3A_105 = arith.constant 0 : i32
        %dma_wait3A_106 = tpu.memref_slice %arg7[%dma_wait3A_104, %dma_wait3A_105] : memref<64x128xi32, #tpu.memory_space<vmem>> -> memref<16x128xi32, #tpu.memory_space<vmem>>
        %dma_wait3A_107 = arith.constant 0 : i32
        %dma_wait3A_108 = tpu.memref_slice %arg3[%add3A_52, %dma_wait3A_107] : memref<2560x128xi32, #tpu.memory_space<hbm>> -> memref<16x128xi32, #tpu.memory_space<hbm>>
        tpu.wait_dma2 semaphore(%run_scoped3A_88 : memref<!tpu.dma_semaphore, #tpu.memory_space<semaphore_mem>>) src(%dma_wait3A_108 : memref<16x128xi32, #tpu.memory_space<hbm>>) dst(%dma_wait3A_106 : memref<16x128xi32, #tpu.memory_space<vmem>>)
        tpu.yield
      }) : () -> ()
      "tpu.region"() ({
        %run_scoped3A_88 = tpu.sem_alloc : memref<!tpu.dma_semaphore, #tpu.memory_space<semaphore_mem>>
        %dma_start3A_89 = arith.constant 0 : i32
        %dma_start3A_90 = arith.constant 0 : i32
        %dma_start3A_91 = tpu.memref_slice %arg8[%dma_start3A_89, %dma_start3A_90] : memref<64x128xi32, #tpu.memory_space<vmem>> -> memref<16x128xi32, #tpu.memory_space<vmem>>
        %dma_start3A_92 = arith.constant 0 : i32
        %dma_start3A_93 = tpu.memref_slice %arg4[%add3A_52, %dma_start3A_92] : memref<2560x128xi32, #tpu.memory_space<hbm>> -> memref<16x128xi32, #tpu.memory_space<hbm>>
        %dma_start3A_94 = arith.constant 0 : i32
        %dma_start3A_95 = arith.constant 0 : i32
        %dma_start3A_96 = tpu.memref_slice %arg8[%dma_start3A_94, %dma_start3A_95] : memref<64x128xi32, #tpu.memory_space<vmem>> -> memref<16x128xi32, #tpu.memory_space<vmem>>
        %dma_start3A_97 = arith.constant 0 : i32
        %dma_start3A_98 = tpu.memref_slice %arg4[%add3A_52, %dma_start3A_97] : memref<2560x128xi32, #tpu.memory_space<hbm>> -> memref<16x128xi32, #tpu.memory_space<hbm>>
        tpu.enqueue_dma source(%dma_start3A_98 : memref<16x128xi32, #tpu.memory_space<hbm>>) target(%dma_start3A_96 : memref<16x128xi32, #tpu.memory_space<vmem>>) target_semaphore(%run_scoped3A_88 : memref<!tpu.dma_semaphore, #tpu.memory_space<semaphore_mem>>)
        %dma_wait3A_99 = arith.constant 0 : i32
        %dma_wait3A_100 = arith.constant 0 : i32
        %dma_wait3A_101 = tpu.memref_slice %arg8[%dma_wait3A_99, %dma_wait3A_100] : memref<64x128xi32, #tpu.memory_space<vmem>> -> memref<16x128xi32, #tpu.memory_space<vmem>>
        %dma_wait3A_102 = arith.constant 0 : i32
        %dma_wait3A_103 = tpu.memref_slice %arg4[%add3A_52, %dma_wait3A_102] : memref<2560x128xi32, #tpu.memory_space<hbm>> -> memref<16x128xi32, #tpu.memory_space<hbm>>
        %dma_wait3A_104 = arith.constant 0 : i32
        %dma_wait3A_105 = arith.constant 0 : i32
        %dma_wait3A_106 = tpu.memref_slice %arg8[%dma_wait3A_104, %dma_wait3A_105] : memref<64x128xi32, #tpu.memory_space<vmem>> -> memref<16x128xi32, #tpu.memory_space<vmem>>
        %dma_wait3A_107 = arith.constant 0 : i32
        %dma_wait3A_108 = tpu.memref_slice %arg4[%add3A_52, %dma_wait3A_107] : memref<2560x128xi32, #tpu.memory_space<hbm>> -> memref<16x128xi32, #tpu.memory_space<hbm>>
        tpu.wait_dma2 semaphore(%run_scoped3A_88 : memref<!tpu.dma_semaphore, #tpu.memory_space<semaphore_mem>>) src(%dma_wait3A_108 : memref<16x128xi32, #tpu.memory_space<hbm>>) dst(%dma_wait3A_106 : memref<16x128xi32, #tpu.memory_space<vmem>>)
        tpu.yield
      }) : () -> ()
      %dma_start3A_53 = arith.constant 0 : i32
      %dma_start3A_54 = arith.constant 0 : i32
      %dma_start3A_55 = tpu.memref_slice %arg7[%dma_start3A_53, %dma_start3A_54] : memref<64x128xi32, #tpu.memory_space<vmem>> -> memref<1x128xi32, #tpu.memory_space<vmem>>
      %dma_start3A_56 = tpu.memref_squeeze %dma_start3A_55 : memref<1x128xi32, #tpu.memory_space<vmem>> -> memref<128xi32, #tpu.memory_space<vmem>>
      %dma_start3A_57 = arith.constant 0 : i32
      %dma_start3A_58 = arith.constant 0 : i32
      %dma_start3A_59 = tpu.memref_slice %arg2[%dma_start3A_57, %dma_start3A_58] : memref<80000x128xf32, #tpu.memory_space<hbm>> -> memref<80000x128xf32, #tpu.memory_space<hbm>>
      tpu.enqueue_indirect_dma source(%dma_start3A_59 : memref<80000x128xf32, #tpu.memory_space<hbm>>) target(%arg9 : memref<128x128xf32, #tpu.memory_space<vmem>>) offsets(%dma_start3A_56 : memref<128xi32, #tpu.memory_space<vmem>>) semaphore(%arg12 : memref<!tpu.dma_semaphore, #tpu.memory_space<semaphore_mem>>)
      %scan3A_60 = arith.constant 0 : i32
      %scan3A_61 = arith.constant 7 : i32
      %scan3A_62 = arith.addi %scan3A_60, %scan3A_61 : i32
      %scan3A_63 = arith.constant 1 : i32
      scf.for %scan3A_88 = %scan3A_60 to %scan3A_62 step %scan3A_63  : i32 {
        %mul3A_89 = arith.constant 2 : i32
        %mul3A_90 = arith.muli %scan3A_88, %mul3A_89 : i32
        %add3A_91 = arith.constant 0 : i32
        %add3A_92 = arith.addi %add3A_91, %mul3A_90 : i32
        %add3A_93 = arith.constant 1 : i32
        %add3A_94 = arith.addi %add3A_92, %add3A_93 : i32
        %dma_start3A_95 = arith.constant 0 : i32
        %dma_start3A_96 = tpu.memref_slice %arg7[%add3A_94, %dma_start3A_95] : memref<64x128xi32, #tpu.memory_space<vmem>> -> memref<1x128xi32, #tpu.memory_space<vmem>>
        %dma_start3A_97 = tpu.memref_squeeze %dma_start3A_96 : memref<1x128xi32, #tpu.memory_space<vmem>> -> memref<128xi32, #tpu.memory_space<vmem>>
        %dma_start3A_98 = arith.constant 0 : i32
        %dma_start3A_99 = arith.constant 0 : i32
        %dma_start3A_100 = tpu.memref_slice %arg2[%dma_start3A_98, %dma_start3A_99] : memref<80000x128xf32, #tpu.memory_space<hbm>> -> memref<80000x128xf32, #tpu.memory_space<hbm>>
        tpu.enqueue_indirect_dma source(%dma_start3A_100 : memref<80000x128xf32, #tpu.memory_space<hbm>>) target(%arg10 : memref<128x128xf32, #tpu.memory_space<vmem>>) offsets(%dma_start3A_97 : memref<128xi32, #tpu.memory_space<vmem>>) semaphore(%arg12 : memref<!tpu.dma_semaphore, #tpu.memory_space<semaphore_mem>>)
        %dma_wait3A_101 = arith.constant 0 : i32
        %dma_wait3A_102 = arith.constant 0 : i32
        %dma_wait3A_103 = tpu.memref_slice %arg7[%dma_wait3A_101, %dma_wait3A_102] : memref<64x128xi32, #tpu.memory_space<vmem>> -> memref<1x128xi32, #tpu.memory_space<vmem>>
        %dma_wait3A_104 = tpu.memref_squeeze %dma_wait3A_103 : memref<1x128xi32, #tpu.memory_space<vmem>> -> memref<128xi32, #tpu.memory_space<vmem>>
        %dma_wait3A_105 = arith.constant 0 : i32
        %dma_wait3A_106 = arith.constant 0 : i32
        %dma_wait3A_107 = tpu.memref_slice %arg2[%dma_wait3A_105, %dma_wait3A_106] : memref<80000x128xf32, #tpu.memory_space<hbm>> -> memref<80000x128xf32, #tpu.memory_space<hbm>>
        tpu.wait_indirect_dma semaphore(%arg12 : memref<!tpu.dma_semaphore, #tpu.memory_space<semaphore_mem>>) src(%dma_wait3A_107 : memref<80000x128xf32, #tpu.memory_space<hbm>>) dst(%arg9 : memref<128x128xf32, #tpu.memory_space<vmem>>)
        "tpu.region"() ({
          %run_scoped3A_125 = tpu.sem_alloc : memref<!tpu.dma_semaphore, #tpu.memory_space<semaphore_mem>>
          %dma_start3A_126 = arith.constant 0 : i32
          %dma_start3A_127 = tpu.memref_slice %arg8[%add3A_92, %dma_start3A_126] : memref<64x128xi32, #tpu.memory_space<vmem>> -> memref<1x128xi32, #tpu.memory_space<vmem>>
          %dma_start3A_128 = tpu.memref_squeeze %dma_start3A_127 : memref<1x128xi32, #tpu.memory_space<vmem>> -> memref<128xi32, #tpu.memory_space<vmem>>
          %dma_start3A_129 = arith.constant 0 : i32
          %dma_start3A_130 = arith.constant 0 : i32
          %dma_start3A_131 = tpu.memref_slice %arg11[%dma_start3A_129, %dma_start3A_130] : memref<10112x128xf32, #tpu.memory_space<vmem_shared>> -> memref<10112x128xf32, #tpu.memory_space<vmem_shared>>
          tpu.enqueue_indirect_dma source(%arg9 : memref<128x128xf32, #tpu.memory_space<vmem>>) target(%dma_start3A_131 : memref<10112x128xf32, #tpu.memory_space<vmem_shared>>) offsets(%dma_start3A_128 : memref<128xi32, #tpu.memory_space<vmem>>) semaphore(%run_scoped3A_125 : memref<!tpu.dma_semaphore, #tpu.memory_space<semaphore_mem>>) {add = true}
          %dma_wait3A_132 = arith.constant 0 : i32
          %dma_wait3A_133 = tpu.memref_slice %arg8[%add3A_92, %dma_wait3A_132] : memref<64x128xi32, #tpu.memory_space<vmem>> -> memref<1x128xi32, #tpu.memory_space<vmem>>
          %dma_wait3A_134 = tpu.memref_squeeze %dma_wait3A_133 : memref<1x128xi32, #tpu.memory_space<vmem>> -> memref<128xi32, #tpu.memory_space<vmem>>
          %dma_wait3A_135 = arith.constant 0 : i32
          %dma_wait3A_136 = arith.constant 0 : i32
          %dma_wait3A_137 = tpu.memref_slice %arg11[%dma_wait3A_135, %dma_wait3A_136] : memref<10112x128xf32, #tpu.memory_space<vmem_shared>> -> memref<10112x128xf32, #tpu.memory_space<vmem_shared>>
          tpu.wait_indirect_dma semaphore(%run_scoped3A_125 : memref<!tpu.dma_semaphore, #tpu.memory_space<semaphore_mem>>) src(%arg9 : memref<128x128xf32, #tpu.memory_space<vmem>>) dst(%dma_wait3A_137 : memref<10112x128xf32, #tpu.memory_space<vmem_shared>>)
          tpu.yield
        }) : () -> ()
        %add3A_108 = arith.constant 2 : i32
        %add3A_109 = arith.addi %add3A_92, %add3A_108 : i32
        %dma_start3A_110 = arith.constant 0 : i32
        %dma_start3A_111 = tpu.memref_slice %arg7[%add3A_109, %dma_start3A_110] : memref<64x128xi32, #tpu.memory_space<vmem>> -> memref<1x128xi32, #tpu.memory_space<vmem>>
        %dma_start3A_112 = tpu.memref_squeeze %dma_start3A_111 : memref<1x128xi32, #tpu.memory_space<vmem>> -> memref<128xi32, #tpu.memory_space<vmem>>
        %dma_start3A_113 = arith.constant 0 : i32
        %dma_start3A_114 = arith.constant 0 : i32
        %dma_start3A_115 = tpu.memref_slice %arg2[%dma_start3A_113, %dma_start3A_114] : memref<80000x128xf32, #tpu.memory_space<hbm>> -> memref<80000x128xf32, #tpu.memory_space<hbm>>
        tpu.enqueue_indirect_dma source(%dma_start3A_115 : memref<80000x128xf32, #tpu.memory_space<hbm>>) target(%arg9 : memref<128x128xf32, #tpu.memory_space<vmem>>) offsets(%dma_start3A_112 : memref<128xi32, #tpu.memory_space<vmem>>) semaphore(%arg12 : memref<!tpu.dma_semaphore, #tpu.memory_space<semaphore_mem>>)
        %dma_wait3A_116 = arith.constant 0 : i32
        %dma_wait3A_117 = arith.constant 0 : i32
        %dma_wait3A_118 = tpu.memref_slice %arg7[%dma_wait3A_116, %dma_wait3A_117] : memref<64x128xi32, #tpu.memory_space<vmem>> -> memref<1x128xi32, #tpu.memory_space<vmem>>
        %dma_wait3A_119 = tpu.memref_squeeze %dma_wait3A_118 : memref<1x128xi32, #tpu.memory_space<vmem>> -> memref<128xi32, #tpu.memory_space<vmem>>
        %dma_wait3A_120 = arith.constant 0 : i32
        %dma_wait3A_121 = arith.constant 0 : i32
        %dma_wait3A_122 = tpu.memref_slice %arg2[%dma_wait3A_120, %dma_wait3A_121] : memref<80000x128xf32, #tpu.memory_space<hbm>> -> memref<80000x128xf32, #tpu.memory_space<hbm>>
        tpu.wait_indirect_dma semaphore(%arg12 : memref<!tpu.dma_semaphore, #tpu.memory_space<semaphore_mem>>) src(%dma_wait3A_122 : memref<80000x128xf32, #tpu.memory_space<hbm>>) dst(%arg10 : memref<128x128xf32, #tpu.memory_space<vmem>>)
        %add3A_123 = arith.constant 1 : i32
        %add3A_124 = arith.addi %add3A_92, %add3A_123 : i32
        "tpu.region"() ({
          %run_scoped3A_125 = tpu.sem_alloc : memref<!tpu.dma_semaphore, #tpu.memory_space<semaphore_mem>>
          %dma_start3A_126 = arith.constant 0 : i32
          %dma_start3A_127 = tpu.memref_slice %arg8[%add3A_124, %dma_start3A_126] : memref<64x128xi32, #tpu.memory_space<vmem>> -> memref<1x128xi32, #tpu.memory_space<vmem>>
          %dma_start3A_128 = tpu.memref_squeeze %dma_start3A_127 : memref<1x128xi32, #tpu.memory_space<vmem>> -> memref<128xi32, #tpu.memory_space<vmem>>
          %dma_start3A_129 = arith.constant 0 : i32
          %dma_start3A_130 = arith.constant 0 : i32
          %dma_start3A_131 = tpu.memref_slice %arg11[%dma_start3A_129, %dma_start3A_130] : memref<10112x128xf32, #tpu.memory_space<vmem_shared>> -> memref<10112x128xf32, #tpu.memory_space<vmem_shared>>
          tpu.enqueue_indirect_dma source(%arg10 : memref<128x128xf32, #tpu.memory_space<vmem>>) target(%dma_start3A_131 : memref<10112x128xf32, #tpu.memory_space<vmem_shared>>) offsets(%dma_start3A_128 : memref<128xi32, #tpu.memory_space<vmem>>) semaphore(%run_scoped3A_125 : memref<!tpu.dma_semaphore, #tpu.memory_space<semaphore_mem>>) {add = true}
          %dma_wait3A_132 = arith.constant 0 : i32
          %dma_wait3A_133 = tpu.memref_slice %arg8[%add3A_124, %dma_wait3A_132] : memref<64x128xi32, #tpu.memory_space<vmem>> -> memref<1x128xi32, #tpu.memory_space<vmem>>
          %dma_wait3A_134 = tpu.memref_squeeze %dma_wait3A_133 : memref<1x128xi32, #tpu.memory_space<vmem>> -> memref<128xi32, #tpu.memory_space<vmem>>
          %dma_wait3A_135 = arith.constant 0 : i32
          %dma_wait3A_136 = arith.constant 0 : i32
          %dma_wait3A_137 = tpu.memref_slice %arg11[%dma_wait3A_135, %dma_wait3A_136] : memref<10112x128xf32, #tpu.memory_space<vmem_shared>> -> memref<10112x128xf32, #tpu.memory_space<vmem_shared>>
          tpu.wait_indirect_dma semaphore(%run_scoped3A_125 : memref<!tpu.dma_semaphore, #tpu.memory_space<semaphore_mem>>) src(%arg10 : memref<128x128xf32, #tpu.memory_space<vmem>>) dst(%dma_wait3A_137 : memref<10112x128xf32, #tpu.memory_space<vmem_shared>>)
          tpu.yield
        }) : () -> ()
      }
      %scan3A_64 = arith.constant 7 : i32
      %dma_start3A_65 = arith.constant 15 : i32
      %dma_start3A_66 = arith.constant 0 : i32
      %dma_start3A_67 = tpu.memref_slice %arg7[%dma_start3A_65, %dma_start3A_66] : memref<64x128xi32, #tpu.memory_space<vmem>> -> memref<1x128xi32, #tpu.memory_space<vmem>>
      %dma_start3A_68 = tpu.memref_squeeze %dma_start3A_67 : memref<1x128xi32, #tpu.memory_space<vmem>> -> memref<128xi32, #tpu.memory_space<vmem>>
      %dma_start3A_69 = arith.constant 0 : i32
      %dma_start3A_70 = arith.constant 0 : i32
      %dma_start3A_71 = tpu.memref_slice %arg2[%dma_start3A_69, %dma_start3A_70] : memref<80000x128xf32, #tpu.memory_space<hbm>> -> memref<80000x128xf32, #tpu.memory_space<hbm>>
      tpu.enqueue_indirect_dma source(%dma_start3A_71 : memref<80000x128xf32, #tpu.memory_space<hbm>>) target(%arg10 : memref<128x128xf32, #tpu.memory_space<vmem>>) offsets(%dma_start3A_68 : memref<128xi32, #tpu.memory_space<vmem>>) semaphore(%arg12 : memref<!tpu.dma_semaphore, #tpu.memory_space<semaphore_mem>>)
      %dma_wait3A_72 = arith.constant 0 : i32
      %dma_wait3A_73 = arith.constant 0 : i32
      %dma_wait3A_74 = tpu.memref_slice %arg7[%dma_wait3A_72, %dma_wait3A_73] : memref<64x128xi32, #tpu.memory_space<vmem>> -> memref<1x128xi32, #tpu.memory_space<vmem>>
      %dma_wait3A_75 = tpu.memref_squeeze %dma_wait3A_74 : memref<1x128xi32, #tpu.memory_space<vmem>> -> memref<128xi32, #tpu.memory_space<vmem>>
      %dma_wait3A_76 = arith.constant 0 : i32
      %dma_wait3A_77 = arith.constant 0 : i32
      %dma_wait3A_78 = tpu.memref_slice %arg2[%dma_wait3A_76, %dma_wait3A_77] : memref<80000x128xf32, #tpu.memory_space<hbm>> -> memref<80000x128xf32, #tpu.memory_space<hbm>>
      tpu.wait_indirect_dma semaphore(%arg12 : memref<!tpu.dma_semaphore, #tpu.memory_space<semaphore_mem>>) src(%dma_wait3A_78 : memref<80000x128xf32, #tpu.memory_space<hbm>>) dst(%arg9 : memref<128x128xf32, #tpu.memory_space<vmem>>)
      %run_scoped3A_79 = arith.constant 14 : i32
      "tpu.region"() ({
        %run_scoped3A_88 = tpu.sem_alloc : memref<!tpu.dma_semaphore, #tpu.memory_space<semaphore_mem>>
        %dma_start3A_89 = arith.constant 0 : i32
        %dma_start3A_90 = tpu.memref_slice %arg8[%run_scoped3A_79, %dma_start3A_89] : memref<64x128xi32, #tpu.memory_space<vmem>> -> memref<1x128xi32, #tpu.memory_space<vmem>>
        %dma_start3A_91 = tpu.memref_squeeze %dma_start3A_90 : memref<1x128xi32, #tpu.memory_space<vmem>> -> memref<128xi32, #tpu.memory_space<vmem>>
        %dma_start3A_92 = arith.constant 0 : i32
        %dma_start3A_93 = arith.constant 0 : i32
        %dma_start3A_94 = tpu.memref_slice %arg11[%dma_start3A_92, %dma_start3A_93] : memref<10112x128xf32, #tpu.memory_space<vmem_shared>> -> memref<10112x128xf32, #tpu.memory_space<vmem_shared>>
        tpu.enqueue_indirect_dma source(%arg9 : memref<128x128xf32, #tpu.memory_space<vmem>>) target(%dma_start3A_94 : memref<10112x128xf32, #tpu.memory_space<vmem_shared>>) offsets(%dma_start3A_91 : memref<128xi32, #tpu.memory_space<vmem>>) semaphore(%run_scoped3A_88 : memref<!tpu.dma_semaphore, #tpu.memory_space<semaphore_mem>>) {add = true}
        %dma_wait3A_95 = arith.constant 0 : i32
        %dma_wait3A_96 = tpu.memref_slice %arg8[%run_scoped3A_79, %dma_wait3A_95] : memref<64x128xi32, #tpu.memory_space<vmem>> -> memref<1x128xi32, #tpu.memory_space<vmem>>
        %dma_wait3A_97 = tpu.memref_squeeze %dma_wait3A_96 : memref<1x128xi32, #tpu.memory_space<vmem>> -> memref<128xi32, #tpu.memory_space<vmem>>
        %dma_wait3A_98 = arith.constant 0 : i32
        %dma_wait3A_99 = arith.constant 0 : i32
        %dma_wait3A_100 = tpu.memref_slice %arg11[%dma_wait3A_98, %dma_wait3A_99] : memref<10112x128xf32, #tpu.memory_space<vmem_shared>> -> memref<10112x128xf32, #tpu.memory_space<vmem_shared>>
        tpu.wait_indirect_dma semaphore(%run_scoped3A_88 : memref<!tpu.dma_semaphore, #tpu.memory_space<semaphore_mem>>) src(%arg9 : memref<128x128xf32, #tpu.memory_space<vmem>>) dst(%dma_wait3A_100 : memref<10112x128xf32, #tpu.memory_space<vmem_shared>>)
        tpu.yield
      }) : () -> ()
      %dma_wait3A_80 = arith.constant 0 : i32
      %dma_wait3A_81 = arith.constant 0 : i32
      %dma_wait3A_82 = tpu.memref_slice %arg7[%dma_wait3A_80, %dma_wait3A_81] : memref<64x128xi32, #tpu.memory_space<vmem>> -> memref<1x128xi32, #tpu.memory_space<vmem>>
      %dma_wait3A_83 = tpu.memref_squeeze %dma_wait3A_82 : memref<1x128xi32, #tpu.memory_space<vmem>> -> memref<128xi32, #tpu.memory_space<vmem>>
      %dma_wait3A_84 = arith.constant 0 : i32
      %dma_wait3A_85 = arith.constant 0 : i32
      %dma_wait3A_86 = tpu.memref_slice %arg2[%dma_wait3A_84, %dma_wait3A_85] : memref<80000x128xf32, #tpu.memory_space<hbm>> -> memref<80000x128xf32, #tpu.memory_space<hbm>>
      tpu.wait_indirect_dma semaphore(%arg12 : memref<!tpu.dma_semaphore, #tpu.memory_space<semaphore_mem>>) src(%dma_wait3A_86 : memref<80000x128xf32, #tpu.memory_space<hbm>>) dst(%arg10 : memref<128x128xf32, #tpu.memory_space<vmem>>)
      %run_scoped3A_87 = arith.constant 15 : i32
      "tpu.region"() ({
        %run_scoped3A_88 = tpu.sem_alloc : memref<!tpu.dma_semaphore, #tpu.memory_space<semaphore_mem>>
        %dma_start3A_89 = arith.constant 0 : i32
        %dma_start3A_90 = tpu.memref_slice %arg8[%run_scoped3A_87, %dma_start3A_89] : memref<64x128xi32, #tpu.memory_space<vmem>> -> memref<1x128xi32, #tpu.memory_space<vmem>>
        %dma_start3A_91 = tpu.memref_squeeze %dma_start3A_90 : memref<1x128xi32, #tpu.memory_space<vmem>> -> memref<128xi32, #tpu.memory_space<vmem>>
        %dma_start3A_92 = arith.constant 0 : i32
        %dma_start3A_93 = arith.constant 0 : i32
        %dma_start3A_94 = tpu.memref_slice %arg11[%dma_start3A_92, %dma_start3A_93] : memref<10112x128xf32, #tpu.memory_space<vmem_shared>> -> memref<10112x128xf32, #tpu.memory_space<vmem_shared>>
        tpu.enqueue_indirect_dma source(%arg10 : memref<128x128xf32, #tpu.memory_space<vmem>>) target(%dma_start3A_94 : memref<10112x128xf32, #tpu.memory_space<vmem_shared>>) offsets(%dma_start3A_91 : memref<128xi32, #tpu.memory_space<vmem>>) semaphore(%run_scoped3A_88 : memref<!tpu.dma_semaphore, #tpu.memory_space<semaphore_mem>>) {add = true}
        %dma_wait3A_95 = arith.constant 0 : i32
        %dma_wait3A_96 = tpu.memref_slice %arg8[%run_scoped3A_87, %dma_wait3A_95] : memref<64x128xi32, #tpu.memory_space<vmem>> -> memref<1x128xi32, #tpu.memory_space<vmem>>
        %dma_wait3A_97 = tpu.memref_squeeze %dma_wait3A_96 : memref<1x128xi32, #tpu.memory_space<vmem>> -> memref<128xi32, #tpu.memory_space<vmem>>
        %dma_wait3A_98 = arith.constant 0 : i32
        %dma_wait3A_99 = arith.constant 0 : i32
        %dma_wait3A_100 = tpu.memref_slice %arg11[%dma_wait3A_98, %dma_wait3A_99] : memref<10112x128xf32, #tpu.memory_space<vmem_shared>> -> memref<10112x128xf32, #tpu.memory_space<vmem_shared>>
        tpu.wait_indirect_dma semaphore(%run_scoped3A_88 : memref<!tpu.dma_semaphore, #tpu.memory_space<semaphore_mem>>) src(%arg10 : memref<128x128xf32, #tpu.memory_space<vmem>>) dst(%dma_wait3A_100 : memref<10112x128xf32, #tpu.memory_space<vmem_shared>>)
        tpu.yield
      }) : () -> ()
    } else {
    }
    %barrier3A_10 = arith.constant 0 : index
    tpu.barrier barrier_id(%barrier3A_10)
    %mul3A_11 = arith.constant 632 : i32
    %mul3A_12 = arith.muli %arg1, %mul3A_11 : i32
    %mul3A_13 = arith.constant 632 : i32
    %mul3A_14 = arith.muli %arg1, %mul3A_13 : i32
    "tpu.region"() ({
      %run_scoped3A = tpu.sem_alloc : memref<!tpu.dma_semaphore, #tpu.memory_space<semaphore_mem>>
      %dma_start3A = arith.constant 0 : i32
      %dma_start3A_15 = tpu.memref_slice %arg6[%arg0, %mul3A_14, %dma_start3A] : memref<2x10112x128xf32, #tpu.memory_space<hbm>> -> memref<1x632x128xf32, #tpu.memory_space<hbm>>
      %dma_start3A_16 = tpu.memref_squeeze %dma_start3A_15 : memref<1x632x128xf32, #tpu.memory_space<hbm>> -> memref<632x128xf32, #tpu.memory_space<hbm>>
      %dma_start3A_17 = arith.constant 0 : i32
      %dma_start3A_18 = tpu.memref_slice %arg11[%mul3A_12, %dma_start3A_17] : memref<10112x128xf32, #tpu.memory_space<vmem_shared>> -> memref<632x128xf32, #tpu.memory_space<vmem_shared>>
      tpu.enqueue_dma source(%dma_start3A_18 : memref<632x128xf32, #tpu.memory_space<vmem_shared>>) target(%dma_start3A_16 : memref<632x128xf32, #tpu.memory_space<hbm>>) target_semaphore(%run_scoped3A : memref<!tpu.dma_semaphore, #tpu.memory_space<semaphore_mem>>)
      %dma_wait3A = arith.constant 0 : i32
      %dma_wait3A_19 = tpu.memref_slice %arg6[%arg0, %mul3A_14, %dma_wait3A] : memref<2x10112x128xf32, #tpu.memory_space<hbm>> -> memref<1x632x128xf32, #tpu.memory_space<hbm>>
      %dma_wait3A_20 = tpu.memref_squeeze %dma_wait3A_19 : memref<1x632x128xf32, #tpu.memory_space<hbm>> -> memref<632x128xf32, #tpu.memory_space<hbm>>
      %dma_wait3A_21 = arith.constant 0 : i32
      %dma_wait3A_22 = tpu.memref_slice %arg11[%mul3A_12, %dma_wait3A_21] : memref<10112x128xf32, #tpu.memory_space<vmem_shared>> -> memref<632x128xf32, #tpu.memory_space<vmem_shared>>
      tpu.wait_dma2 semaphore(%run_scoped3A : memref<!tpu.dma_semaphore, #tpu.memory_space<semaphore_mem>>) src(%dma_wait3A_22 : memref<632x128xf32, #tpu.memory_space<vmem_shared>>) dst(%dma_wait3A_20 : memref<632x128xf32, #tpu.memory_space<hbm>>)
      tpu.yield
    }) : () -> ()
    return
  }
}

#map = affine_map<(d0, d1) -> (0, 0)>
#map1 = affine_map<(d0, d1) -> (0, 0, 0)>
module attributes {stable_mosaic.version = 14 : i64} {
  func.func @sc_messages(%arg0: i32, %arg1: i32, %arg2: memref<80000x128xf32, #tpu.memory_space<hbm>>, %arg3: memref<2560x128xi32, #tpu.memory_space<hbm>>, %arg4: memref<2560x128xi32, #tpu.memory_space<hbm>>, %arg5: memref<10112x128xf32, #tpu.memory_space<hbm>>, %arg6: memref<2x10112x128xf32, #tpu.memory_space<hbm>>, %arg7: memref<64x128xi32, #tpu.memory_space<vmem>>, %arg8: memref<64x128xi32, #tpu.memory_space<vmem>>, %arg9: memref<128x128xf32, #tpu.memory_space<vmem>>, %arg10: memref<128x128xf32, #tpu.memory_space<vmem>>, %arg11: memref<10112x128xf32, #tpu.memory_space<vmem_shared>>, %arg12: memref<!tpu.dma_semaphore, #tpu.memory_space<semaphore_mem>>) attributes {dimension_semantics = [#tpu.dimension_semantics<core_parallel>, #tpu.dimension_semantics<subcore_parallel>], iteration_bounds = array<i64: 2, 16>, scalar_prefetch = 0 : i64, scratch_operands = 6 : i64, tpu.core_type = #tpu.core_type<sc_vector_subcore>, window_params = [{transform_indices = #map}, {transform_indices = #map}, {transform_indices = #map}, {transform_indices = #map}, {transform_indices = #map1}]} {
    %mul3A = arith.constant 632 : i32
    %mul3A_0 = arith.muli %arg1, %mul3A : i32
    %mul3A_1 = arith.constant 632 : i32
    %mul3A_2 = arith.muli %arg1, %mul3A_1 : i32
    "tpu.region"() ({
      %run_scoped3A = tpu.sem_alloc : memref<!tpu.dma_semaphore, #tpu.memory_space<semaphore_mem>>
      %dma_start3A = arith.constant 0 : i32
      %dma_start3A_15 = tpu.memref_slice %arg11[%mul3A_2, %dma_start3A] : memref<10112x128xf32, #tpu.memory_space<vmem_shared>> -> memref<632x128xf32, #tpu.memory_space<vmem_shared>>
      %dma_start3A_16 = arith.constant 0 : i32
      %dma_start3A_17 = tpu.memref_slice %arg5[%mul3A_0, %dma_start3A_16] : memref<10112x128xf32, #tpu.memory_space<hbm>> -> memref<632x128xf32, #tpu.memory_space<hbm>>
      tpu.enqueue_dma source(%dma_start3A_17 : memref<632x128xf32, #tpu.memory_space<hbm>>) target(%dma_start3A_15 : memref<632x128xf32, #tpu.memory_space<vmem_shared>>) target_semaphore(%run_scoped3A : memref<!tpu.dma_semaphore, #tpu.memory_space<semaphore_mem>>)
      %dma_wait3A = arith.constant 0 : i32
      %dma_wait3A_18 = tpu.memref_slice %arg11[%mul3A_2, %dma_wait3A] : memref<10112x128xf32, #tpu.memory_space<vmem_shared>> -> memref<632x128xf32, #tpu.memory_space<vmem_shared>>
      %dma_wait3A_19 = arith.constant 0 : i32
      %dma_wait3A_20 = tpu.memref_slice %arg5[%mul3A_0, %dma_wait3A_19] : memref<10112x128xf32, #tpu.memory_space<hbm>> -> memref<632x128xf32, #tpu.memory_space<hbm>>
      tpu.wait_dma2 semaphore(%run_scoped3A : memref<!tpu.dma_semaphore, #tpu.memory_space<semaphore_mem>>) src(%dma_wait3A_20 : memref<632x128xf32, #tpu.memory_space<hbm>>) dst(%dma_wait3A_18 : memref<632x128xf32, #tpu.memory_space<vmem_shared>>)
      tpu.yield
    }) : () -> ()
    %barrier3A = arith.constant 0 : index
    tpu.barrier barrier_id(%barrier3A)
    %eq3A = arith.constant 0 : i32
    %eq3A_3 = arith.cmpi eq, %arg0, %eq3A : i32
    %convert_element_type3A = arith.extui %eq3A_3 : i1 to i32
    %cond3A = arith.constant 0 : i32
    %cond3A_4 = arith.cmpi ne, %convert_element_type3A, %cond3A : i32
    scf.if %cond3A_4 {
      %mul3A_15 = arith.constant 128 : i32
      %mul3A_16 = arith.muli %arg1, %mul3A_15 : i32
      %add3A = arith.constant 0 : i32
      %add3A_17 = arith.addi %mul3A_16, %add3A : i32
      "tpu.region"() ({
        %run_scoped3A_86 = tpu.sem_alloc : memref<!tpu.dma_semaphore, #tpu.memory_space<semaphore_mem>>
        %dma_start3A_87 = arith.constant 0 : i32
        %dma_start3A_88 = arith.constant 0 : i32
        %dma_start3A_89 = tpu.memref_slice %arg7[%dma_start3A_87, %dma_start3A_88] : memref<64x128xi32, #tpu.memory_space<vmem>> -> memref<64x128xi32, #tpu.memory_space<vmem>>
        %dma_start3A_90 = arith.constant 0 : i32
        %dma_start3A_91 = tpu.memref_slice %arg3[%add3A_17, %dma_start3A_90] : memref<2560x128xi32, #tpu.memory_space<hbm>> -> memref<64x128xi32, #tpu.memory_space<hbm>>
        %dma_start3A_92 = arith.constant 0 : i32
        %dma_start3A_93 = arith.constant 0 : i32
        %dma_start3A_94 = tpu.memref_slice %arg7[%dma_start3A_92, %dma_start3A_93] : memref<64x128xi32, #tpu.memory_space<vmem>> -> memref<64x128xi32, #tpu.memory_space<vmem>>
        %dma_start3A_95 = arith.constant 0 : i32
        %dma_start3A_96 = tpu.memref_slice %arg3[%add3A_17, %dma_start3A_95] : memref<2560x128xi32, #tpu.memory_space<hbm>> -> memref<64x128xi32, #tpu.memory_space<hbm>>
        tpu.enqueue_dma source(%dma_start3A_96 : memref<64x128xi32, #tpu.memory_space<hbm>>) target(%dma_start3A_94 : memref<64x128xi32, #tpu.memory_space<vmem>>) target_semaphore(%run_scoped3A_86 : memref<!tpu.dma_semaphore, #tpu.memory_space<semaphore_mem>>)
        %dma_wait3A_97 = arith.constant 0 : i32
        %dma_wait3A_98 = arith.constant 0 : i32
        %dma_wait3A_99 = tpu.memref_slice %arg7[%dma_wait3A_97, %dma_wait3A_98] : memref<64x128xi32, #tpu.memory_space<vmem>> -> memref<64x128xi32, #tpu.memory_space<vmem>>
        %dma_wait3A_100 = arith.constant 0 : i32
        %dma_wait3A_101 = tpu.memref_slice %arg3[%add3A_17, %dma_wait3A_100] : memref<2560x128xi32, #tpu.memory_space<hbm>> -> memref<64x128xi32, #tpu.memory_space<hbm>>
        %dma_wait3A_102 = arith.constant 0 : i32
        %dma_wait3A_103 = arith.constant 0 : i32
        %dma_wait3A_104 = tpu.memref_slice %arg7[%dma_wait3A_102, %dma_wait3A_103] : memref<64x128xi32, #tpu.memory_space<vmem>> -> memref<64x128xi32, #tpu.memory_space<vmem>>
        %dma_wait3A_105 = arith.constant 0 : i32
        %dma_wait3A_106 = tpu.memref_slice %arg3[%add3A_17, %dma_wait3A_105] : memref<2560x128xi32, #tpu.memory_space<hbm>> -> memref<64x128xi32, #tpu.memory_space<hbm>>
        tpu.wait_dma2 semaphore(%run_scoped3A_86 : memref<!tpu.dma_semaphore, #tpu.memory_space<semaphore_mem>>) src(%dma_wait3A_106 : memref<64x128xi32, #tpu.memory_space<hbm>>) dst(%dma_wait3A_104 : memref<64x128xi32, #tpu.memory_space<vmem>>)
        tpu.yield
      }) : () -> ()
      "tpu.region"() ({
        %run_scoped3A_86 = tpu.sem_alloc : memref<!tpu.dma_semaphore, #tpu.memory_space<semaphore_mem>>
        %dma_start3A_87 = arith.constant 0 : i32
        %dma_start3A_88 = arith.constant 0 : i32
        %dma_start3A_89 = tpu.memref_slice %arg8[%dma_start3A_87, %dma_start3A_88] : memref<64x128xi32, #tpu.memory_space<vmem>> -> memref<64x128xi32, #tpu.memory_space<vmem>>
        %dma_start3A_90 = arith.constant 0 : i32
        %dma_start3A_91 = tpu.memref_slice %arg4[%add3A_17, %dma_start3A_90] : memref<2560x128xi32, #tpu.memory_space<hbm>> -> memref<64x128xi32, #tpu.memory_space<hbm>>
        %dma_start3A_92 = arith.constant 0 : i32
        %dma_start3A_93 = arith.constant 0 : i32
        %dma_start3A_94 = tpu.memref_slice %arg8[%dma_start3A_92, %dma_start3A_93] : memref<64x128xi32, #tpu.memory_space<vmem>> -> memref<64x128xi32, #tpu.memory_space<vmem>>
        %dma_start3A_95 = arith.constant 0 : i32
        %dma_start3A_96 = tpu.memref_slice %arg4[%add3A_17, %dma_start3A_95] : memref<2560x128xi32, #tpu.memory_space<hbm>> -> memref<64x128xi32, #tpu.memory_space<hbm>>
        tpu.enqueue_dma source(%dma_start3A_96 : memref<64x128xi32, #tpu.memory_space<hbm>>) target(%dma_start3A_94 : memref<64x128xi32, #tpu.memory_space<vmem>>) target_semaphore(%run_scoped3A_86 : memref<!tpu.dma_semaphore, #tpu.memory_space<semaphore_mem>>)
        %dma_wait3A_97 = arith.constant 0 : i32
        %dma_wait3A_98 = arith.constant 0 : i32
        %dma_wait3A_99 = tpu.memref_slice %arg8[%dma_wait3A_97, %dma_wait3A_98] : memref<64x128xi32, #tpu.memory_space<vmem>> -> memref<64x128xi32, #tpu.memory_space<vmem>>
        %dma_wait3A_100 = arith.constant 0 : i32
        %dma_wait3A_101 = tpu.memref_slice %arg4[%add3A_17, %dma_wait3A_100] : memref<2560x128xi32, #tpu.memory_space<hbm>> -> memref<64x128xi32, #tpu.memory_space<hbm>>
        %dma_wait3A_102 = arith.constant 0 : i32
        %dma_wait3A_103 = arith.constant 0 : i32
        %dma_wait3A_104 = tpu.memref_slice %arg8[%dma_wait3A_102, %dma_wait3A_103] : memref<64x128xi32, #tpu.memory_space<vmem>> -> memref<64x128xi32, #tpu.memory_space<vmem>>
        %dma_wait3A_105 = arith.constant 0 : i32
        %dma_wait3A_106 = tpu.memref_slice %arg4[%add3A_17, %dma_wait3A_105] : memref<2560x128xi32, #tpu.memory_space<hbm>> -> memref<64x128xi32, #tpu.memory_space<hbm>>
        tpu.wait_dma2 semaphore(%run_scoped3A_86 : memref<!tpu.dma_semaphore, #tpu.memory_space<semaphore_mem>>) src(%dma_wait3A_106 : memref<64x128xi32, #tpu.memory_space<hbm>>) dst(%dma_wait3A_104 : memref<64x128xi32, #tpu.memory_space<vmem>>)
        tpu.yield
      }) : () -> ()
      %dma_start3A = arith.constant 0 : i32
      %dma_start3A_18 = arith.constant 0 : i32
      %dma_start3A_19 = tpu.memref_slice %arg7[%dma_start3A, %dma_start3A_18] : memref<64x128xi32, #tpu.memory_space<vmem>> -> memref<1x128xi32, #tpu.memory_space<vmem>>
      %dma_start3A_20 = tpu.memref_squeeze %dma_start3A_19 : memref<1x128xi32, #tpu.memory_space<vmem>> -> memref<128xi32, #tpu.memory_space<vmem>>
      %dma_start3A_21 = arith.constant 0 : i32
      %dma_start3A_22 = arith.constant 0 : i32
      %dma_start3A_23 = tpu.memref_slice %arg2[%dma_start3A_21, %dma_start3A_22] : memref<80000x128xf32, #tpu.memory_space<hbm>> -> memref<80000x128xf32, #tpu.memory_space<hbm>>
      tpu.enqueue_indirect_dma source(%dma_start3A_23 : memref<80000x128xf32, #tpu.memory_space<hbm>>) target(%arg9 : memref<128x128xf32, #tpu.memory_space<vmem>>) offsets(%dma_start3A_20 : memref<128xi32, #tpu.memory_space<vmem>>) semaphore(%arg12 : memref<!tpu.dma_semaphore, #tpu.memory_space<semaphore_mem>>)
      %scan3A = arith.constant 0 : i32
      %scan3A_24 = arith.constant 31 : i32
      %scan3A_25 = arith.addi %scan3A, %scan3A_24 : i32
      %scan3A_26 = arith.constant 1 : i32
      scf.for %scan3A_86 = %scan3A to %scan3A_25 step %scan3A_26  : i32 {
        %mul3A_87 = arith.constant 2 : i32
        %mul3A_88 = arith.muli %scan3A_86, %mul3A_87 : i32
        %add3A_89 = arith.constant 0 : i32
        %add3A_90 = arith.addi %add3A_89, %mul3A_88 : i32
        %add3A_91 = arith.constant 1 : i32
        %add3A_92 = arith.addi %add3A_90, %add3A_91 : i32
        %dma_start3A_93 = arith.constant 0 : i32
        %dma_start3A_94 = tpu.memref_slice %arg7[%add3A_92, %dma_start3A_93] : memref<64x128xi32, #tpu.memory_space<vmem>> -> memref<1x128xi32, #tpu.memory_space<vmem>>
        %dma_start3A_95 = tpu.memref_squeeze %dma_start3A_94 : memref<1x128xi32, #tpu.memory_space<vmem>> -> memref<128xi32, #tpu.memory_space<vmem>>
        %dma_start3A_96 = arith.constant 0 : i32
        %dma_start3A_97 = arith.constant 0 : i32
        %dma_start3A_98 = tpu.memref_slice %arg2[%dma_start3A_96, %dma_start3A_97] : memref<80000x128xf32, #tpu.memory_space<hbm>> -> memref<80000x128xf32, #tpu.memory_space<hbm>>
        tpu.enqueue_indirect_dma source(%dma_start3A_98 : memref<80000x128xf32, #tpu.memory_space<hbm>>) target(%arg10 : memref<128x128xf32, #tpu.memory_space<vmem>>) offsets(%dma_start3A_95 : memref<128xi32, #tpu.memory_space<vmem>>) semaphore(%arg12 : memref<!tpu.dma_semaphore, #tpu.memory_space<semaphore_mem>>)
        %dma_wait3A_99 = arith.constant 0 : i32
        %dma_wait3A_100 = arith.constant 0 : i32
        %dma_wait3A_101 = tpu.memref_slice %arg7[%dma_wait3A_99, %dma_wait3A_100] : memref<64x128xi32, #tpu.memory_space<vmem>> -> memref<1x128xi32, #tpu.memory_space<vmem>>
        %dma_wait3A_102 = tpu.memref_squeeze %dma_wait3A_101 : memref<1x128xi32, #tpu.memory_space<vmem>> -> memref<128xi32, #tpu.memory_space<vmem>>
        %dma_wait3A_103 = arith.constant 0 : i32
        %dma_wait3A_104 = arith.constant 0 : i32
        %dma_wait3A_105 = tpu.memref_slice %arg2[%dma_wait3A_103, %dma_wait3A_104] : memref<80000x128xf32, #tpu.memory_space<hbm>> -> memref<80000x128xf32, #tpu.memory_space<hbm>>
        tpu.wait_indirect_dma semaphore(%arg12 : memref<!tpu.dma_semaphore, #tpu.memory_space<semaphore_mem>>) src(%dma_wait3A_105 : memref<80000x128xf32, #tpu.memory_space<hbm>>) dst(%arg9 : memref<128x128xf32, #tpu.memory_space<vmem>>)
        "tpu.region"() ({
          %run_scoped3A_123 = tpu.sem_alloc : memref<!tpu.dma_semaphore, #tpu.memory_space<semaphore_mem>>
          %dma_start3A_124 = arith.constant 0 : i32
          %dma_start3A_125 = tpu.memref_slice %arg8[%add3A_90, %dma_start3A_124] : memref<64x128xi32, #tpu.memory_space<vmem>> -> memref<1x128xi32, #tpu.memory_space<vmem>>
          %dma_start3A_126 = tpu.memref_squeeze %dma_start3A_125 : memref<1x128xi32, #tpu.memory_space<vmem>> -> memref<128xi32, #tpu.memory_space<vmem>>
          %dma_start3A_127 = arith.constant 0 : i32
          %dma_start3A_128 = arith.constant 0 : i32
          %dma_start3A_129 = tpu.memref_slice %arg11[%dma_start3A_127, %dma_start3A_128] : memref<10112x128xf32, #tpu.memory_space<vmem_shared>> -> memref<10112x128xf32, #tpu.memory_space<vmem_shared>>
          tpu.enqueue_indirect_dma source(%arg9 : memref<128x128xf32, #tpu.memory_space<vmem>>) target(%dma_start3A_129 : memref<10112x128xf32, #tpu.memory_space<vmem_shared>>) offsets(%dma_start3A_126 : memref<128xi32, #tpu.memory_space<vmem>>) semaphore(%run_scoped3A_123 : memref<!tpu.dma_semaphore, #tpu.memory_space<semaphore_mem>>) {add = true}
          %dma_wait3A_130 = arith.constant 0 : i32
          %dma_wait3A_131 = tpu.memref_slice %arg8[%add3A_90, %dma_wait3A_130] : memref<64x128xi32, #tpu.memory_space<vmem>> -> memref<1x128xi32, #tpu.memory_space<vmem>>
          %dma_wait3A_132 = tpu.memref_squeeze %dma_wait3A_131 : memref<1x128xi32, #tpu.memory_space<vmem>> -> memref<128xi32, #tpu.memory_space<vmem>>
          %dma_wait3A_133 = arith.constant 0 : i32
          %dma_wait3A_134 = arith.constant 0 : i32
          %dma_wait3A_135 = tpu.memref_slice %arg11[%dma_wait3A_133, %dma_wait3A_134] : memref<10112x128xf32, #tpu.memory_space<vmem_shared>> -> memref<10112x128xf32, #tpu.memory_space<vmem_shared>>
          tpu.wait_indirect_dma semaphore(%run_scoped3A_123 : memref<!tpu.dma_semaphore, #tpu.memory_space<semaphore_mem>>) src(%arg9 : memref<128x128xf32, #tpu.memory_space<vmem>>) dst(%dma_wait3A_135 : memref<10112x128xf32, #tpu.memory_space<vmem_shared>>)
          tpu.yield
        }) : () -> ()
        %add3A_106 = arith.constant 2 : i32
        %add3A_107 = arith.addi %add3A_90, %add3A_106 : i32
        %dma_start3A_108 = arith.constant 0 : i32
        %dma_start3A_109 = tpu.memref_slice %arg7[%add3A_107, %dma_start3A_108] : memref<64x128xi32, #tpu.memory_space<vmem>> -> memref<1x128xi32, #tpu.memory_space<vmem>>
        %dma_start3A_110 = tpu.memref_squeeze %dma_start3A_109 : memref<1x128xi32, #tpu.memory_space<vmem>> -> memref<128xi32, #tpu.memory_space<vmem>>
        %dma_start3A_111 = arith.constant 0 : i32
        %dma_start3A_112 = arith.constant 0 : i32
        %dma_start3A_113 = tpu.memref_slice %arg2[%dma_start3A_111, %dma_start3A_112] : memref<80000x128xf32, #tpu.memory_space<hbm>> -> memref<80000x128xf32, #tpu.memory_space<hbm>>
        tpu.enqueue_indirect_dma source(%dma_start3A_113 : memref<80000x128xf32, #tpu.memory_space<hbm>>) target(%arg9 : memref<128x128xf32, #tpu.memory_space<vmem>>) offsets(%dma_start3A_110 : memref<128xi32, #tpu.memory_space<vmem>>) semaphore(%arg12 : memref<!tpu.dma_semaphore, #tpu.memory_space<semaphore_mem>>)
        %dma_wait3A_114 = arith.constant 0 : i32
        %dma_wait3A_115 = arith.constant 0 : i32
        %dma_wait3A_116 = tpu.memref_slice %arg7[%dma_wait3A_114, %dma_wait3A_115] : memref<64x128xi32, #tpu.memory_space<vmem>> -> memref<1x128xi32, #tpu.memory_space<vmem>>
        %dma_wait3A_117 = tpu.memref_squeeze %dma_wait3A_116 : memref<1x128xi32, #tpu.memory_space<vmem>> -> memref<128xi32, #tpu.memory_space<vmem>>
        %dma_wait3A_118 = arith.constant 0 : i32
        %dma_wait3A_119 = arith.constant 0 : i32
        %dma_wait3A_120 = tpu.memref_slice %arg2[%dma_wait3A_118, %dma_wait3A_119] : memref<80000x128xf32, #tpu.memory_space<hbm>> -> memref<80000x128xf32, #tpu.memory_space<hbm>>
        tpu.wait_indirect_dma semaphore(%arg12 : memref<!tpu.dma_semaphore, #tpu.memory_space<semaphore_mem>>) src(%dma_wait3A_120 : memref<80000x128xf32, #tpu.memory_space<hbm>>) dst(%arg10 : memref<128x128xf32, #tpu.memory_space<vmem>>)
        %add3A_121 = arith.constant 1 : i32
        %add3A_122 = arith.addi %add3A_90, %add3A_121 : i32
        "tpu.region"() ({
          %run_scoped3A_123 = tpu.sem_alloc : memref<!tpu.dma_semaphore, #tpu.memory_space<semaphore_mem>>
          %dma_start3A_124 = arith.constant 0 : i32
          %dma_start3A_125 = tpu.memref_slice %arg8[%add3A_122, %dma_start3A_124] : memref<64x128xi32, #tpu.memory_space<vmem>> -> memref<1x128xi32, #tpu.memory_space<vmem>>
          %dma_start3A_126 = tpu.memref_squeeze %dma_start3A_125 : memref<1x128xi32, #tpu.memory_space<vmem>> -> memref<128xi32, #tpu.memory_space<vmem>>
          %dma_start3A_127 = arith.constant 0 : i32
          %dma_start3A_128 = arith.constant 0 : i32
          %dma_start3A_129 = tpu.memref_slice %arg11[%dma_start3A_127, %dma_start3A_128] : memref<10112x128xf32, #tpu.memory_space<vmem_shared>> -> memref<10112x128xf32, #tpu.memory_space<vmem_shared>>
          tpu.enqueue_indirect_dma source(%arg10 : memref<128x128xf32, #tpu.memory_space<vmem>>) target(%dma_start3A_129 : memref<10112x128xf32, #tpu.memory_space<vmem_shared>>) offsets(%dma_start3A_126 : memref<128xi32, #tpu.memory_space<vmem>>) semaphore(%run_scoped3A_123 : memref<!tpu.dma_semaphore, #tpu.memory_space<semaphore_mem>>) {add = true}
          %dma_wait3A_130 = arith.constant 0 : i32
          %dma_wait3A_131 = tpu.memref_slice %arg8[%add3A_122, %dma_wait3A_130] : memref<64x128xi32, #tpu.memory_space<vmem>> -> memref<1x128xi32, #tpu.memory_space<vmem>>
          %dma_wait3A_132 = tpu.memref_squeeze %dma_wait3A_131 : memref<1x128xi32, #tpu.memory_space<vmem>> -> memref<128xi32, #tpu.memory_space<vmem>>
          %dma_wait3A_133 = arith.constant 0 : i32
          %dma_wait3A_134 = arith.constant 0 : i32
          %dma_wait3A_135 = tpu.memref_slice %arg11[%dma_wait3A_133, %dma_wait3A_134] : memref<10112x128xf32, #tpu.memory_space<vmem_shared>> -> memref<10112x128xf32, #tpu.memory_space<vmem_shared>>
          tpu.wait_indirect_dma semaphore(%run_scoped3A_123 : memref<!tpu.dma_semaphore, #tpu.memory_space<semaphore_mem>>) src(%arg10 : memref<128x128xf32, #tpu.memory_space<vmem>>) dst(%dma_wait3A_135 : memref<10112x128xf32, #tpu.memory_space<vmem_shared>>)
          tpu.yield
        }) : () -> ()
      }
      %scan3A_27 = arith.constant 31 : i32
      %dma_start3A_28 = arith.constant 63 : i32
      %dma_start3A_29 = arith.constant 0 : i32
      %dma_start3A_30 = tpu.memref_slice %arg7[%dma_start3A_28, %dma_start3A_29] : memref<64x128xi32, #tpu.memory_space<vmem>> -> memref<1x128xi32, #tpu.memory_space<vmem>>
      %dma_start3A_31 = tpu.memref_squeeze %dma_start3A_30 : memref<1x128xi32, #tpu.memory_space<vmem>> -> memref<128xi32, #tpu.memory_space<vmem>>
      %dma_start3A_32 = arith.constant 0 : i32
      %dma_start3A_33 = arith.constant 0 : i32
      %dma_start3A_34 = tpu.memref_slice %arg2[%dma_start3A_32, %dma_start3A_33] : memref<80000x128xf32, #tpu.memory_space<hbm>> -> memref<80000x128xf32, #tpu.memory_space<hbm>>
      tpu.enqueue_indirect_dma source(%dma_start3A_34 : memref<80000x128xf32, #tpu.memory_space<hbm>>) target(%arg10 : memref<128x128xf32, #tpu.memory_space<vmem>>) offsets(%dma_start3A_31 : memref<128xi32, #tpu.memory_space<vmem>>) semaphore(%arg12 : memref<!tpu.dma_semaphore, #tpu.memory_space<semaphore_mem>>)
      %dma_wait3A = arith.constant 0 : i32
      %dma_wait3A_35 = arith.constant 0 : i32
      %dma_wait3A_36 = tpu.memref_slice %arg7[%dma_wait3A, %dma_wait3A_35] : memref<64x128xi32, #tpu.memory_space<vmem>> -> memref<1x128xi32, #tpu.memory_space<vmem>>
      %dma_wait3A_37 = tpu.memref_squeeze %dma_wait3A_36 : memref<1x128xi32, #tpu.memory_space<vmem>> -> memref<128xi32, #tpu.memory_space<vmem>>
      %dma_wait3A_38 = arith.constant 0 : i32
      %dma_wait3A_39 = arith.constant 0 : i32
      %dma_wait3A_40 = tpu.memref_slice %arg2[%dma_wait3A_38, %dma_wait3A_39] : memref<80000x128xf32, #tpu.memory_space<hbm>> -> memref<80000x128xf32, #tpu.memory_space<hbm>>
      tpu.wait_indirect_dma semaphore(%arg12 : memref<!tpu.dma_semaphore, #tpu.memory_space<semaphore_mem>>) src(%dma_wait3A_40 : memref<80000x128xf32, #tpu.memory_space<hbm>>) dst(%arg9 : memref<128x128xf32, #tpu.memory_space<vmem>>)
      %run_scoped3A = arith.constant 62 : i32
      "tpu.region"() ({
        %run_scoped3A_86 = tpu.sem_alloc : memref<!tpu.dma_semaphore, #tpu.memory_space<semaphore_mem>>
        %dma_start3A_87 = arith.constant 0 : i32
        %dma_start3A_88 = tpu.memref_slice %arg8[%run_scoped3A, %dma_start3A_87] : memref<64x128xi32, #tpu.memory_space<vmem>> -> memref<1x128xi32, #tpu.memory_space<vmem>>
        %dma_start3A_89 = tpu.memref_squeeze %dma_start3A_88 : memref<1x128xi32, #tpu.memory_space<vmem>> -> memref<128xi32, #tpu.memory_space<vmem>>
        %dma_start3A_90 = arith.constant 0 : i32
        %dma_start3A_91 = arith.constant 0 : i32
        %dma_start3A_92 = tpu.memref_slice %arg11[%dma_start3A_90, %dma_start3A_91] : memref<10112x128xf32, #tpu.memory_space<vmem_shared>> -> memref<10112x128xf32, #tpu.memory_space<vmem_shared>>
        tpu.enqueue_indirect_dma source(%arg9 : memref<128x128xf32, #tpu.memory_space<vmem>>) target(%dma_start3A_92 : memref<10112x128xf32, #tpu.memory_space<vmem_shared>>) offsets(%dma_start3A_89 : memref<128xi32, #tpu.memory_space<vmem>>) semaphore(%run_scoped3A_86 : memref<!tpu.dma_semaphore, #tpu.memory_space<semaphore_mem>>) {add = true}
        %dma_wait3A_93 = arith.constant 0 : i32
        %dma_wait3A_94 = tpu.memref_slice %arg8[%run_scoped3A, %dma_wait3A_93] : memref<64x128xi32, #tpu.memory_space<vmem>> -> memref<1x128xi32, #tpu.memory_space<vmem>>
        %dma_wait3A_95 = tpu.memref_squeeze %dma_wait3A_94 : memref<1x128xi32, #tpu.memory_space<vmem>> -> memref<128xi32, #tpu.memory_space<vmem>>
        %dma_wait3A_96 = arith.constant 0 : i32
        %dma_wait3A_97 = arith.constant 0 : i32
        %dma_wait3A_98 = tpu.memref_slice %arg11[%dma_wait3A_96, %dma_wait3A_97] : memref<10112x128xf32, #tpu.memory_space<vmem_shared>> -> memref<10112x128xf32, #tpu.memory_space<vmem_shared>>
        tpu.wait_indirect_dma semaphore(%run_scoped3A_86 : memref<!tpu.dma_semaphore, #tpu.memory_space<semaphore_mem>>) src(%arg9 : memref<128x128xf32, #tpu.memory_space<vmem>>) dst(%dma_wait3A_98 : memref<10112x128xf32, #tpu.memory_space<vmem_shared>>)
        tpu.yield
      }) : () -> ()
      %dma_wait3A_41 = arith.constant 0 : i32
      %dma_wait3A_42 = arith.constant 0 : i32
      %dma_wait3A_43 = tpu.memref_slice %arg7[%dma_wait3A_41, %dma_wait3A_42] : memref<64x128xi32, #tpu.memory_space<vmem>> -> memref<1x128xi32, #tpu.memory_space<vmem>>
      %dma_wait3A_44 = tpu.memref_squeeze %dma_wait3A_43 : memref<1x128xi32, #tpu.memory_space<vmem>> -> memref<128xi32, #tpu.memory_space<vmem>>
      %dma_wait3A_45 = arith.constant 0 : i32
      %dma_wait3A_46 = arith.constant 0 : i32
      %dma_wait3A_47 = tpu.memref_slice %arg2[%dma_wait3A_45, %dma_wait3A_46] : memref<80000x128xf32, #tpu.memory_space<hbm>> -> memref<80000x128xf32, #tpu.memory_space<hbm>>
      tpu.wait_indirect_dma semaphore(%arg12 : memref<!tpu.dma_semaphore, #tpu.memory_space<semaphore_mem>>) src(%dma_wait3A_47 : memref<80000x128xf32, #tpu.memory_space<hbm>>) dst(%arg10 : memref<128x128xf32, #tpu.memory_space<vmem>>)
      %run_scoped3A_48 = arith.constant 63 : i32
      "tpu.region"() ({
        %run_scoped3A_86 = tpu.sem_alloc : memref<!tpu.dma_semaphore, #tpu.memory_space<semaphore_mem>>
        %dma_start3A_87 = arith.constant 0 : i32
        %dma_start3A_88 = tpu.memref_slice %arg8[%run_scoped3A_48, %dma_start3A_87] : memref<64x128xi32, #tpu.memory_space<vmem>> -> memref<1x128xi32, #tpu.memory_space<vmem>>
        %dma_start3A_89 = tpu.memref_squeeze %dma_start3A_88 : memref<1x128xi32, #tpu.memory_space<vmem>> -> memref<128xi32, #tpu.memory_space<vmem>>
        %dma_start3A_90 = arith.constant 0 : i32
        %dma_start3A_91 = arith.constant 0 : i32
        %dma_start3A_92 = tpu.memref_slice %arg11[%dma_start3A_90, %dma_start3A_91] : memref<10112x128xf32, #tpu.memory_space<vmem_shared>> -> memref<10112x128xf32, #tpu.memory_space<vmem_shared>>
        tpu.enqueue_indirect_dma source(%arg10 : memref<128x128xf32, #tpu.memory_space<vmem>>) target(%dma_start3A_92 : memref<10112x128xf32, #tpu.memory_space<vmem_shared>>) offsets(%dma_start3A_89 : memref<128xi32, #tpu.memory_space<vmem>>) semaphore(%run_scoped3A_86 : memref<!tpu.dma_semaphore, #tpu.memory_space<semaphore_mem>>) {add = true}
        %dma_wait3A_93 = arith.constant 0 : i32
        %dma_wait3A_94 = tpu.memref_slice %arg8[%run_scoped3A_48, %dma_wait3A_93] : memref<64x128xi32, #tpu.memory_space<vmem>> -> memref<1x128xi32, #tpu.memory_space<vmem>>
        %dma_wait3A_95 = tpu.memref_squeeze %dma_wait3A_94 : memref<1x128xi32, #tpu.memory_space<vmem>> -> memref<128xi32, #tpu.memory_space<vmem>>
        %dma_wait3A_96 = arith.constant 0 : i32
        %dma_wait3A_97 = arith.constant 0 : i32
        %dma_wait3A_98 = tpu.memref_slice %arg11[%dma_wait3A_96, %dma_wait3A_97] : memref<10112x128xf32, #tpu.memory_space<vmem_shared>> -> memref<10112x128xf32, #tpu.memory_space<vmem_shared>>
        tpu.wait_indirect_dma semaphore(%run_scoped3A_86 : memref<!tpu.dma_semaphore, #tpu.memory_space<semaphore_mem>>) src(%arg10 : memref<128x128xf32, #tpu.memory_space<vmem>>) dst(%dma_wait3A_98 : memref<10112x128xf32, #tpu.memory_space<vmem_shared>>)
        tpu.yield
      }) : () -> ()
      %add3A_49 = arith.constant 64 : i32
      %add3A_50 = arith.addi %mul3A_16, %add3A_49 : i32
      "tpu.region"() ({
        %run_scoped3A_86 = tpu.sem_alloc : memref<!tpu.dma_semaphore, #tpu.memory_space<semaphore_mem>>
        %dma_start3A_87 = arith.constant 0 : i32
        %dma_start3A_88 = arith.constant 0 : i32
        %dma_start3A_89 = tpu.memref_slice %arg7[%dma_start3A_87, %dma_start3A_88] : memref<64x128xi32, #tpu.memory_space<vmem>> -> memref<64x128xi32, #tpu.memory_space<vmem>>
        %dma_start3A_90 = arith.constant 0 : i32
        %dma_start3A_91 = tpu.memref_slice %arg3[%add3A_50, %dma_start3A_90] : memref<2560x128xi32, #tpu.memory_space<hbm>> -> memref<64x128xi32, #tpu.memory_space<hbm>>
        %dma_start3A_92 = arith.constant 0 : i32
        %dma_start3A_93 = arith.constant 0 : i32
        %dma_start3A_94 = tpu.memref_slice %arg7[%dma_start3A_92, %dma_start3A_93] : memref<64x128xi32, #tpu.memory_space<vmem>> -> memref<64x128xi32, #tpu.memory_space<vmem>>
        %dma_start3A_95 = arith.constant 0 : i32
        %dma_start3A_96 = tpu.memref_slice %arg3[%add3A_50, %dma_start3A_95] : memref<2560x128xi32, #tpu.memory_space<hbm>> -> memref<64x128xi32, #tpu.memory_space<hbm>>
        tpu.enqueue_dma source(%dma_start3A_96 : memref<64x128xi32, #tpu.memory_space<hbm>>) target(%dma_start3A_94 : memref<64x128xi32, #tpu.memory_space<vmem>>) target_semaphore(%run_scoped3A_86 : memref<!tpu.dma_semaphore, #tpu.memory_space<semaphore_mem>>)
        %dma_wait3A_97 = arith.constant 0 : i32
        %dma_wait3A_98 = arith.constant 0 : i32
        %dma_wait3A_99 = tpu.memref_slice %arg7[%dma_wait3A_97, %dma_wait3A_98] : memref<64x128xi32, #tpu.memory_space<vmem>> -> memref<64x128xi32, #tpu.memory_space<vmem>>
        %dma_wait3A_100 = arith.constant 0 : i32
        %dma_wait3A_101 = tpu.memref_slice %arg3[%add3A_50, %dma_wait3A_100] : memref<2560x128xi32, #tpu.memory_space<hbm>> -> memref<64x128xi32, #tpu.memory_space<hbm>>
        %dma_wait3A_102 = arith.constant 0 : i32
        %dma_wait3A_103 = arith.constant 0 : i32
        %dma_wait3A_104 = tpu.memref_slice %arg7[%dma_wait3A_102, %dma_wait3A_103] : memref<64x128xi32, #tpu.memory_space<vmem>> -> memref<64x128xi32, #tpu.memory_space<vmem>>
        %dma_wait3A_105 = arith.constant 0 : i32
        %dma_wait3A_106 = tpu.memref_slice %arg3[%add3A_50, %dma_wait3A_105] : memref<2560x128xi32, #tpu.memory_space<hbm>> -> memref<64x128xi32, #tpu.memory_space<hbm>>
        tpu.wait_dma2 semaphore(%run_scoped3A_86 : memref<!tpu.dma_semaphore, #tpu.memory_space<semaphore_mem>>) src(%dma_wait3A_106 : memref<64x128xi32, #tpu.memory_space<hbm>>) dst(%dma_wait3A_104 : memref<64x128xi32, #tpu.memory_space<vmem>>)
        tpu.yield
      }) : () -> ()
      "tpu.region"() ({
        %run_scoped3A_86 = tpu.sem_alloc : memref<!tpu.dma_semaphore, #tpu.memory_space<semaphore_mem>>
        %dma_start3A_87 = arith.constant 0 : i32
        %dma_start3A_88 = arith.constant 0 : i32
        %dma_start3A_89 = tpu.memref_slice %arg8[%dma_start3A_87, %dma_start3A_88] : memref<64x128xi32, #tpu.memory_space<vmem>> -> memref<64x128xi32, #tpu.memory_space<vmem>>
        %dma_start3A_90 = arith.constant 0 : i32
        %dma_start3A_91 = tpu.memref_slice %arg4[%add3A_50, %dma_start3A_90] : memref<2560x128xi32, #tpu.memory_space<hbm>> -> memref<64x128xi32, #tpu.memory_space<hbm>>
        %dma_start3A_92 = arith.constant 0 : i32
        %dma_start3A_93 = arith.constant 0 : i32
        %dma_start3A_94 = tpu.memref_slice %arg8[%dma_start3A_92, %dma_start3A_93] : memref<64x128xi32, #tpu.memory_space<vmem>> -> memref<64x128xi32, #tpu.memory_space<vmem>>
        %dma_start3A_95 = arith.constant 0 : i32
        %dma_start3A_96 = tpu.memref_slice %arg4[%add3A_50, %dma_start3A_95] : memref<2560x128xi32, #tpu.memory_space<hbm>> -> memref<64x128xi32, #tpu.memory_space<hbm>>
        tpu.enqueue_dma source(%dma_start3A_96 : memref<64x128xi32, #tpu.memory_space<hbm>>) target(%dma_start3A_94 : memref<64x128xi32, #tpu.memory_space<vmem>>) target_semaphore(%run_scoped3A_86 : memref<!tpu.dma_semaphore, #tpu.memory_space<semaphore_mem>>)
        %dma_wait3A_97 = arith.constant 0 : i32
        %dma_wait3A_98 = arith.constant 0 : i32
        %dma_wait3A_99 = tpu.memref_slice %arg8[%dma_wait3A_97, %dma_wait3A_98] : memref<64x128xi32, #tpu.memory_space<vmem>> -> memref<64x128xi32, #tpu.memory_space<vmem>>
        %dma_wait3A_100 = arith.constant 0 : i32
        %dma_wait3A_101 = tpu.memref_slice %arg4[%add3A_50, %dma_wait3A_100] : memref<2560x128xi32, #tpu.memory_space<hbm>> -> memref<64x128xi32, #tpu.memory_space<hbm>>
        %dma_wait3A_102 = arith.constant 0 : i32
        %dma_wait3A_103 = arith.constant 0 : i32
        %dma_wait3A_104 = tpu.memref_slice %arg8[%dma_wait3A_102, %dma_wait3A_103] : memref<64x128xi32, #tpu.memory_space<vmem>> -> memref<64x128xi32, #tpu.memory_space<vmem>>
        %dma_wait3A_105 = arith.constant 0 : i32
        %dma_wait3A_106 = tpu.memref_slice %arg4[%add3A_50, %dma_wait3A_105] : memref<2560x128xi32, #tpu.memory_space<hbm>> -> memref<64x128xi32, #tpu.memory_space<hbm>>
        tpu.wait_dma2 semaphore(%run_scoped3A_86 : memref<!tpu.dma_semaphore, #tpu.memory_space<semaphore_mem>>) src(%dma_wait3A_106 : memref<64x128xi32, #tpu.memory_space<hbm>>) dst(%dma_wait3A_104 : memref<64x128xi32, #tpu.memory_space<vmem>>)
        tpu.yield
      }) : () -> ()
      %dma_start3A_51 = arith.constant 0 : i32
      %dma_start3A_52 = arith.constant 0 : i32
      %dma_start3A_53 = tpu.memref_slice %arg7[%dma_start3A_51, %dma_start3A_52] : memref<64x128xi32, #tpu.memory_space<vmem>> -> memref<1x128xi32, #tpu.memory_space<vmem>>
      %dma_start3A_54 = tpu.memref_squeeze %dma_start3A_53 : memref<1x128xi32, #tpu.memory_space<vmem>> -> memref<128xi32, #tpu.memory_space<vmem>>
      %dma_start3A_55 = arith.constant 0 : i32
      %dma_start3A_56 = arith.constant 0 : i32
      %dma_start3A_57 = tpu.memref_slice %arg2[%dma_start3A_55, %dma_start3A_56] : memref<80000x128xf32, #tpu.memory_space<hbm>> -> memref<80000x128xf32, #tpu.memory_space<hbm>>
      tpu.enqueue_indirect_dma source(%dma_start3A_57 : memref<80000x128xf32, #tpu.memory_space<hbm>>) target(%arg9 : memref<128x128xf32, #tpu.memory_space<vmem>>) offsets(%dma_start3A_54 : memref<128xi32, #tpu.memory_space<vmem>>) semaphore(%arg12 : memref<!tpu.dma_semaphore, #tpu.memory_space<semaphore_mem>>)
      %scan3A_58 = arith.constant 0 : i32
      %scan3A_59 = arith.constant 31 : i32
      %scan3A_60 = arith.addi %scan3A_58, %scan3A_59 : i32
      %scan3A_61 = arith.constant 1 : i32
      scf.for %scan3A_86 = %scan3A_58 to %scan3A_60 step %scan3A_61  : i32 {
        %mul3A_87 = arith.constant 2 : i32
        %mul3A_88 = arith.muli %scan3A_86, %mul3A_87 : i32
        %add3A_89 = arith.constant 0 : i32
        %add3A_90 = arith.addi %add3A_89, %mul3A_88 : i32
        %add3A_91 = arith.constant 1 : i32
        %add3A_92 = arith.addi %add3A_90, %add3A_91 : i32
        %dma_start3A_93 = arith.constant 0 : i32
        %dma_start3A_94 = tpu.memref_slice %arg7[%add3A_92, %dma_start3A_93] : memref<64x128xi32, #tpu.memory_space<vmem>> -> memref<1x128xi32, #tpu.memory_space<vmem>>
        %dma_start3A_95 = tpu.memref_squeeze %dma_start3A_94 : memref<1x128xi32, #tpu.memory_space<vmem>> -> memref<128xi32, #tpu.memory_space<vmem>>
        %dma_start3A_96 = arith.constant 0 : i32
        %dma_start3A_97 = arith.constant 0 : i32
        %dma_start3A_98 = tpu.memref_slice %arg2[%dma_start3A_96, %dma_start3A_97] : memref<80000x128xf32, #tpu.memory_space<hbm>> -> memref<80000x128xf32, #tpu.memory_space<hbm>>
        tpu.enqueue_indirect_dma source(%dma_start3A_98 : memref<80000x128xf32, #tpu.memory_space<hbm>>) target(%arg10 : memref<128x128xf32, #tpu.memory_space<vmem>>) offsets(%dma_start3A_95 : memref<128xi32, #tpu.memory_space<vmem>>) semaphore(%arg12 : memref<!tpu.dma_semaphore, #tpu.memory_space<semaphore_mem>>)
        %dma_wait3A_99 = arith.constant 0 : i32
        %dma_wait3A_100 = arith.constant 0 : i32
        %dma_wait3A_101 = tpu.memref_slice %arg7[%dma_wait3A_99, %dma_wait3A_100] : memref<64x128xi32, #tpu.memory_space<vmem>> -> memref<1x128xi32, #tpu.memory_space<vmem>>
        %dma_wait3A_102 = tpu.memref_squeeze %dma_wait3A_101 : memref<1x128xi32, #tpu.memory_space<vmem>> -> memref<128xi32, #tpu.memory_space<vmem>>
        %dma_wait3A_103 = arith.constant 0 : i32
        %dma_wait3A_104 = arith.constant 0 : i32
        %dma_wait3A_105 = tpu.memref_slice %arg2[%dma_wait3A_103, %dma_wait3A_104] : memref<80000x128xf32, #tpu.memory_space<hbm>> -> memref<80000x128xf32, #tpu.memory_space<hbm>>
        tpu.wait_indirect_dma semaphore(%arg12 : memref<!tpu.dma_semaphore, #tpu.memory_space<semaphore_mem>>) src(%dma_wait3A_105 : memref<80000x128xf32, #tpu.memory_space<hbm>>) dst(%arg9 : memref<128x128xf32, #tpu.memory_space<vmem>>)
        "tpu.region"() ({
          %run_scoped3A_123 = tpu.sem_alloc : memref<!tpu.dma_semaphore, #tpu.memory_space<semaphore_mem>>
          %dma_start3A_124 = arith.constant 0 : i32
          %dma_start3A_125 = tpu.memref_slice %arg8[%add3A_90, %dma_start3A_124] : memref<64x128xi32, #tpu.memory_space<vmem>> -> memref<1x128xi32, #tpu.memory_space<vmem>>
          %dma_start3A_126 = tpu.memref_squeeze %dma_start3A_125 : memref<1x128xi32, #tpu.memory_space<vmem>> -> memref<128xi32, #tpu.memory_space<vmem>>
          %dma_start3A_127 = arith.constant 0 : i32
          %dma_start3A_128 = arith.constant 0 : i32
          %dma_start3A_129 = tpu.memref_slice %arg11[%dma_start3A_127, %dma_start3A_128] : memref<10112x128xf32, #tpu.memory_space<vmem_shared>> -> memref<10112x128xf32, #tpu.memory_space<vmem_shared>>
          tpu.enqueue_indirect_dma source(%arg9 : memref<128x128xf32, #tpu.memory_space<vmem>>) target(%dma_start3A_129 : memref<10112x128xf32, #tpu.memory_space<vmem_shared>>) offsets(%dma_start3A_126 : memref<128xi32, #tpu.memory_space<vmem>>) semaphore(%run_scoped3A_123 : memref<!tpu.dma_semaphore, #tpu.memory_space<semaphore_mem>>) {add = true}
          %dma_wait3A_130 = arith.constant 0 : i32
          %dma_wait3A_131 = tpu.memref_slice %arg8[%add3A_90, %dma_wait3A_130] : memref<64x128xi32, #tpu.memory_space<vmem>> -> memref<1x128xi32, #tpu.memory_space<vmem>>
          %dma_wait3A_132 = tpu.memref_squeeze %dma_wait3A_131 : memref<1x128xi32, #tpu.memory_space<vmem>> -> memref<128xi32, #tpu.memory_space<vmem>>
          %dma_wait3A_133 = arith.constant 0 : i32
          %dma_wait3A_134 = arith.constant 0 : i32
          %dma_wait3A_135 = tpu.memref_slice %arg11[%dma_wait3A_133, %dma_wait3A_134] : memref<10112x128xf32, #tpu.memory_space<vmem_shared>> -> memref<10112x128xf32, #tpu.memory_space<vmem_shared>>
          tpu.wait_indirect_dma semaphore(%run_scoped3A_123 : memref<!tpu.dma_semaphore, #tpu.memory_space<semaphore_mem>>) src(%arg9 : memref<128x128xf32, #tpu.memory_space<vmem>>) dst(%dma_wait3A_135 : memref<10112x128xf32, #tpu.memory_space<vmem_shared>>)
          tpu.yield
        }) : () -> ()
        %add3A_106 = arith.constant 2 : i32
        %add3A_107 = arith.addi %add3A_90, %add3A_106 : i32
        %dma_start3A_108 = arith.constant 0 : i32
        %dma_start3A_109 = tpu.memref_slice %arg7[%add3A_107, %dma_start3A_108] : memref<64x128xi32, #tpu.memory_space<vmem>> -> memref<1x128xi32, #tpu.memory_space<vmem>>
        %dma_start3A_110 = tpu.memref_squeeze %dma_start3A_109 : memref<1x128xi32, #tpu.memory_space<vmem>> -> memref<128xi32, #tpu.memory_space<vmem>>
        %dma_start3A_111 = arith.constant 0 : i32
        %dma_start3A_112 = arith.constant 0 : i32
        %dma_start3A_113 = tpu.memref_slice %arg2[%dma_start3A_111, %dma_start3A_112] : memref<80000x128xf32, #tpu.memory_space<hbm>> -> memref<80000x128xf32, #tpu.memory_space<hbm>>
        tpu.enqueue_indirect_dma source(%dma_start3A_113 : memref<80000x128xf32, #tpu.memory_space<hbm>>) target(%arg9 : memref<128x128xf32, #tpu.memory_space<vmem>>) offsets(%dma_start3A_110 : memref<128xi32, #tpu.memory_space<vmem>>) semaphore(%arg12 : memref<!tpu.dma_semaphore, #tpu.memory_space<semaphore_mem>>)
        %dma_wait3A_114 = arith.constant 0 : i32
        %dma_wait3A_115 = arith.constant 0 : i32
        %dma_wait3A_116 = tpu.memref_slice %arg7[%dma_wait3A_114, %dma_wait3A_115] : memref<64x128xi32, #tpu.memory_space<vmem>> -> memref<1x128xi32, #tpu.memory_space<vmem>>
        %dma_wait3A_117 = tpu.memref_squeeze %dma_wait3A_116 : memref<1x128xi32, #tpu.memory_space<vmem>> -> memref<128xi32, #tpu.memory_space<vmem>>
        %dma_wait3A_118 = arith.constant 0 : i32
        %dma_wait3A_119 = arith.constant 0 : i32
        %dma_wait3A_120 = tpu.memref_slice %arg2[%dma_wait3A_118, %dma_wait3A_119] : memref<80000x128xf32, #tpu.memory_space<hbm>> -> memref<80000x128xf32, #tpu.memory_space<hbm>>
        tpu.wait_indirect_dma semaphore(%arg12 : memref<!tpu.dma_semaphore, #tpu.memory_space<semaphore_mem>>) src(%dma_wait3A_120 : memref<80000x128xf32, #tpu.memory_space<hbm>>) dst(%arg10 : memref<128x128xf32, #tpu.memory_space<vmem>>)
        %add3A_121 = arith.constant 1 : i32
        %add3A_122 = arith.addi %add3A_90, %add3A_121 : i32
        "tpu.region"() ({
          %run_scoped3A_123 = tpu.sem_alloc : memref<!tpu.dma_semaphore, #tpu.memory_space<semaphore_mem>>
          %dma_start3A_124 = arith.constant 0 : i32
          %dma_start3A_125 = tpu.memref_slice %arg8[%add3A_122, %dma_start3A_124] : memref<64x128xi32, #tpu.memory_space<vmem>> -> memref<1x128xi32, #tpu.memory_space<vmem>>
          %dma_start3A_126 = tpu.memref_squeeze %dma_start3A_125 : memref<1x128xi32, #tpu.memory_space<vmem>> -> memref<128xi32, #tpu.memory_space<vmem>>
          %dma_start3A_127 = arith.constant 0 : i32
          %dma_start3A_128 = arith.constant 0 : i32
          %dma_start3A_129 = tpu.memref_slice %arg11[%dma_start3A_127, %dma_start3A_128] : memref<10112x128xf32, #tpu.memory_space<vmem_shared>> -> memref<10112x128xf32, #tpu.memory_space<vmem_shared>>
          tpu.enqueue_indirect_dma source(%arg10 : memref<128x128xf32, #tpu.memory_space<vmem>>) target(%dma_start3A_129 : memref<10112x128xf32, #tpu.memory_space<vmem_shared>>) offsets(%dma_start3A_126 : memref<128xi32, #tpu.memory_space<vmem>>) semaphore(%run_scoped3A_123 : memref<!tpu.dma_semaphore, #tpu.memory_space<semaphore_mem>>) {add = true}
          %dma_wait3A_130 = arith.constant 0 : i32
          %dma_wait3A_131 = tpu.memref_slice %arg8[%add3A_122, %dma_wait3A_130] : memref<64x128xi32, #tpu.memory_space<vmem>> -> memref<1x128xi32, #tpu.memory_space<vmem>>
          %dma_wait3A_132 = tpu.memref_squeeze %dma_wait3A_131 : memref<1x128xi32, #tpu.memory_space<vmem>> -> memref<128xi32, #tpu.memory_space<vmem>>
          %dma_wait3A_133 = arith.constant 0 : i32
          %dma_wait3A_134 = arith.constant 0 : i32
          %dma_wait3A_135 = tpu.memref_slice %arg11[%dma_wait3A_133, %dma_wait3A_134] : memref<10112x128xf32, #tpu.memory_space<vmem_shared>> -> memref<10112x128xf32, #tpu.memory_space<vmem_shared>>
          tpu.wait_indirect_dma semaphore(%run_scoped3A_123 : memref<!tpu.dma_semaphore, #tpu.memory_space<semaphore_mem>>) src(%arg10 : memref<128x128xf32, #tpu.memory_space<vmem>>) dst(%dma_wait3A_135 : memref<10112x128xf32, #tpu.memory_space<vmem_shared>>)
          tpu.yield
        }) : () -> ()
      }
      %scan3A_62 = arith.constant 31 : i32
      %dma_start3A_63 = arith.constant 63 : i32
      %dma_start3A_64 = arith.constant 0 : i32
      %dma_start3A_65 = tpu.memref_slice %arg7[%dma_start3A_63, %dma_start3A_64] : memref<64x128xi32, #tpu.memory_space<vmem>> -> memref<1x128xi32, #tpu.memory_space<vmem>>
      %dma_start3A_66 = tpu.memref_squeeze %dma_start3A_65 : memref<1x128xi32, #tpu.memory_space<vmem>> -> memref<128xi32, #tpu.memory_space<vmem>>
      %dma_start3A_67 = arith.constant 0 : i32
      %dma_start3A_68 = arith.constant 0 : i32
      %dma_start3A_69 = tpu.memref_slice %arg2[%dma_start3A_67, %dma_start3A_68] : memref<80000x128xf32, #tpu.memory_space<hbm>> -> memref<80000x128xf32, #tpu.memory_space<hbm>>
      tpu.enqueue_indirect_dma source(%dma_start3A_69 : memref<80000x128xf32, #tpu.memory_space<hbm>>) target(%arg10 : memref<128x128xf32, #tpu.memory_space<vmem>>) offsets(%dma_start3A_66 : memref<128xi32, #tpu.memory_space<vmem>>) semaphore(%arg12 : memref<!tpu.dma_semaphore, #tpu.memory_space<semaphore_mem>>)
      %dma_wait3A_70 = arith.constant 0 : i32
      %dma_wait3A_71 = arith.constant 0 : i32
      %dma_wait3A_72 = tpu.memref_slice %arg7[%dma_wait3A_70, %dma_wait3A_71] : memref<64x128xi32, #tpu.memory_space<vmem>> -> memref<1x128xi32, #tpu.memory_space<vmem>>
      %dma_wait3A_73 = tpu.memref_squeeze %dma_wait3A_72 : memref<1x128xi32, #tpu.memory_space<vmem>> -> memref<128xi32, #tpu.memory_space<vmem>>
      %dma_wait3A_74 = arith.constant 0 : i32
      %dma_wait3A_75 = arith.constant 0 : i32
      %dma_wait3A_76 = tpu.memref_slice %arg2[%dma_wait3A_74, %dma_wait3A_75] : memref<80000x128xf32, #tpu.memory_space<hbm>> -> memref<80000x128xf32, #tpu.memory_space<hbm>>
      tpu.wait_indirect_dma semaphore(%arg12 : memref<!tpu.dma_semaphore, #tpu.memory_space<semaphore_mem>>) src(%dma_wait3A_76 : memref<80000x128xf32, #tpu.memory_space<hbm>>) dst(%arg9 : memref<128x128xf32, #tpu.memory_space<vmem>>)
      %run_scoped3A_77 = arith.constant 62 : i32
      "tpu.region"() ({
        %run_scoped3A_86 = tpu.sem_alloc : memref<!tpu.dma_semaphore, #tpu.memory_space<semaphore_mem>>
        %dma_start3A_87 = arith.constant 0 : i32
        %dma_start3A_88 = tpu.memref_slice %arg8[%run_scoped3A_77, %dma_start3A_87] : memref<64x128xi32, #tpu.memory_space<vmem>> -> memref<1x128xi32, #tpu.memory_space<vmem>>
        %dma_start3A_89 = tpu.memref_squeeze %dma_start3A_88 : memref<1x128xi32, #tpu.memory_space<vmem>> -> memref<128xi32, #tpu.memory_space<vmem>>
        %dma_start3A_90 = arith.constant 0 : i32
        %dma_start3A_91 = arith.constant 0 : i32
        %dma_start3A_92 = tpu.memref_slice %arg11[%dma_start3A_90, %dma_start3A_91] : memref<10112x128xf32, #tpu.memory_space<vmem_shared>> -> memref<10112x128xf32, #tpu.memory_space<vmem_shared>>
        tpu.enqueue_indirect_dma source(%arg9 : memref<128x128xf32, #tpu.memory_space<vmem>>) target(%dma_start3A_92 : memref<10112x128xf32, #tpu.memory_space<vmem_shared>>) offsets(%dma_start3A_89 : memref<128xi32, #tpu.memory_space<vmem>>) semaphore(%run_scoped3A_86 : memref<!tpu.dma_semaphore, #tpu.memory_space<semaphore_mem>>) {add = true}
        %dma_wait3A_93 = arith.constant 0 : i32
        %dma_wait3A_94 = tpu.memref_slice %arg8[%run_scoped3A_77, %dma_wait3A_93] : memref<64x128xi32, #tpu.memory_space<vmem>> -> memref<1x128xi32, #tpu.memory_space<vmem>>
        %dma_wait3A_95 = tpu.memref_squeeze %dma_wait3A_94 : memref<1x128xi32, #tpu.memory_space<vmem>> -> memref<128xi32, #tpu.memory_space<vmem>>
        %dma_wait3A_96 = arith.constant 0 : i32
        %dma_wait3A_97 = arith.constant 0 : i32
        %dma_wait3A_98 = tpu.memref_slice %arg11[%dma_wait3A_96, %dma_wait3A_97] : memref<10112x128xf32, #tpu.memory_space<vmem_shared>> -> memref<10112x128xf32, #tpu.memory_space<vmem_shared>>
        tpu.wait_indirect_dma semaphore(%run_scoped3A_86 : memref<!tpu.dma_semaphore, #tpu.memory_space<semaphore_mem>>) src(%arg9 : memref<128x128xf32, #tpu.memory_space<vmem>>) dst(%dma_wait3A_98 : memref<10112x128xf32, #tpu.memory_space<vmem_shared>>)
        tpu.yield
      }) : () -> ()
      %dma_wait3A_78 = arith.constant 0 : i32
      %dma_wait3A_79 = arith.constant 0 : i32
      %dma_wait3A_80 = tpu.memref_slice %arg7[%dma_wait3A_78, %dma_wait3A_79] : memref<64x128xi32, #tpu.memory_space<vmem>> -> memref<1x128xi32, #tpu.memory_space<vmem>>
      %dma_wait3A_81 = tpu.memref_squeeze %dma_wait3A_80 : memref<1x128xi32, #tpu.memory_space<vmem>> -> memref<128xi32, #tpu.memory_space<vmem>>
      %dma_wait3A_82 = arith.constant 0 : i32
      %dma_wait3A_83 = arith.constant 0 : i32
      %dma_wait3A_84 = tpu.memref_slice %arg2[%dma_wait3A_82, %dma_wait3A_83] : memref<80000x128xf32, #tpu.memory_space<hbm>> -> memref<80000x128xf32, #tpu.memory_space<hbm>>
      tpu.wait_indirect_dma semaphore(%arg12 : memref<!tpu.dma_semaphore, #tpu.memory_space<semaphore_mem>>) src(%dma_wait3A_84 : memref<80000x128xf32, #tpu.memory_space<hbm>>) dst(%arg10 : memref<128x128xf32, #tpu.memory_space<vmem>>)
      %run_scoped3A_85 = arith.constant 63 : i32
      "tpu.region"() ({
        %run_scoped3A_86 = tpu.sem_alloc : memref<!tpu.dma_semaphore, #tpu.memory_space<semaphore_mem>>
        %dma_start3A_87 = arith.constant 0 : i32
        %dma_start3A_88 = tpu.memref_slice %arg8[%run_scoped3A_85, %dma_start3A_87] : memref<64x128xi32, #tpu.memory_space<vmem>> -> memref<1x128xi32, #tpu.memory_space<vmem>>
        %dma_start3A_89 = tpu.memref_squeeze %dma_start3A_88 : memref<1x128xi32, #tpu.memory_space<vmem>> -> memref<128xi32, #tpu.memory_space<vmem>>
        %dma_start3A_90 = arith.constant 0 : i32
        %dma_start3A_91 = arith.constant 0 : i32
        %dma_start3A_92 = tpu.memref_slice %arg11[%dma_start3A_90, %dma_start3A_91] : memref<10112x128xf32, #tpu.memory_space<vmem_shared>> -> memref<10112x128xf32, #tpu.memory_space<vmem_shared>>
        tpu.enqueue_indirect_dma source(%arg10 : memref<128x128xf32, #tpu.memory_space<vmem>>) target(%dma_start3A_92 : memref<10112x128xf32, #tpu.memory_space<vmem_shared>>) offsets(%dma_start3A_89 : memref<128xi32, #tpu.memory_space<vmem>>) semaphore(%run_scoped3A_86 : memref<!tpu.dma_semaphore, #tpu.memory_space<semaphore_mem>>) {add = true}
        %dma_wait3A_93 = arith.constant 0 : i32
        %dma_wait3A_94 = tpu.memref_slice %arg8[%run_scoped3A_85, %dma_wait3A_93] : memref<64x128xi32, #tpu.memory_space<vmem>> -> memref<1x128xi32, #tpu.memory_space<vmem>>
        %dma_wait3A_95 = tpu.memref_squeeze %dma_wait3A_94 : memref<1x128xi32, #tpu.memory_space<vmem>> -> memref<128xi32, #tpu.memory_space<vmem>>
        %dma_wait3A_96 = arith.constant 0 : i32
        %dma_wait3A_97 = arith.constant 0 : i32
        %dma_wait3A_98 = tpu.memref_slice %arg11[%dma_wait3A_96, %dma_wait3A_97] : memref<10112x128xf32, #tpu.memory_space<vmem_shared>> -> memref<10112x128xf32, #tpu.memory_space<vmem_shared>>
        tpu.wait_indirect_dma semaphore(%run_scoped3A_86 : memref<!tpu.dma_semaphore, #tpu.memory_space<semaphore_mem>>) src(%arg10 : memref<128x128xf32, #tpu.memory_space<vmem>>) dst(%dma_wait3A_98 : memref<10112x128xf32, #tpu.memory_space<vmem_shared>>)
        tpu.yield
      }) : () -> ()
    } else {
    }
    %eq3A_5 = arith.constant 1 : i32
    %eq3A_6 = arith.cmpi eq, %arg0, %eq3A_5 : i32
    %convert_element_type3A_7 = arith.extui %eq3A_6 : i1 to i32
    %cond3A_8 = arith.constant 0 : i32
    %cond3A_9 = arith.cmpi ne, %convert_element_type3A_7, %cond3A_8 : i32
    scf.if %cond3A_9 {
      %mul3A_15 = arith.constant 32 : i32
      %mul3A_16 = arith.muli %arg1, %mul3A_15 : i32
      %add3A = arith.constant 2048 : i32
      %add3A_17 = arith.addi %add3A, %mul3A_16 : i32
      %add3A_18 = arith.constant 0 : i32
      %add3A_19 = arith.addi %add3A_17, %add3A_18 : i32
      "tpu.region"() ({
        %run_scoped3A_88 = tpu.sem_alloc : memref<!tpu.dma_semaphore, #tpu.memory_space<semaphore_mem>>
        %dma_start3A_89 = arith.constant 0 : i32
        %dma_start3A_90 = arith.constant 0 : i32
        %dma_start3A_91 = tpu.memref_slice %arg7[%dma_start3A_89, %dma_start3A_90] : memref<64x128xi32, #tpu.memory_space<vmem>> -> memref<16x128xi32, #tpu.memory_space<vmem>>
        %dma_start3A_92 = arith.constant 0 : i32
        %dma_start3A_93 = tpu.memref_slice %arg3[%add3A_19, %dma_start3A_92] : memref<2560x128xi32, #tpu.memory_space<hbm>> -> memref<16x128xi32, #tpu.memory_space<hbm>>
        %dma_start3A_94 = arith.constant 0 : i32
        %dma_start3A_95 = arith.constant 0 : i32
        %dma_start3A_96 = tpu.memref_slice %arg7[%dma_start3A_94, %dma_start3A_95] : memref<64x128xi32, #tpu.memory_space<vmem>> -> memref<16x128xi32, #tpu.memory_space<vmem>>
        %dma_start3A_97 = arith.constant 0 : i32
        %dma_start3A_98 = tpu.memref_slice %arg3[%add3A_19, %dma_start3A_97] : memref<2560x128xi32, #tpu.memory_space<hbm>> -> memref<16x128xi32, #tpu.memory_space<hbm>>
        tpu.enqueue_dma source(%dma_start3A_98 : memref<16x128xi32, #tpu.memory_space<hbm>>) target(%dma_start3A_96 : memref<16x128xi32, #tpu.memory_space<vmem>>) target_semaphore(%run_scoped3A_88 : memref<!tpu.dma_semaphore, #tpu.memory_space<semaphore_mem>>)
        %dma_wait3A_99 = arith.constant 0 : i32
        %dma_wait3A_100 = arith.constant 0 : i32
        %dma_wait3A_101 = tpu.memref_slice %arg7[%dma_wait3A_99, %dma_wait3A_100] : memref<64x128xi32, #tpu.memory_space<vmem>> -> memref<16x128xi32, #tpu.memory_space<vmem>>
        %dma_wait3A_102 = arith.constant 0 : i32
        %dma_wait3A_103 = tpu.memref_slice %arg3[%add3A_19, %dma_wait3A_102] : memref<2560x128xi32, #tpu.memory_space<hbm>> -> memref<16x128xi32, #tpu.memory_space<hbm>>
        %dma_wait3A_104 = arith.constant 0 : i32
        %dma_wait3A_105 = arith.constant 0 : i32
        %dma_wait3A_106 = tpu.memref_slice %arg7[%dma_wait3A_104, %dma_wait3A_105] : memref<64x128xi32, #tpu.memory_space<vmem>> -> memref<16x128xi32, #tpu.memory_space<vmem>>
        %dma_wait3A_107 = arith.constant 0 : i32
        %dma_wait3A_108 = tpu.memref_slice %arg3[%add3A_19, %dma_wait3A_107] : memref<2560x128xi32, #tpu.memory_space<hbm>> -> memref<16x128xi32, #tpu.memory_space<hbm>>
        tpu.wait_dma2 semaphore(%run_scoped3A_88 : memref<!tpu.dma_semaphore, #tpu.memory_space<semaphore_mem>>) src(%dma_wait3A_108 : memref<16x128xi32, #tpu.memory_space<hbm>>) dst(%dma_wait3A_106 : memref<16x128xi32, #tpu.memory_space<vmem>>)
        tpu.yield
      }) : () -> ()
      "tpu.region"() ({
        %run_scoped3A_88 = tpu.sem_alloc : memref<!tpu.dma_semaphore, #tpu.memory_space<semaphore_mem>>
        %dma_start3A_89 = arith.constant 0 : i32
        %dma_start3A_90 = arith.constant 0 : i32
        %dma_start3A_91 = tpu.memref_slice %arg8[%dma_start3A_89, %dma_start3A_90] : memref<64x128xi32, #tpu.memory_space<vmem>> -> memref<16x128xi32, #tpu.memory_space<vmem>>
        %dma_start3A_92 = arith.constant 0 : i32
        %dma_start3A_93 = tpu.memref_slice %arg4[%add3A_19, %dma_start3A_92] : memref<2560x128xi32, #tpu.memory_space<hbm>> -> memref<16x128xi32, #tpu.memory_space<hbm>>
        %dma_start3A_94 = arith.constant 0 : i32
        %dma_start3A_95 = arith.constant 0 : i32
        %dma_start3A_96 = tpu.memref_slice %arg8[%dma_start3A_94, %dma_start3A_95] : memref<64x128xi32, #tpu.memory_space<vmem>> -> memref<16x128xi32, #tpu.memory_space<vmem>>
        %dma_start3A_97 = arith.constant 0 : i32
        %dma_start3A_98 = tpu.memref_slice %arg4[%add3A_19, %dma_start3A_97] : memref<2560x128xi32, #tpu.memory_space<hbm>> -> memref<16x128xi32, #tpu.memory_space<hbm>>
        tpu.enqueue_dma source(%dma_start3A_98 : memref<16x128xi32, #tpu.memory_space<hbm>>) target(%dma_start3A_96 : memref<16x128xi32, #tpu.memory_space<vmem>>) target_semaphore(%run_scoped3A_88 : memref<!tpu.dma_semaphore, #tpu.memory_space<semaphore_mem>>)
        %dma_wait3A_99 = arith.constant 0 : i32
        %dma_wait3A_100 = arith.constant 0 : i32
        %dma_wait3A_101 = tpu.memref_slice %arg8[%dma_wait3A_99, %dma_wait3A_100] : memref<64x128xi32, #tpu.memory_space<vmem>> -> memref<16x128xi32, #tpu.memory_space<vmem>>
        %dma_wait3A_102 = arith.constant 0 : i32
        %dma_wait3A_103 = tpu.memref_slice %arg4[%add3A_19, %dma_wait3A_102] : memref<2560x128xi32, #tpu.memory_space<hbm>> -> memref<16x128xi32, #tpu.memory_space<hbm>>
        %dma_wait3A_104 = arith.constant 0 : i32
        %dma_wait3A_105 = arith.constant 0 : i32
        %dma_wait3A_106 = tpu.memref_slice %arg8[%dma_wait3A_104, %dma_wait3A_105] : memref<64x128xi32, #tpu.memory_space<vmem>> -> memref<16x128xi32, #tpu.memory_space<vmem>>
        %dma_wait3A_107 = arith.constant 0 : i32
        %dma_wait3A_108 = tpu.memref_slice %arg4[%add3A_19, %dma_wait3A_107] : memref<2560x128xi32, #tpu.memory_space<hbm>> -> memref<16x128xi32, #tpu.memory_space<hbm>>
        tpu.wait_dma2 semaphore(%run_scoped3A_88 : memref<!tpu.dma_semaphore, #tpu.memory_space<semaphore_mem>>) src(%dma_wait3A_108 : memref<16x128xi32, #tpu.memory_space<hbm>>) dst(%dma_wait3A_106 : memref<16x128xi32, #tpu.memory_space<vmem>>)
        tpu.yield
      }) : () -> ()
      %dma_start3A = arith.constant 0 : i32
      %dma_start3A_20 = arith.constant 0 : i32
      %dma_start3A_21 = tpu.memref_slice %arg7[%dma_start3A, %dma_start3A_20] : memref<64x128xi32, #tpu.memory_space<vmem>> -> memref<1x128xi32, #tpu.memory_space<vmem>>
      %dma_start3A_22 = tpu.memref_squeeze %dma_start3A_21 : memref<1x128xi32, #tpu.memory_space<vmem>> -> memref<128xi32, #tpu.memory_space<vmem>>
      %dma_start3A_23 = arith.constant 0 : i32
      %dma_start3A_24 = arith.constant 0 : i32
      %dma_start3A_25 = tpu.memref_slice %arg2[%dma_start3A_23, %dma_start3A_24] : memref<80000x128xf32, #tpu.memory_space<hbm>> -> memref<80000x128xf32, #tpu.memory_space<hbm>>
      tpu.enqueue_indirect_dma source(%dma_start3A_25 : memref<80000x128xf32, #tpu.memory_space<hbm>>) target(%arg9 : memref<128x128xf32, #tpu.memory_space<vmem>>) offsets(%dma_start3A_22 : memref<128xi32, #tpu.memory_space<vmem>>) semaphore(%arg12 : memref<!tpu.dma_semaphore, #tpu.memory_space<semaphore_mem>>)
      %scan3A = arith.constant 0 : i32
      %scan3A_26 = arith.constant 7 : i32
      %scan3A_27 = arith.addi %scan3A, %scan3A_26 : i32
      %scan3A_28 = arith.constant 1 : i32
      scf.for %scan3A_88 = %scan3A to %scan3A_27 step %scan3A_28  : i32 {
        %mul3A_89 = arith.constant 2 : i32
        %mul3A_90 = arith.muli %scan3A_88, %mul3A_89 : i32
        %add3A_91 = arith.constant 0 : i32
        %add3A_92 = arith.addi %add3A_91, %mul3A_90 : i32
        %add3A_93 = arith.constant 1 : i32
        %add3A_94 = arith.addi %add3A_92, %add3A_93 : i32
        %dma_start3A_95 = arith.constant 0 : i32
        %dma_start3A_96 = tpu.memref_slice %arg7[%add3A_94, %dma_start3A_95] : memref<64x128xi32, #tpu.memory_space<vmem>> -> memref<1x128xi32, #tpu.memory_space<vmem>>
        %dma_start3A_97 = tpu.memref_squeeze %dma_start3A_96 : memref<1x128xi32, #tpu.memory_space<vmem>> -> memref<128xi32, #tpu.memory_space<vmem>>
        %dma_start3A_98 = arith.constant 0 : i32
        %dma_start3A_99 = arith.constant 0 : i32
        %dma_start3A_100 = tpu.memref_slice %arg2[%dma_start3A_98, %dma_start3A_99] : memref<80000x128xf32, #tpu.memory_space<hbm>> -> memref<80000x128xf32, #tpu.memory_space<hbm>>
        tpu.enqueue_indirect_dma source(%dma_start3A_100 : memref<80000x128xf32, #tpu.memory_space<hbm>>) target(%arg10 : memref<128x128xf32, #tpu.memory_space<vmem>>) offsets(%dma_start3A_97 : memref<128xi32, #tpu.memory_space<vmem>>) semaphore(%arg12 : memref<!tpu.dma_semaphore, #tpu.memory_space<semaphore_mem>>)
        %dma_wait3A_101 = arith.constant 0 : i32
        %dma_wait3A_102 = arith.constant 0 : i32
        %dma_wait3A_103 = tpu.memref_slice %arg7[%dma_wait3A_101, %dma_wait3A_102] : memref<64x128xi32, #tpu.memory_space<vmem>> -> memref<1x128xi32, #tpu.memory_space<vmem>>
        %dma_wait3A_104 = tpu.memref_squeeze %dma_wait3A_103 : memref<1x128xi32, #tpu.memory_space<vmem>> -> memref<128xi32, #tpu.memory_space<vmem>>
        %dma_wait3A_105 = arith.constant 0 : i32
        %dma_wait3A_106 = arith.constant 0 : i32
        %dma_wait3A_107 = tpu.memref_slice %arg2[%dma_wait3A_105, %dma_wait3A_106] : memref<80000x128xf32, #tpu.memory_space<hbm>> -> memref<80000x128xf32, #tpu.memory_space<hbm>>
        tpu.wait_indirect_dma semaphore(%arg12 : memref<!tpu.dma_semaphore, #tpu.memory_space<semaphore_mem>>) src(%dma_wait3A_107 : memref<80000x128xf32, #tpu.memory_space<hbm>>) dst(%arg9 : memref<128x128xf32, #tpu.memory_space<vmem>>)
        "tpu.region"() ({
          %run_scoped3A_125 = tpu.sem_alloc : memref<!tpu.dma_semaphore, #tpu.memory_space<semaphore_mem>>
          %dma_start3A_126 = arith.constant 0 : i32
          %dma_start3A_127 = tpu.memref_slice %arg8[%add3A_92, %dma_start3A_126] : memref<64x128xi32, #tpu.memory_space<vmem>> -> memref<1x128xi32, #tpu.memory_space<vmem>>
          %dma_start3A_128 = tpu.memref_squeeze %dma_start3A_127 : memref<1x128xi32, #tpu.memory_space<vmem>> -> memref<128xi32, #tpu.memory_space<vmem>>
          %dma_start3A_129 = arith.constant 0 : i32
          %dma_start3A_130 = arith.constant 0 : i32
          %dma_start3A_131 = tpu.memref_slice %arg11[%dma_start3A_129, %dma_start3A_130] : memref<10112x128xf32, #tpu.memory_space<vmem_shared>> -> memref<10112x128xf32, #tpu.memory_space<vmem_shared>>
          tpu.enqueue_indirect_dma source(%arg9 : memref<128x128xf32, #tpu.memory_space<vmem>>) target(%dma_start3A_131 : memref<10112x128xf32, #tpu.memory_space<vmem_shared>>) offsets(%dma_start3A_128 : memref<128xi32, #tpu.memory_space<vmem>>) semaphore(%run_scoped3A_125 : memref<!tpu.dma_semaphore, #tpu.memory_space<semaphore_mem>>) {add = true}
          %dma_wait3A_132 = arith.constant 0 : i32
          %dma_wait3A_133 = tpu.memref_slice %arg8[%add3A_92, %dma_wait3A_132] : memref<64x128xi32, #tpu.memory_space<vmem>> -> memref<1x128xi32, #tpu.memory_space<vmem>>
          %dma_wait3A_134 = tpu.memref_squeeze %dma_wait3A_133 : memref<1x128xi32, #tpu.memory_space<vmem>> -> memref<128xi32, #tpu.memory_space<vmem>>
          %dma_wait3A_135 = arith.constant 0 : i32
          %dma_wait3A_136 = arith.constant 0 : i32
          %dma_wait3A_137 = tpu.memref_slice %arg11[%dma_wait3A_135, %dma_wait3A_136] : memref<10112x128xf32, #tpu.memory_space<vmem_shared>> -> memref<10112x128xf32, #tpu.memory_space<vmem_shared>>
          tpu.wait_indirect_dma semaphore(%run_scoped3A_125 : memref<!tpu.dma_semaphore, #tpu.memory_space<semaphore_mem>>) src(%arg9 : memref<128x128xf32, #tpu.memory_space<vmem>>) dst(%dma_wait3A_137 : memref<10112x128xf32, #tpu.memory_space<vmem_shared>>)
          tpu.yield
        }) : () -> ()
        %add3A_108 = arith.constant 2 : i32
        %add3A_109 = arith.addi %add3A_92, %add3A_108 : i32
        %dma_start3A_110 = arith.constant 0 : i32
        %dma_start3A_111 = tpu.memref_slice %arg7[%add3A_109, %dma_start3A_110] : memref<64x128xi32, #tpu.memory_space<vmem>> -> memref<1x128xi32, #tpu.memory_space<vmem>>
        %dma_start3A_112 = tpu.memref_squeeze %dma_start3A_111 : memref<1x128xi32, #tpu.memory_space<vmem>> -> memref<128xi32, #tpu.memory_space<vmem>>
        %dma_start3A_113 = arith.constant 0 : i32
        %dma_start3A_114 = arith.constant 0 : i32
        %dma_start3A_115 = tpu.memref_slice %arg2[%dma_start3A_113, %dma_start3A_114] : memref<80000x128xf32, #tpu.memory_space<hbm>> -> memref<80000x128xf32, #tpu.memory_space<hbm>>
        tpu.enqueue_indirect_dma source(%dma_start3A_115 : memref<80000x128xf32, #tpu.memory_space<hbm>>) target(%arg9 : memref<128x128xf32, #tpu.memory_space<vmem>>) offsets(%dma_start3A_112 : memref<128xi32, #tpu.memory_space<vmem>>) semaphore(%arg12 : memref<!tpu.dma_semaphore, #tpu.memory_space<semaphore_mem>>)
        %dma_wait3A_116 = arith.constant 0 : i32
        %dma_wait3A_117 = arith.constant 0 : i32
        %dma_wait3A_118 = tpu.memref_slice %arg7[%dma_wait3A_116, %dma_wait3A_117] : memref<64x128xi32, #tpu.memory_space<vmem>> -> memref<1x128xi32, #tpu.memory_space<vmem>>
        %dma_wait3A_119 = tpu.memref_squeeze %dma_wait3A_118 : memref<1x128xi32, #tpu.memory_space<vmem>> -> memref<128xi32, #tpu.memory_space<vmem>>
        %dma_wait3A_120 = arith.constant 0 : i32
        %dma_wait3A_121 = arith.constant 0 : i32
        %dma_wait3A_122 = tpu.memref_slice %arg2[%dma_wait3A_120, %dma_wait3A_121] : memref<80000x128xf32, #tpu.memory_space<hbm>> -> memref<80000x128xf32, #tpu.memory_space<hbm>>
        tpu.wait_indirect_dma semaphore(%arg12 : memref<!tpu.dma_semaphore, #tpu.memory_space<semaphore_mem>>) src(%dma_wait3A_122 : memref<80000x128xf32, #tpu.memory_space<hbm>>) dst(%arg10 : memref<128x128xf32, #tpu.memory_space<vmem>>)
        %add3A_123 = arith.constant 1 : i32
        %add3A_124 = arith.addi %add3A_92, %add3A_123 : i32
        "tpu.region"() ({
          %run_scoped3A_125 = tpu.sem_alloc : memref<!tpu.dma_semaphore, #tpu.memory_space<semaphore_mem>>
          %dma_start3A_126 = arith.constant 0 : i32
          %dma_start3A_127 = tpu.memref_slice %arg8[%add3A_124, %dma_start3A_126] : memref<64x128xi32, #tpu.memory_space<vmem>> -> memref<1x128xi32, #tpu.memory_space<vmem>>
          %dma_start3A_128 = tpu.memref_squeeze %dma_start3A_127 : memref<1x128xi32, #tpu.memory_space<vmem>> -> memref<128xi32, #tpu.memory_space<vmem>>
          %dma_start3A_129 = arith.constant 0 : i32
          %dma_start3A_130 = arith.constant 0 : i32
          %dma_start3A_131 = tpu.memref_slice %arg11[%dma_start3A_129, %dma_start3A_130] : memref<10112x128xf32, #tpu.memory_space<vmem_shared>> -> memref<10112x128xf32, #tpu.memory_space<vmem_shared>>
          tpu.enqueue_indirect_dma source(%arg10 : memref<128x128xf32, #tpu.memory_space<vmem>>) target(%dma_start3A_131 : memref<10112x128xf32, #tpu.memory_space<vmem_shared>>) offsets(%dma_start3A_128 : memref<128xi32, #tpu.memory_space<vmem>>) semaphore(%run_scoped3A_125 : memref<!tpu.dma_semaphore, #tpu.memory_space<semaphore_mem>>) {add = true}
          %dma_wait3A_132 = arith.constant 0 : i32
          %dma_wait3A_133 = tpu.memref_slice %arg8[%add3A_124, %dma_wait3A_132] : memref<64x128xi32, #tpu.memory_space<vmem>> -> memref<1x128xi32, #tpu.memory_space<vmem>>
          %dma_wait3A_134 = tpu.memref_squeeze %dma_wait3A_133 : memref<1x128xi32, #tpu.memory_space<vmem>> -> memref<128xi32, #tpu.memory_space<vmem>>
          %dma_wait3A_135 = arith.constant 0 : i32
          %dma_wait3A_136 = arith.constant 0 : i32
          %dma_wait3A_137 = tpu.memref_slice %arg11[%dma_wait3A_135, %dma_wait3A_136] : memref<10112x128xf32, #tpu.memory_space<vmem_shared>> -> memref<10112x128xf32, #tpu.memory_space<vmem_shared>>
          tpu.wait_indirect_dma semaphore(%run_scoped3A_125 : memref<!tpu.dma_semaphore, #tpu.memory_space<semaphore_mem>>) src(%arg10 : memref<128x128xf32, #tpu.memory_space<vmem>>) dst(%dma_wait3A_137 : memref<10112x128xf32, #tpu.memory_space<vmem_shared>>)
          tpu.yield
        }) : () -> ()
      }
      %scan3A_29 = arith.constant 7 : i32
      %dma_start3A_30 = arith.constant 15 : i32
      %dma_start3A_31 = arith.constant 0 : i32
      %dma_start3A_32 = tpu.memref_slice %arg7[%dma_start3A_30, %dma_start3A_31] : memref<64x128xi32, #tpu.memory_space<vmem>> -> memref<1x128xi32, #tpu.memory_space<vmem>>
      %dma_start3A_33 = tpu.memref_squeeze %dma_start3A_32 : memref<1x128xi32, #tpu.memory_space<vmem>> -> memref<128xi32, #tpu.memory_space<vmem>>
      %dma_start3A_34 = arith.constant 0 : i32
      %dma_start3A_35 = arith.constant 0 : i32
      %dma_start3A_36 = tpu.memref_slice %arg2[%dma_start3A_34, %dma_start3A_35] : memref<80000x128xf32, #tpu.memory_space<hbm>> -> memref<80000x128xf32, #tpu.memory_space<hbm>>
      tpu.enqueue_indirect_dma source(%dma_start3A_36 : memref<80000x128xf32, #tpu.memory_space<hbm>>) target(%arg10 : memref<128x128xf32, #tpu.memory_space<vmem>>) offsets(%dma_start3A_33 : memref<128xi32, #tpu.memory_space<vmem>>) semaphore(%arg12 : memref<!tpu.dma_semaphore, #tpu.memory_space<semaphore_mem>>)
      %dma_wait3A = arith.constant 0 : i32
      %dma_wait3A_37 = arith.constant 0 : i32
      %dma_wait3A_38 = tpu.memref_slice %arg7[%dma_wait3A, %dma_wait3A_37] : memref<64x128xi32, #tpu.memory_space<vmem>> -> memref<1x128xi32, #tpu.memory_space<vmem>>
      %dma_wait3A_39 = tpu.memref_squeeze %dma_wait3A_38 : memref<1x128xi32, #tpu.memory_space<vmem>> -> memref<128xi32, #tpu.memory_space<vmem>>
      %dma_wait3A_40 = arith.constant 0 : i32
      %dma_wait3A_41 = arith.constant 0 : i32
      %dma_wait3A_42 = tpu.memref_slice %arg2[%dma_wait3A_40, %dma_wait3A_41] : memref<80000x128xf32, #tpu.memory_space<hbm>> -> memref<80000x128xf32, #tpu.memory_space<hbm>>
      tpu.wait_indirect_dma semaphore(%arg12 : memref<!tpu.dma_semaphore, #tpu.memory_space<semaphore_mem>>) src(%dma_wait3A_42 : memref<80000x128xf32, #tpu.memory_space<hbm>>) dst(%arg9 : memref<128x128xf32, #tpu.memory_space<vmem>>)
      %run_scoped3A = arith.constant 14 : i32
      "tpu.region"() ({
        %run_scoped3A_88 = tpu.sem_alloc : memref<!tpu.dma_semaphore, #tpu.memory_space<semaphore_mem>>
        %dma_start3A_89 = arith.constant 0 : i32
        %dma_start3A_90 = tpu.memref_slice %arg8[%run_scoped3A, %dma_start3A_89] : memref<64x128xi32, #tpu.memory_space<vmem>> -> memref<1x128xi32, #tpu.memory_space<vmem>>
        %dma_start3A_91 = tpu.memref_squeeze %dma_start3A_90 : memref<1x128xi32, #tpu.memory_space<vmem>> -> memref<128xi32, #tpu.memory_space<vmem>>
        %dma_start3A_92 = arith.constant 0 : i32
        %dma_start3A_93 = arith.constant 0 : i32
        %dma_start3A_94 = tpu.memref_slice %arg11[%dma_start3A_92, %dma_start3A_93] : memref<10112x128xf32, #tpu.memory_space<vmem_shared>> -> memref<10112x128xf32, #tpu.memory_space<vmem_shared>>
        tpu.enqueue_indirect_dma source(%arg9 : memref<128x128xf32, #tpu.memory_space<vmem>>) target(%dma_start3A_94 : memref<10112x128xf32, #tpu.memory_space<vmem_shared>>) offsets(%dma_start3A_91 : memref<128xi32, #tpu.memory_space<vmem>>) semaphore(%run_scoped3A_88 : memref<!tpu.dma_semaphore, #tpu.memory_space<semaphore_mem>>) {add = true}
        %dma_wait3A_95 = arith.constant 0 : i32
        %dma_wait3A_96 = tpu.memref_slice %arg8[%run_scoped3A, %dma_wait3A_95] : memref<64x128xi32, #tpu.memory_space<vmem>> -> memref<1x128xi32, #tpu.memory_space<vmem>>
        %dma_wait3A_97 = tpu.memref_squeeze %dma_wait3A_96 : memref<1x128xi32, #tpu.memory_space<vmem>> -> memref<128xi32, #tpu.memory_space<vmem>>
        %dma_wait3A_98 = arith.constant 0 : i32
        %dma_wait3A_99 = arith.constant 0 : i32
        %dma_wait3A_100 = tpu.memref_slice %arg11[%dma_wait3A_98, %dma_wait3A_99] : memref<10112x128xf32, #tpu.memory_space<vmem_shared>> -> memref<10112x128xf32, #tpu.memory_space<vmem_shared>>
        tpu.wait_indirect_dma semaphore(%run_scoped3A_88 : memref<!tpu.dma_semaphore, #tpu.memory_space<semaphore_mem>>) src(%arg9 : memref<128x128xf32, #tpu.memory_space<vmem>>) dst(%dma_wait3A_100 : memref<10112x128xf32, #tpu.memory_space<vmem_shared>>)
        tpu.yield
      }) : () -> ()
      %dma_wait3A_43 = arith.constant 0 : i32
      %dma_wait3A_44 = arith.constant 0 : i32
      %dma_wait3A_45 = tpu.memref_slice %arg7[%dma_wait3A_43, %dma_wait3A_44] : memref<64x128xi32, #tpu.memory_space<vmem>> -> memref<1x128xi32, #tpu.memory_space<vmem>>
      %dma_wait3A_46 = tpu.memref_squeeze %dma_wait3A_45 : memref<1x128xi32, #tpu.memory_space<vmem>> -> memref<128xi32, #tpu.memory_space<vmem>>
      %dma_wait3A_47 = arith.constant 0 : i32
      %dma_wait3A_48 = arith.constant 0 : i32
      %dma_wait3A_49 = tpu.memref_slice %arg2[%dma_wait3A_47, %dma_wait3A_48] : memref<80000x128xf32, #tpu.memory_space<hbm>> -> memref<80000x128xf32, #tpu.memory_space<hbm>>
      tpu.wait_indirect_dma semaphore(%arg12 : memref<!tpu.dma_semaphore, #tpu.memory_space<semaphore_mem>>) src(%dma_wait3A_49 : memref<80000x128xf32, #tpu.memory_space<hbm>>) dst(%arg10 : memref<128x128xf32, #tpu.memory_space<vmem>>)
      %run_scoped3A_50 = arith.constant 15 : i32
      "tpu.region"() ({
        %run_scoped3A_88 = tpu.sem_alloc : memref<!tpu.dma_semaphore, #tpu.memory_space<semaphore_mem>>
        %dma_start3A_89 = arith.constant 0 : i32
        %dma_start3A_90 = tpu.memref_slice %arg8[%run_scoped3A_50, %dma_start3A_89] : memref<64x128xi32, #tpu.memory_space<vmem>> -> memref<1x128xi32, #tpu.memory_space<vmem>>
        %dma_start3A_91 = tpu.memref_squeeze %dma_start3A_90 : memref<1x128xi32, #tpu.memory_space<vmem>> -> memref<128xi32, #tpu.memory_space<vmem>>
        %dma_start3A_92 = arith.constant 0 : i32
        %dma_start3A_93 = arith.constant 0 : i32
        %dma_start3A_94 = tpu.memref_slice %arg11[%dma_start3A_92, %dma_start3A_93] : memref<10112x128xf32, #tpu.memory_space<vmem_shared>> -> memref<10112x128xf32, #tpu.memory_space<vmem_shared>>
        tpu.enqueue_indirect_dma source(%arg10 : memref<128x128xf32, #tpu.memory_space<vmem>>) target(%dma_start3A_94 : memref<10112x128xf32, #tpu.memory_space<vmem_shared>>) offsets(%dma_start3A_91 : memref<128xi32, #tpu.memory_space<vmem>>) semaphore(%run_scoped3A_88 : memref<!tpu.dma_semaphore, #tpu.memory_space<semaphore_mem>>) {add = true}
        %dma_wait3A_95 = arith.constant 0 : i32
        %dma_wait3A_96 = tpu.memref_slice %arg8[%run_scoped3A_50, %dma_wait3A_95] : memref<64x128xi32, #tpu.memory_space<vmem>> -> memref<1x128xi32, #tpu.memory_space<vmem>>
        %dma_wait3A_97 = tpu.memref_squeeze %dma_wait3A_96 : memref<1x128xi32, #tpu.memory_space<vmem>> -> memref<128xi32, #tpu.memory_space<vmem>>
        %dma_wait3A_98 = arith.constant 0 : i32
        %dma_wait3A_99 = arith.constant 0 : i32
        %dma_wait3A_100 = tpu.memref_slice %arg11[%dma_wait3A_98, %dma_wait3A_99] : memref<10112x128xf32, #tpu.memory_space<vmem_shared>> -> memref<10112x128xf32, #tpu.memory_space<vmem_shared>>
        tpu.wait_indirect_dma semaphore(%run_scoped3A_88 : memref<!tpu.dma_semaphore, #tpu.memory_space<semaphore_mem>>) src(%arg10 : memref<128x128xf32, #tpu.memory_space<vmem>>) dst(%dma_wait3A_100 : memref<10112x128xf32, #tpu.memory_space<vmem_shared>>)
        tpu.yield
      }) : () -> ()
      %add3A_51 = arith.constant 16 : i32
      %add3A_52 = arith.addi %add3A_17, %add3A_51 : i32
      "tpu.region"() ({
        %run_scoped3A_88 = tpu.sem_alloc : memref<!tpu.dma_semaphore, #tpu.memory_space<semaphore_mem>>
        %dma_start3A_89 = arith.constant 0 : i32
        %dma_start3A_90 = arith.constant 0 : i32
        %dma_start3A_91 = tpu.memref_slice %arg7[%dma_start3A_89, %dma_start3A_90] : memref<64x128xi32, #tpu.memory_space<vmem>> -> memref<16x128xi32, #tpu.memory_space<vmem>>
        %dma_start3A_92 = arith.constant 0 : i32
        %dma_start3A_93 = tpu.memref_slice %arg3[%add3A_52, %dma_start3A_92] : memref<2560x128xi32, #tpu.memory_space<hbm>> -> memref<16x128xi32, #tpu.memory_space<hbm>>
        %dma_start3A_94 = arith.constant 0 : i32
        %dma_start3A_95 = arith.constant 0 : i32
        %dma_start3A_96 = tpu.memref_slice %arg7[%dma_start3A_94, %dma_start3A_95] : memref<64x128xi32, #tpu.memory_space<vmem>> -> memref<16x128xi32, #tpu.memory_space<vmem>>
        %dma_start3A_97 = arith.constant 0 : i32
        %dma_start3A_98 = tpu.memref_slice %arg3[%add3A_52, %dma_start3A_97] : memref<2560x128xi32, #tpu.memory_space<hbm>> -> memref<16x128xi32, #tpu.memory_space<hbm>>
        tpu.enqueue_dma source(%dma_start3A_98 : memref<16x128xi32, #tpu.memory_space<hbm>>) target(%dma_start3A_96 : memref<16x128xi32, #tpu.memory_space<vmem>>) target_semaphore(%run_scoped3A_88 : memref<!tpu.dma_semaphore, #tpu.memory_space<semaphore_mem>>)
        %dma_wait3A_99 = arith.constant 0 : i32
        %dma_wait3A_100 = arith.constant 0 : i32
        %dma_wait3A_101 = tpu.memref_slice %arg7[%dma_wait3A_99, %dma_wait3A_100] : memref<64x128xi32, #tpu.memory_space<vmem>> -> memref<16x128xi32, #tpu.memory_space<vmem>>
        %dma_wait3A_102 = arith.constant 0 : i32
        %dma_wait3A_103 = tpu.memref_slice %arg3[%add3A_52, %dma_wait3A_102] : memref<2560x128xi32, #tpu.memory_space<hbm>> -> memref<16x128xi32, #tpu.memory_space<hbm>>
        %dma_wait3A_104 = arith.constant 0 : i32
        %dma_wait3A_105 = arith.constant 0 : i32
        %dma_wait3A_106 = tpu.memref_slice %arg7[%dma_wait3A_104, %dma_wait3A_105] : memref<64x128xi32, #tpu.memory_space<vmem>> -> memref<16x128xi32, #tpu.memory_space<vmem>>
        %dma_wait3A_107 = arith.constant 0 : i32
        %dma_wait3A_108 = tpu.memref_slice %arg3[%add3A_52, %dma_wait3A_107] : memref<2560x128xi32, #tpu.memory_space<hbm>> -> memref<16x128xi32, #tpu.memory_space<hbm>>
        tpu.wait_dma2 semaphore(%run_scoped3A_88 : memref<!tpu.dma_semaphore, #tpu.memory_space<semaphore_mem>>) src(%dma_wait3A_108 : memref<16x128xi32, #tpu.memory_space<hbm>>) dst(%dma_wait3A_106 : memref<16x128xi32, #tpu.memory_space<vmem>>)
        tpu.yield
      }) : () -> ()
      "tpu.region"() ({
        %run_scoped3A_88 = tpu.sem_alloc : memref<!tpu.dma_semaphore, #tpu.memory_space<semaphore_mem>>
        %dma_start3A_89 = arith.constant 0 : i32
        %dma_start3A_90 = arith.constant 0 : i32
        %dma_start3A_91 = tpu.memref_slice %arg8[%dma_start3A_89, %dma_start3A_90] : memref<64x128xi32, #tpu.memory_space<vmem>> -> memref<16x128xi32, #tpu.memory_space<vmem>>
        %dma_start3A_92 = arith.constant 0 : i32
        %dma_start3A_93 = tpu.memref_slice %arg4[%add3A_52, %dma_start3A_92] : memref<2560x128xi32, #tpu.memory_space<hbm>> -> memref<16x128xi32, #tpu.memory_space<hbm>>
        %dma_start3A_94 = arith.constant 0 : i32
        %dma_start3A_95 = arith.constant 0 : i32
        %dma_start3A_96 = tpu.memref_slice %arg8[%dma_start3A_94, %dma_start3A_95] : memref<64x128xi32, #tpu.memory_space<vmem>> -> memref<16x128xi32, #tpu.memory_space<vmem>>
        %dma_start3A_97 = arith.constant 0 : i32
        %dma_start3A_98 = tpu.memref_slice %arg4[%add3A_52, %dma_start3A_97] : memref<2560x128xi32, #tpu.memory_space<hbm>> -> memref<16x128xi32, #tpu.memory_space<hbm>>
        tpu.enqueue_dma source(%dma_start3A_98 : memref<16x128xi32, #tpu.memory_space<hbm>>) target(%dma_start3A_96 : memref<16x128xi32, #tpu.memory_space<vmem>>) target_semaphore(%run_scoped3A_88 : memref<!tpu.dma_semaphore, #tpu.memory_space<semaphore_mem>>)
        %dma_wait3A_99 = arith.constant 0 : i32
        %dma_wait3A_100 = arith.constant 0 : i32
        %dma_wait3A_101 = tpu.memref_slice %arg8[%dma_wait3A_99, %dma_wait3A_100] : memref<64x128xi32, #tpu.memory_space<vmem>> -> memref<16x128xi32, #tpu.memory_space<vmem>>
        %dma_wait3A_102 = arith.constant 0 : i32
        %dma_wait3A_103 = tpu.memref_slice %arg4[%add3A_52, %dma_wait3A_102] : memref<2560x128xi32, #tpu.memory_space<hbm>> -> memref<16x128xi32, #tpu.memory_space<hbm>>
        %dma_wait3A_104 = arith.constant 0 : i32
        %dma_wait3A_105 = arith.constant 0 : i32
        %dma_wait3A_106 = tpu.memref_slice %arg8[%dma_wait3A_104, %dma_wait3A_105] : memref<64x128xi32, #tpu.memory_space<vmem>> -> memref<16x128xi32, #tpu.memory_space<vmem>>
        %dma_wait3A_107 = arith.constant 0 : i32
        %dma_wait3A_108 = tpu.memref_slice %arg4[%add3A_52, %dma_wait3A_107] : memref<2560x128xi32, #tpu.memory_space<hbm>> -> memref<16x128xi32, #tpu.memory_space<hbm>>
        tpu.wait_dma2 semaphore(%run_scoped3A_88 : memref<!tpu.dma_semaphore, #tpu.memory_space<semaphore_mem>>) src(%dma_wait3A_108 : memref<16x128xi32, #tpu.memory_space<hbm>>) dst(%dma_wait3A_106 : memref<16x128xi32, #tpu.memory_space<vmem>>)
        tpu.yield
      }) : () -> ()
      %dma_start3A_53 = arith.constant 0 : i32
      %dma_start3A_54 = arith.constant 0 : i32
      %dma_start3A_55 = tpu.memref_slice %arg7[%dma_start3A_53, %dma_start3A_54] : memref<64x128xi32, #tpu.memory_space<vmem>> -> memref<1x128xi32, #tpu.memory_space<vmem>>
      %dma_start3A_56 = tpu.memref_squeeze %dma_start3A_55 : memref<1x128xi32, #tpu.memory_space<vmem>> -> memref<128xi32, #tpu.memory_space<vmem>>
      %dma_start3A_57 = arith.constant 0 : i32
      %dma_start3A_58 = arith.constant 0 : i32
      %dma_start3A_59 = tpu.memref_slice %arg2[%dma_start3A_57, %dma_start3A_58] : memref<80000x128xf32, #tpu.memory_space<hbm>> -> memref<80000x128xf32, #tpu.memory_space<hbm>>
      tpu.enqueue_indirect_dma source(%dma_start3A_59 : memref<80000x128xf32, #tpu.memory_space<hbm>>) target(%arg9 : memref<128x128xf32, #tpu.memory_space<vmem>>) offsets(%dma_start3A_56 : memref<128xi32, #tpu.memory_space<vmem>>) semaphore(%arg12 : memref<!tpu.dma_semaphore, #tpu.memory_space<semaphore_mem>>)
      %scan3A_60 = arith.constant 0 : i32
      %scan3A_61 = arith.constant 7 : i32
      %scan3A_62 = arith.addi %scan3A_60, %scan3A_61 : i32
      %scan3A_63 = arith.constant 1 : i32
      scf.for %scan3A_88 = %scan3A_60 to %scan3A_62 step %scan3A_63  : i32 {
        %mul3A_89 = arith.constant 2 : i32
        %mul3A_90 = arith.muli %scan3A_88, %mul3A_89 : i32
        %add3A_91 = arith.constant 0 : i32
        %add3A_92 = arith.addi %add3A_91, %mul3A_90 : i32
        %add3A_93 = arith.constant 1 : i32
        %add3A_94 = arith.addi %add3A_92, %add3A_93 : i32
        %dma_start3A_95 = arith.constant 0 : i32
        %dma_start3A_96 = tpu.memref_slice %arg7[%add3A_94, %dma_start3A_95] : memref<64x128xi32, #tpu.memory_space<vmem>> -> memref<1x128xi32, #tpu.memory_space<vmem>>
        %dma_start3A_97 = tpu.memref_squeeze %dma_start3A_96 : memref<1x128xi32, #tpu.memory_space<vmem>> -> memref<128xi32, #tpu.memory_space<vmem>>
        %dma_start3A_98 = arith.constant 0 : i32
        %dma_start3A_99 = arith.constant 0 : i32
        %dma_start3A_100 = tpu.memref_slice %arg2[%dma_start3A_98, %dma_start3A_99] : memref<80000x128xf32, #tpu.memory_space<hbm>> -> memref<80000x128xf32, #tpu.memory_space<hbm>>
        tpu.enqueue_indirect_dma source(%dma_start3A_100 : memref<80000x128xf32, #tpu.memory_space<hbm>>) target(%arg10 : memref<128x128xf32, #tpu.memory_space<vmem>>) offsets(%dma_start3A_97 : memref<128xi32, #tpu.memory_space<vmem>>) semaphore(%arg12 : memref<!tpu.dma_semaphore, #tpu.memory_space<semaphore_mem>>)
        %dma_wait3A_101 = arith.constant 0 : i32
        %dma_wait3A_102 = arith.constant 0 : i32
        %dma_wait3A_103 = tpu.memref_slice %arg7[%dma_wait3A_101, %dma_wait3A_102] : memref<64x128xi32, #tpu.memory_space<vmem>> -> memref<1x128xi32, #tpu.memory_space<vmem>>
        %dma_wait3A_104 = tpu.memref_squeeze %dma_wait3A_103 : memref<1x128xi32, #tpu.memory_space<vmem>> -> memref<128xi32, #tpu.memory_space<vmem>>
        %dma_wait3A_105 = arith.constant 0 : i32
        %dma_wait3A_106 = arith.constant 0 : i32
        %dma_wait3A_107 = tpu.memref_slice %arg2[%dma_wait3A_105, %dma_wait3A_106] : memref<80000x128xf32, #tpu.memory_space<hbm>> -> memref<80000x128xf32, #tpu.memory_space<hbm>>
        tpu.wait_indirect_dma semaphore(%arg12 : memref<!tpu.dma_semaphore, #tpu.memory_space<semaphore_mem>>) src(%dma_wait3A_107 : memref<80000x128xf32, #tpu.memory_space<hbm>>) dst(%arg9 : memref<128x128xf32, #tpu.memory_space<vmem>>)
        "tpu.region"() ({
          %run_scoped3A_125 = tpu.sem_alloc : memref<!tpu.dma_semaphore, #tpu.memory_space<semaphore_mem>>
          %dma_start3A_126 = arith.constant 0 : i32
          %dma_start3A_127 = tpu.memref_slice %arg8[%add3A_92, %dma_start3A_126] : memref<64x128xi32, #tpu.memory_space<vmem>> -> memref<1x128xi32, #tpu.memory_space<vmem>>
          %dma_start3A_128 = tpu.memref_squeeze %dma_start3A_127 : memref<1x128xi32, #tpu.memory_space<vmem>> -> memref<128xi32, #tpu.memory_space<vmem>>
          %dma_start3A_129 = arith.constant 0 : i32
          %dma_start3A_130 = arith.constant 0 : i32
          %dma_start3A_131 = tpu.memref_slice %arg11[%dma_start3A_129, %dma_start3A_130] : memref<10112x128xf32, #tpu.memory_space<vmem_shared>> -> memref<10112x128xf32, #tpu.memory_space<vmem_shared>>
          tpu.enqueue_indirect_dma source(%arg9 : memref<128x128xf32, #tpu.memory_space<vmem>>) target(%dma_start3A_131 : memref<10112x128xf32, #tpu.memory_space<vmem_shared>>) offsets(%dma_start3A_128 : memref<128xi32, #tpu.memory_space<vmem>>) semaphore(%run_scoped3A_125 : memref<!tpu.dma_semaphore, #tpu.memory_space<semaphore_mem>>) {add = true}
          %dma_wait3A_132 = arith.constant 0 : i32
          %dma_wait3A_133 = tpu.memref_slice %arg8[%add3A_92, %dma_wait3A_132] : memref<64x128xi32, #tpu.memory_space<vmem>> -> memref<1x128xi32, #tpu.memory_space<vmem>>
          %dma_wait3A_134 = tpu.memref_squeeze %dma_wait3A_133 : memref<1x128xi32, #tpu.memory_space<vmem>> -> memref<128xi32, #tpu.memory_space<vmem>>
          %dma_wait3A_135 = arith.constant 0 : i32
          %dma_wait3A_136 = arith.constant 0 : i32
          %dma_wait3A_137 = tpu.memref_slice %arg11[%dma_wait3A_135, %dma_wait3A_136] : memref<10112x128xf32, #tpu.memory_space<vmem_shared>> -> memref<10112x128xf32, #tpu.memory_space<vmem_shared>>
          tpu.wait_indirect_dma semaphore(%run_scoped3A_125 : memref<!tpu.dma_semaphore, #tpu.memory_space<semaphore_mem>>) src(%arg9 : memref<128x128xf32, #tpu.memory_space<vmem>>) dst(%dma_wait3A_137 : memref<10112x128xf32, #tpu.memory_space<vmem_shared>>)
          tpu.yield
        }) : () -> ()
        %add3A_108 = arith.constant 2 : i32
        %add3A_109 = arith.addi %add3A_92, %add3A_108 : i32
        %dma_start3A_110 = arith.constant 0 : i32
        %dma_start3A_111 = tpu.memref_slice %arg7[%add3A_109, %dma_start3A_110] : memref<64x128xi32, #tpu.memory_space<vmem>> -> memref<1x128xi32, #tpu.memory_space<vmem>>
        %dma_start3A_112 = tpu.memref_squeeze %dma_start3A_111 : memref<1x128xi32, #tpu.memory_space<vmem>> -> memref<128xi32, #tpu.memory_space<vmem>>
        %dma_start3A_113 = arith.constant 0 : i32
        %dma_start3A_114 = arith.constant 0 : i32
        %dma_start3A_115 = tpu.memref_slice %arg2[%dma_start3A_113, %dma_start3A_114] : memref<80000x128xf32, #tpu.memory_space<hbm>> -> memref<80000x128xf32, #tpu.memory_space<hbm>>
        tpu.enqueue_indirect_dma source(%dma_start3A_115 : memref<80000x128xf32, #tpu.memory_space<hbm>>) target(%arg9 : memref<128x128xf32, #tpu.memory_space<vmem>>) offsets(%dma_start3A_112 : memref<128xi32, #tpu.memory_space<vmem>>) semaphore(%arg12 : memref<!tpu.dma_semaphore, #tpu.memory_space<semaphore_mem>>)
        %dma_wait3A_116 = arith.constant 0 : i32
        %dma_wait3A_117 = arith.constant 0 : i32
        %dma_wait3A_118 = tpu.memref_slice %arg7[%dma_wait3A_116, %dma_wait3A_117] : memref<64x128xi32, #tpu.memory_space<vmem>> -> memref<1x128xi32, #tpu.memory_space<vmem>>
        %dma_wait3A_119 = tpu.memref_squeeze %dma_wait3A_118 : memref<1x128xi32, #tpu.memory_space<vmem>> -> memref<128xi32, #tpu.memory_space<vmem>>
        %dma_wait3A_120 = arith.constant 0 : i32
        %dma_wait3A_121 = arith.constant 0 : i32
        %dma_wait3A_122 = tpu.memref_slice %arg2[%dma_wait3A_120, %dma_wait3A_121] : memref<80000x128xf32, #tpu.memory_space<hbm>> -> memref<80000x128xf32, #tpu.memory_space<hbm>>
        tpu.wait_indirect_dma semaphore(%arg12 : memref<!tpu.dma_semaphore, #tpu.memory_space<semaphore_mem>>) src(%dma_wait3A_122 : memref<80000x128xf32, #tpu.memory_space<hbm>>) dst(%arg10 : memref<128x128xf32, #tpu.memory_space<vmem>>)
        %add3A_123 = arith.constant 1 : i32
        %add3A_124 = arith.addi %add3A_92, %add3A_123 : i32
        "tpu.region"() ({
          %run_scoped3A_125 = tpu.sem_alloc : memref<!tpu.dma_semaphore, #tpu.memory_space<semaphore_mem>>
          %dma_start3A_126 = arith.constant 0 : i32
          %dma_start3A_127 = tpu.memref_slice %arg8[%add3A_124, %dma_start3A_126] : memref<64x128xi32, #tpu.memory_space<vmem>> -> memref<1x128xi32, #tpu.memory_space<vmem>>
          %dma_start3A_128 = tpu.memref_squeeze %dma_start3A_127 : memref<1x128xi32, #tpu.memory_space<vmem>> -> memref<128xi32, #tpu.memory_space<vmem>>
          %dma_start3A_129 = arith.constant 0 : i32
          %dma_start3A_130 = arith.constant 0 : i32
          %dma_start3A_131 = tpu.memref_slice %arg11[%dma_start3A_129, %dma_start3A_130] : memref<10112x128xf32, #tpu.memory_space<vmem_shared>> -> memref<10112x128xf32, #tpu.memory_space<vmem_shared>>
          tpu.enqueue_indirect_dma source(%arg10 : memref<128x128xf32, #tpu.memory_space<vmem>>) target(%dma_start3A_131 : memref<10112x128xf32, #tpu.memory_space<vmem_shared>>) offsets(%dma_start3A_128 : memref<128xi32, #tpu.memory_space<vmem>>) semaphore(%run_scoped3A_125 : memref<!tpu.dma_semaphore, #tpu.memory_space<semaphore_mem>>) {add = true}
          %dma_wait3A_132 = arith.constant 0 : i32
          %dma_wait3A_133 = tpu.memref_slice %arg8[%add3A_124, %dma_wait3A_132] : memref<64x128xi32, #tpu.memory_space<vmem>> -> memref<1x128xi32, #tpu.memory_space<vmem>>
          %dma_wait3A_134 = tpu.memref_squeeze %dma_wait3A_133 : memref<1x128xi32, #tpu.memory_space<vmem>> -> memref<128xi32, #tpu.memory_space<vmem>>
          %dma_wait3A_135 = arith.constant 0 : i32
          %dma_wait3A_136 = arith.constant 0 : i32
          %dma_wait3A_137 = tpu.memref_slice %arg11[%dma_wait3A_135, %dma_wait3A_136] : memref<10112x128xf32, #tpu.memory_space<vmem_shared>> -> memref<10112x128xf32, #tpu.memory_space<vmem_shared>>
          tpu.wait_indirect_dma semaphore(%run_scoped3A_125 : memref<!tpu.dma_semaphore, #tpu.memory_space<semaphore_mem>>) src(%arg10 : memref<128x128xf32, #tpu.memory_space<vmem>>) dst(%dma_wait3A_137 : memref<10112x128xf32, #tpu.memory_space<vmem_shared>>)
          tpu.yield
        }) : () -> ()
      }
      %scan3A_64 = arith.constant 7 : i32
      %dma_start3A_65 = arith.constant 15 : i32
      %dma_start3A_66 = arith.constant 0 : i32
      %dma_start3A_67 = tpu.memref_slice %arg7[%dma_start3A_65, %dma_start3A_66] : memref<64x128xi32, #tpu.memory_space<vmem>> -> memref<1x128xi32, #tpu.memory_space<vmem>>
      %dma_start3A_68 = tpu.memref_squeeze %dma_start3A_67 : memref<1x128xi32, #tpu.memory_space<vmem>> -> memref<128xi32, #tpu.memory_space<vmem>>
      %dma_start3A_69 = arith.constant 0 : i32
      %dma_start3A_70 = arith.constant 0 : i32
      %dma_start3A_71 = tpu.memref_slice %arg2[%dma_start3A_69, %dma_start3A_70] : memref<80000x128xf32, #tpu.memory_space<hbm>> -> memref<80000x128xf32, #tpu.memory_space<hbm>>
      tpu.enqueue_indirect_dma source(%dma_start3A_71 : memref<80000x128xf32, #tpu.memory_space<hbm>>) target(%arg10 : memref<128x128xf32, #tpu.memory_space<vmem>>) offsets(%dma_start3A_68 : memref<128xi32, #tpu.memory_space<vmem>>) semaphore(%arg12 : memref<!tpu.dma_semaphore, #tpu.memory_space<semaphore_mem>>)
      %dma_wait3A_72 = arith.constant 0 : i32
      %dma_wait3A_73 = arith.constant 0 : i32
      %dma_wait3A_74 = tpu.memref_slice %arg7[%dma_wait3A_72, %dma_wait3A_73] : memref<64x128xi32, #tpu.memory_space<vmem>> -> memref<1x128xi32, #tpu.memory_space<vmem>>
      %dma_wait3A_75 = tpu.memref_squeeze %dma_wait3A_74 : memref<1x128xi32, #tpu.memory_space<vmem>> -> memref<128xi32, #tpu.memory_space<vmem>>
      %dma_wait3A_76 = arith.constant 0 : i32
      %dma_wait3A_77 = arith.constant 0 : i32
      %dma_wait3A_78 = tpu.memref_slice %arg2[%dma_wait3A_76, %dma_wait3A_77] : memref<80000x128xf32, #tpu.memory_space<hbm>> -> memref<80000x128xf32, #tpu.memory_space<hbm>>
      tpu.wait_indirect_dma semaphore(%arg12 : memref<!tpu.dma_semaphore, #tpu.memory_space<semaphore_mem>>) src(%dma_wait3A_78 : memref<80000x128xf32, #tpu.memory_space<hbm>>) dst(%arg9 : memref<128x128xf32, #tpu.memory_space<vmem>>)
      %run_scoped3A_79 = arith.constant 14 : i32
      "tpu.region"() ({
        %run_scoped3A_88 = tpu.sem_alloc : memref<!tpu.dma_semaphore, #tpu.memory_space<semaphore_mem>>
        %dma_start3A_89 = arith.constant 0 : i32
        %dma_start3A_90 = tpu.memref_slice %arg8[%run_scoped3A_79, %dma_start3A_89] : memref<64x128xi32, #tpu.memory_space<vmem>> -> memref<1x128xi32, #tpu.memory_space<vmem>>
        %dma_start3A_91 = tpu.memref_squeeze %dma_start3A_90 : memref<1x128xi32, #tpu.memory_space<vmem>> -> memref<128xi32, #tpu.memory_space<vmem>>
        %dma_start3A_92 = arith.constant 0 : i32
        %dma_start3A_93 = arith.constant 0 : i32
        %dma_start3A_94 = tpu.memref_slice %arg11[%dma_start3A_92, %dma_start3A_93] : memref<10112x128xf32, #tpu.memory_space<vmem_shared>> -> memref<10112x128xf32, #tpu.memory_space<vmem_shared>>
        tpu.enqueue_indirect_dma source(%arg9 : memref<128x128xf32, #tpu.memory_space<vmem>>) target(%dma_start3A_94 : memref<10112x128xf32, #tpu.memory_space<vmem_shared>>) offsets(%dma_start3A_91 : memref<128xi32, #tpu.memory_space<vmem>>) semaphore(%run_scoped3A_88 : memref<!tpu.dma_semaphore, #tpu.memory_space<semaphore_mem>>) {add = true}
        %dma_wait3A_95 = arith.constant 0 : i32
        %dma_wait3A_96 = tpu.memref_slice %arg8[%run_scoped3A_79, %dma_wait3A_95] : memref<64x128xi32, #tpu.memory_space<vmem>> -> memref<1x128xi32, #tpu.memory_space<vmem>>
        %dma_wait3A_97 = tpu.memref_squeeze %dma_wait3A_96 : memref<1x128xi32, #tpu.memory_space<vmem>> -> memref<128xi32, #tpu.memory_space<vmem>>
        %dma_wait3A_98 = arith.constant 0 : i32
        %dma_wait3A_99 = arith.constant 0 : i32
        %dma_wait3A_100 = tpu.memref_slice %arg11[%dma_wait3A_98, %dma_wait3A_99] : memref<10112x128xf32, #tpu.memory_space<vmem_shared>> -> memref<10112x128xf32, #tpu.memory_space<vmem_shared>>
        tpu.wait_indirect_dma semaphore(%run_scoped3A_88 : memref<!tpu.dma_semaphore, #tpu.memory_space<semaphore_mem>>) src(%arg9 : memref<128x128xf32, #tpu.memory_space<vmem>>) dst(%dma_wait3A_100 : memref<10112x128xf32, #tpu.memory_space<vmem_shared>>)
        tpu.yield
      }) : () -> ()
      %dma_wait3A_80 = arith.constant 0 : i32
      %dma_wait3A_81 = arith.constant 0 : i32
      %dma_wait3A_82 = tpu.memref_slice %arg7[%dma_wait3A_80, %dma_wait3A_81] : memref<64x128xi32, #tpu.memory_space<vmem>> -> memref<1x128xi32, #tpu.memory_space<vmem>>
      %dma_wait3A_83 = tpu.memref_squeeze %dma_wait3A_82 : memref<1x128xi32, #tpu.memory_space<vmem>> -> memref<128xi32, #tpu.memory_space<vmem>>
      %dma_wait3A_84 = arith.constant 0 : i32
      %dma_wait3A_85 = arith.constant 0 : i32
      %dma_wait3A_86 = tpu.memref_slice %arg2[%dma_wait3A_84, %dma_wait3A_85] : memref<80000x128xf32, #tpu.memory_space<hbm>> -> memref<80000x128xf32, #tpu.memory_space<hbm>>
      tpu.wait_indirect_dma semaphore(%arg12 : memref<!tpu.dma_semaphore, #tpu.memory_space<semaphore_mem>>) src(%dma_wait3A_86 : memref<80000x128xf32, #tpu.memory_space<hbm>>) dst(%arg10 : memref<128x128xf32, #tpu.memory_space<vmem>>)
      %run_scoped3A_87 = arith.constant 15 : i32
      "tpu.region"() ({
        %run_scoped3A_88 = tpu.sem_alloc : memref<!tpu.dma_semaphore, #tpu.memory_space<semaphore_mem>>
        %dma_start3A_89 = arith.constant 0 : i32
        %dma_start3A_90 = tpu.memref_slice %arg8[%run_scoped3A_87, %dma_start3A_89] : memref<64x128xi32, #tpu.memory_space<vmem>> -> memref<1x128xi32, #tpu.memory_space<vmem>>
        %dma_start3A_91 = tpu.memref_squeeze %dma_start3A_90 : memref<1x128xi32, #tpu.memory_space<vmem>> -> memref<128xi32, #tpu.memory_space<vmem>>
        %dma_start3A_92 = arith.constant 0 : i32
        %dma_start3A_93 = arith.constant 0 : i32
        %dma_start3A_94 = tpu.memref_slice %arg11[%dma_start3A_92, %dma_start3A_93] : memref<10112x128xf32, #tpu.memory_space<vmem_shared>> -> memref<10112x128xf32, #tpu.memory_space<vmem_shared>>
        tpu.enqueue_indirect_dma source(%arg10 : memref<128x128xf32, #tpu.memory_space<vmem>>) target(%dma_start3A_94 : memref<10112x128xf32, #tpu.memory_space<vmem_shared>>) offsets(%dma_start3A_91 : memref<128xi32, #tpu.memory_space<vmem>>) semaphore(%run_scoped3A_88 : memref<!tpu.dma_semaphore, #tpu.memory_space<semaphore_mem>>) {add = true}
        %dma_wait3A_95 = arith.constant 0 : i32
        %dma_wait3A_96 = tpu.memref_slice %arg8[%run_scoped3A_87, %dma_wait3A_95] : memref<64x128xi32, #tpu.memory_space<vmem>> -> memref<1x128xi32, #tpu.memory_space<vmem>>
        %dma_wait3A_97 = tpu.memref_squeeze %dma_wait3A_96 : memref<1x128xi32, #tpu.memory_space<vmem>> -> memref<128xi32, #tpu.memory_space<vmem>>
        %dma_wait3A_98 = arith.constant 0 : i32
        %dma_wait3A_99 = arith.constant 0 : i32
        %dma_wait3A_100 = tpu.memref_slice %arg11[%dma_wait3A_98, %dma_wait3A_99] : memref<10112x128xf32, #tpu.memory_space<vmem_shared>> -> memref<10112x128xf32, #tpu.memory_space<vmem_shared>>
        tpu.wait_indirect_dma semaphore(%run_scoped3A_88 : memref<!tpu.dma_semaphore, #tpu.memory_space<semaphore_mem>>) src(%arg10 : memref<128x128xf32, #tpu.memory_space<vmem>>) dst(%dma_wait3A_100 : memref<10112x128xf32, #tpu.memory_space<vmem_shared>>)
        tpu.yield
      }) : () -> ()
    } else {
    }
    %barrier3A_10 = arith.constant 0 : index
    tpu.barrier barrier_id(%barrier3A_10)
    %mul3A_11 = arith.constant 632 : i32
    %mul3A_12 = arith.muli %arg1, %mul3A_11 : i32
    %mul3A_13 = arith.constant 632 : i32
    %mul3A_14 = arith.muli %arg1, %mul3A_13 : i32
    "tpu.region"() ({
      %run_scoped3A = tpu.sem_alloc : memref<!tpu.dma_semaphore, #tpu.memory_space<semaphore_mem>>
      %dma_start3A = arith.constant 0 : i32
      %dma_start3A_15 = tpu.memref_slice %arg6[%arg0, %mul3A_14, %dma_start3A] : memref<2x10112x128xf32, #tpu.memory_space<hbm>> -> memref<1x632x128xf32, #tpu.memory_space<hbm>>
      %dma_start3A_16 = tpu.memref_squeeze %dma_start3A_15 : memref<1x632x128xf32, #tpu.memory_space<hbm>> -> memref<632x128xf32, #tpu.memory_space<hbm>>
      %dma_start3A_17 = arith.constant 0 : i32
      %dma_start3A_18 = tpu.memref_slice %arg11[%mul3A_12, %dma_start3A_17] : memref<10112x128xf32, #tpu.memory_space<vmem_shared>> -> memref<632x128xf32, #tpu.memory_space<vmem_shared>>
      tpu.enqueue_dma source(%dma_start3A_18 : memref<632x128xf32, #tpu.memory_space<vmem_shared>>) target(%dma_start3A_16 : memref<632x128xf32, #tpu.memory_space<hbm>>) target_semaphore(%run_scoped3A : memref<!tpu.dma_semaphore, #tpu.memory_space<semaphore_mem>>)
      %dma_wait3A = arith.constant 0 : i32
      %dma_wait3A_19 = tpu.memref_slice %arg6[%arg0, %mul3A_14, %dma_wait3A] : memref<2x10112x128xf32, #tpu.memory_space<hbm>> -> memref<1x632x128xf32, #tpu.memory_space<hbm>>
      %dma_wait3A_20 = tpu.memref_squeeze %dma_wait3A_19 : memref<1x632x128xf32, #tpu.memory_space<hbm>> -> memref<632x128xf32, #tpu.memory_space<hbm>>
      %dma_wait3A_21 = arith.constant 0 : i32
      %dma_wait3A_22 = tpu.memref_slice %arg11[%mul3A_12, %dma_wait3A_21] : memref<10112x128xf32, #tpu.memory_space<vmem_shared>> -> memref<632x128xf32, #tpu.memory_space<vmem_shared>>
      tpu.wait_dma2 semaphore(%run_scoped3A : memref<!tpu.dma_semaphore, #tpu.memory_space<semaphore_mem>>) src(%dma_wait3A_22 : memref<632x128xf32, #tpu.memory_space<vmem_shared>>) dst(%dma_wait3A_20 : memref<632x128xf32, #tpu.memory_space<hbm>>)
      tpu.yield
    }) : () -> ()
    return
  }
}

module attributes {stable_mosaic.version = 14 : i64} {
  func.func @_linear_table_body(%arg0: i32, %arg1: memref<1000x128xf32, #tpu.memory_space<vmem>>, %arg2: memref<128x128xf32, #tpu.memory_space<vmem>>, %arg3: memref<1x128xf32, #tpu.memory_space<vmem>>, %arg4: memref<8x128x128xf32, #tpu.memory_space<vmem>>, %arg5: memref<8x1x128xf32, #tpu.memory_space<vmem>>, %arg6: memref<1000x128xf32, #tpu.memory_space<vmem>>, %arg7: memref<8x1000x128xf32, #tpu.memory_space<vmem>>) attributes {dimension_semantics = [#tpu.dimension_semantics<arbitrary>], iteration_bounds = array<i64: 10>, scalar_prefetch = 0 : i64, scratch_operands = 0 : i64, tpu.core_type = #tpu.core_type<tc>, window_params = [{transform_indices = @transform_0, window_bounds = array<i64: 1000, 128>}, {pipeline_mode = #tpu.pipeline_mode<synchronous>, transform_indices = @transform_1, window_bounds = array<i64: 128, 128>}, {pipeline_mode = #tpu.pipeline_mode<synchronous>, transform_indices = @transform_2, window_bounds = array<i64: 1, 128>}, {pipeline_mode = #tpu.pipeline_mode<synchronous>, transform_indices = @transform_3, window_bounds = array<i64: 8, 128, 128>}, {pipeline_mode = #tpu.pipeline_mode<synchronous>, transform_indices = @transform_4, window_bounds = array<i64: 8, 1, 128>}, {transform_indices = @transform_5, window_bounds = array<i64: 1000, 128>}, {transform_indices = @transform_6, window_bounds = array<i64: 8, 1000, 128>}]} {
    %get3A = arith.constant 0 : index
    %get3A_0 = arith.constant 0 : index
    %get3A_1 = vector.load %arg1[%get3A, %get3A_0] : memref<1000x128xf32, #tpu.memory_space<vmem>>, vector<1000x128xf32>
    %get3A_2 = arith.constant 0 : index
    %get3A_3 = arith.constant 0 : index
    %get3A_4 = vector.load %arg2[%get3A_2, %get3A_3] : memref<128x128xf32, #tpu.memory_space<vmem>>, vector<128x128xf32>
    %dot_general3A = arith.constant dense<0.000000e+00> : vector<1000x128xf32>
    %dot_general3A_5 = tpu.matmul %get3A_1, %get3A_4, %dot_general3A {dimension_numbers = #tpu.dot_dimension_numbers<[1], [1], [0], [0], [0, 0, 1, 0], [], []>, transpose_lhs_hint = false} : vector<1000x128xf32>, vector<128x128xf32>, vector<1000x128xf32> -> vector<1000x128xf32>
    %get3A_6 = arith.constant 0 : index
    %get3A_7 = arith.constant 0 : index
    %get3A_8 = vector.load %arg3[%get3A_6, %get3A_7] : memref<1x128xf32, #tpu.memory_space<vmem>>, vector<1x128xf32>
    %get3A_9 = vector.shape_cast %get3A_8 : vector<1x128xf32> to vector<128xf32>
    %broadcast_in_dim3A = vector.shape_cast %get3A_9 : vector<128xf32> to vector<1x128xf32>
    %add3A = vector.broadcast %broadcast_in_dim3A : vector<1x128xf32> to vector<1000x128xf32>
    %add3A_10 = arith.addf %dot_general3A_5, %add3A : vector<1000x128xf32>
    %swap3A = arith.constant 0 : index
    %swap3A_11 = arith.constant 0 : index
    %swap3A_12 = vector.load %arg6[%swap3A, %swap3A_11] : memref<1000x128xf32, #tpu.memory_space<vmem>>, vector<1000x128xf32>
    tpu.vector_store %arg6[%swap3A, %swap3A_11], %add3A_10 {strides = array<i32>} : memref<1000x128xf32, #tpu.memory_space<vmem>>, vector<1000x128xf32>,
    %get3A_13 = arith.constant 0 : index
    %get3A_14 = arith.constant 0 : index
    %get3A_15 = arith.constant 0 : index
    %get3A_16 = vector.load %arg4[%get3A_13, %get3A_14, %get3A_15] : memref<8x128x128xf32, #tpu.memory_space<vmem>>, vector<1x128x128xf32>
    %get3A_17 = vector.shape_cast %get3A_16 : vector<1x128x128xf32> to vector<128x128xf32>
    %dot_general3A_18 = arith.constant dense<0.000000e+00> : vector<1000x128xf32>
    %dot_general3A_19 = tpu.matmul %add3A_10, %get3A_17, %dot_general3A_18 {dimension_numbers = #tpu.dot_dimension_numbers<[1], [1], [0], [0], [0, 0, 1, 0], [], []>, transpose_lhs_hint = false} : vector<1000x128xf32>, vector<128x128xf32>, vector<1000x128xf32> -> vector<1000x128xf32>
    %get3A_20 = arith.constant 0 : index
    %get3A_21 = arith.constant 0 : index
    %get3A_22 = arith.constant 0 : index
    %get3A_23 = vector.load %arg5[%get3A_20, %get3A_21, %get3A_22] : memref<8x1x128xf32, #tpu.memory_space<vmem>>, vector<1x1x128xf32>
    %get3A_24 = vector.shape_cast %get3A_23 : vector<1x1x128xf32> to vector<1x128xf32>
    %add3A_25 = vector.broadcast %get3A_24 : vector<1x128xf32> to vector<1000x128xf32>
    %add3A_26 = arith.addf %dot_general3A_19, %add3A_25 : vector<1000x128xf32>
    %swap3A_27 = arith.constant 0 : index
    %swap3A_28 = arith.constant 0 : index
    %swap3A_29 = arith.constant 0 : index
    %swap3A_30 = vector.load %arg7[%swap3A_27, %swap3A_28, %swap3A_29] : memref<8x1000x128xf32, #tpu.memory_space<vmem>>, vector<1x1000x128xf32>
    %swap3A_31 = vector.shape_cast %swap3A_30 : vector<1x1000x128xf32> to vector<1000x128xf32>
    %swap3A_32 = vector.shape_cast %add3A_26 : vector<1000x128xf32> to vector<1x1000x128xf32>
    tpu.vector_store %arg7[%swap3A_27, %swap3A_28, %swap3A_29], %swap3A_32 {strides = array<i32>} : memref<8x1000x128xf32, #tpu.memory_space<vmem>>, vector<1x1000x128xf32>,
    %get3A_33 = arith.constant 1 : index
    %get3A_34 = arith.constant 0 : index
    %get3A_35 = arith.constant 0 : index
    %get3A_36 = vector.load %arg4[%get3A_33, %get3A_34, %get3A_35] : memref<8x128x128xf32, #tpu.memory_space<vmem>>, vector<1x128x128xf32>
    %get3A_37 = vector.shape_cast %get3A_36 : vector<1x128x128xf32> to vector<128x128xf32>
    %dot_general3A_38 = arith.constant dense<0.000000e+00> : vector<1000x128xf32>
    %dot_general3A_39 = tpu.matmul %add3A_10, %get3A_37, %dot_general3A_38 {dimension_numbers = #tpu.dot_dimension_numbers<[1], [1], [0], [0], [0, 0, 1, 0], [], []>, transpose_lhs_hint = false} : vector<1000x128xf32>, vector<128x128xf32>, vector<1000x128xf32> -> vector<1000x128xf32>
    %get3A_40 = arith.constant 1 : index
    %get3A_41 = arith.constant 0 : index
    %get3A_42 = arith.constant 0 : index
    %get3A_43 = vector.load %arg5[%get3A_40, %get3A_41, %get3A_42] : memref<8x1x128xf32, #tpu.memory_space<vmem>>, vector<1x1x128xf32>
    %get3A_44 = vector.shape_cast %get3A_43 : vector<1x1x128xf32> to vector<1x128xf32>
    %add3A_45 = vector.broadcast %get3A_44 : vector<1x128xf32> to vector<1000x128xf32>
    %add3A_46 = arith.addf %dot_general3A_39, %add3A_45 : vector<1000x128xf32>
    %swap3A_47 = arith.constant 1 : index
    %swap3A_48 = arith.constant 0 : index
    %swap3A_49 = arith.constant 0 : index
    %swap3A_50 = vector.load %arg7[%swap3A_47, %swap3A_48, %swap3A_49] : memref<8x1000x128xf32, #tpu.memory_space<vmem>>, vector<1x1000x128xf32>
    %swap3A_51 = vector.shape_cast %swap3A_50 : vector<1x1000x128xf32> to vector<1000x128xf32>
    %swap3A_52 = vector.shape_cast %add3A_46 : vector<1000x128xf32> to vector<1x1000x128xf32>
    tpu.vector_store %arg7[%swap3A_47, %swap3A_48, %swap3A_49], %swap3A_52 {strides = array<i32>} : memref<8x1000x128xf32, #tpu.memory_space<vmem>>, vector<1x1000x128xf32>,
    %get3A_53 = arith.constant 2 : index
    %get3A_54 = arith.constant 0 : index
    %get3A_55 = arith.constant 0 : index
    %get3A_56 = vector.load %arg4[%get3A_53, %get3A_54, %get3A_55] : memref<8x128x128xf32, #tpu.memory_space<vmem>>, vector<1x128x128xf32>
    %get3A_57 = vector.shape_cast %get3A_56 : vector<1x128x128xf32> to vector<128x128xf32>
    %dot_general3A_58 = arith.constant dense<0.000000e+00> : vector<1000x128xf32>
    %dot_general3A_59 = tpu.matmul %add3A_10, %get3A_57, %dot_general3A_58 {dimension_numbers = #tpu.dot_dimension_numbers<[1], [1], [0], [0], [0, 0, 1, 0], [], []>, transpose_lhs_hint = false} : vector<1000x128xf32>, vector<128x128xf32>, vector<1000x128xf32> -> vector<1000x128xf32>
    %get3A_60 = arith.constant 2 : index
    %get3A_61 = arith.constant 0 : index
    %get3A_62 = arith.constant 0 : index
    %get3A_63 = vector.load %arg5[%get3A_60, %get3A_61, %get3A_62] : memref<8x1x128xf32, #tpu.memory_space<vmem>>, vector<1x1x128xf32>
    %get3A_64 = vector.shape_cast %get3A_63 : vector<1x1x128xf32> to vector<1x128xf32>
    %add3A_65 = vector.broadcast %get3A_64 : vector<1x128xf32> to vector<1000x128xf32>
    %add3A_66 = arith.addf %dot_general3A_59, %add3A_65 : vector<1000x128xf32>
    %swap3A_67 = arith.constant 2 : index
    %swap3A_68 = arith.constant 0 : index
    %swap3A_69 = arith.constant 0 : index
    %swap3A_70 = vector.load %arg7[%swap3A_67, %swap3A_68, %swap3A_69] : memref<8x1000x128xf32, #tpu.memory_space<vmem>>, vector<1x1000x128xf32>
    %swap3A_71 = vector.shape_cast %swap3A_70 : vector<1x1000x128xf32> to vector<1000x128xf32>
    %swap3A_72 = vector.shape_cast %add3A_66 : vector<1000x128xf32> to vector<1x1000x128xf32>
    tpu.vector_store %arg7[%swap3A_67, %swap3A_68, %swap3A_69], %swap3A_72 {strides = array<i32>} : memref<8x1000x128xf32, #tpu.memory_space<vmem>>, vector<1x1000x128xf32>,
    %get3A_73 = arith.constant 3 : index
    %get3A_74 = arith.constant 0 : index
    %get3A_75 = arith.constant 0 : index
    %get3A_76 = vector.load %arg4[%get3A_73, %get3A_74, %get3A_75] : memref<8x128x128xf32, #tpu.memory_space<vmem>>, vector<1x128x128xf32>
    %get3A_77 = vector.shape_cast %get3A_76 : vector<1x128x128xf32> to vector<128x128xf32>
    %dot_general3A_78 = arith.constant dense<0.000000e+00> : vector<1000x128xf32>
    %dot_general3A_79 = tpu.matmul %add3A_10, %get3A_77, %dot_general3A_78 {dimension_numbers = #tpu.dot_dimension_numbers<[1], [1], [0], [0], [0, 0, 1, 0], [], []>, transpose_lhs_hint = false} : vector<1000x128xf32>, vector<128x128xf32>, vector<1000x128xf32> -> vector<1000x128xf32>
    %get3A_80 = arith.constant 3 : index
    %get3A_81 = arith.constant 0 : index
    %get3A_82 = arith.constant 0 : index
    %get3A_83 = vector.load %arg5[%get3A_80, %get3A_81, %get3A_82] : memref<8x1x128xf32, #tpu.memory_space<vmem>>, vector<1x1x128xf32>
    %get3A_84 = vector.shape_cast %get3A_83 : vector<1x1x128xf32> to vector<1x128xf32>
    %add3A_85 = vector.broadcast %get3A_84 : vector<1x128xf32> to vector<1000x128xf32>
    %add3A_86 = arith.addf %dot_general3A_79, %add3A_85 : vector<1000x128xf32>
    %swap3A_87 = arith.constant 3 : index
    %swap3A_88 = arith.constant 0 : index
    %swap3A_89 = arith.constant 0 : index
    %swap3A_90 = vector.load %arg7[%swap3A_87, %swap3A_88, %swap3A_89] : memref<8x1000x128xf32, #tpu.memory_space<vmem>>, vector<1x1000x128xf32>
    %swap3A_91 = vector.shape_cast %swap3A_90 : vector<1x1000x128xf32> to vector<1000x128xf32>
    %swap3A_92 = vector.shape_cast %add3A_86 : vector<1000x128xf32> to vector<1x1000x128xf32>
    tpu.vector_store %arg7[%swap3A_87, %swap3A_88, %swap3A_89], %swap3A_92 {strides = array<i32>} : memref<8x1000x128xf32, #tpu.memory_space<vmem>>, vector<1x1000x128xf32>,
    %get3A_93 = arith.constant 4 : index
    %get3A_94 = arith.constant 0 : index
    %get3A_95 = arith.constant 0 : index
    %get3A_96 = vector.load %arg4[%get3A_93, %get3A_94, %get3A_95] : memref<8x128x128xf32, #tpu.memory_space<vmem>>, vector<1x128x128xf32>
    %get3A_97 = vector.shape_cast %get3A_96 : vector<1x128x128xf32> to vector<128x128xf32>
    %dot_general3A_98 = arith.constant dense<0.000000e+00> : vector<1000x128xf32>
    %dot_general3A_99 = tpu.matmul %add3A_10, %get3A_97, %dot_general3A_98 {dimension_numbers = #tpu.dot_dimension_numbers<[1], [1], [0], [0], [0, 0, 1, 0], [], []>, transpose_lhs_hint = false} : vector<1000x128xf32>, vector<128x128xf32>, vector<1000x128xf32> -> vector<1000x128xf32>
    %get3A_100 = arith.constant 4 : index
    %get3A_101 = arith.constant 0 : index
    %get3A_102 = arith.constant 0 : index
    %get3A_103 = vector.load %arg5[%get3A_100, %get3A_101, %get3A_102] : memref<8x1x128xf32, #tpu.memory_space<vmem>>, vector<1x1x128xf32>
    %get3A_104 = vector.shape_cast %get3A_103 : vector<1x1x128xf32> to vector<1x128xf32>
    %add3A_105 = vector.broadcast %get3A_104 : vector<1x128xf32> to vector<1000x128xf32>
    %add3A_106 = arith.addf %dot_general3A_99, %add3A_105 : vector<1000x128xf32>
    %swap3A_107 = arith.constant 4 : index
    %swap3A_108 = arith.constant 0 : index
    %swap3A_109 = arith.constant 0 : index
    %swap3A_110 = vector.load %arg7[%swap3A_107, %swap3A_108, %swap3A_109] : memref<8x1000x128xf32, #tpu.memory_space<vmem>>, vector<1x1000x128xf32>
    %swap3A_111 = vector.shape_cast %swap3A_110 : vector<1x1000x128xf32> to vector<1000x128xf32>
    %swap3A_112 = vector.shape_cast %add3A_106 : vector<1000x128xf32> to vector<1x1000x128xf32>
    tpu.vector_store %arg7[%swap3A_107, %swap3A_108, %swap3A_109], %swap3A_112 {strides = array<i32>} : memref<8x1000x128xf32, #tpu.memory_space<vmem>>, vector<1x1000x128xf32>,
    %get3A_113 = arith.constant 5 : index
    %get3A_114 = arith.constant 0 : index
    %get3A_115 = arith.constant 0 : index
    %get3A_116 = vector.load %arg4[%get3A_113, %get3A_114, %get3A_115] : memref<8x128x128xf32, #tpu.memory_space<vmem>>, vector<1x128x128xf32>
    %get3A_117 = vector.shape_cast %get3A_116 : vector<1x128x128xf32> to vector<128x128xf32>
    %dot_general3A_118 = arith.constant dense<0.000000e+00> : vector<1000x128xf32>
    %dot_general3A_119 = tpu.matmul %add3A_10, %get3A_117, %dot_general3A_118 {dimension_numbers = #tpu.dot_dimension_numbers<[1], [1], [0], [0], [0, 0, 1, 0], [], []>, transpose_lhs_hint = false} : vector<1000x128xf32>, vector<128x128xf32>, vector<1000x128xf32> -> vector<1000x128xf32>
    %get3A_120 = arith.constant 5 : index
    %get3A_121 = arith.constant 0 : index
    %get3A_122 = arith.constant 0 : index
    %get3A_123 = vector.load %arg5[%get3A_120, %get3A_121, %get3A_122] : memref<8x1x128xf32, #tpu.memory_space<vmem>>, vector<1x1x128xf32>
    %get3A_124 = vector.shape_cast %get3A_123 : vector<1x1x128xf32> to vector<1x128xf32>
    %add3A_125 = vector.broadcast %get3A_124 : vector<1x128xf32> to vector<1000x128xf32>
    %add3A_126 = arith.addf %dot_general3A_119, %add3A_125 : vector<1000x128xf32>
    %swap3A_127 = arith.constant 5 : index
    %swap3A_128 = arith.constant 0 : index
    %swap3A_129 = arith.constant 0 : index
    %swap3A_130 = vector.load %arg7[%swap3A_127, %swap3A_128, %swap3A_129] : memref<8x1000x128xf32, #tpu.memory_space<vmem>>, vector<1x1000x128xf32>
    %swap3A_131 = vector.shape_cast %swap3A_130 : vector<1x1000x128xf32> to vector<1000x128xf32>
    %swap3A_132 = vector.shape_cast %add3A_126 : vector<1000x128xf32> to vector<1x1000x128xf32>
    tpu.vector_store %arg7[%swap3A_127, %swap3A_128, %swap3A_129], %swap3A_132 {strides = array<i32>} : memref<8x1000x128xf32, #tpu.memory_space<vmem>>, vector<1x1000x128xf32>,
    %get3A_133 = arith.constant 6 : index
    %get3A_134 = arith.constant 0 : index
    %get3A_135 = arith.constant 0 : index
    %get3A_136 = vector.load %arg4[%get3A_133, %get3A_134, %get3A_135] : memref<8x128x128xf32, #tpu.memory_space<vmem>>, vector<1x128x128xf32>
    %get3A_137 = vector.shape_cast %get3A_136 : vector<1x128x128xf32> to vector<128x128xf32>
    %dot_general3A_138 = arith.constant dense<0.000000e+00> : vector<1000x128xf32>
    %dot_general3A_139 = tpu.matmul %add3A_10, %get3A_137, %dot_general3A_138 {dimension_numbers = #tpu.dot_dimension_numbers<[1], [1], [0], [0], [0, 0, 1, 0], [], []>, transpose_lhs_hint = false} : vector<1000x128xf32>, vector<128x128xf32>, vector<1000x128xf32> -> vector<1000x128xf32>
    %get3A_140 = arith.constant 6 : index
    %get3A_141 = arith.constant 0 : index
    %get3A_142 = arith.constant 0 : index
    %get3A_143 = vector.load %arg5[%get3A_140, %get3A_141, %get3A_142] : memref<8x1x128xf32, #tpu.memory_space<vmem>>, vector<1x1x128xf32>
    %get3A_144 = vector.shape_cast %get3A_143 : vector<1x1x128xf32> to vector<1x128xf32>
    %add3A_145 = vector.broadcast %get3A_144 : vector<1x128xf32> to vector<1000x128xf32>
    %add3A_146 = arith.addf %dot_general3A_139, %add3A_145 : vector<1000x128xf32>
    %swap3A_147 = arith.constant 6 : index
    %swap3A_148 = arith.constant 0 : index
    %swap3A_149 = arith.constant 0 : index
    %swap3A_150 = vector.load %arg7[%swap3A_147, %swap3A_148, %swap3A_149] : memref<8x1000x128xf32, #tpu.memory_space<vmem>>, vector<1x1000x128xf32>
    %swap3A_151 = vector.shape_cast %swap3A_150 : vector<1x1000x128xf32> to vector<1000x128xf32>
    %swap3A_152 = vector.shape_cast %add3A_146 : vector<1000x128xf32> to vector<1x1000x128xf32>
    tpu.vector_store %arg7[%swap3A_147, %swap3A_148, %swap3A_149], %swap3A_152 {strides = array<i32>} : memref<8x1000x128xf32, #tpu.memory_space<vmem>>, vector<1x1000x128xf32>,
    %get3A_153 = arith.constant 7 : index
    %get3A_154 = arith.constant 0 : index
    %get3A_155 = arith.constant 0 : index
    %get3A_156 = vector.load %arg4[%get3A_153, %get3A_154, %get3A_155] : memref<8x128x128xf32, #tpu.memory_space<vmem>>, vector<1x128x128xf32>
    %get3A_157 = vector.shape_cast %get3A_156 : vector<1x128x128xf32> to vector<128x128xf32>
    %dot_general3A_158 = arith.constant dense<0.000000e+00> : vector<1000x128xf32>
    %dot_general3A_159 = tpu.matmul %add3A_10, %get3A_157, %dot_general3A_158 {dimension_numbers = #tpu.dot_dimension_numbers<[1], [1], [0], [0], [0, 0, 1, 0], [], []>, transpose_lhs_hint = false} : vector<1000x128xf32>, vector<128x128xf32>, vector<1000x128xf32> -> vector<1000x128xf32>
    %get3A_160 = arith.constant 7 : index
    %get3A_161 = arith.constant 0 : index
    %get3A_162 = arith.constant 0 : index
    %get3A_163 = vector.load %arg5[%get3A_160, %get3A_161, %get3A_162] : memref<8x1x128xf32, #tpu.memory_space<vmem>>, vector<1x1x128xf32>
    %get3A_164 = vector.shape_cast %get3A_163 : vector<1x1x128xf32> to vector<1x128xf32>
    %add3A_165 = vector.broadcast %get3A_164 : vector<1x128xf32> to vector<1000x128xf32>
    %add3A_166 = arith.addf %dot_general3A_159, %add3A_165 : vector<1000x128xf32>
    %swap3A_167 = arith.constant 7 : index
    %swap3A_168 = arith.constant 0 : index
    %swap3A_169 = arith.constant 0 : index
    %swap3A_170 = vector.load %arg7[%swap3A_167, %swap3A_168, %swap3A_169] : memref<8x1000x128xf32, #tpu.memory_space<vmem>>, vector<1x1000x128xf32>
    %swap3A_171 = vector.shape_cast %swap3A_170 : vector<1x1000x128xf32> to vector<1000x128xf32>
    %swap3A_172 = vector.shape_cast %add3A_166 : vector<1000x128xf32> to vector<1x1000x128xf32>
    tpu.vector_store %arg7[%swap3A_167, %swap3A_168, %swap3A_169], %swap3A_172 {strides = array<i32>} : memref<8x1000x128xf32, #tpu.memory_space<vmem>>, vector<1x1000x128xf32>,
    return
  }
  func.func @transform_0(%arg0: i32) -> (i32, i32) {
    %c0_i32 = arith.constant 0 : i32
    %c0_i32_0 = arith.constant 0 : i32
    return %arg0, %c0_i32 : i32, i32
  }
  func.func @transform_1(%arg0: i32) -> (i32, i32) {
    %c0_i32 = arith.constant 0 : i32
    %c0_i32_0 = arith.constant 0 : i32
    %c0_i32_1 = arith.constant 0 : i32
    return %c0_i32, %c0_i32_0 : i32, i32
  }
  func.func @transform_2(%arg0: i32) -> (i32, i32) {
    %c0_i32 = arith.constant 0 : i32
    %c0_i32_0 = arith.constant 0 : i32
    %c0_i32_1 = arith.constant 0 : i32
    return %c0_i32, %c0_i32_0 : i32, i32
  }
  func.func @transform_3(%arg0: i32) -> (i32, i32, i32) {
    %c0_i32 = arith.constant 0 : i32
    %c0_i32_0 = arith.constant 0 : i32
    %c0_i32_1 = arith.constant 0 : i32
    %c0_i32_2 = arith.constant 0 : i32
    return %c0_i32, %c0_i32_0, %c0_i32_1 : i32, i32, i32
  }
  func.func @transform_4(%arg0: i32) -> (i32, i32, i32) {
    %c0_i32 = arith.constant 0 : i32
    %c0_i32_0 = arith.constant 0 : i32
    %c0_i32_1 = arith.constant 0 : i32
    %c0_i32_2 = arith.constant 0 : i32
    return %c0_i32, %c0_i32_0, %c0_i32_1 : i32, i32, i32
  }
  func.func @transform_5(%arg0: i32) -> (i32, i32) {
    %c0_i32 = arith.constant 0 : i32
    %c0_i32_0 = arith.constant 0 : i32
    return %arg0, %c0_i32 : i32, i32
  }
  func.func @transform_6(%arg0: i32) -> (i32, i32, i32) {
    %c0_i32 = arith.constant 0 : i32
    %c0_i32_0 = arith.constant 0 : i32
    %c0_i32_1 = arith.constant 0 : i32
    return %c0_i32, %arg0, %c0_i32_0 : i32, i32, i32
  }
}

module attributes {stable_mosaic.version = 14 : i64} {
  func.func @_gru_table_body(%arg0: i32, %arg1: memref<1000x128xf32, #tpu.memory_space<vmem>>, %arg2: memref<1000x128xf32, #tpu.memory_space<vmem>>, %arg3: memref<1000x128xf32, #tpu.memory_space<vmem>>, %arg4: memref<384x128xf32, #tpu.memory_space<vmem>>, %arg5: memref<384x128xf32, #tpu.memory_space<vmem>>, %arg6: memref<1x384xf32, #tpu.memory_space<vmem>>, %arg7: memref<1x384xf32, #tpu.memory_space<vmem>>, %arg8: memref<8x128x128xf32, #tpu.memory_space<vmem>>, %arg9: memref<8x1x128xf32, #tpu.memory_space<vmem>>, %arg10: memref<1000x128xf32, #tpu.memory_space<vmem>>, %arg11: memref<8x1000x128xf32, #tpu.memory_space<vmem>>) attributes {dimension_semantics = [#tpu.dimension_semantics<arbitrary>], iteration_bounds = array<i64: 10>, scalar_prefetch = 0 : i64, scratch_operands = 0 : i64, tpu.core_type = #tpu.core_type<tc>, window_params = [{transform_indices = @transform_0, window_bounds = array<i64: 1000, 128>}, {transform_indices = @transform_1, window_bounds = array<i64: 1000, 128>}, {transform_indices = @transform_2, window_bounds = array<i64: 1000, 128>}, {pipeline_mode = #tpu.pipeline_mode<synchronous>, transform_indices = @transform_3, window_bounds = array<i64: 384, 128>}, {pipeline_mode = #tpu.pipeline_mode<synchronous>, transform_indices = @transform_4, window_bounds = array<i64: 384, 128>}, {pipeline_mode = #tpu.pipeline_mode<synchronous>, transform_indices = @transform_5, window_bounds = array<i64: 1, 384>}, {pipeline_mode = #tpu.pipeline_mode<synchronous>, transform_indices = @transform_6, window_bounds = array<i64: 1, 384>}, {pipeline_mode = #tpu.pipeline_mode<synchronous>, transform_indices = @transform_7, window_bounds = array<i64: 8, 128, 128>}, {pipeline_mode = #tpu.pipeline_mode<synchronous>, transform_indices = @transform_8, window_bounds = array<i64: 8, 1, 128>}, {transform_indices = @transform_9, window_bounds = array<i64: 1000, 128>}, {transform_indices = @transform_10, window_bounds = array<i64: 8, 1000, 128>}]} {
    %get3A = arith.constant 0 : index
    %get3A_0 = arith.constant 0 : index
    %get3A_1 = vector.load %arg1[%get3A, %get3A_0] : memref<1000x128xf32, #tpu.memory_space<vmem>>, vector<1000x128xf32>
    %get3A_2 = arith.constant 0 : index
    %get3A_3 = arith.constant 0 : index
    %get3A_4 = vector.load %arg2[%get3A_2, %get3A_3] : memref<1000x128xf32, #tpu.memory_space<vmem>>, vector<1000x128xf32>
    %add3A = arith.addf %get3A_1, %get3A_4 : vector<1000x128xf32>
    %get3A_5 = arith.constant 0 : index
    %get3A_6 = arith.constant 0 : index
    %get3A_7 = vector.load %arg3[%get3A_5, %get3A_6] : memref<1000x128xf32, #tpu.memory_space<vmem>>, vector<1000x128xf32>
    %get3A_8 = arith.constant 0 : index
    %get3A_9 = arith.constant 0 : index
    %get3A_10 = vector.load %arg4[%get3A_8, %get3A_9] : memref<384x128xf32, #tpu.memory_space<vmem>>, vector<384x128xf32>
    %dot_general3A = arith.constant dense<0.000000e+00> : vector<1000x384xf32>
    %dot_general3A_11 = tpu.matmul %add3A, %get3A_10, %dot_general3A {dimension_numbers = #tpu.dot_dimension_numbers<[1], [1], [0], [0], [0, 0, 1, 0], [], []>, transpose_lhs_hint = false} : vector<1000x128xf32>, vector<384x128xf32>, vector<1000x384xf32> -> vector<1000x384xf32>
    %get3A_12 = arith.constant 0 : index
    %get3A_13 = arith.constant 0 : index
    %get3A_14 = vector.load %arg6[%get3A_12, %get3A_13] : memref<1x384xf32, #tpu.memory_space<vmem>>, vector<1x384xf32>
    %get3A_15 = vector.shape_cast %get3A_14 : vector<1x384xf32> to vector<384xf32>
    %broadcast_in_dim3A = vector.shape_cast %get3A_15 : vector<384xf32> to vector<1x384xf32>
    %add3A_16 = vector.broadcast %broadcast_in_dim3A : vector<1x384xf32> to vector<1000x384xf32>
    %add3A_17 = arith.addf %dot_general3A_11, %add3A_16 : vector<1000x384xf32>
    %get3A_18 = arith.constant 0 : index
    %get3A_19 = arith.constant 0 : index
    %get3A_20 = vector.load %arg5[%get3A_18, %get3A_19] : memref<384x128xf32, #tpu.memory_space<vmem>>, vector<384x128xf32>
    %dot_general3A_21 = arith.constant dense<0.000000e+00> : vector<1000x384xf32>
    %dot_general3A_22 = tpu.matmul %get3A_7, %get3A_20, %dot_general3A_21 {dimension_numbers = #tpu.dot_dimension_numbers<[1], [1], [0], [0], [0, 0, 1, 0], [], []>, transpose_lhs_hint = false} : vector<1000x128xf32>, vector<384x128xf32>, vector<1000x384xf32> -> vector<1000x384xf32>
    %get3A_23 = arith.constant 0 : index
    %get3A_24 = arith.constant 0 : index
    %get3A_25 = vector.load %arg7[%get3A_23, %get3A_24] : memref<1x384xf32, #tpu.memory_space<vmem>>, vector<1x384xf32>
    %get3A_26 = vector.shape_cast %get3A_25 : vector<1x384xf32> to vector<384xf32>
    %broadcast_in_dim3A_27 = vector.shape_cast %get3A_26 : vector<384xf32> to vector<1x384xf32>
    %add3A_28 = vector.broadcast %broadcast_in_dim3A_27 : vector<1x384xf32> to vector<1000x384xf32>
    %add3A_29 = arith.addf %dot_general3A_22, %add3A_28 : vector<1000x384xf32>
    %slice3A = vector.extract_strided_slice %add3A_17 {offsets = [0, 0], sizes = [1000, 128], strides = [1, 1]} : vector<1000x384xf32> to vector<1000x128xf32>
    %slice3A_30 = vector.extract_strided_slice %add3A_29 {offsets = [0, 0], sizes = [1000, 128], strides = [1, 1]} : vector<1000x384xf32> to vector<1000x128xf32>
    %add3A_31 = arith.addf %slice3A, %slice3A_30 : vector<1000x128xf32>
    %logistic3A = arith.negf %add3A_31 : vector<1000x128xf32>
    %logistic3A_32 = math.exp %logistic3A : vector<1000x128xf32>
    %logistic3A_33 = arith.constant 1.000000e+00 : f32
    %logistic3A_34 = vector.broadcast %logistic3A_33 : f32 to vector<1000x128xf32>
    %logistic3A_35 = arith.addf %logistic3A_34, %logistic3A_32 : vector<1000x128xf32>
    %logistic3A_36 = arith.divf %logistic3A_34, %logistic3A_35 : vector<1000x128xf32>
    %slice3A_37 = vector.extract_strided_slice %add3A_17 {offsets = [0, 128], sizes = [1000, 128], strides = [1, 1]} : vector<1000x384xf32> to vector<1000x128xf32>
    %slice3A_38 = vector.extract_strided_slice %add3A_29 {offsets = [0, 128], sizes = [1000, 128], strides = [1, 1]} : vector<1000x384xf32> to vector<1000x128xf32>
    %add3A_39 = arith.addf %slice3A_37, %slice3A_38 : vector<1000x128xf32>
    %logistic3A_40 = arith.negf %add3A_39 : vector<1000x128xf32>
    %logistic3A_41 = math.exp %logistic3A_40 : vector<1000x128xf32>
    %logistic3A_42 = arith.constant 1.000000e+00 : f32
    %logistic3A_43 = vector.broadcast %logistic3A_42 : f32 to vector<1000x128xf32>
    %logistic3A_44 = arith.addf %logistic3A_43, %logistic3A_41 : vector<1000x128xf32>
    %logistic3A_45 = arith.divf %logistic3A_43, %logistic3A_44 : vector<1000x128xf32>
    %slice3A_46 = vector.extract_strided_slice %add3A_17 {offsets = [0, 256], sizes = [1000, 128], strides = [1, 1]} : vector<1000x384xf32> to vector<1000x128xf32>
    %slice3A_47 = vector.extract_strided_slice %add3A_29 {offsets = [0, 256], sizes = [1000, 128], strides = [1, 1]} : vector<1000x384xf32> to vector<1000x128xf32>
    %mul3A = arith.mulf %logistic3A_36, %slice3A_47 : vector<1000x128xf32>
    %add3A_48 = arith.addf %slice3A_46, %mul3A : vector<1000x128xf32>
    %tanh3A = math.tanh %add3A_48 : vector<1000x128xf32>
    %sub3A = arith.constant 1.000000e+00 : f32
    %sub3A_49 = vector.broadcast %sub3A : f32 to vector<1000x128xf32>
    %sub3A_50 = arith.subf %sub3A_49, %logistic3A_45 : vector<1000x128xf32>
    %mul3A_51 = arith.mulf %sub3A_50, %tanh3A : vector<1000x128xf32>
    %mul3A_52 = arith.mulf %logistic3A_45, %get3A_7 : vector<1000x128xf32>
    %add3A_53 = arith.addf %mul3A_51, %mul3A_52 : vector<1000x128xf32>
    %swap3A = arith.constant 0 : index
    %swap3A_54 = arith.constant 0 : index
    %swap3A_55 = vector.load %arg10[%swap3A, %swap3A_54] : memref<1000x128xf32, #tpu.memory_space<vmem>>, vector<1000x128xf32>
    tpu.vector_store %arg10[%swap3A, %swap3A_54], %add3A_53 {strides = array<i32>} : memref<1000x128xf32, #tpu.memory_space<vmem>>, vector<1000x128xf32>,
    %get3A_56 = arith.constant 0 : index
    %get3A_57 = arith.constant 0 : index
    %get3A_58 = arith.constant 0 : index
    %get3A_59 = vector.load %arg8[%get3A_56, %get3A_57, %get3A_58] : memref<8x128x128xf32, #tpu.memory_space<vmem>>, vector<1x128x128xf32>
    %get3A_60 = vector.shape_cast %get3A_59 : vector<1x128x128xf32> to vector<128x128xf32>
    %dot_general3A_61 = arith.constant dense<0.000000e+00> : vector<1000x128xf32>
    %dot_general3A_62 = tpu.matmul %add3A_53, %get3A_60, %dot_general3A_61 {dimension_numbers = #tpu.dot_dimension_numbers<[1], [1], [0], [0], [0, 0, 1, 0], [], []>, transpose_lhs_hint = false} : vector<1000x128xf32>, vector<128x128xf32>, vector<1000x128xf32> -> vector<1000x128xf32>
    %get3A_63 = arith.constant 0 : index
    %get3A_64 = arith.constant 0 : index
    %get3A_65 = arith.constant 0 : index
    %get3A_66 = vector.load %arg9[%get3A_63, %get3A_64, %get3A_65] : memref<8x1x128xf32, #tpu.memory_space<vmem>>, vector<1x1x128xf32>
    %get3A_67 = vector.shape_cast %get3A_66 : vector<1x1x128xf32> to vector<1x128xf32>
    %add3A_68 = vector.broadcast %get3A_67 : vector<1x128xf32> to vector<1000x128xf32>
    %add3A_69 = arith.addf %dot_general3A_62, %add3A_68 : vector<1000x128xf32>
    %swap3A_70 = arith.constant 0 : index
    %swap3A_71 = arith.constant 0 : index
    %swap3A_72 = arith.constant 0 : index
    %swap3A_73 = vector.load %arg11[%swap3A_70, %swap3A_71, %swap3A_72] : memref<8x1000x128xf32, #tpu.memory_space<vmem>>, vector<1x1000x128xf32>
    %swap3A_74 = vector.shape_cast %swap3A_73 : vector<1x1000x128xf32> to vector<1000x128xf32>
    %swap3A_75 = vector.shape_cast %add3A_69 : vector<1000x128xf32> to vector<1x1000x128xf32>
    tpu.vector_store %arg11[%swap3A_70, %swap3A_71, %swap3A_72], %swap3A_75 {strides = array<i32>} : memref<8x1000x128xf32, #tpu.memory_space<vmem>>, vector<1x1000x128xf32>,
    %get3A_76 = arith.constant 1 : index
    %get3A_77 = arith.constant 0 : index
    %get3A_78 = arith.constant 0 : index
    %get3A_79 = vector.load %arg8[%get3A_76, %get3A_77, %get3A_78] : memref<8x128x128xf32, #tpu.memory_space<vmem>>, vector<1x128x128xf32>
    %get3A_80 = vector.shape_cast %get3A_79 : vector<1x128x128xf32> to vector<128x128xf32>
    %dot_general3A_81 = arith.constant dense<0.000000e+00> : vector<1000x128xf32>
    %dot_general3A_82 = tpu.matmul %add3A_53, %get3A_80, %dot_general3A_81 {dimension_numbers = #tpu.dot_dimension_numbers<[1], [1], [0], [0], [0, 0, 1, 0], [], []>, transpose_lhs_hint = false} : vector<1000x128xf32>, vector<128x128xf32>, vector<1000x128xf32> -> vector<1000x128xf32>
    %get3A_83 = arith.constant 1 : index
    %get3A_84 = arith.constant 0 : index
    %get3A_85 = arith.constant 0 : index
    %get3A_86 = vector.load %arg9[%get3A_83, %get3A_84, %get3A_85] : memref<8x1x128xf32, #tpu.memory_space<vmem>>, vector<1x1x128xf32>
    %get3A_87 = vector.shape_cast %get3A_86 : vector<1x1x128xf32> to vector<1x128xf32>
    %add3A_88 = vector.broadcast %get3A_87 : vector<1x128xf32> to vector<1000x128xf32>
    %add3A_89 = arith.addf %dot_general3A_82, %add3A_88 : vector<1000x128xf32>
    %swap3A_90 = arith.constant 1 : index
    %swap3A_91 = arith.constant 0 : index
    %swap3A_92 = arith.constant 0 : index
    %swap3A_93 = vector.load %arg11[%swap3A_90, %swap3A_91, %swap3A_92] : memref<8x1000x128xf32, #tpu.memory_space<vmem>>, vector<1x1000x128xf32>
    %swap3A_94 = vector.shape_cast %swap3A_93 : vector<1x1000x128xf32> to vector<1000x128xf32>
    %swap3A_95 = vector.shape_cast %add3A_89 : vector<1000x128xf32> to vector<1x1000x128xf32>
    tpu.vector_store %arg11[%swap3A_90, %swap3A_91, %swap3A_92], %swap3A_95 {strides = array<i32>} : memref<8x1000x128xf32, #tpu.memory_space<vmem>>, vector<1x1000x128xf32>,
    %get3A_96 = arith.constant 2 : index
    %get3A_97 = arith.constant 0 : index
    %get3A_98 = arith.constant 0 : index
    %get3A_99 = vector.load %arg8[%get3A_96, %get3A_97, %get3A_98] : memref<8x128x128xf32, #tpu.memory_space<vmem>>, vector<1x128x128xf32>
    %get3A_100 = vector.shape_cast %get3A_99 : vector<1x128x128xf32> to vector<128x128xf32>
    %dot_general3A_101 = arith.constant dense<0.000000e+00> : vector<1000x128xf32>
    %dot_general3A_102 = tpu.matmul %add3A_53, %get3A_100, %dot_general3A_101 {dimension_numbers = #tpu.dot_dimension_numbers<[1], [1], [0], [0], [0, 0, 1, 0], [], []>, transpose_lhs_hint = false} : vector<1000x128xf32>, vector<128x128xf32>, vector<1000x128xf32> -> vector<1000x128xf32>
    %get3A_103 = arith.constant 2 : index
    %get3A_104 = arith.constant 0 : index
    %get3A_105 = arith.constant 0 : index
    %get3A_106 = vector.load %arg9[%get3A_103, %get3A_104, %get3A_105] : memref<8x1x128xf32, #tpu.memory_space<vmem>>, vector<1x1x128xf32>
    %get3A_107 = vector.shape_cast %get3A_106 : vector<1x1x128xf32> to vector<1x128xf32>
    %add3A_108 = vector.broadcast %get3A_107 : vector<1x128xf32> to vector<1000x128xf32>
    %add3A_109 = arith.addf %dot_general3A_102, %add3A_108 : vector<1000x128xf32>
    %swap3A_110 = arith.constant 2 : index
    %swap3A_111 = arith.constant 0 : index
    %swap3A_112 = arith.constant 0 : index
    %swap3A_113 = vector.load %arg11[%swap3A_110, %swap3A_111, %swap3A_112] : memref<8x1000x128xf32, #tpu.memory_space<vmem>>, vector<1x1000x128xf32>
    %swap3A_114 = vector.shape_cast %swap3A_113 : vector<1x1000x128xf32> to vector<1000x128xf32>
    %swap3A_115 = vector.shape_cast %add3A_109 : vector<1000x128xf32> to vector<1x1000x128xf32>
    tpu.vector_store %arg11[%swap3A_110, %swap3A_111, %swap3A_112], %swap3A_115 {strides = array<i32>} : memref<8x1000x128xf32, #tpu.memory_space<vmem>>, vector<1x1000x128xf32>,
    %get3A_116 = arith.constant 3 : index
    %get3A_117 = arith.constant 0 : index
    %get3A_118 = arith.constant 0 : index
    %get3A_119 = vector.load %arg8[%get3A_116, %get3A_117, %get3A_118] : memref<8x128x128xf32, #tpu.memory_space<vmem>>, vector<1x128x128xf32>
    %get3A_120 = vector.shape_cast %get3A_119 : vector<1x128x128xf32> to vector<128x128xf32>
    %dot_general3A_121 = arith.constant dense<0.000000e+00> : vector<1000x128xf32>
    %dot_general3A_122 = tpu.matmul %add3A_53, %get3A_120, %dot_general3A_121 {dimension_numbers = #tpu.dot_dimension_numbers<[1], [1], [0], [0], [0, 0, 1, 0], [], []>, transpose_lhs_hint = false} : vector<1000x128xf32>, vector<128x128xf32>, vector<1000x128xf32> -> vector<1000x128xf32>
    %get3A_123 = arith.constant 3 : index
    %get3A_124 = arith.constant 0 : index
    %get3A_125 = arith.constant 0 : index
    %get3A_126 = vector.load %arg9[%get3A_123, %get3A_124, %get3A_125] : memref<8x1x128xf32, #tpu.memory_space<vmem>>, vector<1x1x128xf32>
    %get3A_127 = vector.shape_cast %get3A_126 : vector<1x1x128xf32> to vector<1x128xf32>
    %add3A_128 = vector.broadcast %get3A_127 : vector<1x128xf32> to vector<1000x128xf32>
    %add3A_129 = arith.addf %dot_general3A_122, %add3A_128 : vector<1000x128xf32>
    %swap3A_130 = arith.constant 3 : index
    %swap3A_131 = arith.constant 0 : index
    %swap3A_132 = arith.constant 0 : index
    %swap3A_133 = vector.load %arg11[%swap3A_130, %swap3A_131, %swap3A_132] : memref<8x1000x128xf32, #tpu.memory_space<vmem>>, vector<1x1000x128xf32>
    %swap3A_134 = vector.shape_cast %swap3A_133 : vector<1x1000x128xf32> to vector<1000x128xf32>
    %swap3A_135 = vector.shape_cast %add3A_129 : vector<1000x128xf32> to vector<1x1000x128xf32>
    tpu.vector_store %arg11[%swap3A_130, %swap3A_131, %swap3A_132], %swap3A_135 {strides = array<i32>} : memref<8x1000x128xf32, #tpu.memory_space<vmem>>, vector<1x1000x128xf32>,
    %get3A_136 = arith.constant 4 : index
    %get3A_137 = arith.constant 0 : index
    %get3A_138 = arith.constant 0 : index
    %get3A_139 = vector.load %arg8[%get3A_136, %get3A_137, %get3A_138] : memref<8x128x128xf32, #tpu.memory_space<vmem>>, vector<1x128x128xf32>
    %get3A_140 = vector.shape_cast %get3A_139 : vector<1x128x128xf32> to vector<128x128xf32>
    %dot_general3A_141 = arith.constant dense<0.000000e+00> : vector<1000x128xf32>
    %dot_general3A_142 = tpu.matmul %add3A_53, %get3A_140, %dot_general3A_141 {dimension_numbers = #tpu.dot_dimension_numbers<[1], [1], [0], [0], [0, 0, 1, 0], [], []>, transpose_lhs_hint = false} : vector<1000x128xf32>, vector<128x128xf32>, vector<1000x128xf32> -> vector<1000x128xf32>
    %get3A_143 = arith.constant 4 : index
    %get3A_144 = arith.constant 0 : index
    %get3A_145 = arith.constant 0 : index
    %get3A_146 = vector.load %arg9[%get3A_143, %get3A_144, %get3A_145] : memref<8x1x128xf32, #tpu.memory_space<vmem>>, vector<1x1x128xf32>
    %get3A_147 = vector.shape_cast %get3A_146 : vector<1x1x128xf32> to vector<1x128xf32>
    %add3A_148 = vector.broadcast %get3A_147 : vector<1x128xf32> to vector<1000x128xf32>
    %add3A_149 = arith.addf %dot_general3A_142, %add3A_148 : vector<1000x128xf32>
    %swap3A_150 = arith.constant 4 : index
    %swap3A_151 = arith.constant 0 : index
    %swap3A_152 = arith.constant 0 : index
    %swap3A_153 = vector.load %arg11[%swap3A_150, %swap3A_151, %swap3A_152] : memref<8x1000x128xf32, #tpu.memory_space<vmem>>, vector<1x1000x128xf32>
    %swap3A_154 = vector.shape_cast %swap3A_153 : vector<1x1000x128xf32> to vector<1000x128xf32>
    %swap3A_155 = vector.shape_cast %add3A_149 : vector<1000x128xf32> to vector<1x1000x128xf32>
    tpu.vector_store %arg11[%swap3A_150, %swap3A_151, %swap3A_152], %swap3A_155 {strides = array<i32>} : memref<8x1000x128xf32, #tpu.memory_space<vmem>>, vector<1x1000x128xf32>,
    %get3A_156 = arith.constant 5 : index
    %get3A_157 = arith.constant 0 : index
    %get3A_158 = arith.constant 0 : index
    %get3A_159 = vector.load %arg8[%get3A_156, %get3A_157, %get3A_158] : memref<8x128x128xf32, #tpu.memory_space<vmem>>, vector<1x128x128xf32>
    %get3A_160 = vector.shape_cast %get3A_159 : vector<1x128x128xf32> to vector<128x128xf32>
    %dot_general3A_161 = arith.constant dense<0.000000e+00> : vector<1000x128xf32>
    %dot_general3A_162 = tpu.matmul %add3A_53, %get3A_160, %dot_general3A_161 {dimension_numbers = #tpu.dot_dimension_numbers<[1], [1], [0], [0], [0, 0, 1, 0], [], []>, transpose_lhs_hint = false} : vector<1000x128xf32>, vector<128x128xf32>, vector<1000x128xf32> -> vector<1000x128xf32>
    %get3A_163 = arith.constant 5 : index
    %get3A_164 = arith.constant 0 : index
    %get3A_165 = arith.constant 0 : index
    %get3A_166 = vector.load %arg9[%get3A_163, %get3A_164, %get3A_165] : memref<8x1x128xf32, #tpu.memory_space<vmem>>, vector<1x1x128xf32>
    %get3A_167 = vector.shape_cast %get3A_166 : vector<1x1x128xf32> to vector<1x128xf32>
    %add3A_168 = vector.broadcast %get3A_167 : vector<1x128xf32> to vector<1000x128xf32>
    %add3A_169 = arith.addf %dot_general3A_162, %add3A_168 : vector<1000x128xf32>
    %swap3A_170 = arith.constant 5 : index
    %swap3A_171 = arith.constant 0 : index
    %swap3A_172 = arith.constant 0 : index
    %swap3A_173 = vector.load %arg11[%swap3A_170, %swap3A_171, %swap3A_172] : memref<8x1000x128xf32, #tpu.memory_space<vmem>>, vector<1x1000x128xf32>
    %swap3A_174 = vector.shape_cast %swap3A_173 : vector<1x1000x128xf32> to vector<1000x128xf32>
    %swap3A_175 = vector.shape_cast %add3A_169 : vector<1000x128xf32> to vector<1x1000x128xf32>
    tpu.vector_store %arg11[%swap3A_170, %swap3A_171, %swap3A_172], %swap3A_175 {strides = array<i32>} : memref<8x1000x128xf32, #tpu.memory_space<vmem>>, vector<1x1000x128xf32>,
    %get3A_176 = arith.constant 6 : index
    %get3A_177 = arith.constant 0 : index
    %get3A_178 = arith.constant 0 : index
    %get3A_179 = vector.load %arg8[%get3A_176, %get3A_177, %get3A_178] : memref<8x128x128xf32, #tpu.memory_space<vmem>>, vector<1x128x128xf32>
    %get3A_180 = vector.shape_cast %get3A_179 : vector<1x128x128xf32> to vector<128x128xf32>
    %dot_general3A_181 = arith.constant dense<0.000000e+00> : vector<1000x128xf32>
    %dot_general3A_182 = tpu.matmul %add3A_53, %get3A_180, %dot_general3A_181 {dimension_numbers = #tpu.dot_dimension_numbers<[1], [1], [0], [0], [0, 0, 1, 0], [], []>, transpose_lhs_hint = false} : vector<1000x128xf32>, vector<128x128xf32>, vector<1000x128xf32> -> vector<1000x128xf32>
    %get3A_183 = arith.constant 6 : index
    %get3A_184 = arith.constant 0 : index
    %get3A_185 = arith.constant 0 : index
    %get3A_186 = vector.load %arg9[%get3A_183, %get3A_184, %get3A_185] : memref<8x1x128xf32, #tpu.memory_space<vmem>>, vector<1x1x128xf32>
    %get3A_187 = vector.shape_cast %get3A_186 : vector<1x1x128xf32> to vector<1x128xf32>
    %add3A_188 = vector.broadcast %get3A_187 : vector<1x128xf32> to vector<1000x128xf32>
    %add3A_189 = arith.addf %dot_general3A_182, %add3A_188 : vector<1000x128xf32>
    %swap3A_190 = arith.constant 6 : index
    %swap3A_191 = arith.constant 0 : index
    %swap3A_192 = arith.constant 0 : index
    %swap3A_193 = vector.load %arg11[%swap3A_190, %swap3A_191, %swap3A_192] : memref<8x1000x128xf32, #tpu.memory_space<vmem>>, vector<1x1000x128xf32>
    %swap3A_194 = vector.shape_cast %swap3A_193 : vector<1x1000x128xf32> to vector<1000x128xf32>
    %swap3A_195 = vector.shape_cast %add3A_189 : vector<1000x128xf32> to vector<1x1000x128xf32>
    tpu.vector_store %arg11[%swap3A_190, %swap3A_191, %swap3A_192], %swap3A_195 {strides = array<i32>} : memref<8x1000x128xf32, #tpu.memory_space<vmem>>, vector<1x1000x128xf32>,
    %get3A_196 = arith.constant 7 : index
    %get3A_197 = arith.constant 0 : index
    %get3A_198 = arith.constant 0 : index
    %get3A_199 = vector.load %arg8[%get3A_196, %get3A_197, %get3A_198] : memref<8x128x128xf32, #tpu.memory_space<vmem>>, vector<1x128x128xf32>
    %get3A_200 = vector.shape_cast %get3A_199 : vector<1x128x128xf32> to vector<128x128xf32>
    %dot_general3A_201 = arith.constant dense<0.000000e+00> : vector<1000x128xf32>
    %dot_general3A_202 = tpu.matmul %add3A_53, %get3A_200, %dot_general3A_201 {dimension_numbers = #tpu.dot_dimension_numbers<[1], [1], [0], [0], [0, 0, 1, 0], [], []>, transpose_lhs_hint = false} : vector<1000x128xf32>, vector<128x128xf32>, vector<1000x128xf32> -> vector<1000x128xf32>
    %get3A_203 = arith.constant 7 : index
    %get3A_204 = arith.constant 0 : index
    %get3A_205 = arith.constant 0 : index
    %get3A_206 = vector.load %arg9[%get3A_203, %get3A_204, %get3A_205] : memref<8x1x128xf32, #tpu.memory_space<vmem>>, vector<1x1x128xf32>
    %get3A_207 = vector.shape_cast %get3A_206 : vector<1x1x128xf32> to vector<1x128xf32>
    %add3A_208 = vector.broadcast %get3A_207 : vector<1x128xf32> to vector<1000x128xf32>
    %add3A_209 = arith.addf %dot_general3A_202, %add3A_208 : vector<1000x128xf32>
    %swap3A_210 = arith.constant 7 : index
    %swap3A_211 = arith.constant 0 : index
    %swap3A_212 = arith.constant 0 : index
    %swap3A_213 = vector.load %arg11[%swap3A_210, %swap3A_211, %swap3A_212] : memref<8x1000x128xf32, #tpu.memory_space<vmem>>, vector<1x1000x128xf32>
    %swap3A_214 = vector.shape_cast %swap3A_213 : vector<1x1000x128xf32> to vector<1000x128xf32>
    %swap3A_215 = vector.shape_cast %add3A_209 : vector<1000x128xf32> to vector<1x1000x128xf32>
    tpu.vector_store %arg11[%swap3A_210, %swap3A_211, %swap3A_212], %swap3A_215 {strides = array<i32>} : memref<8x1000x128xf32, #tpu.memory_space<vmem>>, vector<1x1000x128xf32>,
    return
  }
  func.func @transform_0(%arg0: i32) -> (i32, i32) {
    %c0_i32 = arith.constant 0 : i32
    %c0_i32_0 = arith.constant 0 : i32
    return %arg0, %c0_i32 : i32, i32
  }
  func.func @transform_1(%arg0: i32) -> (i32, i32) {
    %c0_i32 = arith.constant 0 : i32
    %c0_i32_0 = arith.constant 0 : i32
    return %arg0, %c0_i32 : i32, i32
  }
  func.func @transform_2(%arg0: i32) -> (i32, i32) {
    %c0_i32 = arith.constant 0 : i32
    %c0_i32_0 = arith.constant 0 : i32
    return %arg0, %c0_i32 : i32, i32
  }
  func.func @transform_3(%arg0: i32) -> (i32, i32) {
    %c0_i32 = arith.constant 0 : i32
    %c0_i32_0 = arith.constant 0 : i32
    %c0_i32_1 = arith.constant 0 : i32
    return %c0_i32, %c0_i32_0 : i32, i32
  }
  func.func @transform_4(%arg0: i32) -> (i32, i32) {
    %c0_i32 = arith.constant 0 : i32
    %c0_i32_0 = arith.constant 0 : i32
    %c0_i32_1 = arith.constant 0 : i32
    return %c0_i32, %c0_i32_0 : i32, i32
  }
  func.func @transform_5(%arg0: i32) -> (i32, i32) {
    %c0_i32 = arith.constant 0 : i32
    %c0_i32_0 = arith.constant 0 : i32
    %c0_i32_1 = arith.constant 0 : i32
    return %c0_i32, %c0_i32_0 : i32, i32
  }
  func.func @transform_6(%arg0: i32) -> (i32, i32) {
    %c0_i32 = arith.constant 0 : i32
    %c0_i32_0 = arith.constant 0 : i32
    %c0_i32_1 = arith.constant 0 : i32
    return %c0_i32, %c0_i32_0 : i32, i32
  }
  func.func @transform_7(%arg0: i32) -> (i32, i32, i32) {
    %c0_i32 = arith.constant 0 : i32
    %c0_i32_0 = arith.constant 0 : i32
    %c0_i32_1 = arith.constant 0 : i32
    %c0_i32_2 = arith.constant 0 : i32
    return %c0_i32, %c0_i32_0, %c0_i32_1 : i32, i32, i32
  }
  func.func @transform_8(%arg0: i32) -> (i32, i32, i32) {
    %c0_i32 = arith.constant 0 : i32
    %c0_i32_0 = arith.constant 0 : i32
    %c0_i32_1 = arith.constant 0 : i32
    %c0_i32_2 = arith.constant 0 : i32
    return %c0_i32, %c0_i32_0, %c0_i32_1 : i32, i32, i32
  }
  func.func @transform_9(%arg0: i32) -> (i32, i32) {
    %c0_i32 = arith.constant 0 : i32
    %c0_i32_0 = arith.constant 0 : i32
    return %arg0, %c0_i32 : i32, i32
  }
  func.func @transform_10(%arg0: i32) -> (i32, i32, i32) {
    %c0_i32 = arith.constant 0 : i32
    %c0_i32_0 = arith.constant 0 : i32
    %c0_i32_1 = arith.constant 0 : i32
    return %c0_i32, %arg0, %c0_i32_0 : i32, i32, i32
  }
}

module attributes {stable_mosaic.version = 14 : i64} {
  func.func @_gru_body(%arg0: i32, %arg1: memref<1000x128xf32, #tpu.memory_space<vmem>>, %arg2: memref<1000x128xf32, #tpu.memory_space<vmem>>, %arg3: memref<1000x128xf32, #tpu.memory_space<vmem>>, %arg4: memref<384x128xf32, #tpu.memory_space<vmem>>, %arg5: memref<384x128xf32, #tpu.memory_space<vmem>>, %arg6: memref<1x384xf32, #tpu.memory_space<vmem>>, %arg7: memref<1x384xf32, #tpu.memory_space<vmem>>, %arg8: memref<1000x128xf32, #tpu.memory_space<vmem>>) attributes {dimension_semantics = [#tpu.dimension_semantics<arbitrary>], iteration_bounds = array<i64: 10>, scalar_prefetch = 0 : i64, scratch_operands = 0 : i64, tpu.core_type = #tpu.core_type<tc>, window_params = [{transform_indices = @transform_0, window_bounds = array<i64: 1000, 128>}, {transform_indices = @transform_1, window_bounds = array<i64: 1000, 128>}, {transform_indices = @transform_2, window_bounds = array<i64: 1000, 128>}, {pipeline_mode = #tpu.pipeline_mode<synchronous>, transform_indices = @transform_3, window_bounds = array<i64: 384, 128>}, {pipeline_mode = #tpu.pipeline_mode<synchronous>, transform_indices = @transform_4, window_bounds = array<i64: 384, 128>}, {pipeline_mode = #tpu.pipeline_mode<synchronous>, transform_indices = @transform_5, window_bounds = array<i64: 1, 384>}, {pipeline_mode = #tpu.pipeline_mode<synchronous>, transform_indices = @transform_6, window_bounds = array<i64: 1, 384>}, {transform_indices = @transform_7, window_bounds = array<i64: 1000, 128>}]} {
    %get3A = arith.constant 0 : index
    %get3A_0 = arith.constant 0 : index
    %get3A_1 = vector.load %arg1[%get3A, %get3A_0] : memref<1000x128xf32, #tpu.memory_space<vmem>>, vector<1000x128xf32>
    %get3A_2 = arith.constant 0 : index
    %get3A_3 = arith.constant 0 : index
    %get3A_4 = vector.load %arg2[%get3A_2, %get3A_3] : memref<1000x128xf32, #tpu.memory_space<vmem>>, vector<1000x128xf32>
    %add3A = arith.addf %get3A_1, %get3A_4 : vector<1000x128xf32>
    %get3A_5 = arith.constant 0 : index
    %get3A_6 = arith.constant 0 : index
    %get3A_7 = vector.load %arg3[%get3A_5, %get3A_6] : memref<1000x128xf32, #tpu.memory_space<vmem>>, vector<1000x128xf32>
    %get3A_8 = arith.constant 0 : index
    %get3A_9 = arith.constant 0 : index
    %get3A_10 = vector.load %arg4[%get3A_8, %get3A_9] : memref<384x128xf32, #tpu.memory_space<vmem>>, vector<384x128xf32>
    %dot_general3A = arith.constant dense<0.000000e+00> : vector<1000x384xf32>
    %dot_general3A_11 = tpu.matmul %add3A, %get3A_10, %dot_general3A {dimension_numbers = #tpu.dot_dimension_numbers<[1], [1], [0], [0], [0, 0, 1, 0], [], []>, transpose_lhs_hint = false} : vector<1000x128xf32>, vector<384x128xf32>, vector<1000x384xf32> -> vector<1000x384xf32>
    %get3A_12 = arith.constant 0 : index
    %get3A_13 = arith.constant 0 : index
    %get3A_14 = vector.load %arg6[%get3A_12, %get3A_13] : memref<1x384xf32, #tpu.memory_space<vmem>>, vector<1x384xf32>
    %get3A_15 = vector.shape_cast %get3A_14 : vector<1x384xf32> to vector<384xf32>
    %broadcast_in_dim3A = vector.shape_cast %get3A_15 : vector<384xf32> to vector<1x384xf32>
    %add3A_16 = vector.broadcast %broadcast_in_dim3A : vector<1x384xf32> to vector<1000x384xf32>
    %add3A_17 = arith.addf %dot_general3A_11, %add3A_16 : vector<1000x384xf32>
    %get3A_18 = arith.constant 0 : index
    %get3A_19 = arith.constant 0 : index
    %get3A_20 = vector.load %arg5[%get3A_18, %get3A_19] : memref<384x128xf32, #tpu.memory_space<vmem>>, vector<384x128xf32>
    %dot_general3A_21 = arith.constant dense<0.000000e+00> : vector<1000x384xf32>
    %dot_general3A_22 = tpu.matmul %get3A_7, %get3A_20, %dot_general3A_21 {dimension_numbers = #tpu.dot_dimension_numbers<[1], [1], [0], [0], [0, 0, 1, 0], [], []>, transpose_lhs_hint = false} : vector<1000x128xf32>, vector<384x128xf32>, vector<1000x384xf32> -> vector<1000x384xf32>
    %get3A_23 = arith.constant 0 : index
    %get3A_24 = arith.constant 0 : index
    %get3A_25 = vector.load %arg7[%get3A_23, %get3A_24] : memref<1x384xf32, #tpu.memory_space<vmem>>, vector<1x384xf32>
    %get3A_26 = vector.shape_cast %get3A_25 : vector<1x384xf32> to vector<384xf32>
    %broadcast_in_dim3A_27 = vector.shape_cast %get3A_26 : vector<384xf32> to vector<1x384xf32>
    %add3A_28 = vector.broadcast %broadcast_in_dim3A_27 : vector<1x384xf32> to vector<1000x384xf32>
    %add3A_29 = arith.addf %dot_general3A_22, %add3A_28 : vector<1000x384xf32>
    %slice3A = vector.extract_strided_slice %add3A_17 {offsets = [0, 0], sizes = [1000, 128], strides = [1, 1]} : vector<1000x384xf32> to vector<1000x128xf32>
    %slice3A_30 = vector.extract_strided_slice %add3A_29 {offsets = [0, 0], sizes = [1000, 128], strides = [1, 1]} : vector<1000x384xf32> to vector<1000x128xf32>
    %add3A_31 = arith.addf %slice3A, %slice3A_30 : vector<1000x128xf32>
    %logistic3A = arith.negf %add3A_31 : vector<1000x128xf32>
    %logistic3A_32 = math.exp %logistic3A : vector<1000x128xf32>
    %logistic3A_33 = arith.constant 1.000000e+00 : f32
    %logistic3A_34 = vector.broadcast %logistic3A_33 : f32 to vector<1000x128xf32>
    %logistic3A_35 = arith.addf %logistic3A_34, %logistic3A_32 : vector<1000x128xf32>
    %logistic3A_36 = arith.divf %logistic3A_34, %logistic3A_35 : vector<1000x128xf32>
    %slice3A_37 = vector.extract_strided_slice %add3A_17 {offsets = [0, 128], sizes = [1000, 128], strides = [1, 1]} : vector<1000x384xf32> to vector<1000x128xf32>
    %slice3A_38 = vector.extract_strided_slice %add3A_29 {offsets = [0, 128], sizes = [1000, 128], strides = [1, 1]} : vector<1000x384xf32> to vector<1000x128xf32>
    %add3A_39 = arith.addf %slice3A_37, %slice3A_38 : vector<1000x128xf32>
    %logistic3A_40 = arith.negf %add3A_39 : vector<1000x128xf32>
    %logistic3A_41 = math.exp %logistic3A_40 : vector<1000x128xf32>
    %logistic3A_42 = arith.constant 1.000000e+00 : f32
    %logistic3A_43 = vector.broadcast %logistic3A_42 : f32 to vector<1000x128xf32>
    %logistic3A_44 = arith.addf %logistic3A_43, %logistic3A_41 : vector<1000x128xf32>
    %logistic3A_45 = arith.divf %logistic3A_43, %logistic3A_44 : vector<1000x128xf32>
    %slice3A_46 = vector.extract_strided_slice %add3A_17 {offsets = [0, 256], sizes = [1000, 128], strides = [1, 1]} : vector<1000x384xf32> to vector<1000x128xf32>
    %slice3A_47 = vector.extract_strided_slice %add3A_29 {offsets = [0, 256], sizes = [1000, 128], strides = [1, 1]} : vector<1000x384xf32> to vector<1000x128xf32>
    %mul3A = arith.mulf %logistic3A_36, %slice3A_47 : vector<1000x128xf32>
    %add3A_48 = arith.addf %slice3A_46, %mul3A : vector<1000x128xf32>
    %tanh3A = math.tanh %add3A_48 : vector<1000x128xf32>
    %sub3A = arith.constant 1.000000e+00 : f32
    %sub3A_49 = vector.broadcast %sub3A : f32 to vector<1000x128xf32>
    %sub3A_50 = arith.subf %sub3A_49, %logistic3A_45 : vector<1000x128xf32>
    %mul3A_51 = arith.mulf %sub3A_50, %tanh3A : vector<1000x128xf32>
    %mul3A_52 = arith.mulf %logistic3A_45, %get3A_7 : vector<1000x128xf32>
    %add3A_53 = arith.addf %mul3A_51, %mul3A_52 : vector<1000x128xf32>
    %swap3A = arith.constant 0 : index
    %swap3A_54 = arith.constant 0 : index
    %swap3A_55 = vector.load %arg8[%swap3A, %swap3A_54] : memref<1000x128xf32, #tpu.memory_space<vmem>>, vector<1000x128xf32>
    tpu.vector_store %arg8[%swap3A, %swap3A_54], %add3A_53 {strides = array<i32>} : memref<1000x128xf32, #tpu.memory_space<vmem>>, vector<1000x128xf32>,
    return
  }
  func.func @transform_0(%arg0: i32) -> (i32, i32) {
    %c0_i32 = arith.constant 0 : i32
    %c0_i32_0 = arith.constant 0 : i32
    return %arg0, %c0_i32 : i32, i32
  }
  func.func @transform_1(%arg0: i32) -> (i32, i32) {
    %c0_i32 = arith.constant 0 : i32
    %c0_i32_0 = arith.constant 0 : i32
    return %arg0, %c0_i32 : i32, i32
  }
  func.func @transform_2(%arg0: i32) -> (i32, i32) {
    %c0_i32 = arith.constant 0 : i32
    %c0_i32_0 = arith.constant 0 : i32
    return %arg0, %c0_i32 : i32, i32
  }
  func.func @transform_3(%arg0: i32) -> (i32, i32) {
    %c0_i32 = arith.constant 0 : i32
    %c0_i32_0 = arith.constant 0 : i32
    %c0_i32_1 = arith.constant 0 : i32
    return %c0_i32, %c0_i32_0 : i32, i32
  }
  func.func @transform_4(%arg0: i32) -> (i32, i32) {
    %c0_i32 = arith.constant 0 : i32
    %c0_i32_0 = arith.constant 0 : i32
    %c0_i32_1 = arith.constant 0 : i32
    return %c0_i32, %c0_i32_0 : i32, i32
  }
  func.func @transform_5(%arg0: i32) -> (i32, i32) {
    %c0_i32 = arith.constant 0 : i32
    %c0_i32_0 = arith.constant 0 : i32
    %c0_i32_1 = arith.constant 0 : i32
    return %c0_i32, %c0_i32_0 : i32, i32
  }
  func.func @transform_6(%arg0: i32) -> (i32, i32) {
    %c0_i32 = arith.constant 0 : i32
    %c0_i32_0 = arith.constant 0 : i32
    %c0_i32_1 = arith.constant 0 : i32
    return %c0_i32, %c0_i32_0 : i32, i32
  }
  func.func @transform_7(%arg0: i32) -> (i32, i32) {
    %c0_i32 = arith.constant 0 : i32
    %c0_i32_0 = arith.constant 0 : i32
    return %arg0, %c0_i32 : i32, i32
  }
}

module attributes {stable_mosaic.version = 14 : i64} {
  func.func @_graphsum_body(%arg0: i32, %arg1: memref<1x625x128xf32, #tpu.memory_space<vmem>>, %arg2: memref<1x1x128xf32, #tpu.memory_space<vmem>>) attributes {dimension_semantics = [#tpu.dimension_semantics<arbitrary>], iteration_bounds = array<i64: 16>, scalar_prefetch = 0 : i64, scratch_operands = 0 : i64, tpu.core_type = #tpu.core_type<tc>, window_params = [{transform_indices = @transform_0, window_bounds = array<i64: 1, 625, 128>}, {transform_indices = @transform_1, window_bounds = array<i64: 1, 1, 128>}]} {
    %get3A = arith.constant 0 : index
    %get3A_0 = arith.constant 0 : index
    %get3A_1 = arith.constant 0 : index
    %get3A_2 = vector.load %arg1[%get3A, %get3A_0, %get3A_1] : memref<1x625x128xf32, #tpu.memory_space<vmem>>, vector<1x625x128xf32>
    %get3A_3 = vector.shape_cast %get3A_2 : vector<1x625x128xf32> to vector<625x128xf32>
    %reduce_sum3A = arith.constant dense<0.000000e+00> : vector<128xf32>
    %reduce_sum3A_4 = vector.multi_reduction <add>, %get3A_3, %reduce_sum3A [0] : vector<625x128xf32> to vector<128xf32>
    %swap3A = arith.constant 0 : index
    %swap3A_5 = arith.constant 0 : index
    %swap3A_6 = arith.constant 0 : index
    %swap3A_7 = vector.load %arg2[%swap3A, %swap3A_5, %swap3A_6] : memref<1x1x128xf32, #tpu.memory_space<vmem>>, vector<1x1x128xf32>
    %swap3A_8 = vector.shape_cast %swap3A_7 : vector<1x1x128xf32> to vector<128xf32>
    %swap3A_9 = vector.shape_cast %reduce_sum3A_4 : vector<128xf32> to vector<1x1x128xf32>
    tpu.vector_store %arg2[%swap3A, %swap3A_5, %swap3A_6], %swap3A_9 {strides = array<i32>} : memref<1x1x128xf32, #tpu.memory_space<vmem>>, vector<1x1x128xf32>,
    return
  }
  func.func @transform_0(%arg0: i32) -> (i32, i32, i32) {
    %c0_i32 = arith.constant 0 : i32
    %c0_i32_0 = arith.constant 0 : i32
    %c0_i32_1 = arith.constant 0 : i32
    return %arg0, %c0_i32, %c0_i32_0 : i32, i32, i32
  }
  func.func @transform_1(%arg0: i32) -> (i32, i32, i32) {
    %c0_i32 = arith.constant 0 : i32
    %c0_i32_0 = arith.constant 0 : i32
    %c0_i32_1 = arith.constant 0 : i32
    return %arg0, %c0_i32, %c0_i32_0 : i32, i32, i32
  }
}

</mosaic_0001>

<sc_bundles>
// kernel: kernel.10.cloned.1.call-start
scs
__scs_entry_jumppad:
0x0: {  	(pc) =	sbr.rel $0x88, $3  }
0x1: {  	(tag) =	ssettag $0x0;
	lr =	simm.s32 $0x1  }
0x2: {  	[smem:$0x3F96] =	sst lr;
	_ =	strace $0xD0000000  }
0x3: {  	_ = 	snop  }
0x4: {  	_ = 	snop  }
0x5: {  	_ = 	snop  }
0x6: {  	_ = 	snop  }
0x7: {  	_ = 	snop  }
__scs_overlays_trampoline_lowered:
0x8: {  	[smem:$0x3FA5] =	sst s0  }
0x9: {  	[smem:$0x3FA6] =	sst s1  }
0xa: {  	[smem:$0x3FA7] =	sst s2  }
0xb: {  	[smem:$0x3FA8] =	sst s3  }
0xc: {  	[smem:$0x3FA9] =	sst s4  }
0xd: {  	[smem:$0x3FAA] =	sst s5  }
0xe: {  	[smem:$0x3FAB] =	sst s6  }
0xf: {  	[smem:$0x3FAC] =	sst s7  }
0x10: {  	[smem:$0x3FAD] =	sst s8  }
0x11: {  	[smem:$0x3FAE] =	sst s9;
	s0 =	simm.s32 @!p0 $0x0  }
0x12: {  	s1 =	sld [smem:$0x3F94];
	s0 =	simm.s32 @p0 $0x1  }
0x13: {  	[smem:$0x3FAF] =	sst s0;
	s0 =	simm.s32 @!p1 $0x0  }
0x14: {  	s2 =	sld [smem:$0x3F93];
	s0 =	simm.s32 @p1 $0x1  }
0x15: {  	[smem:$0x3FB0] =	sst s0;
	s0 =	simm.s32 @!p2 $0x0  }
0x16: {  	s3 =	sld [smem:$0x3FDB];
	s0 =	simm.s32 @p2 $0x1  }
0x17: {  	s4 =	simm.s32 $0x1BF5;
	[smem:$0x3FB2] =	sst s0  }
0x18: {  	s0 =	sld [smem:$0x3F95];
	_ =	swait.ge [sflag:s4], $0x0  }
0x19: {  	s7 =	sld [smem:$0x3F96]  }
0x1a: {  	s8 =	sadd.s32 $0xFFFFE003, lr  }
0x1b: {  	s9 =	sadd.s32 $0xFFFFFEF7, lr;
	s5 =	simm.s32 $0xFFFFFFFF;
	p2 =	slt.u32 s8, $0xFFFFF086  }
0x1c: {  	p1 =	slt.u32 s9, $0xF7A;
	s5 =	simm.s32 @!p2 $0x0  }
0x1d: {  	s5 =	simm.s32 @p1 $0x1;
	p0 =	seq.s32 s7, s2  }
0x1e: {  	s7 =	smul.u32 @!p0 $0xF7A, s2;
	p2 =	seq.s32 @!p0 s5, $0x0  }
0x1f: {  	s9 =	smul.u32 $0xF7A, s1;
	s8 =	simm.s32 @!p0 $0x1BF5;
	p2 =	por !p2, p0  }
0x20: {  	[sflag:s8] =	ssyncset.s32 @!p0 $0xFFFFF086;
	s6 =	sadd.s32 @!p0 s3, s7;
	s7 =	simm.s32 @!p0 $0x108  }
0x21: {  	s3 =	sadd.s32 s3, s9;
	s6 =	sadd.s32 @!p0 $0x88, s6;
	s7 =	simm.s32 @p2 $0x1082  }
0x22: {  	[simem:s7], [sflag:s8] =	dma.local @!p0 [hbm:s6], $0xF7A  }
0x23: {  	s9 =	sor.u32 $0xD0000000, s2;
	s6 =	simm.s32 $0x108;
	_ =	swait.ge @!p0 [sflag:s8], $0x0  }
0x24: {  	s3 =	sadd.s32 $0x88, s3;
	s6 =	simm.s32 @!p1 $0x1082;
	[sflag:s4] =	ssyncset.s32 $0xFFFFF086  }
0x25: {  	[simem:s6], [sflag:s4] =	dma.local [hbm:s3], $0xF7A  }
0x26: {  	[smem:$0x3F96] =	sst s1;
	(tag) =	ssettag s2;
	_ =	strace s9  }
0x27: {  	s1 =	sld [smem:$0x3FA6]  }
0x28: {  	s2 =	sld [smem:$0x3FA7]  }
0x29: {  	s4 =	sld [smem:$0x3FA9]  }
0x2a: {  	p0 =	seq.s32 s5, $0x0;
	s5 =	sld [smem:$0x3FAA]  }
0x2b: {  	s6 =	sld [smem:$0x3FAB]  }
0x2c: {  	s7 =	sld [smem:$0x3FAC]  }
0x2d: {  	s3 =	simm.s32 $0x108;
	s8 =	sld [smem:$0x3FAD]  }
0x2e: {  	s3 =	simm.s32 @!p0 $0x1082;
	s9 =	sld [smem:$0x3FAE]  }
0x2f: {  	lr =	sadd.s32 s0, s3;
	s0 =	sld [smem:$0x3FA5]  }
0x30: {  	s3 =	sld [smem:$0x3FA8]  }
0x31: {  	[smem:$0x3FB1] =	sst s10  }
0x32: {  	s10 =	sld [smem:$0x3FAF];
	_ =	sdelay $0x3  }
0x33: {  	p0 =	seq.s32 s10, $0x1;
	s10 =	sld [smem:$0x3FB1];
	_ =	sdelay $0x3  }
0x34: {  	[smem:$0x3FB1] =	sst s10  }
0x35: {  	s10 =	sld [smem:$0x3FB0];
	_ =	sdelay $0x3  }
0x36: {  	p1 =	seq.s32 s10, $0x1;
	s10 =	sld [smem:$0x3FB1];
	_ =	sdelay $0x3  }
0x37: {  	[smem:$0x3FB1] =	sst s10  }
0x38: {  	s10 =	sld [smem:$0x3FB2]  }
0x39: {  	_ = 	snop;
	(pc) =	sbr.ind lr, $3  }
0x3a: {  	_ = 	snop  }
0x3b: {  	_ = 	snop  }
0x3c: {  	p2 =	seq.s32 s10, $0x1;
	s10 =	sld [smem:$0x3FB1]  }
0x3d: {  	_ =	shalt  }
0x3e: {  	_ =	shalt  }
0x3f: {  	_ =	shalt  }
0x40: {  	_ =	shalt  }
0x41: {  	_ =	shalt  }
0x42: {  	_ =	shalt  }
0x43: {  	_ =	shalt  }
0x44: {  	_ =	shalt  }
0x45: {  	_ =	shalt  }
0x46: {  	_ =	shalt  }
0x47: {  	_ =	shalt  }
0x48: {  	_ =	shalt  }
0x49: {  	_ =	shalt  }
0x4a: {  	_ =	shalt  }
0x4b: {  	_ =	shalt  }
0x4c: {  	_ =	shalt  }
0x4d: {  	_ =	shalt  }
0x4e: {  	_ =	shalt  }
0x4f: {  	_ =	shalt  }
0x50: {  	_ =	shalt  }
0x51: {  	_ =	shalt  }
0x52: {  	_ =	shalt  }
0x53: {  	_ =	shalt  }
0x54: {  	_ =	shalt  }
0x55: {  	_ =	shalt  }
0x56: {  	_ =	shalt  }
0x57: {  	_ =	shalt  }
0x58: {  	_ =	shalt  }
0x59: {  	_ =	shalt  }
0x5a: {  	_ =	shalt  }
0x5b: {  	_ =	shalt  }
0x5c: {  	_ =	shalt  }
0x5d: {  	_ =	shalt  }
0x5e: {  	_ =	shalt  }
0x5f: {  	_ =	shalt  }
0x60: {  	_ =	shalt  }
0x61: {  	_ =	shalt  }
0x62: {  	_ =	shalt  }
0x63: {  	_ =	shalt  }
0x64: {  	_ =	shalt  }
0x65: {  	_ =	shalt  }
0x66: {  	_ =	shalt  }
0x67: {  	_ =	shalt  }
0x68: {  	_ =	shalt  }
0x69: {  	_ =	shalt  }
0x6a: {  	_ =	shalt  }
0x6b: {  	_ =	shalt  }
0x6c: {  	_ =	shalt  }
0x6d: {  	_ =	shalt  }
0x6e: {  	_ =	shalt  }
0x6f: {  	_ =	shalt  }
0x70: {  	_ =	shalt  }
0x71: {  	_ =	shalt  }
0x72: {  	_ =	shalt  }
0x73: {  	_ =	shalt  }
0x74: {  	_ =	shalt  }
0x75: {  	_ =	shalt  }
0x76: {  	_ =	shalt  }
0x77: {  	_ =	shalt  }
0x78: {  	_ =	shalt  }
0x79: {  	_ =	shalt  }
0x7a: {  	_ =	shalt  }
0x7b: {  	_ =	shalt  }
0x7c: {  	_ =	shalt  }
0x7d: {  	_ =	shalt  }
0x7e: {  	_ =	shalt  }
0x7f: {  	_ =	shalt  }
0x80: {  	_ =	shalt  }
0x81: {  	_ =	shalt  }
0x82: {  	_ =	shalt  }
0x83: {  	_ =	shalt  }
0x84: {  	_ =	shalt  }
0x85: {  	_ =	shalt  }
0x86: {  	_ =	shalt  }
0x87: {  	_ =	shalt  }
.Lfunc_end0:
.L_simem_size_0:
called_computation_lowered:
.L_overlay_start_0:
0x88: {  	s2 =	sld [smem:$0x3FD9]  }
0x89: {  	s3 =	sld [smem:$0x3FFE];
	_ =	sdelay $0x1  }
0x8a: {  	s1 =	srdreg.scid  }
0x8b: {  	s0 =	sand.u32 $0x1, s1  }
0x8c: {  	s16 =	sshll.u32 s0, $0xA;
	s2 =	sadd.s32 s3, s2  }
0x8d: {  	s2 =	sadd.s32 s2, s16  }
0x8e: {  	[smem:$0x3FBD] =	sst s2  }
0x8f: {  	_ = 	snop  }
0x90: {  	(tm) =	ssettm $0x1  }
0x91: {  	s17 =	sld [smem:$0x3FFB];
	_ =	sdelay $0x3  }
0x92: {  	_ =	strace s17  }
0x93: {  	s2 =	sld [smem:$0x3FFC];
	_ =	sdelay $0x3  }
0x94: {  	_ =	strace s2  }
0x95: {  	s2 =	sld [smem:$0x3FFD];
	_ =	sdelay $0x3  }
0x96: {  	_ =	strace s2  }
0x97: {  	_ =	strace $0x8FFFFFFF  }
0x98: {  	s18 =	sld [smem:$0x3FDB];
	_ =	sdelay $0x1  }
0x99: {  	s19 =	simm.s32 $_scs_section_size  }
0x9a: {  	s4 =	simm.s32 $_size__tile_overlayer_lowered;
	s5 =	simm.s32 $_tile_overlayer_lowered  }
0x9b: {  	s22 =	simm.s32 $0x1BFF;
	s21 =	sshll.u32 s5, $0x1;
	s2 =	sadd.s32 s19, s18  }
0x9c: {  	s6 =	simm.s32 $0x0;
	s20 =	sshll.u32 s4, $0x1;
	s4 =	sadd.s32 s21, s2  }
0x9d: {  	[timem:s6], [sflag:s22] =	dma.local [hbm:s4], s20  }
0x9e: {  	_ =	swait.ge [sflag:s22], s20  }
0x9f: {  	s3 =	ssub.s32 $0x0, s20;
	[sflag:s22] =	ssyncset.done $0x0  }
0xa0: {  	[sflag:s22] =	ssyncadd.s32 s3;
	_ =	sdelay $0x1  }
0xa1: {  	s23 =	simm.s32 $0x1B8B  }
0xa2: {  	_ =	swait.ge [sflag:s23], $0x1  }
0xa3: {  	[sflag:s23] =	ssyncset.done $0x0  }
0xa4: {  	s25 =	simm.s32 $0x1B8E;
	s24 =	sld [smem:$0x3FFE];
	[sflag:s23] =	ssyncadd.s32 $0xFFFFFFFF  }
0xa5: {  	s26 =	simm.s32 $execute0_lowered;
	[smem:$0x3FD2] =	sst s25  }
0xa6: {  	s4 =	sshll.u32 s26, $0x1;
	_ =	strace $0x80000046;
	[dreg:$0x1] =	wrdreg $0xFFFFFFFF  }
0xa7: {  	s28 =	simm.s32 $_size_execute0_lowered;
	s2 =	sadd.s32 s2, s4;
	[dreg:$0x0] =	wrdreg $0x0  }
0xa8: {  	s4 =	sshll.u32 s28, $0x1;
	[dreg:$0x2] =	wrdreg s2  }
0xa9: {  	[dreg:$0x3] =	wrdreg s4  }
0xaa: {  	[dreg:$0x4] =	wrdreg $0xC0  }
0xab: {  	_ =	task [dreg:s6], $0x5FFFF  }
0xac: {  	[dreg:$0x1] =	wrdreg $0xFFFFFFFF  }
0xad: {  	[dreg:$0x0] =	wrdreg $0x60  }
0xae: {  	[dreg:$0x2] =	wrdreg s24  }
0xaf: {  	[dreg:$0x3] =	wrdreg $0xC0000  }
0xb0: {  	[dreg:$0x4] =	wrdreg $0x9  }
0xb1: {  	_ =	task.clear_ibuf [dreg:s6], $0x5FFFF;
	_ =	strace $0x90000046  }
0xb2: {  	s29 =	simm.s32 $0x9;
	_ =	strace $0x80000048  }
0xb3: {  	_ =	swait.ge [sflag:s29], $0x1  }
0xb4: {  	[sflag:s29] =	ssyncadd.s32 $0xFFFFFFFF  }
0xb5: {  	_ =	strace $0x90000048  }
0xb6: {  	_ =	sfence  }
0xb7: {  	s30 =	sld [smem:$0x0];
	_ =	sdelay $0x2  }
0xb8: {  	s31 =	sshll.u32 s1, $0xD;
	s1 =	sshrl.u32 s1, $0x2  }
0xb9: {  	s3 =	sand.u32 $0x4000, s31;
	s1 =	sadd.s32 s1, s30  }
0xba: {  	s0 =	sor.u32 s3, s0;
	s1 =	sshll.u32 s1, $0x11  }
0xbb: {  	s0 =	sor.u32 s1, s0  }
0xbc: {  	s0 =	sadd.s32 $0x8F2B, s0  }
0xbd: {  	[sflag:s0] =	ssyncadd.remote.s32 $0x1  }
0xbe: {  	_ =	sfence.sel $0xFFFF  }
0xbf: {  	[dreg:$0x0] =	wrdreg $0xFFFFFFFF;
	(pc) =	sbr.abs _section_cstart, $3  }
0xc0: {  	[dreg:$0x1] =	wrdreg $0xFFFFFFFF  }
0xc1: {  	_ =	task.clear_ibuf [dreg:s6], $0x2FFFF;
	_ =	strace $0x9FFFFFFF  }
0xc2: {  	(tm) =	ssettm $0x7FFFFFFF  }
0xc3: {  	_ =	shalt  }
tec
execute0_lowered:
.L_overlay_start_1:
0x0: {  	(tag) =	ssettag $0x1  }
0x1: {  	s0 =	rddreg [dreg:$0x0]  }
0x2: {  	s2 =	rddreg [dreg:$0x1];
	s3 =	simm.s32 $0x0;
	s12 =	stileid.u32  }
0x3: {  	s1 =	srdreg.scid;
	s28 =	simm.s32 $0x180;
	s29 =	simm.s32 $0x200  }
0x4: {  	s30 =	simm.s32 $0x2180;
	s31 =	simm.s32 $0x2200;
	s13 =	simm.s32 $0x300  }
0x5: {  	s14 =	simm.s32 $0x380;
	[smem:$0x7FF] =	sst s3;
	s5 =	smul.u32 $0x13C00, s12  }
0x6: {  	s1 =	sand.u32 $0x1, s1;
	s4 =	sadd.s32 $0x16A00, s0;
	s7 =	sadd.s32 $0xCA00, s0  }
0x7: {  	s8 =	sadd.s32 $0x2A00, s0;
	s10 =	smul.u32 $0x4F000, s12;
	s17 =	sshll.u32 s12, $0x6  }
0x8: {  	s18 =	sshll.u32 s12, $0xB;
	s12 =	sshll.u32 s12, $0x9;
	s3 =	simm.s32 $0x2000  }
0x9: {  	_ =	strace $0x80000047;
	s6 =	smul.u32 $0x13C000, s1;
	s15 =	ssub.s32 $0x2, s1  }
0xa: {  	p0 =	seq.s32 s1, $0x1;
	s19 =	sadd.s32 s7, s18;
	s20 =	sor.u32 $0x400, s18  }
0xb: {  	s1 =	sadd.s32 s8, s18;
	s22 =	sor.u32 $0x8000, s12;
	s24 =	sor.u32 $0x8100, s12  }
0xc: {  	s18 =	simm.s32 $0x2;
	s12 =	simm.s32 $0x280;
	s9 =	sshrl.u32 s5, $0x3  }
0xd: {  	s11 =	sshrl.u32 s15, $0x1;
	s16 =	sshrl.u32 s10, $0x2;
	[dreg:$0x3] =	wrdreg s19  }
0xe: {  	[dreg:$0x4] =	wrdreg s1;
	s21 =	sadd.s32 s7, s20;
	s23 =	sadd.s32 s7, s22  }
0xf: {  	s1 =	sadd.s32 s8, s22;
	s25 =	sadd.s32 s7, s24;
	s26 =	sadd.s32 s8, s24  }
0x10: {  	s22 =	simm.s32 $0x8000;
	s7 =	simm.s32 $0x0;
	[dreg:$0x5] =	wrdreg s21  }
0x11: {  	s19 =	simm.s32 $0x0;
	s5 =	sadd.s32 s5, s6;
	[dreg:$0x7] =	wrdreg s23  }
0x12: {  	s9 =	sadd.s32 s9, s0;
	s11 =	ssub.s32 s15, s11;
	[dreg:$0x8] =	wrdreg s1  }
0x13: {  	s10 =	sadd.s32 s16, s2;
	s6 =	sor.u32 $0x1C02, s17;
	[dreg:$0x9] =	wrdreg s25  }
.Ltmp0:
0x14: {  	[dreg:$0xa] =	wrdreg s26;
	s21 =	simm.s32 $0x4000;
	(pc) =	sbr.rel .LBB2_1-.Ltmp0, $4  }
0x15: {  	s23 =	simm.s32 $0x1;
	s16 =	simm.s32 $0x2280;
	s15 =	simm.s32 $0x400  }
0x16: {  	s5 =	sshrl.u32 s5, $0x3;
	s1 =	smax.u32 s11, $0x1;
	s10 =	sshrl.u32 s10, $0x3  }
0x17: {  	s0 =	sadd.s32 s5, s0;
	s5 =	sadd.s32 $0x14F200, s9;
	s9 =	sadd.s32 s8, s20  }
0x18: {  	s20 =	simm.s32 $0x80;
	[dreg:$0x6] =	wrdreg s9;
	s0 =	sadd.s32 $0x176A00, s0  }
.LBB2_8:
0x19: {  	s8 =	rddreg [dreg:$0x7]  }
0x1a: {  	[tilespmem:s19], [sflag:$0x2] =	stream.linear.gather [hbm4b:s8+s19], $0x800, $0x38;
	[tilespmem:$0x1FC00] =	vst v63  }
0x1b: {  	_ =	swait.ge [sflag:s18], $0x800  }
0x1c: {  	[sflag:s18] =	ssyncset.done $0x0  }
0x1d: {  	s11 =	rddreg [dreg:$0x8];
	[sflag:s18] =	ssyncadd.s32 $0xFFFFF800  }
0x1e: {  	[tilespmem:s3], [sflag:$0x2] =	stream.linear.gather [hbm4b:s11+s19], $0x800, $0x38;
	[tilespmem:$0x1FC00] =	vst v63  }
0x1f: {  	_ =	swait.ge [sflag:s18], $0x800  }
0x20: {  	[sflag:s18] =	ssyncset.done $0x0  }
0x21: {  	[sflag:s18] =	ssyncadd.s32 $0xFFFFF800  }
0x22: {  	[tilespmem:s21], [sflag:$0x1] =	stream.indirect.gather [hbm4b:s4+s20], $0x80, s19, s20, $0xb8;
	[tilespmem:$0x1FC00] =	vst v63  }
0x23: {  	_ = 	snop  }
0x24: {  	[tilespmem:s22], [sflag:$0x1] =	stream.indirect.gather [hbm4b:s4+s20], $0x80, s20, s20, $0xb8;
	[tilespmem:$0x1FC00] =	vst v63  }
0x25: {  	_ =	swait.ge [sflag:s23], $0x4000  }
0x26: {  	[sflag:s23] =	ssyncset.done $0x0  }
0x27: {  	[sflag:s23] =	ssyncadd.s32 $0xFFFFC000  }
0x28: {  	[spmem:s2] =	stream.indirect.scatter.add.f32 [tilespmem:s21], [sflag:$0x2], $0x80, s3, s20, $0xb8;
	[tilespmem:$0x1FC00] =	vst v63  }
0x29: {  	_ =	swait.ge [sflag:s18], $0x4000  }
0x2a: {  	[sflag:s18] =	ssyncset.done $0x0  }
0x2b: {  	s26 =	simm.s32 $0x100;
	[sflag:s18] =	ssyncadd.s32 $0xFFFFC000  }
0x2c: {  	[tilespmem:s21], [sflag:$0x1] =	stream.indirect.gather [hbm4b:s4+s20], $0x80, s26, s20, $0xb8;
	[tilespmem:$0x1FC00] =	vst v63  }
0x2d: {  	_ =	swait.ge [sflag:s23], $0x4000  }
0x2e: {  	[sflag:s23] =	ssyncset.done $0x0  }
0x2f: {  	s17 =	simm.s32 $0x2080;
	[sflag:s23] =	ssyncadd.s32 $0xFFFFC000  }
0x30: {  	[spmem:s2] =	stream.indirect.scatter.add.f32 [tilespmem:s22], [sflag:$0x2], $0x80, s17, s20, $0xb8;
	[tilespmem:$0x1FC00] =	vst v63  }
0x31: {  	_ =	swait.ge [sflag:s18], $0x4000  }
0x32: {  	[sflag:s18] =	ssyncset.done $0x0  }
0x33: {  	[sflag:s18] =	ssyncadd.s32 $0xFFFFC000  }
0x34: {  	[tilespmem:s22], [sflag:$0x1] =	stream.indirect.gather [hbm4b:s4+s20], $0x80, s28, s20, $0xb8;
	[tilespmem:$0x1FC00] =	vst v63  }
0x35: {  	_ =	swait.ge [sflag:s23], $0x4000  }
0x36: {  	[sflag:s23] =	ssyncset.done $0x0  }
0x37: {  	s11 =	simm.s32 $0x2100;
	[sflag:s23] =	ssyncadd.s32 $0xFFFFC000  }
0x38: {  	[spmem:s2] =	stream.indirect.scatter.add.f32 [tilespmem:s21], [sflag:$0x2], $0x80, s11, s20, $0xb8;
	[tilespmem:$0x1FC00] =	vst v63  }
0x39: {  	_ =	swait.ge [sflag:s18], $0x4000  }
0x3a: {  	[sflag:s18] =	ssyncset.done $0x0  }
0x3b: {  	[sflag:s18] =	ssyncadd.s32 $0xFFFFC000  }
0x3c: {  	[tilespmem:s21], [sflag:$0x1] =	stream.indirect.gather [hbm4b:s4+s20], $0x80, s29, s20, $0xb8;
	[tilespmem:$0x1FC00] =	vst v63  }
0x3d: {  	_ =	swait.ge [sflag:s23], $0x4000  }
0x3e: {  	[sflag:s23] =	ssyncset.done $0x0  }
0x3f: {  	[sflag:s23] =	ssyncadd.s32 $0xFFFFC000  }
0x40: {  	[spmem:s2] =	stream.indirect.scatter.add.f32 [tilespmem:s22], [sflag:$0x2], $0x80, s30, s20, $0xb8;
	[tilespmem:$0x1FC00] =	vst v63  }
0x41: {  	_ =	swait.ge [sflag:s18], $0x4000  }
0x42: {  	[sflag:s18] =	ssyncset.done $0x0  }
0x43: {  	[sflag:s18] =	ssyncadd.s32 $0xFFFFC000  }
0x44: {  	[tilespmem:s22], [sflag:$0x1] =	stream.indirect.gather [hbm4b:s4+s20], $0x80, s12, s20, $0xb8;
	[tilespmem:$0x1FC00] =	vst v63  }
0x45: {  	_ =	swait.ge [sflag:s23], $0x4000  }
0x46: {  	[sflag:s23] =	ssyncset.done $0x0  }
0x47: {  	[sflag:s23] =	ssyncadd.s32 $0xFFFFC000  }
0x48: {  	[spmem:s2] =	stream.indirect.scatter.add.f32 [tilespmem:s21], [sflag:$0x2], $0x80, s31, s20, $0xb8;
	[tilespmem:$0x1FC00] =	vst v63  }
0x49: {  	_ =	swait.ge [sflag:s18], $0x4000  }
0x4a: {  	[sflag:s18] =	ssyncset.done $0x0  }
0x4b: {  	[sflag:s18] =	ssyncadd.s32 $0xFFFFC000  }
0x4c: {  	[tilespmem:s21], [sflag:$0x1] =	stream.indirect.gather [hbm4b:s4+s20], $0x80, s13, s20, $0xb8;
	[tilespmem:$0x1FC00] =	vst v63  }
0x4d: {  	_ =	swait.ge [sflag:s23], $0x4000  }
0x4e: {  	[sflag:s23] =	ssyncset.done $0x0  }
0x4f: {  	[sflag:s23] =	ssyncadd.s32 $0xFFFFC000  }
0x50: {  	[spmem:s2] =	stream.indirect.scatter.add.f32 [tilespmem:s22], [sflag:$0x2], $0x80, s16, s20, $0xb8;
	[tilespmem:$0x1FC00] =	vst v63  }
0x51: {  	_ =	swait.ge [sflag:s18], $0x4000  }
0x52: {  	[sflag:s18] =	ssyncset.done $0x0  }
0x53: {  	[sflag:s18] =	ssyncadd.s32 $0xFFFFC000  }
0x54: {  	[tilespmem:s22], [sflag:$0x1] =	stream.indirect.gather [hbm4b:s4+s20], $0x80, s14, s20, $0xb8;
	[tilespmem:$0x1FC00] =	vst v63  }
0x55: {  	_ =	swait.ge [sflag:s23], $0x4000  }
0x56: {  	[sflag:s23] =	ssyncset.done $0x0  }
0x57: {  	s3 =	simm.s32 $0x2300;
	[sflag:s23] =	ssyncadd.s32 $0xFFFFC000  }
0x58: {  	[spmem:s2] =	stream.indirect.scatter.add.f32 [tilespmem:s21], [sflag:$0x2], $0x80, s3, s20, $0xb8;
	[tilespmem:$0x1FC00] =	vst v63  }
0x59: {  	_ =	swait.ge [sflag:s18], $0x4000  }
0x5a: {  	[sflag:s18] =	ssyncset.done $0x0  }
0x5b: {  	[sflag:s18] =	ssyncadd.s32 $0xFFFFC000  }
0x5c: {  	[tilespmem:s21], [sflag:$0x1] =	stream.indirect.gather [hbm4b:s4+s20], $0x80, s15, s20, $0xb8;
	[tilespmem:$0x1FC00] =	vst v63  }
0x5d: {  	_ =	swait.ge [sflag:s23], $0x4000  }
0x5e: {  	[sflag:s23] =	ssyncset.done $0x0  }
0x5f: {  	s24 =	simm.s32 $0x2380;
	[sflag:s23] =	ssyncadd.s32 $0xFFFFC000  }
0x60: {  	[spmem:s2] =	stream.indirect.scatter.add.f32 [tilespmem:s22], [sflag:$0x2], $0x80, s24, s20, $0xb8;
	[tilespmem:$0x1FC00] =	vst v63  }
0x61: {  	_ =	swait.ge [sflag:s18], $0x4000  }
0x62: {  	[sflag:s18] =	ssyncset.done $0x0  }
0x63: {  	s25 =	simm.s32 $0x480;
	[sflag:s18] =	ssyncadd.s32 $0xFFFFC000  }
0x64: {  	[tilespmem:s22], [sflag:$0x1] =	stream.indirect.gather [hbm4b:s4+s20], $0x80, s25, s20, $0xb8;
	[tilespmem:$0x1FC00] =	vst v63  }
0x65: {  	_ =	swait.ge [sflag:s23], $0x4000  }
0x66: {  	[sflag:s23] =	ssyncset.done $0x0  }
0x67: {  	s9 =	simm.s32 $0x2400;
	[sflag:s23] =	ssyncadd.s32 $0xFFFFC000  }
0x68: {  	[spmem:s2] =	stream.indirect.scatter.add.f32 [tilespmem:s21], [sflag:$0x2], $0x80, s9, s20, $0xb8;
	[tilespmem:$0x1FC00] =	vst v63  }
0x69: {  	_ =	swait.ge [sflag:s18], $0x4000  }
0x6a: {  	[sflag:s18] =	ssyncset.done $0x0  }
0x6b: {  	s24 =	simm.s32 $0x500;
	[sflag:s18] =	ssyncadd.s32 $0xFFFFC000  }
0x6c: {  	[tilespmem:s21], [sflag:$0x1] =	stream.indirect.gather [hbm4b:s4+s20], $0x80, s24, s20, $0xb8;
	[tilespmem:$0x1FC00] =	vst v63  }
0x6d: {  	_ =	swait.ge [sflag:s23], $0x4000  }
0x6e: {  	[sflag:s23] =	ssyncset.done $0x0  }
0x6f: {  	s25 =	simm.s32 $0x2480;
	[sflag:s23] =	ssyncadd.s32 $0xFFFFC000  }
0x70: {  	[spmem:s2] =	stream.indirect.scatter.add.f32 [tilespmem:s22], [sflag:$0x2], $0x80, s25, s20, $0xb8;
	[tilespmem:$0x1FC00] =	vst v63  }
0x71: {  	_ =	swait.ge [sflag:s18], $0x4000  }
0x72: {  	[sflag:s18] =	ssyncset.done $0x0  }
0x73: {  	s9 =	simm.s32 $0x580;
	[sflag:s18] =	ssyncadd.s32 $0xFFFFC000  }
0x74: {  	[tilespmem:s22], [sflag:$0x1] =	stream.indirect.gather [hbm4b:s4+s20], $0x80, s9, s20, $0xb8;
	[tilespmem:$0x1FC00] =	vst v63  }
0x75: {  	_ =	swait.ge [sflag:s23], $0x4000  }
0x76: {  	[sflag:s23] =	ssyncset.done $0x0  }
0x77: {  	s24 =	simm.s32 $0x2500;
	[sflag:s23] =	ssyncadd.s32 $0xFFFFC000  }
0x78: {  	[spmem:s2] =	stream.indirect.scatter.add.f32 [tilespmem:s21], [sflag:$0x2], $0x80, s24, s20, $0xb8;
	[tilespmem:$0x1FC00] =	vst v63  }
0x79: {  	_ =	swait.ge [sflag:s18], $0x4000  }
0x7a: {  	[sflag:s18] =	ssyncset.done $0x0  }
0x7b: {  	s25 =	simm.s32 $0x600;
	[sflag:s18] =	ssyncadd.s32 $0xFFFFC000  }
0x7c: {  	[tilespmem:s21], [sflag:$0x1] =	stream.indirect.gather [hbm4b:s4+s20], $0x80, s25, s20, $0xb8;
	[tilespmem:$0x1FC00] =	vst v63  }
0x7d: {  	_ =	swait.ge [sflag:s23], $0x4000  }
0x7e: {  	[sflag:s23] =	ssyncset.done $0x0  }
0x7f: {  	s9 =	simm.s32 $0x2580;
	[sflag:s23] =	ssyncadd.s32 $0xFFFFC000  }
0x80: {  	[spmem:s2] =	stream.indirect.scatter.add.f32 [tilespmem:s22], [sflag:$0x2], $0x80, s9, s20, $0xb8;
	[tilespmem:$0x1FC00] =	vst v63  }
0x81: {  	_ =	swait.ge [sflag:s18], $0x4000  }
0x82: {  	[sflag:s18] =	ssyncset.done $0x0  }
0x83: {  	s24 =	simm.s32 $0x680;
	[sflag:s18] =	ssyncadd.s32 $0xFFFFC000  }
0x84: {  	[tilespmem:s22], [sflag:$0x1] =	stream.indirect.gather [hbm4b:s4+s20], $0x80, s24, s20, $0xb8;
	[tilespmem:$0x1FC00] =	vst v63  }
0x85: {  	_ =	swait.ge [sflag:s23], $0x4000  }
0x86: {  	[sflag:s23] =	ssyncset.done $0x0  }
0x87: {  	s25 =	simm.s32 $0x2600;
	[sflag:s23] =	ssyncadd.s32 $0xFFFFC000  }
0x88: {  	[spmem:s2] =	stream.indirect.scatter.add.f32 [tilespmem:s21], [sflag:$0x2], $0x80, s25, s20, $0xb8;
	[tilespmem:$0x1FC00] =	vst v63  }
0x89: {  	_ =	swait.ge [sflag:s18], $0x4000  }
0x8a: {  	[sflag:s18] =	ssyncset.done $0x0  }
0x8b: {  	s9 =	simm.s32 $0x700;
	[sflag:s18] =	ssyncadd.s32 $0xFFFFC000  }
0x8c: {  	[tilespmem:s21], [sflag:$0x1] =	stream.indirect.gather [hbm4b:s4+s20], $0x80, s9, s20, $0xb8;
	[tilespmem:$0x1FC00] =	vst v63  }
0x8d: {  	_ =	swait.ge [sflag:s23], $0x4000  }
0x8e: {  	[sflag:s23] =	ssyncset.done $0x0  }
0x8f: {  	s24 =	simm.s32 $0x2680;
	[sflag:s23] =	ssyncadd.s32 $0xFFFFC000  }
0x90: {  	[spmem:s2] =	stream.indirect.scatter.add.f32 [tilespmem:s22], [sflag:$0x2], $0x80, s24, s20, $0xb8;
	[tilespmem:$0x1FC00] =	vst v63  }
0x91: {  	_ =	swait.ge [sflag:s18], $0x4000  }
0x92: {  	[sflag:s18] =	ssyncset.done $0x0  }
0x93: {  	s8 =	simm.s32 $0x780;
	[sflag:s18] =	ssyncadd.s32 $0xFFFFC000  }
0x94: {  	[tilespmem:s22], [sflag:$0x1] =	stream.indirect.gather [hbm4b:s4+s20], $0x80, s8, s20, $0xb8;
	[tilespmem:$0x1FC00] =	vst v63  }
0x95: {  	_ =	swait.ge [sflag:s23], $0x4000  }
0x96: {  	[sflag:s23] =	ssyncset.done $0x0  }
0x97: {  	s24 =	simm.s32 $0x2700;
	[sflag:s23] =	ssyncadd.s32 $0xFFFFC000  }
0x98: {  	[spmem:s2] =	stream.indirect.scatter.add.f32 [tilespmem:s21], [sflag:$0x2], $0x80, s24, s20, $0xb8;
	[tilespmem:$0x1FC00] =	vst v63  }
0x99: {  	_ =	swait.ge [sflag:s18], $0x4000  }
0x9a: {  	[sflag:s18] =	ssyncset.done $0x0  }
0x9b: {  	[sflag:s18] =	ssyncadd.s32 $0xFFFFC000  }
0x9c: {  	_ =	swait.ge [sflag:s23], $0x4000  }
0x9d: {  	[sflag:s23] =	ssyncset.done $0x0  }
0x9e: {  	s9 =	simm.s32 $0x2780;
	[sflag:s23] =	ssyncadd.s32 $0xFFFFC000  }
0x9f: {  	[spmem:s2] =	stream.indirect.scatter.add.f32 [tilespmem:s22], [sflag:$0x2], $0x80, s9, s20, $0xb8;
	[tilespmem:$0x1FC00] =	vst v63  }
0xa0: {  	_ =	swait.ge [sflag:s18], $0x4000  }
0xa1: {  	[sflag:s18] =	ssyncset.done $0x0  }
0xa2: {  	s25 =	rddreg [dreg:$0x9];
	[sflag:s18] =	ssyncadd.s32 $0xFFFFC000  }
0xa3: {  	[tilespmem:s19], [sflag:$0x2] =	stream.linear.gather [hbm4b:s25+s19], $0x800, $0x38;
	[tilespmem:$0x1FC00] =	vst v63  }
0xa4: {  	_ =	swait.ge [sflag:s18], $0x800  }
0xa5: {  	[sflag:s18] =	ssyncset.done $0x0  }
0xa6: {  	s17 =	simm.s32 $0x2000;
	s25 =	rddreg [dreg:$0xa];
	[sflag:s18] =	ssyncadd.s32 $0xFFFFF800  }
0xa7: {  	[tilespmem:s17], [sflag:$0x2] =	stream.linear.gather [hbm4b:s25+s19], $0x800, $0x38;
	[tilespmem:$0x1FC00] =	vst v63  }
0xa8: {  	_ =	swait.ge [sflag:s18], $0x800  }
0xa9: {  	[sflag:s18] =	ssyncset.done $0x0  }
0xaa: {  	[sflag:s18] =	ssyncadd.s32 $0xFFFFF800  }
0xab: {  	[tilespmem:s21], [sflag:$0x1] =	stream.indirect.gather [hbm4b:s4+s20], $0x80, s19, s20, $0xb8;
	[tilespmem:$0x1FC00] =	vst v63  }
0xac: {  	_ = 	snop  }
0xad: {  	[tilespmem:s22], [sflag:$0x1] =	stream.indirect.gather [hbm4b:s4+s20], $0x80, s20, s20, $0xb8;
	[tilespmem:$0x1FC00] =	vst v63  }
0xae: {  	_ =	swait.ge [sflag:s23], $0x4000  }
0xaf: {  	[sflag:s23] =	ssyncset.done $0x0  }
0xb0: {  	[sflag:s23] =	ssyncadd.s32 $0xFFFFC000  }
0xb1: {  	[spmem:s2] =	stream.indirect.scatter.add.f32 [tilespmem:s21], [sflag:$0x2], $0x80, s17, s20, $0xb8;
	[tilespmem:$0x1FC00] =	vst v63  }
0xb2: {  	_ =	swait.ge [sflag:s18], $0x4000  }
0xb3: {  	[sflag:s18] =	ssyncset.done $0x0  }
0xb4: {  	[sflag:s18] =	ssyncadd.s32 $0xFFFFC000  }
0xb5: {  	[tilespmem:s21], [sflag:$0x1] =	stream.indirect.gather [hbm4b:s4+s20], $0x80, s26, s20, $0xb8;
	[tilespmem:$0x1FC00] =	vst v63  }
0xb6: {  	_ =	swait.ge [sflag:s23], $0x4000  }
0xb7: {  	[sflag:s23] =	ssyncset.done $0x0  }
0xb8: {  	s25 =	simm.s32 $0x2080;
	[sflag:s23] =	ssyncadd.s32 $0xFFFFC000  }
0xb9: {  	[spmem:s2] =	stream.indirect.scatter.add.f32 [tilespmem:s22], [sflag:$0x2], $0x80, s25, s20, $0xb8;
	[tilespmem:$0x1FC00] =	vst v63  }
0xba: {  	_ =	swait.ge [sflag:s18], $0x4000  }
0xbb: {  	[sflag:s18] =	ssyncset.done $0x0  }
0xbc: {  	[sflag:s18] =	ssyncadd.s32 $0xFFFFC000  }
0xbd: {  	[tilespmem:s22], [sflag:$0x1] =	stream.indirect.gather [hbm4b:s4+s20], $0x80, s28, s20, $0xb8;
	[tilespmem:$0x1FC00] =	vst v63  }
0xbe: {  	_ =	swait.ge [sflag:s23], $0x4000  }
0xbf: {  	[sflag:s23] =	ssyncset.done $0x0  }
0xc0: {  	[sflag:s23] =	ssyncadd.s32 $0xFFFFC000  }
0xc1: {  	[spmem:s2] =	stream.indirect.scatter.add.f32 [tilespmem:s21], [sflag:$0x2], $0x80, s11, s20, $0xb8;
	[tilespmem:$0x1FC00] =	vst v63  }
0xc2: {  	_ =	swait.ge [sflag:s18], $0x4000  }
0xc3: {  	[sflag:s18] =	ssyncset.done $0x0  }
0xc4: {  	[sflag:s18] =	ssyncadd.s32 $0xFFFFC000  }
0xc5: {  	[tilespmem:s21], [sflag:$0x1] =	stream.indirect.gather [hbm4b:s4+s20], $0x80, s29, s20, $0xb8;
	[tilespmem:$0x1FC00] =	vst v63  }
0xc6: {  	_ =	swait.ge [sflag:s23], $0x4000  }
0xc7: {  	[sflag:s23] =	ssyncset.done $0x0  }
0xc8: {  	[sflag:s23] =	ssyncadd.s32 $0xFFFFC000  }
0xc9: {  	[spmem:s2] =	stream.indirect.scatter.add.f32 [tilespmem:s22], [sflag:$0x2], $0x80, s30, s20, $0xb8;
	[tilespmem:$0x1FC00] =	vst v63  }
0xca: {  	_ =	swait.ge [sflag:s18], $0x4000  }
0xcb: {  	[sflag:s18] =	ssyncset.done $0x0  }
0xcc: {  	[sflag:s18] =	ssyncadd.s32 $0xFFFFC000  }
0xcd: {  	[tilespmem:s22], [sflag:$0x1] =	stream.indirect.gather [hbm4b:s4+s20], $0x80, s12, s20, $0xb8;
	[tilespmem:$0x1FC00] =	vst v63  }
0xce: {  	_ =	swait.ge [sflag:s23], $0x4000  }
0xcf: {  	[sflag:s23] =	ssyncset.done $0x0  }
0xd0: {  	[sflag:s23] =	ssyncadd.s32 $0xFFFFC000  }
0xd1: {  	[spmem:s2] =	stream.indirect.scatter.add.f32 [tilespmem:s21], [sflag:$0x2], $0x80, s31, s20, $0xb8;
	[tilespmem:$0x1FC00] =	vst v63  }
0xd2: {  	_ =	swait.ge [sflag:s18], $0x4000  }
0xd3: {  	[sflag:s18] =	ssyncset.done $0x0  }
0xd4: {  	[sflag:s18] =	ssyncadd.s32 $0xFFFFC000  }
0xd5: {  	[tilespmem:s21], [sflag:$0x1] =	stream.indirect.gather [hbm4b:s4+s20], $0x80, s13, s20, $0xb8;
	[tilespmem:$0x1FC00] =	vst v63  }
0xd6: {  	_ =	swait.ge [sflag:s23], $0x4000  }
0xd7: {  	[sflag:s23] =	ssyncset.done $0x0  }
0xd8: {  	[sflag:s23] =	ssyncadd.s32 $0xFFFFC000  }
0xd9: {  	[spmem:s2] =	stream.indirect.scatter.add.f32 [tilespmem:s22], [sflag:$0x2], $0x80, s16, s20, $0xb8;
	[tilespmem:$0x1FC00] =	vst v63  }
0xda: {  	_ =	swait.ge [sflag:s18], $0x4000  }
0xdb: {  	[sflag:s18] =	ssyncset.done $0x0  }
0xdc: {  	[sflag:s18] =	ssyncadd.s32 $0xFFFFC000  }
0xdd: {  	[tilespmem:s22], [sflag:$0x1] =	stream.indirect.gather [hbm4b:s4+s20], $0x80, s14, s20, $0xb8;
	[tilespmem:$0x1FC00] =	vst v63  }
0xde: {  	_ =	swait.ge [sflag:s23], $0x4000  }
0xdf: {  	[sflag:s23] =	ssyncset.done $0x0  }
0xe0: {  	[sflag:s23] =	ssyncadd.s32 $0xFFFFC000  }
0xe1: {  	[spmem:s2] =	stream.indirect.scatter.add.f32 [tilespmem:s21], [sflag:$0x2], $0x80, s3, s20, $0xb8;
	[tilespmem:$0x1FC00] =	vst v63  }
0xe2: {  	_ =	swait.ge [sflag:s18], $0x4000  }
0xe3: {  	[sflag:s18] =	ssyncset.done $0x0  }
0xe4: {  	[sflag:s18] =	ssyncadd.s32 $0xFFFFC000  }
0xe5: {  	[tilespmem:s21], [sflag:$0x1] =	stream.indirect.gather [hbm4b:s4+s20], $0x80, s15, s20, $0xb8;
	[tilespmem:$0x1FC00] =	vst v63  }
0xe6: {  	_ =	swait.ge [sflag:s23], $0x4000  }
0xe7: {  	[sflag:s23] =	ssyncset.done $0x0  }
0xe8: {  	s26 =	simm.s32 $0x2380;
	[sflag:s23] =	ssyncadd.s32 $0xFFFFC000  }
0xe9: {  	[spmem:s2] =	stream.indirect.scatter.add.f32 [tilespmem:s22], [sflag:$0x2], $0x80, s26, s20, $0xb8;
	[tilespmem:$0x1FC00] =	vst v63  }
0xea: {  	_ =	swait.ge [sflag:s18], $0x4000  }
0xeb: {  	[sflag:s18] =	ssyncset.done $0x0  }
0xec: {  	s17 =	simm.s32 $0x480;
	[sflag:s18] =	ssyncadd.s32 $0xFFFFC000  }
0xed: {  	[tilespmem:s22], [sflag:$0x1] =	stream.indirect.gather [hbm4b:s4+s20], $0x80, s17, s20, $0xb8;
	[tilespmem:$0x1FC00] =	vst v63  }
0xee: {  	_ =	swait.ge [sflag:s23], $0x4000  }
0xef: {  	[sflag:s23] =	ssyncset.done $0x0  }
0xf0: {  	s25 =	simm.s32 $0x2400;
	[sflag:s23] =	ssyncadd.s32 $0xFFFFC000  }
0xf1: {  	[spmem:s2] =	stream.indirect.scatter.add.f32 [tilespmem:s21], [sflag:$0x2], $0x80, s25, s20, $0xb8;
	[tilespmem:$0x1FC00] =	vst v63  }
0xf2: {  	_ =	swait.ge [sflag:s18], $0x4000  }
0xf3: {  	[sflag:s18] =	ssyncset.done $0x0  }
0xf4: {  	s26 =	simm.s32 $0x500;
	[sflag:s18] =	ssyncadd.s32 $0xFFFFC000  }
0xf5: {  	[tilespmem:s21], [sflag:$0x1] =	stream.indirect.gather [hbm4b:s4+s20], $0x80, s26, s20, $0xb8;
	[tilespmem:$0x1FC00] =	vst v63  }
0xf6: {  	_ =	swait.ge [sflag:s23], $0x4000  }
0xf7: {  	[sflag:s23] =	ssyncset.done $0x0  }
0xf8: {  	s17 =	simm.s32 $0x2480;
	[sflag:s23] =	ssyncadd.s32 $0xFFFFC000  }
0xf9: {  	[spmem:s2] =	stream.indirect.scatter.add.f32 [tilespmem:s22], [sflag:$0x2], $0x80, s17, s20, $0xb8;
	[tilespmem:$0x1FC00] =	vst v63  }
0xfa: {  	_ =	swait.ge [sflag:s18], $0x4000  }
0xfb: {  	[sflag:s18] =	ssyncset.done $0x0  }
0xfc: {  	s25 =	simm.s32 $0x580;
	[sflag:s18] =	ssyncadd.s32 $0xFFFFC000  }
0xfd: {  	[tilespmem:s22], [sflag:$0x1] =	stream.indirect.gather [hbm4b:s4+s20], $0x80, s25, s20, $0xb8;
	[tilespmem:$0x1FC00] =	vst v63  }
0xfe: {  	_ =	swait.ge [sflag:s23], $0x4000  }
0xff: {  	[sflag:s23] =	ssyncset.done $0x0  }
0x100: {  	s26 =	simm.s32 $0x2500;
	[sflag:s23] =	ssyncadd.s32 $0xFFFFC000  }
0x101: {  	[spmem:s2] =	stream.indirect.scatter.add.f32 [tilespmem:s21], [sflag:$0x2], $0x80, s26, s20, $0xb8;
	[tilespmem:$0x1FC00] =	vst v63  }
0x102: {  	_ =	swait.ge [sflag:s18], $0x4000  }
0x103: {  	[sflag:s18] =	ssyncset.done $0x0  }
0x104: {  	s17 =	simm.s32 $0x600;
	[sflag:s18] =	ssyncadd.s32 $0xFFFFC000  }
0x105: {  	[tilespmem:s21], [sflag:$0x1] =	stream.indirect.gather [hbm4b:s4+s20], $0x80, s17, s20, $0xb8;
	[tilespmem:$0x1FC00] =	vst v63  }
0x106: {  	_ =	swait.ge [sflag:s23], $0x4000  }
0x107: {  	[sflag:s23] =	ssyncset.done $0x0  }
0x108: {  	s25 =	simm.s32 $0x2580;
	[sflag:s23] =	ssyncadd.s32 $0xFFFFC000  }
0x109: {  	[spmem:s2] =	stream.indirect.scatter.add.f32 [tilespmem:s22], [sflag:$0x2], $0x80, s25, s20, $0xb8;
	[tilespmem:$0x1FC00] =	vst v63  }
0x10a: {  	_ =	swait.ge [sflag:s18], $0x4000  }
0x10b: {  	[sflag:s18] =	ssyncset.done $0x0  }
0x10c: {  	s26 =	simm.s32 $0x680;
	[sflag:s18] =	ssyncadd.s32 $0xFFFFC000  }
0x10d: {  	[tilespmem:s22], [sflag:$0x1] =	stream.indirect.gather [hbm4b:s4+s20], $0x80, s26, s20, $0xb8;
	[tilespmem:$0x1FC00] =	vst v63  }
0x10e: {  	_ =	swait.ge [sflag:s23], $0x4000  }
0x10f: {  	[sflag:s23] =	ssyncset.done $0x0  }
0x110: {  	s17 =	simm.s32 $0x2600;
	[sflag:s23] =	ssyncadd.s32 $0xFFFFC000  }
0x111: {  	[spmem:s2] =	stream.indirect.scatter.add.f32 [tilespmem:s21], [sflag:$0x2], $0x80, s17, s20, $0xb8;
	[tilespmem:$0x1FC00] =	vst v63  }
0x112: {  	_ =	swait.ge [sflag:s18], $0x4000  }
0x113: {  	[sflag:s18] =	ssyncset.done $0x0  }
0x114: {  	s25 =	simm.s32 $0x700;
	[sflag:s18] =	ssyncadd.s32 $0xFFFFC000  }
0x115: {  	[tilespmem:s21], [sflag:$0x1] =	stream.indirect.gather [hbm4b:s4+s20], $0x80, s25, s20, $0xb8;
	[tilespmem:$0x1FC00] =	vst v63  }
0x116: {  	_ =	swait.ge [sflag:s23], $0x4000  }
0x117: {  	[sflag:s23] =	ssyncset.done $0x0  }
0x118: {  	s26 =	simm.s32 $0x2680;
	[sflag:s23] =	ssyncadd.s32 $0xFFFFC000  }
0x119: {  	[spmem:s2] =	stream.indirect.scatter.add.f32 [tilespmem:s22], [sflag:$0x2], $0x80, s26, s20, $0xb8;
	[tilespmem:$0x1FC00] =	vst v63  }
0x11a: {  	_ =	swait.ge [sflag:s18], $0x4000  }
0x11b: {  	[sflag:s18] =	ssyncset.done $0x0  }
0x11c: {  	s3 =	simm.s32 $0x2000;
	[sflag:s18] =	ssyncadd.s32 $0xFFFFC000  }
.LBB2_9:
0x11d: {  	[tilespmem:s22], [sflag:$0x1] =	stream.indirect.gather [hbm4b:s4+s20], $0x80, s8, s20, $0xb8;
	[tilespmem:$0x1FC00] =	vst v63  }
0x11e: {  	_ =	swait.ge [sflag:s23], $0x4000  }
0x11f: {  	[sflag:s23] =	ssyncset.done $0x0  }
0x120: {  	[sflag:s23] =	ssyncadd.s32 $0xFFFFC000  }
0x121: {  	[spmem:s2] =	stream.indirect.scatter.add.f32 [tilespmem:s21], [sflag:$0x2], $0x80, s24, s20, $0xb8;
	[tilespmem:$0x1FC00] =	vst v63  }
0x122: {  	_ =	swait.ge [sflag:s18], $0x4000  }
0x123: {  	[sflag:s18] =	ssyncset.done $0x0  }
0x124: {  	[sflag:s18] =	ssyncadd.s32 $0xFFFFC000  }
0x125: {  	_ =	swait.ge [sflag:s23], $0x4000  }
0x126: {  	[sflag:s23] =	ssyncset.done $0x0  }
0x127: {  	[sflag:s23] =	ssyncadd.s32 $0xFFFFC000  }
0x128: {  	[spmem:s2] =	stream.indirect.scatter.add.f32 [tilespmem:s22], [sflag:$0x2], $0x80, s9, s20, $0xb8;
	[tilespmem:$0x1FC00] =	vst v63  }
0x129: {  	_ =	swait.ge [sflag:s18], $0x4000  }
0x12a: {  	s7 =	sadd.s32 $0x1, s7;
	[sflag:s18] =	ssyncset.done $0x0  }
0x12b: {  	p1 =	sne.s32 s7, s1;
	[sflag:s18] =	ssyncadd.s32 $0xFFFFC000  }
.Ltmp1:
0x12c: {  	[bflag:$0x0] =	sbarrier.arrive $0xFFFF;
	(pc) =	sbr.rel @!p1 .LBB2_10-.Ltmp1, $4  }
0x12d: {  	[hbm:s0], [sflag:s6] =	dma.local [spmem:s10], $0x2780  }
0x12e: {  	_ =	swait.ge [sflag:s18], $0x2780  }
0x12f: {  	[sflag:s18] =	ssyncset.done $0x0  }
0x130: {  	[sflag:s18] =	ssyncadd.s32 $0xFFFFD880  }
.LBB2_1:
0x131: {  	[spmem:s10], [sflag:s6] =	dma.local [hbm:s5], $0x2780  }
.Ltmp2:
0x132: {  	_ =	swait.ge [sflag:s18], $0x2780;
	(pc) =	sbr.rel @p0 .LBB2_8-.Ltmp2, $3  }
0x133: {  	[sflag:s18] =	ssyncset.done $0x0  }
0x134: {  	[sflag:s18] =	ssyncadd.s32 $0xFFFFD880  }
0x135: {  	[bflag:$0x0] =	sbarrier.arrive $0xFFFF;
	_ =	sdelay $0x1  }
0x136: {  	s8 =	simm.s32 $0x0;
	s9 =	rddreg [dreg:$0x3]  }
0x137: {  	[tilespmem:s8], [sflag:$0x2] =	stream.linear.gather [hbm4b:s9+s8], $0x2000, $0x38;
	[tilespmem:$0x1FC00] =	vst v63  }
0x138: {  	_ =	swait.ge [sflag:s18], $0x2000  }
0x139: {  	[sflag:s18] =	ssyncset.done $0x0  }
0x13a: {  	s11 =	rddreg [dreg:$0x4];
	[sflag:s18] =	ssyncadd.s32 $0xFFFFE000  }
0x13b: {  	[tilespmem:s3], [sflag:$0x2] =	stream.linear.gather [hbm4b:s11+s8], $0x2000, $0x38;
	[tilespmem:$0x1FC00] =	vst v63  }
0x13c: {  	_ =	swait.ge [sflag:s18], $0x2000  }
0x13d: {  	[sflag:s18] =	ssyncset.done $0x0  }
0x13e: {  	[sflag:s18] =	ssyncadd.s32 $0xFFFFE000  }
0x13f: {  	[tilespmem:s21], [sflag:$0x1] =	stream.indirect.gather [hbm4b:s4+s20], $0x80, s8, s20, $0xb8;
	[tilespmem:$0x1FC00] =	vst v63  }
0x140: {  	s17 =	simm.s32 $0x80  }
0x141: {  	[tilespmem:s22], [sflag:$0x1] =	stream.indirect.gather [hbm4b:s4+s20], $0x80, s17, s20, $0xb8;
	[tilespmem:$0x1FC00] =	vst v63  }
0x142: {  	_ =	swait.ge [sflag:s23], $0x4000  }
0x143: {  	[sflag:s23] =	ssyncset.done $0x0  }
0x144: {  	s24 =	simm.s32 $0x2000;
	[sflag:s23] =	ssyncadd.s32 $0xFFFFC000  }
0x145: {  	[spmem:s2] =	stream.indirect.scatter.add.f32 [tilespmem:s21], [sflag:$0x2], $0x80, s24, s20, $0xb8;
	[tilespmem:$0x1FC00] =	vst v63  }
0x146: {  	_ =	swait.ge [sflag:s18], $0x4000  }
0x147: {  	[sflag:s18] =	ssyncset.done $0x0  }
0x148: {  	s25 =	simm.s32 $0x100;
	[sflag:s18] =	ssyncadd.s32 $0xFFFFC000  }
0x149: {  	[tilespmem:s21], [sflag:$0x1] =	stream.indirect.gather [hbm4b:s4+s20], $0x80, s25, s20, $0xb8;
	[tilespmem:$0x1FC00] =	vst v63  }
0x14a: {  	_ =	swait.ge [sflag:s23], $0x4000  }
0x14b: {  	[sflag:s23] =	ssyncset.done $0x0  }
0x14c: {  	s26 =	simm.s32 $0x2080;
	[sflag:s23] =	ssyncadd.s32 $0xFFFFC000  }
0x14d: {  	[spmem:s2] =	stream.indirect.scatter.add.f32 [tilespmem:s22], [sflag:$0x2], $0x80, s26, s20, $0xb8;
	[tilespmem:$0x1FC00] =	vst v63  }
0x14e: {  	_ =	swait.ge [sflag:s18], $0x4000  }
0x14f: {  	s9 =	simm.s32 $0x800;
	s8 =	simm.s32 $0x100;
	[sflag:s18] =	ssyncset.done $0x0  }
.LBB2_3:
0x150: {  	s24 =	sadd.s32 $0x80, s8  }
0x151: {  	[sflag:s18] =	ssyncadd.s32 $0xFFFFC000;
	s25 =	smov.u32 s9;
	s26 =	sadd.s32 $0x400, s9  }
0x152: {  	[tilespmem:s22], [sflag:$0x1] =	stream.indirect.gather [hbm4b:s4+s20], $0x80, s24, s20, $0xb8;
	[tilespmem:$0x1FC00] =	vst v63  }
0x153: {  	p1 =	sne.s32 s9, $0x7800;
	_ =	swait.ge [sflag:s23], $0x4000  }
0x154: {  	[sflag:s23] =	ssyncset.done $0x0  }
0x155: {  	s9 =	sadd.s32 $0x2000, s8;
	[sflag:s23] =	ssyncadd.s32 $0xFFFFC000  }
0x156: {  	[spmem:s2] =	stream.indirect.scatter.add.f32 [tilespmem:s21], [sflag:$0x2], $0x80, s9, s20, $0xb8;
	[tilespmem:$0x1FC00] =	vst v63  }
0x157: {  	_ =	swait.ge [sflag:s18], $0x4000  }
0x158: {  	[sflag:s18] =	ssyncset.done $0x0  }
0x159: {  	s9 =	sadd.s32 $0x100, s8;
	[sflag:s18] =	ssyncadd.s32 $0xFFFFC000  }
0x15a: {  	[tilespmem:s21], [sflag:$0x1] =	stream.indirect.gather [hbm4b:s4+s20], $0x80, s9, s20, $0xb8;
	[tilespmem:$0x1FC00] =	vst v63  }
0x15b: {  	_ =	swait.ge [sflag:s23], $0x4000  }
.Ltmp3:
0x15c: {  	[sflag:s23] =	ssyncset.done $0x0;
	(pc) =	sbr.rel @p1 .LBB2_3-.Ltmp3, $4  }
0x15d: {  	s8 =	sadd.s32 $0x2080, s8;
	[sflag:s23] =	ssyncadd.s32 $0xFFFFC000  }
0x15e: {  	[spmem:s2] =	stream.indirect.scatter.add.f32 [tilespmem:s22], [sflag:$0x2], $0x80, s8, s20, $0xb8;
	[tilespmem:$0x1FC00] =	vst v63  }
0x15f: {  	_ =	swait.ge [sflag:s18], $0x4000  }
0x160: {  	s9 =	smov.u32 s26;
	s8 =	sshra.s32 s25, $0x2;
	[sflag:s18] =	ssyncset.done $0x0  }
0x161: {  	s9 =	sadd.s32 $0x80, s8;
	[sflag:s18] =	ssyncadd.s32 $0xFFFFC000  }
0x162: {  	[tilespmem:s22], [sflag:$0x1] =	stream.indirect.gather [hbm4b:s4+s20], $0x80, s9, s20, $0xb8;
	[tilespmem:$0x1FC00] =	vst v63  }
0x163: {  	_ =	swait.ge [sflag:s23], $0x4000  }
0x164: {  	[sflag:s23] =	ssyncset.done $0x0  }
0x165: {  	s24 =	sadd.s32 $0x2000, s8;
	[sflag:s23] =	ssyncadd.s32 $0xFFFFC000  }
0x166: {  	[spmem:s2] =	stream.indirect.scatter.add.f32 [tilespmem:s21], [sflag:$0x2], $0x80, s24, s20, $0xb8;
	[tilespmem:$0x1FC00] =	vst v63  }
0x167: {  	_ =	swait.ge [sflag:s18], $0x4000  }
0x168: {  	[sflag:s18] =	ssyncset.done $0x0  }
0x169: {  	s25 =	sadd.s32 $0x100, s8;
	[sflag:s18] =	ssyncadd.s32 $0xFFFFC000  }
0x16a: {  	[tilespmem:s21], [sflag:$0x1] =	stream.indirect.gather [hbm4b:s4+s20], $0x80, s25, s20, $0xb8;
	[tilespmem:$0x1FC00] =	vst v63  }
0x16b: {  	_ =	swait.ge [sflag:s23], $0x4000  }
0x16c: {  	[sflag:s23] =	ssyncset.done $0x0  }
0x16d: {  	s26 =	sadd.s32 $0x2080, s8;
	[sflag:s23] =	ssyncadd.s32 $0xFFFFC000  }
0x16e: {  	[spmem:s2] =	stream.indirect.scatter.add.f32 [tilespmem:s22], [sflag:$0x2], $0x80, s26, s20, $0xb8;
	[tilespmem:$0x1FC00] =	vst v63  }
0x16f: {  	_ =	swait.ge [sflag:s18], $0x4000  }
0x170: {  	[sflag:s18] =	ssyncset.done $0x0  }
0x171: {  	s9 =	simm.s32 $0x1F80;
	[sflag:s18] =	ssyncadd.s32 $0xFFFFC000  }
0x172: {  	[tilespmem:s22], [sflag:$0x1] =	stream.indirect.gather [hbm4b:s4+s20], $0x80, s9, s20, $0xb8;
	[tilespmem:$0x1FC00] =	vst v63  }
0x173: {  	_ =	swait.ge [sflag:s23], $0x4000  }
0x174: {  	[sflag:s23] =	ssyncset.done $0x0  }
0x175: {  	s11 =	simm.s32 $0x3F00;
	[sflag:s23] =	ssyncadd.s32 $0xFFFFC000  }
0x176: {  	[spmem:s2] =	stream.indirect.scatter.add.f32 [tilespmem:s21], [sflag:$0x2], $0x80, s11, s20, $0xb8;
	[tilespmem:$0x1FC00] =	vst v63  }
0x177: {  	_ =	swait.ge [sflag:s18], $0x4000  }
0x178: {  	[sflag:s18] =	ssyncset.done $0x0  }
0x179: {  	[sflag:s18] =	ssyncadd.s32 $0xFFFFC000  }
0x17a: {  	_ =	swait.ge [sflag:s23], $0x4000  }
0x17b: {  	[sflag:s23] =	ssyncset.done $0x0  }
0x17c: {  	s17 =	simm.s32 $0x3F80;
	[sflag:s23] =	ssyncadd.s32 $0xFFFFC000  }
0x17d: {  	[spmem:s2] =	stream.indirect.scatter.add.f32 [tilespmem:s22], [sflag:$0x2], $0x80, s17, s20, $0xb8;
	[tilespmem:$0x1FC00] =	vst v63  }
0x17e: {  	_ =	swait.ge [sflag:s18], $0x4000  }
0x17f: {  	[sflag:s18] =	ssyncset.done $0x0  }
0x180: {  	s24 =	simm.s32 $0x0;
	s25 =	rddreg [dreg:$0x5];
	[sflag:s18] =	ssyncadd.s32 $0xFFFFC000  }
0x181: {  	[tilespmem:s24], [sflag:$0x2] =	stream.linear.gather [hbm4b:s25+s24], $0x2000, $0x38;
	[tilespmem:$0x1FC00] =	vst v63  }
0x182: {  	_ =	swait.ge [sflag:s18], $0x2000  }
0x183: {  	[sflag:s18] =	ssyncset.done $0x0  }
0x184: {  	p2 =	por $0x0, $0x0;
	s26 =	rddreg [dreg:$0x6];
	[sflag:s18] =	ssyncadd.s32 $0xFFFFE000  }
0x185: {  	[tilespmem:s3], [sflag:$0x2] =	stream.linear.gather [hbm4b:s26+s24], $0x2000, $0x38;
	[tilespmem:$0x1FC00] =	vst v63  }
.Ltmp4:
0x186: {  	_ = 	snop;
	(pc) =	sbr.rel @p2 .LBB2_7-.Ltmp4, $4  }
0x187: {  	_ =	swait.ge [sflag:s18], $0x2000  }
0x188: {  	[sflag:s18] =	ssyncset.done $0x0  }
0x189: {  	s8 =	simm.s32 $0x0;
	p1 =	por $0x0, $0x0;
	[sflag:s18] =	ssyncadd.s32 $0xFFFFE000  }
0x18a: {  	[tilespmem:s21], [sflag:$0x1] =	stream.indirect.gather [hbm4b:s4+s20], $0x80, s24, s20, $0xb8;
	[tilespmem:$0x1FC00] =	vst v63  }
0x18b: {  	s8 =	simm.s32 $0x80  }
0x18c: {  	[tilespmem:s22], [sflag:$0x1] =	stream.indirect.gather [hbm4b:s4+s20], $0x80, s8, s20, $0xb8;
	[tilespmem:$0x1FC00] =	vst v63  }
0x18d: {  	_ =	swait.ge [sflag:s23], $0x4000  }
0x18e: {  	[sflag:s23] =	ssyncset.done $0x0  }
0x18f: {  	s24 =	simm.s32 $0x2000;
	[sflag:s23] =	ssyncadd.s32 $0xFFFFC000  }
0x190: {  	[spmem:s2] =	stream.indirect.scatter.add.f32 [tilespmem:s21], [sflag:$0x2], $0x80, s24, s20, $0xb8;
	[tilespmem:$0x1FC00] =	vst v63  }
0x191: {  	_ =	swait.ge [sflag:s18], $0x4000  }
0x192: {  	[sflag:s18] =	ssyncset.done $0x0  }
0x193: {  	s25 =	simm.s32 $0x100;
	[sflag:s18] =	ssyncadd.s32 $0xFFFFC000  }
0x194: {  	[tilespmem:s21], [sflag:$0x1] =	stream.indirect.gather [hbm4b:s4+s20], $0x80, s25, s20, $0xb8;
	[tilespmem:$0x1FC00] =	vst v63  }
0x195: {  	p2 =	por $0x0, $0x0;
	_ =	swait.ge [sflag:s23], $0x4000  }
.Ltmp5:
0x196: {  	[sflag:s23] =	ssyncset.done $0x0;
	(pc) =	sbr.rel @p2 .LBB2_7-.Ltmp5, $4  }
0x197: {  	s26 =	simm.s32 $0x2080;
	[sflag:s23] =	ssyncadd.s32 $0xFFFFC000  }
0x198: {  	[spmem:s2] =	stream.indirect.scatter.add.f32 [tilespmem:s22], [sflag:$0x2], $0x80, s26, s20, $0xb8;
	[tilespmem:$0x1FC00] =	vst v63  }
0x199: {  	s9 =	simm.s32 $0x800;
	_ =	swait.ge [sflag:s18], $0x4000  }
0x19a: {  	p1 =	por $0x1, $0x1;
	s8 =	simm.s32 $0x100;
	[sflag:s18] =	ssyncset.done $0x0  }
.LBB2_6:
0x19b: {  	s24 =	sadd.s32 $0x80, s8  }
0x19c: {  	[sflag:s18] =	ssyncadd.s32 $0xFFFFC000;
	s25 =	smov.u32 s9;
	s26 =	sadd.s32 $0x400, s9  }
0x19d: {  	[tilespmem:s22], [sflag:$0x1] =	stream.indirect.gather [hbm4b:s4+s20], $0x80, s24, s20, $0xb8;
	[tilespmem:$0x1FC00] =	vst v63  }
0x19e: {  	p2 =	seq.s32 s9, $0x7800;
	_ =	swait.ge [sflag:s23], $0x4000  }
0x19f: {  	[sflag:s23] =	ssyncset.done $0x0  }
0x1a0: {  	s9 =	sadd.s32 $0x2000, s8;
	[sflag:s23] =	ssyncadd.s32 $0xFFFFC000  }
0x1a1: {  	[spmem:s2] =	stream.indirect.scatter.add.f32 [tilespmem:s21], [sflag:$0x2], $0x80, s9, s20, $0xb8;
	[tilespmem:$0x1FC00] =	vst v63  }
0x1a2: {  	_ =	swait.ge [sflag:s18], $0x4000  }
0x1a3: {  	[sflag:s18] =	ssyncset.done $0x0  }
0x1a4: {  	s9 =	sadd.s32 $0x100, s8;
	[sflag:s18] =	ssyncadd.s32 $0xFFFFC000  }
0x1a5: {  	[tilespmem:s21], [sflag:$0x1] =	stream.indirect.gather [hbm4b:s4+s20], $0x80, s9, s20, $0xb8;
	[tilespmem:$0x1FC00] =	vst v63  }
0x1a6: {  	_ =	swait.ge [sflag:s23], $0x4000  }
.Ltmp6:
0x1a7: {  	[sflag:s23] =	ssyncset.done $0x0;
	(pc) =	sbr.rel @!p2 .LBB2_6-.Ltmp6, $4  }
0x1a8: {  	s8 =	sadd.s32 $0x2080, s8;
	[sflag:s23] =	ssyncadd.s32 $0xFFFFC000  }
0x1a9: {  	[spmem:s2] =	stream.indirect.scatter.add.f32 [tilespmem:s22], [sflag:$0x2], $0x80, s8, s20, $0xb8;
	[tilespmem:$0x1FC00] =	vst v63  }
0x1aa: {  	_ =	swait.ge [sflag:s18], $0x4000  }
0x1ab: {  	s9 =	smov.u32 s26;
	s8 =	sshra.s32 s25, $0x2;
	[sflag:s18] =	ssyncset.done $0x0  }
.LBB2_7:
0x1ac: {  	s9 =	sadd.s32 $0x80, s8;
	[sflag:s18] =	ssyncadd.s32 @p1 $0xFFFFC000  }
0x1ad: {  	[tilespmem:s22], [sflag:$0x1] =	stream.indirect.gather [hbm4b:s4+s20], $0x80, s9, s20, $0xb8;
	[tilespmem:$0x1FC00] =	vst v63  }
0x1ae: {  	_ =	swait.ge [sflag:s23], $0x4000  }
0x1af: {  	[sflag:s23] =	ssyncset.done $0x0  }
0x1b0: {  	s24 =	sadd.s32 $0x2000, s8;
	[sflag:s23] =	ssyncadd.s32 $0xFFFFC000  }
0x1b1: {  	[spmem:s2] =	stream.indirect.scatter.add.f32 [tilespmem:s21], [sflag:$0x2], $0x80, s24, s20, $0xb8;
	[tilespmem:$0x1FC00] =	vst v63  }
0x1b2: {  	_ =	swait.ge [sflag:s18], $0x4000  }
0x1b3: {  	[sflag:s18] =	ssyncset.done $0x0  }
0x1b4: {  	s25 =	sadd.s32 $0x100, s8;
	[sflag:s18] =	ssyncadd.s32 $0xFFFFC000  }
0x1b5: {  	[tilespmem:s21], [sflag:$0x1] =	stream.indirect.gather [hbm4b:s4+s20], $0x80, s25, s20, $0xb8;
	[tilespmem:$0x1FC00] =	vst v63  }
0x1b6: {  	_ =	swait.ge [sflag:s23], $0x4000  }
0x1b7: {  	[sflag:s23] =	ssyncset.done $0x0  }
.Ltmp7:
0x1b8: {  	s26 =	sadd.s32 $0x2080, s8;
	[sflag:s23] =	ssyncadd.s32 $0xFFFFC000;
	(pc) =	sbr.rel .LBB2_9-.Ltmp7, $4  }
0x1b9: {  	[spmem:s2] =	stream.indirect.scatter.add.f32 [tilespmem:s22], [sflag:$0x2], $0x80, s26, s20, $0xb8;
	[tilespmem:$0x1FC00] =	vst v63  }
0x1ba: {  	_ =	swait.ge [sflag:s18], $0x4000  }
0x1bb: {  	s8 =	simm.s32 $0x1F80;
	[sflag:s18] =	ssyncset.done $0x0  }
0x1bc: {  	s9 =	simm.s32 $0x3F80;
	s24 =	simm.s32 $0x3F00;
	[sflag:s18] =	ssyncadd.s32 $0xFFFFC000  }
.LBB2_10:
0x1bd: {  	_ =	sfence.sel $0x180000  }
0x1be: {  	[bflag:$0x0] =	sbarrier.arrive $0xFFFF  }
0x1bf: {  	_ =	strace $0x90000047  }
0x1c0: {  	s0 =	stileid.u32;
	[bflag:$0x2] =	sbarrier.arrive $0xFFFF  }
0x1c1: {  	p0 =	sne.s32 s0, $0x0;
	s0 =	rddreg [dreg:$0x2]  }
0x1c2: {  	s0 =	sadd.s32 @!p0 $0x100000, s0  }
0x1c3: {  	[sflag:s0] =	ssyncadd.tile.s32 @!p0 $0x1;
	_ =	shalt  }
.Lfunc_end2:
_tile_overlayer_lowered:
.L_overlay_start_2:
0x1c4: {  	(tag) =	ssettag $0x2  }
0x1c5: {  	s0 =	rddreg [dreg:$0x0];
	s2 =	stileid.u32  }
0x1c6: {  	s1 =	rddreg [dreg:$0x1];
	p0 =	sne.s32 s2, $0x0  }
0x1c7: {  	s3 =	rddreg [dreg:$0x2];
	[bflag:$0x3] =	sbarrier.arrive $0xFFFF;
	s2 =	simm.s32 @!p0 $0x1C02  }
0x1c8: {  	[timem:s3], [sflag:s2] =	dma.local @!p0 [hbm:s0], s1  }
0x1c9: {  	s0 =	simm.s32 @!p0 $0x2  }
0x1ca: {  	_ =	swait.ge @!p0 [sflag:s0], s1  }
0x1cb: {  	s1 =	ssub.s32 @!p0 $0x0, s1;
	[sflag:s0] =	ssyncset.done @!p0 $0x0  }
0x1cc: {  	[sflag:s0] =	ssyncadd.s32 @!p0 s1  }
0x1cd: {  	[bflag:$0x3] =	sbarrier.arrive $0xFFFF  }
0x1ce: {  	_ =	shalt  }

// kernel: kernel.13.cloned.1.call-start
scs
__scs_entry_jumppad:
0x0: {  	(pc) =	sbr.rel $0x88, $3  }
0x1: {  	(tag) =	ssettag $0x0;
	lr =	simm.s32 $0x1  }
0x2: {  	[smem:$0x3F96] =	sst lr;
	_ =	strace $0xD0000000  }
0x3: {  	_ = 	snop  }
0x4: {  	_ = 	snop  }
0x5: {  	_ = 	snop  }
0x6: {  	_ = 	snop  }
0x7: {  	_ = 	snop  }
__scs_overlays_trampoline_lowered:
0x8: {  	[smem:$0x3FA5] =	sst s0  }
0x9: {  	[smem:$0x3FA6] =	sst s1  }
0xa: {  	[smem:$0x3FA7] =	sst s2  }
0xb: {  	[smem:$0x3FA8] =	sst s3  }
0xc: {  	[smem:$0x3FA9] =	sst s4  }
0xd: {  	[smem:$0x3FAA] =	sst s5  }
0xe: {  	[smem:$0x3FAB] =	sst s6  }
0xf: {  	[smem:$0x3FAC] =	sst s7  }
0x10: {  	[smem:$0x3FAD] =	sst s8  }
0x11: {  	[smem:$0x3FAE] =	sst s9;
	s0 =	simm.s32 @!p0 $0x0  }
0x12: {  	s1 =	sld [smem:$0x3F94];
	s0 =	simm.s32 @p0 $0x1  }
0x13: {  	[smem:$0x3FAF] =	sst s0;
	s0 =	simm.s32 @!p1 $0x0  }
0x14: {  	s2 =	sld [smem:$0x3F93];
	s0 =	simm.s32 @p1 $0x1  }
0x15: {  	[smem:$0x3FB0] =	sst s0;
	s0 =	simm.s32 @!p2 $0x0  }
0x16: {  	s3 =	sld [smem:$0x3FDB];
	s0 =	simm.s32 @p2 $0x1  }
0x17: {  	s4 =	simm.s32 $0x1BF5;
	[smem:$0x3FB2] =	sst s0  }
0x18: {  	s0 =	sld [smem:$0x3F95];
	_ =	swait.ge [sflag:s4], $0x0  }
0x19: {  	s7 =	sld [smem:$0x3F96]  }
0x1a: {  	s8 =	sadd.s32 $0xFFFFE003, lr  }
0x1b: {  	s9 =	sadd.s32 $0xFFFFFEF7, lr;
	s5 =	simm.s32 $0xFFFFFFFF;
	p2 =	slt.u32 s8, $0xFFFFF086  }
0x1c: {  	p1 =	slt.u32 s9, $0xF7A;
	s5 =	simm.s32 @!p2 $0x0  }
0x1d: {  	s5 =	simm.s32 @p1 $0x1;
	p0 =	seq.s32 s7, s2  }
0x1e: {  	s7 =	smul.u32 @!p0 $0xF7A, s2;
	p2 =	seq.s32 @!p0 s5, $0x0  }
0x1f: {  	s9 =	smul.u32 $0xF7A, s1;
	s8 =	simm.s32 @!p0 $0x1BF5;
	p2 =	por !p2, p0  }
0x20: {  	[sflag:s8] =	ssyncset.s32 @!p0 $0xFFFFF086;
	s6 =	sadd.s32 @!p0 s3, s7;
	s7 =	simm.s32 @!p0 $0x108  }
0x21: {  	s3 =	sadd.s32 s3, s9;
	s6 =	sadd.s32 @!p0 $0x88, s6;
	s7 =	simm.s32 @p2 $0x1082  }
0x22: {  	[simem:s7], [sflag:s8] =	dma.local @!p0 [hbm:s6], $0xF7A  }
0x23: {  	s9 =	sor.u32 $0xD0000000, s2;
	s6 =	simm.s32 $0x108;
	_ =	swait.ge @!p0 [sflag:s8], $0x0  }
0x24: {  	s3 =	sadd.s32 $0x88, s3;
	s6 =	simm.s32 @!p1 $0x1082;
	[sflag:s4] =	ssyncset.s32 $0xFFFFF086  }
0x25: {  	[simem:s6], [sflag:s4] =	dma.local [hbm:s3], $0xF7A  }
0x26: {  	[smem:$0x3F96] =	sst s1;
	(tag) =	ssettag s2;
	_ =	strace s9  }
0x27: {  	s1 =	sld [smem:$0x3FA6]  }
0x28: {  	s2 =	sld [smem:$0x3FA7]  }
0x29: {  	s4 =	sld [smem:$0x3FA9]  }
0x2a: {  	p0 =	seq.s32 s5, $0x0;
	s5 =	sld [smem:$0x3FAA]  }
0x2b: {  	s6 =	sld [smem:$0x3FAB]  }
0x2c: {  	s7 =	sld [smem:$0x3FAC]  }
0x2d: {  	s3 =	simm.s32 $0x108;
	s8 =	sld [smem:$0x3FAD]  }
0x2e: {  	s3 =	simm.s32 @!p0 $0x1082;
	s9 =	sld [smem:$0x3FAE]  }
0x2f: {  	lr =	sadd.s32 s0, s3;
	s0 =	sld [smem:$0x3FA5]  }
0x30: {  	s3 =	sld [smem:$0x3FA8]  }
0x31: {  	[smem:$0x3FB1] =	sst s10  }
0x32: {  	s10 =	sld [smem:$0x3FAF];
	_ =	sdelay $0x3  }
0x33: {  	p0 =	seq.s32 s10, $0x1;
	s10 =	sld [smem:$0x3FB1];
	_ =	sdelay $0x3  }
0x34: {  	[smem:$0x3FB1] =	sst s10  }
0x35: {  	s10 =	sld [smem:$0x3FB0];
	_ =	sdelay $0x3  }
0x36: {  	p1 =	seq.s32 s10, $0x1;
	s10 =	sld [smem:$0x3FB1];
	_ =	sdelay $0x3  }
0x37: {  	[smem:$0x3FB1] =	sst s10  }
0x38: {  	s10 =	sld [smem:$0x3FB2]  }
0x39: {  	_ = 	snop;
	(pc) =	sbr.ind lr, $3  }
0x3a: {  	_ = 	snop  }
0x3b: {  	_ = 	snop  }
0x3c: {  	p2 =	seq.s32 s10, $0x1;
	s10 =	sld [smem:$0x3FB1]  }
0x3d: {  	_ =	shalt  }
0x3e: {  	_ =	shalt  }
0x3f: {  	_ =	shalt  }
0x40: {  	_ =	shalt  }
0x41: {  	_ =	shalt  }
0x42: {  	_ =	shalt  }
0x43: {  	_ =	shalt  }
0x44: {  	_ =	shalt  }
0x45: {  	_ =	shalt  }
0x46: {  	_ =	shalt  }
0x47: {  	_ =	shalt  }
0x48: {  	_ =	shalt  }
0x49: {  	_ =	shalt  }
0x4a: {  	_ =	shalt  }
0x4b: {  	_ =	shalt  }
0x4c: {  	_ =	shalt  }
0x4d: {  	_ =	shalt  }
0x4e: {  	_ =	shalt  }
0x4f: {  	_ =	shalt  }
0x50: {  	_ =	shalt  }
0x51: {  	_ =	shalt  }
0x52: {  	_ =	shalt  }
0x53: {  	_ =	shalt  }
0x54: {  	_ =	shalt  }
0x55: {  	_ =	shalt  }
0x56: {  	_ =	shalt  }
0x57: {  	_ =	shalt  }
0x58: {  	_ =	shalt  }
0x59: {  	_ =	shalt  }
0x5a: {  	_ =	shalt  }
0x5b: {  	_ =	shalt  }
0x5c: {  	_ =	shalt  }
0x5d: {  	_ =	shalt  }
0x5e: {  	_ =	shalt  }
0x5f: {  	_ =	shalt  }
0x60: {  	_ =	shalt  }
0x61: {  	_ =	shalt  }
0x62: {  	_ =	shalt  }
0x63: {  	_ =	shalt  }
0x64: {  	_ =	shalt  }
0x65: {  	_ =	shalt  }
0x66: {  	_ =	shalt  }
0x67: {  	_ =	shalt  }
0x68: {  	_ =	shalt  }
0x69: {  	_ =	shalt  }
0x6a: {  	_ =	shalt  }
0x6b: {  	_ =	shalt  }
0x6c: {  	_ =	shalt  }
0x6d: {  	_ =	shalt  }
0x6e: {  	_ =	shalt  }
0x6f: {  	_ =	shalt  }
0x70: {  	_ =	shalt  }
0x71: {  	_ =	shalt  }
0x72: {  	_ =	shalt  }
0x73: {  	_ =	shalt  }
0x74: {  	_ =	shalt  }
0x75: {  	_ =	shalt  }
0x76: {  	_ =	shalt  }
0x77: {  	_ =	shalt  }
0x78: {  	_ =	shalt  }
0x79: {  	_ =	shalt  }
0x7a: {  	_ =	shalt  }
0x7b: {  	_ =	shalt  }
0x7c: {  	_ =	shalt  }
0x7d: {  	_ =	shalt  }
0x7e: {  	_ =	shalt  }
0x7f: {  	_ =	shalt  }
0x80: {  	_ =	shalt  }
0x81: {  	_ =	shalt  }
0x82: {  	_ =	shalt  }
0x83: {  	_ =	shalt  }
0x84: {  	_ =	shalt  }
0x85: {  	_ =	shalt  }
0x86: {  	_ =	shalt  }
0x87: {  	_ =	shalt  }
.Lfunc_end0:
.L_simem_size_0:
called_computation.1_lowered:
.L_overlay_start_0:
0x88: {  	s2 =	sld [smem:$0x3FD9]  }
0x89: {  	s3 =	sld [smem:$0x3FFE];
	_ =	sdelay $0x1  }
0x8a: {  	s1 =	srdreg.scid  }
0x8b: {  	s0 =	sand.u32 $0x1, s1  }
0x8c: {  	s16 =	sshll.u32 s0, $0xA;
	s2 =	sadd.s32 s3, s2  }
0x8d: {  	s2 =	sadd.s32 s2, s16  }
0x8e: {  	[smem:$0x3FBD] =	sst s2  }
0x8f: {  	_ = 	snop  }
0x90: {  	(tm) =	ssettm $0x1  }
0x91: {  	s17 =	sld [smem:$0x3FFB];
	_ =	sdelay $0x3  }
0x92: {  	_ =	strace s17  }
0x93: {  	s2 =	sld [smem:$0x3FFC];
	_ =	sdelay $0x3  }
0x94: {  	_ =	strace s2  }
0x95: {  	s2 =	sld [smem:$0x3FFD];
	_ =	sdelay $0x3  }
0x96: {  	_ =	strace s2  }
0x97: {  	_ =	strace $0x8FFFFFFF  }
0x98: {  	s18 =	sld [smem:$0x3FDB];
	_ =	sdelay $0x1  }
0x99: {  	s19 =	simm.s32 $_scs_section_size  }
0x9a: {  	s4 =	simm.s32 $_size__tile_overlayer_lowered;
	s5 =	simm.s32 $_tile_overlayer_lowered  }
0x9b: {  	s22 =	simm.s32 $0x1BFF;
	s21 =	sshll.u32 s5, $0x1;
	s2 =	sadd.s32 s19, s18  }
0x9c: {  	s6 =	simm.s32 $0x0;
	s20 =	sshll.u32 s4, $0x1;
	s4 =	sadd.s32 s21, s2  }
0x9d: {  	[timem:s6], [sflag:s22] =	dma.local [hbm:s4], s20  }
0x9e: {  	_ =	swait.ge [sflag:s22], s20  }
0x9f: {  	s3 =	ssub.s32 $0x0, s20;
	[sflag:s22] =	ssyncset.done $0x0  }
0xa0: {  	[sflag:s22] =	ssyncadd.s32 s3;
	_ =	sdelay $0x1  }
0xa1: {  	s23 =	simm.s32 $0x1B8B  }
0xa2: {  	_ =	swait.ge [sflag:s23], $0x1  }
0xa3: {  	[sflag:s23] =	ssyncset.done $0x0  }
0xa4: {  	s25 =	simm.s32 $0x1B8E;
	s24 =	sld [smem:$0x3FFE];
	[sflag:s23] =	ssyncadd.s32 $0xFFFFFFFF  }
0xa5: {  	s26 =	simm.s32 $execute0_lowered;
	[smem:$0x3FD2] =	sst s25  }
0xa6: {  	s4 =	sshll.u32 s26, $0x1;
	_ =	strace $0x80000049;
	[dreg:$0x1] =	wrdreg $0xFFFFFFFF  }
0xa7: {  	s28 =	simm.s32 $_size_execute0_lowered;
	s2 =	sadd.s32 s2, s4;
	[dreg:$0x0] =	wrdreg $0x0  }
0xa8: {  	s4 =	sshll.u32 s28, $0x1;
	[dreg:$0x2] =	wrdreg s2  }
0xa9: {  	[dreg:$0x3] =	wrdreg s4  }
0xaa: {  	[dreg:$0x4] =	wrdreg $0xC0  }
0xab: {  	_ =	task [dreg:s6], $0x5FFFF  }
0xac: {  	[dreg:$0x1] =	wrdreg $0xFFFFFFFF  }
0xad: {  	[dreg:$0x0] =	wrdreg $0x60  }
0xae: {  	[dreg:$0x2] =	wrdreg s24  }
0xaf: {  	[dreg:$0x3] =	wrdreg $0xC0000  }
0xb0: {  	[dreg:$0x4] =	wrdreg $0x9  }
0xb1: {  	_ =	task.clear_ibuf [dreg:s6], $0x5FFFF;
	_ =	strace $0x90000049  }
0xb2: {  	s29 =	simm.s32 $0x9;
	_ =	strace $0x8000004B  }
0xb3: {  	_ =	swait.ge [sflag:s29], $0x1  }
0xb4: {  	[sflag:s29] =	ssyncadd.s32 $0xFFFFFFFF  }
0xb5: {  	_ =	strace $0x9000004B  }
0xb6: {  	_ =	sfence  }
0xb7: {  	s30 =	sld [smem:$0x0];
	_ =	sdelay $0x2  }
0xb8: {  	s31 =	sshll.u32 s1, $0xD;
	s1 =	sshrl.u32 s1, $0x2  }
0xb9: {  	s3 =	sand.u32 $0x4000, s31;
	s1 =	sadd.s32 s1, s30  }
0xba: {  	s0 =	sor.u32 s3, s0;
	s1 =	sshll.u32 s1, $0x11  }
0xbb: {  	s0 =	sor.u32 s1, s0  }
0xbc: {  	s0 =	sadd.s32 $0x8F2B, s0  }
0xbd: {  	[sflag:s0] =	ssyncadd.remote.s32 $0x1  }
0xbe: {  	_ =	sfence.sel $0xFFFF  }
0xbf: {  	[dreg:$0x0] =	wrdreg $0xFFFFFFFF;
	(pc) =	sbr.abs _section_cstart, $3  }
0xc0: {  	[dreg:$0x1] =	wrdreg $0xFFFFFFFF  }
0xc1: {  	_ =	task.clear_ibuf [dreg:s6], $0x2FFFF;
	_ =	strace $0x9FFFFFFF  }
0xc2: {  	(tm) =	ssettm $0x7FFFFFFF  }
0xc3: {  	_ =	shalt  }
tec
execute0_lowered:
.L_overlay_start_1:
0x0: {  	(tag) =	ssettag $0x1  }
0x1: {  	s0 =	rddreg [dreg:$0x0]  }
0x2: {  	s2 =	rddreg [dreg:$0x1];
	s3 =	simm.s32 $0x0;
	s12 =	stileid.u32  }
0x3: {  	s1 =	srdreg.scid;
	s28 =	simm.s32 $0x180;
	s29 =	simm.s32 $0x200  }
0x4: {  	s30 =	simm.s32 $0x2180;
	s31 =	simm.s32 $0x2200;
	s13 =	simm.s32 $0x300  }
0x5: {  	s14 =	simm.s32 $0x380;
	[smem:$0x7FF] =	sst s3;
	s5 =	smul.u32 $0x13C00, s12  }
0x6: {  	s1 =	sand.u32 $0x1, s1;
	s4 =	sadd.s32 $0x16A00, s0;
	s7 =	sadd.s32 $0xCA00, s0  }
0x7: {  	s8 =	sadd.s32 $0x2A00, s0;
	s10 =	smul.u32 $0x4F000, s12;
	s17 =	sshll.u32 s12, $0x6  }
0x8: {  	s18 =	sshll.u32 s12, $0xB;
	s12 =	sshll.u32 s12, $0x9;
	s3 =	simm.s32 $0x2000  }
0x9: {  	_ =	strace $0x8000004A;
	s6 =	smul.u32 $0x13C000, s1;
	s15 =	ssub.s32 $0x2, s1  }
0xa: {  	p0 =	seq.s32 s1, $0x1;
	s19 =	sadd.s32 s7, s18;
	s20 =	sor.u32 $0x400, s18  }
0xb: {  	s1 =	sadd.s32 s8, s18;
	s22 =	sor.u32 $0x8000, s12;
	s24 =	sor.u32 $0x8100, s12  }
0xc: {  	s18 =	simm.s32 $0x2;
	s12 =	simm.s32 $0x280;
	s9 =	sshrl.u32 s5, $0x3  }
0xd: {  	s11 =	sshrl.u32 s15, $0x1;
	s16 =	sshrl.u32 s10, $0x2;
	[dreg:$0x3] =	wrdreg s19  }
0xe: {  	[dreg:$0x4] =	wrdreg s1;
	s21 =	sadd.s32 s7, s20;
	s23 =	sadd.s32 s7, s22  }
0xf: {  	s1 =	sadd.s32 s8, s22;
	s25 =	sadd.s32 s7, s24;
	s26 =	sadd.s32 s8, s24  }
0x10: {  	s22 =	simm.s32 $0x8000;
	s7 =	simm.s32 $0x0;
	[dreg:$0x5] =	wrdreg s21  }
0x11: {  	s19 =	simm.s32 $0x0;
	s5 =	sadd.s32 s5, s6;
	[dreg:$0x7] =	wrdreg s23  }
0x12: {  	s9 =	sadd.s32 s9, s0;
	s11 =	ssub.s32 s15, s11;
	[dreg:$0x8] =	wrdreg s1  }
0x13: {  	s10 =	sadd.s32 s16, s2;
	s6 =	sor.u32 $0x1C02, s17;
	[dreg:$0x9] =	wrdreg s25  }
.Ltmp0:
0x14: {  	[dreg:$0xa] =	wrdreg s26;
	s21 =	simm.s32 $0x4000;
	(pc) =	sbr.rel .LBB2_1-.Ltmp0, $4  }
0x15: {  	s23 =	simm.s32 $0x1;
	s16 =	simm.s32 $0x2280;
	s15 =	simm.s32 $0x400  }
0x16: {  	s5 =	sshrl.u32 s5, $0x3;
	s1 =	smax.u32 s11, $0x1;
	s10 =	sshrl.u32 s10, $0x3  }
0x17: {  	s0 =	sadd.s32 s5, s0;
	s5 =	sadd.s32 $0x14F200, s9;
	s9 =	sadd.s32 s8, s20  }
0x18: {  	s20 =	simm.s32 $0x80;
	[dreg:$0x6] =	wrdreg s9;
	s0 =	sadd.s32 $0x176A00, s0  }
.LBB2_8:
0x19: {  	s8 =	rddreg [dreg:$0x7]  }
0x1a: {  	[tilespmem:s19], [sflag:$0x2] =	stream.linear.gather [hbm4b:s8+s19], $0x800, $0x38;
	[tilespmem:$0x1FC00] =	vst v63  }
0x1b: {  	_ =	swait.ge [sflag:s18], $0x800  }
0x1c: {  	[sflag:s18] =	ssyncset.done $0x0  }
0x1d: {  	s11 =	rddreg [dreg:$0x8];
	[sflag:s18] =	ssyncadd.s32 $0xFFFFF800  }
0x1e: {  	[tilespmem:s3], [sflag:$0x2] =	stream.linear.gather [hbm4b:s11+s19], $0x800, $0x38;
	[tilespmem:$0x1FC00] =	vst v63  }
0x1f: {  	_ =	swait.ge [sflag:s18], $0x800  }
0x20: {  	[sflag:s18] =	ssyncset.done $0x0  }
0x21: {  	[sflag:s18] =	ssyncadd.s32 $0xFFFFF800  }
0x22: {  	[tilespmem:s21], [sflag:$0x1] =	stream.indirect.gather [hbm4b:s4+s20], $0x80, s19, s20, $0xb8;
	[tilespmem:$0x1FC00] =	vst v63  }
0x23: {  	_ = 	snop  }
0x24: {  	[tilespmem:s22], [sflag:$0x1] =	stream.indirect.gather [hbm4b:s4+s20], $0x80, s20, s20, $0xb8;
	[tilespmem:$0x1FC00] =	vst v63  }
0x25: {  	_ =	swait.ge [sflag:s23], $0x4000  }
0x26: {  	[sflag:s23] =	ssyncset.done $0x0  }
0x27: {  	[sflag:s23] =	ssyncadd.s32 $0xFFFFC000  }
0x28: {  	[spmem:s2] =	stream.indirect.scatter.add.f32 [tilespmem:s21], [sflag:$0x2], $0x80, s3, s20, $0xb8;
	[tilespmem:$0x1FC00] =	vst v63  }
0x29: {  	_ =	swait.ge [sflag:s18], $0x4000  }
0x2a: {  	[sflag:s18] =	ssyncset.done $0x0  }
0x2b: {  	s26 =	simm.s32 $0x100;
	[sflag:s18] =	ssyncadd.s32 $0xFFFFC000  }
0x2c: {  	[tilespmem:s21], [sflag:$0x1] =	stream.indirect.gather [hbm4b:s4+s20], $0x80, s26, s20, $0xb8;
	[tilespmem:$0x1FC00] =	vst v63  }
0x2d: {  	_ =	swait.ge [sflag:s23], $0x4000  }
0x2e: {  	[sflag:s23] =	ssyncset.done $0x0  }
0x2f: {  	s17 =	simm.s32 $0x2080;
	[sflag:s23] =	ssyncadd.s32 $0xFFFFC000  }
0x30: {  	[spmem:s2] =	stream.indirect.scatter.add.f32 [tilespmem:s22], [sflag:$0x2], $0x80, s17, s20, $0xb8;
	[tilespmem:$0x1FC00] =	vst v63  }
0x31: {  	_ =	swait.ge [sflag:s18], $0x4000  }
0x32: {  	[sflag:s18] =	ssyncset.done $0x0  }
0x33: {  	[sflag:s18] =	ssyncadd.s32 $0xFFFFC000  }
0x34: {  	[tilespmem:s22], [sflag:$0x1] =	stream.indirect.gather [hbm4b:s4+s20], $0x80, s28, s20, $0xb8;
	[tilespmem:$0x1FC00] =	vst v63  }
0x35: {  	_ =	swait.ge [sflag:s23], $0x4000  }
0x36: {  	[sflag:s23] =	ssyncset.done $0x0  }
0x37: {  	s11 =	simm.s32 $0x2100;
	[sflag:s23] =	ssyncadd.s32 $0xFFFFC000  }
0x38: {  	[spmem:s2] =	stream.indirect.scatter.add.f32 [tilespmem:s21], [sflag:$0x2], $0x80, s11, s20, $0xb8;
	[tilespmem:$0x1FC00] =	vst v63  }
0x39: {  	_ =	swait.ge [sflag:s18], $0x4000  }
0x3a: {  	[sflag:s18] =	ssyncset.done $0x0  }
0x3b: {  	[sflag:s18] =	ssyncadd.s32 $0xFFFFC000  }
0x3c: {  	[tilespmem:s21], [sflag:$0x1] =	stream.indirect.gather [hbm4b:s4+s20], $0x80, s29, s20, $0xb8;
	[tilespmem:$0x1FC00] =	vst v63  }
0x3d: {  	_ =	swait.ge [sflag:s23], $0x4000  }
0x3e: {  	[sflag:s23] =	ssyncset.done $0x0  }
0x3f: {  	[sflag:s23] =	ssyncadd.s32 $0xFFFFC000  }
0x40: {  	[spmem:s2] =	stream.indirect.scatter.add.f32 [tilespmem:s22], [sflag:$0x2], $0x80, s30, s20, $0xb8;
	[tilespmem:$0x1FC00] =	vst v63  }
0x41: {  	_ =	swait.ge [sflag:s18], $0x4000  }
0x42: {  	[sflag:s18] =	ssyncset.done $0x0  }
0x43: {  	[sflag:s18] =	ssyncadd.s32 $0xFFFFC000  }
0x44: {  	[tilespmem:s22], [sflag:$0x1] =	stream.indirect.gather [hbm4b:s4+s20], $0x80, s12, s20, $0xb8;
	[tilespmem:$0x1FC00] =	vst v63  }
0x45: {  	_ =	swait.ge [sflag:s23], $0x4000  }
0x46: {  	[sflag:s23] =	ssyncset.done $0x0  }
0x47: {  	[sflag:s23] =	ssyncadd.s32 $0xFFFFC000  }
0x48: {  	[spmem:s2] =	stream.indirect.scatter.add.f32 [tilespmem:s21], [sflag:$0x2], $0x80, s31, s20, $0xb8;
	[tilespmem:$0x1FC00] =	vst v63  }
0x49: {  	_ =	swait.ge [sflag:s18], $0x4000  }
0x4a: {  	[sflag:s18] =	ssyncset.done $0x0  }
0x4b: {  	[sflag:s18] =	ssyncadd.s32 $0xFFFFC000  }
0x4c: {  	[tilespmem:s21], [sflag:$0x1] =	stream.indirect.gather [hbm4b:s4+s20], $0x80, s13, s20, $0xb8;
	[tilespmem:$0x1FC00] =	vst v63  }
0x4d: {  	_ =	swait.ge [sflag:s23], $0x4000  }
0x4e: {  	[sflag:s23] =	ssyncset.done $0x0  }
0x4f: {  	[sflag:s23] =	ssyncadd.s32 $0xFFFFC000  }
0x50: {  	[spmem:s2] =	stream.indirect.scatter.add.f32 [tilespmem:s22], [sflag:$0x2], $0x80, s16, s20, $0xb8;
	[tilespmem:$0x1FC00] =	vst v63  }
0x51: {  	_ =	swait.ge [sflag:s18], $0x4000  }
0x52: {  	[sflag:s18] =	ssyncset.done $0x0  }
0x53: {  	[sflag:s18] =	ssyncadd.s32 $0xFFFFC000  }
0x54: {  	[tilespmem:s22], [sflag:$0x1] =	stream.indirect.gather [hbm4b:s4+s20], $0x80, s14, s20, $0xb8;
	[tilespmem:$0x1FC00] =	vst v63  }
0x55: {  	_ =	swait.ge [sflag:s23], $0x4000  }
0x56: {  	[sflag:s23] =	ssyncset.done $0x0  }
0x57: {  	s3 =	simm.s32 $0x2300;
	[sflag:s23] =	ssyncadd.s32 $0xFFFFC000  }
0x58: {  	[spmem:s2] =	stream.indirect.scatter.add.f32 [tilespmem:s21], [sflag:$0x2], $0x80, s3, s20, $0xb8;
	[tilespmem:$0x1FC00] =	vst v63  }
0x59: {  	_ =	swait.ge [sflag:s18], $0x4000  }
0x5a: {  	[sflag:s18] =	ssyncset.done $0x0  }
0x5b: {  	[sflag:s18] =	ssyncadd.s32 $0xFFFFC000  }
0x5c: {  	[tilespmem:s21], [sflag:$0x1] =	stream.indirect.gather [hbm4b:s4+s20], $0x80, s15, s20, $0xb8;
	[tilespmem:$0x1FC00] =	vst v63  }
0x5d: {  	_ =	swait.ge [sflag:s23], $0x4000  }
0x5e: {  	[sflag:s23] =	ssyncset.done $0x0  }
0x5f: {  	s24 =	simm.s32 $0x2380;
	[sflag:s23] =	ssyncadd.s32 $0xFFFFC000  }
0x60: {  	[spmem:s2] =	stream.indirect.scatter.add.f32 [tilespmem:s22], [sflag:$0x2], $0x80, s24, s20, $0xb8;
	[tilespmem:$0x1FC00] =	vst v63  }
0x61: {  	_ =	swait.ge [sflag:s18], $0x4000  }
0x62: {  	[sflag:s18] =	ssyncset.done $0x0  }
0x63: {  	s25 =	simm.s32 $0x480;
	[sflag:s18] =	ssyncadd.s32 $0xFFFFC000  }
0x64: {  	[tilespmem:s22], [sflag:$0x1] =	stream.indirect.gather [hbm4b:s4+s20], $0x80, s25, s20, $0xb8;
	[tilespmem:$0x1FC00] =	vst v63  }
0x65: {  	_ =	swait.ge [sflag:s23], $0x4000  }
0x66: {  	[sflag:s23] =	ssyncset.done $0x0  }
0x67: {  	s9 =	simm.s32 $0x2400;
	[sflag:s23] =	ssyncadd.s32 $0xFFFFC000  }
0x68: {  	[spmem:s2] =	stream.indirect.scatter.add.f32 [tilespmem:s21], [sflag:$0x2], $0x80, s9, s20, $0xb8;
	[tilespmem:$0x1FC00] =	vst v63  }
0x69: {  	_ =	swait.ge [sflag:s18], $0x4000  }
0x6a: {  	[sflag:s18] =	ssyncset.done $0x0  }
0x6b: {  	s24 =	simm.s32 $0x500;
	[sflag:s18] =	ssyncadd.s32 $0xFFFFC000  }
0x6c: {  	[tilespmem:s21], [sflag:$0x1] =	stream.indirect.gather [hbm4b:s4+s20], $0x80, s24, s20, $0xb8;
	[tilespmem:$0x1FC00] =	vst v63  }
0x6d: {  	_ =	swait.ge [sflag:s23], $0x4000  }
0x6e: {  	[sflag:s23] =	ssyncset.done $0x0  }
0x6f: {  	s25 =	simm.s32 $0x2480;
	[sflag:s23] =	ssyncadd.s32 $0xFFFFC000  }
0x70: {  	[spmem:s2] =	stream.indirect.scatter.add.f32 [tilespmem:s22], [sflag:$0x2], $0x80, s25, s20, $0xb8;
	[tilespmem:$0x1FC00] =	vst v63  }
0x71: {  	_ =	swait.ge [sflag:s18], $0x4000  }
0x72: {  	[sflag:s18] =	ssyncset.done $0x0  }
0x73: {  	s9 =	simm.s32 $0x580;
	[sflag:s18] =	ssyncadd.s32 $0xFFFFC000  }
0x74: {  	[tilespmem:s22], [sflag:$0x1] =	stream.indirect.gather [hbm4b:s4+s20], $0x80, s9, s20, $0xb8;
	[tilespmem:$0x1FC00] =	vst v63  }
0x75: {  	_ =	swait.ge [sflag:s23], $0x4000  }
0x76: {  	[sflag:s23] =	ssyncset.done $0x0  }
0x77: {  	s24 =	simm.s32 $0x2500;
	[sflag:s23] =	ssyncadd.s32 $0xFFFFC000  }
0x78: {  	[spmem:s2] =	stream.indirect.scatter.add.f32 [tilespmem:s21], [sflag:$0x2], $0x80, s24, s20, $0xb8;
	[tilespmem:$0x1FC00] =	vst v63  }
0x79: {  	_ =	swait.ge [sflag:s18], $0x4000  }
0x7a: {  	[sflag:s18] =	ssyncset.done $0x0  }
0x7b: {  	s25 =	simm.s32 $0x600;
	[sflag:s18] =	ssyncadd.s32 $0xFFFFC000  }
0x7c: {  	[tilespmem:s21], [sflag:$0x1] =	stream.indirect.gather [hbm4b:s4+s20], $0x80, s25, s20, $0xb8;
	[tilespmem:$0x1FC00] =	vst v63  }
0x7d: {  	_ =	swait.ge [sflag:s23], $0x4000  }
0x7e: {  	[sflag:s23] =	ssyncset.done $0x0  }
0x7f: {  	s9 =	simm.s32 $0x2580;
	[sflag:s23] =	ssyncadd.s32 $0xFFFFC000  }
0x80: {  	[spmem:s2] =	stream.indirect.scatter.add.f32 [tilespmem:s22], [sflag:$0x2], $0x80, s9, s20, $0xb8;
	[tilespmem:$0x1FC00] =	vst v63  }
0x81: {  	_ =	swait.ge [sflag:s18], $0x4000  }
0x82: {  	[sflag:s18] =	ssyncset.done $0x0  }
0x83: {  	s24 =	simm.s32 $0x680;
	[sflag:s18] =	ssyncadd.s32 $0xFFFFC000  }
0x84: {  	[tilespmem:s22], [sflag:$0x1] =	stream.indirect.gather [hbm4b:s4+s20], $0x80, s24, s20, $0xb8;
	[tilespmem:$0x1FC00] =	vst v63  }
0x85: {  	_ =	swait.ge [sflag:s23], $0x4000  }
0x86: {  	[sflag:s23] =	ssyncset.done $0x0  }
0x87: {  	s25 =	simm.s32 $0x2600;
	[sflag:s23] =	ssyncadd.s32 $0xFFFFC000  }
0x88: {  	[spmem:s2] =	stream.indirect.scatter.add.f32 [tilespmem:s21], [sflag:$0x2], $0x80, s25, s20, $0xb8;
	[tilespmem:$0x1FC00] =	vst v63  }
0x89: {  	_ =	swait.ge [sflag:s18], $0x4000  }
0x8a: {  	[sflag:s18] =	ssyncset.done $0x0  }
0x8b: {  	s9 =	simm.s32 $0x700;
	[sflag:s18] =	ssyncadd.s32 $0xFFFFC000  }
0x8c: {  	[tilespmem:s21], [sflag:$0x1] =	stream.indirect.gather [hbm4b:s4+s20], $0x80, s9, s20, $0xb8;
	[tilespmem:$0x1FC00] =	vst v63  }
0x8d: {  	_ =	swait.ge [sflag:s23], $0x4000  }
0x8e: {  	[sflag:s23] =	ssyncset.done $0x0  }
0x8f: {  	s24 =	simm.s32 $0x2680;
	[sflag:s23] =	ssyncadd.s32 $0xFFFFC000  }
0x90: {  	[spmem:s2] =	stream.indirect.scatter.add.f32 [tilespmem:s22], [sflag:$0x2], $0x80, s24, s20, $0xb8;
	[tilespmem:$0x1FC00] =	vst v63  }
0x91: {  	_ =	swait.ge [sflag:s18], $0x4000  }
0x92: {  	[sflag:s18] =	ssyncset.done $0x0  }
0x93: {  	s8 =	simm.s32 $0x780;
	[sflag:s18] =	ssyncadd.s32 $0xFFFFC000  }
0x94: {  	[tilespmem:s22], [sflag:$0x1] =	stream.indirect.gather [hbm4b:s4+s20], $0x80, s8, s20, $0xb8;
	[tilespmem:$0x1FC00] =	vst v63  }
0x95: {  	_ =	swait.ge [sflag:s23], $0x4000  }
0x96: {  	[sflag:s23] =	ssyncset.done $0x0  }
0x97: {  	s24 =	simm.s32 $0x2700;
	[sflag:s23] =	ssyncadd.s32 $0xFFFFC000  }
0x98: {  	[spmem:s2] =	stream.indirect.scatter.add.f32 [tilespmem:s21], [sflag:$0x2], $0x80, s24, s20, $0xb8;
	[tilespmem:$0x1FC00] =	vst v63  }
0x99: {  	_ =	swait.ge [sflag:s18], $0x4000  }
0x9a: {  	[sflag:s18] =	ssyncset.done $0x0  }
0x9b: {  	[sflag:s18] =	ssyncadd.s32 $0xFFFFC000  }
0x9c: {  	_ =	swait.ge [sflag:s23], $0x4000  }
0x9d: {  	[sflag:s23] =	ssyncset.done $0x0  }
0x9e: {  	s9 =	simm.s32 $0x2780;
	[sflag:s23] =	ssyncadd.s32 $0xFFFFC000  }
0x9f: {  	[spmem:s2] =	stream.indirect.scatter.add.f32 [tilespmem:s22], [sflag:$0x2], $0x80, s9, s20, $0xb8;
	[tilespmem:$0x1FC00] =	vst v63  }
0xa0: {  	_ =	swait.ge [sflag:s18], $0x4000  }
0xa1: {  	[sflag:s18] =	ssyncset.done $0x0  }
0xa2: {  	s25 =	rddreg [dreg:$0x9];
	[sflag:s18] =	ssyncadd.s32 $0xFFFFC000  }
0xa3: {  	[tilespmem:s19], [sflag:$0x2] =	stream.linear.gather [hbm4b:s25+s19], $0x800, $0x38;
	[tilespmem:$0x1FC00] =	vst v63  }
0xa4: {  	_ =	swait.ge [sflag:s18], $0x800  }
0xa5: {  	[sflag:s18] =	ssyncset.done $0x0  }
0xa6: {  	s17 =	simm.s32 $0x2000;
	s25 =	rddreg [dreg:$0xa];
	[sflag:s18] =	ssyncadd.s32 $0xFFFFF800  }
0xa7: {  	[tilespmem:s17], [sflag:$0x2] =	stream.linear.gather [hbm4b:s25+s19], $0x800, $0x38;
	[tilespmem:$0x1FC00] =	vst v63  }
0xa8: {  	_ =	swait.ge [sflag:s18], $0x800  }
0xa9: {  	[sflag:s18] =	ssyncset.done $0x0  }
0xaa: {  	[sflag:s18] =	ssyncadd.s32 $0xFFFFF800  }
0xab: {  	[tilespmem:s21], [sflag:$0x1] =	stream.indirect.gather [hbm4b:s4+s20], $0x80, s19, s20, $0xb8;
	[tilespmem:$0x1FC00] =	vst v63  }
0xac: {  	_ = 	snop  }
0xad: {  	[tilespmem:s22], [sflag:$0x1] =	stream.indirect.gather [hbm4b:s4+s20], $0x80, s20, s20, $0xb8;
	[tilespmem:$0x1FC00] =	vst v63  }
0xae: {  	_ =	swait.ge [sflag:s23], $0x4000  }
0xaf: {  	[sflag:s23] =	ssyncset.done $0x0  }
0xb0: {  	[sflag:s23] =	ssyncadd.s32 $0xFFFFC000  }
0xb1: {  	[spmem:s2] =	stream.indirect.scatter.add.f32 [tilespmem:s21], [sflag:$0x2], $0x80, s17, s20, $0xb8;
	[tilespmem:$0x1FC00] =	vst v63  }
0xb2: {  	_ =	swait.ge [sflag:s18], $0x4000  }
0xb3: {  	[sflag:s18] =	ssyncset.done $0x0  }
0xb4: {  	[sflag:s18] =	ssyncadd.s32 $0xFFFFC000  }
0xb5: {  	[tilespmem:s21], [sflag:$0x1] =	stream.indirect.gather [hbm4b:s4+s20], $0x80, s26, s20, $0xb8;
	[tilespmem:$0x1FC00] =	vst v63  }
0xb6: {  	_ =	swait.ge [sflag:s23], $0x4000  }
0xb7: {  	[sflag:s23] =	ssyncset.done $0x0  }
0xb8: {  	s25 =	simm.s32 $0x2080;
	[sflag:s23] =	ssyncadd.s32 $0xFFFFC000  }
0xb9: {  	[spmem:s2] =	stream.indirect.scatter.add.f32 [tilespmem:s22], [sflag:$0x2], $0x80, s25, s20, $0xb8;
	[tilespmem:$0x1FC00] =	vst v63  }
0xba: {  	_ =	swait.ge [sflag:s18], $0x4000  }
0xbb: {  	[sflag:s18] =	ssyncset.done $0x0  }
0xbc: {  	[sflag:s18] =	ssyncadd.s32 $0xFFFFC000  }
0xbd: {  	[tilespmem:s22], [sflag:$0x1] =	stream.indirect.gather [hbm4b:s4+s20], $0x80, s28, s20, $0xb8;
	[tilespmem:$0x1FC00] =	vst v63  }
0xbe: {  	_ =	swait.ge [sflag:s23], $0x4000  }
0xbf: {  	[sflag:s23] =	ssyncset.done $0x0  }
0xc0: {  	[sflag:s23] =	ssyncadd.s32 $0xFFFFC000  }
0xc1: {  	[spmem:s2] =	stream.indirect.scatter.add.f32 [tilespmem:s21], [sflag:$0x2], $0x80, s11, s20, $0xb8;
	[tilespmem:$0x1FC00] =	vst v63  }
0xc2: {  	_ =	swait.ge [sflag:s18], $0x4000  }
0xc3: {  	[sflag:s18] =	ssyncset.done $0x0  }
0xc4: {  	[sflag:s18] =	ssyncadd.s32 $0xFFFFC000  }
0xc5: {  	[tilespmem:s21], [sflag:$0x1] =	stream.indirect.gather [hbm4b:s4+s20], $0x80, s29, s20, $0xb8;
	[tilespmem:$0x1FC00] =	vst v63  }
0xc6: {  	_ =	swait.ge [sflag:s23], $0x4000  }
0xc7: {  	[sflag:s23] =	ssyncset.done $0x0  }
0xc8: {  	[sflag:s23] =	ssyncadd.s32 $0xFFFFC000  }
0xc9: {  	[spmem:s2] =	stream.indirect.scatter.add.f32 [tilespmem:s22], [sflag:$0x2], $0x80, s30, s20, $0xb8;
	[tilespmem:$0x1FC00] =	vst v63  }
0xca: {  	_ =	swait.ge [sflag:s18], $0x4000  }
0xcb: {  	[sflag:s18] =	ssyncset.done $0x0  }
0xcc: {  	[sflag:s18] =	ssyncadd.s32 $0xFFFFC000  }
0xcd: {  	[tilespmem:s22], [sflag:$0x1] =	stream.indirect.gather [hbm4b:s4+s20], $0x80, s12, s20, $0xb8;
	[tilespmem:$0x1FC00] =	vst v63  }
0xce: {  	_ =	swait.ge [sflag:s23], $0x4000  }
0xcf: {  	[sflag:s23] =	ssyncset.done $0x0  }
0xd0: {  	[sflag:s23] =	ssyncadd.s32 $0xFFFFC000  }
0xd1: {  	[spmem:s2] =	stream.indirect.scatter.add.f32 [tilespmem:s21], [sflag:$0x2], $0x80, s31, s20, $0xb8;
	[tilespmem:$0x1FC00] =	vst v63  }
0xd2: {  	_ =	swait.ge [sflag:s18], $0x4000  }
0xd3: {  	[sflag:s18] =	ssyncset.done $0x0  }
0xd4: {  	[sflag:s18] =	ssyncadd.s32 $0xFFFFC000  }
0xd5: {  	[tilespmem:s21], [sflag:$0x1] =	stream.indirect.gather [hbm4b:s4+s20], $0x80, s13, s20, $0xb8;
	[tilespmem:$0x1FC00] =	vst v63  }
0xd6: {  	_ =	swait.ge [sflag:s23], $0x4000  }
0xd7: {  	[sflag:s23] =	ssyncset.done $0x0  }
0xd8: {  	[sflag:s23] =	ssyncadd.s32 $0xFFFFC000  }
0xd9: {  	[spmem:s2] =	stream.indirect.scatter.add.f32 [tilespmem:s22], [sflag:$0x2], $0x80, s16, s20, $0xb8;
	[tilespmem:$0x1FC00] =	vst v63  }
0xda: {  	_ =	swait.ge [sflag:s18], $0x4000  }
0xdb: {  	[sflag:s18] =	ssyncset.done $0x0  }
0xdc: {  	[sflag:s18] =	ssyncadd.s32 $0xFFFFC000  }
0xdd: {  	[tilespmem:s22], [sflag:$0x1] =	stream.indirect.gather [hbm4b:s4+s20], $0x80, s14, s20, $0xb8;
	[tilespmem:$0x1FC00] =	vst v63  }
0xde: {  	_ =	swait.ge [sflag:s23], $0x4000  }
0xdf: {  	[sflag:s23] =	ssyncset.done $0x0  }
0xe0: {  	[sflag:s23] =	ssyncadd.s32 $0xFFFFC000  }
0xe1: {  	[spmem:s2] =	stream.indirect.scatter.add.f32 [tilespmem:s21], [sflag:$0x2], $0x80, s3, s20, $0xb8;
	[tilespmem:$0x1FC00] =	vst v63  }
0xe2: {  	_ =	swait.ge [sflag:s18], $0x4000  }
0xe3: {  	[sflag:s18] =	ssyncset.done $0x0  }
0xe4: {  	[sflag:s18] =	ssyncadd.s32 $0xFFFFC000  }
0xe5: {  	[tilespmem:s21], [sflag:$0x1] =	stream.indirect.gather [hbm4b:s4+s20], $0x80, s15, s20, $0xb8;
	[tilespmem:$0x1FC00] =	vst v63  }
0xe6: {  	_ =	swait.ge [sflag:s23], $0x4000  }
0xe7: {  	[sflag:s23] =	ssyncset.done $0x0  }
0xe8: {  	s26 =	simm.s32 $0x2380;
	[sflag:s23] =	ssyncadd.s32 $0xFFFFC000  }
0xe9: {  	[spmem:s2] =	stream.indirect.scatter.add.f32 [tilespmem:s22], [sflag:$0x2], $0x80, s26, s20, $0xb8;
	[tilespmem:$0x1FC00] =	vst v63  }
0xea: {  	_ =	swait.ge [sflag:s18], $0x4000  }
0xeb: {  	[sflag:s18] =	ssyncset.done $0x0  }
0xec: {  	s17 =	simm.s32 $0x480;
	[sflag:s18] =	ssyncadd.s32 $0xFFFFC000  }
0xed: {  	[tilespmem:s22], [sflag:$0x1] =	stream.indirect.gather [hbm4b:s4+s20], $0x80, s17, s20, $0xb8;
	[tilespmem:$0x1FC00] =	vst v63  }
0xee: {  	_ =	swait.ge [sflag:s23], $0x4000  }
0xef: {  	[sflag:s23] =	ssyncset.done $0x0  }
0xf0: {  	s25 =	simm.s32 $0x2400;
	[sflag:s23] =	ssyncadd.s32 $0xFFFFC000  }
0xf1: {  	[spmem:s2] =	stream.indirect.scatter.add.f32 [tilespmem:s21], [sflag:$0x2], $0x80, s25, s20, $0xb8;
	[tilespmem:$0x1FC00] =	vst v63  }
0xf2: {  	_ =	swait.ge [sflag:s18], $0x4000  }
0xf3: {  	[sflag:s18] =	ssyncset.done $0x0  }
0xf4: {  	s26 =	simm.s32 $0x500;
	[sflag:s18] =	ssyncadd.s32 $0xFFFFC000  }
0xf5: {  	[tilespmem:s21], [sflag:$0x1] =	stream.indirect.gather [hbm4b:s4+s20], $0x80, s26, s20, $0xb8;
	[tilespmem:$0x1FC00] =	vst v63  }
0xf6: {  	_ =	swait.ge [sflag:s23], $0x4000  }
0xf7: {  	[sflag:s23] =	ssyncset.done $0x0  }
0xf8: {  	s17 =	simm.s32 $0x2480;
	[sflag:s23] =	ssyncadd.s32 $0xFFFFC000  }
0xf9: {  	[spmem:s2] =	stream.indirect.scatter.add.f32 [tilespmem:s22], [sflag:$0x2], $0x80, s17, s20, $0xb8;
	[tilespmem:$0x1FC00] =	vst v63  }
0xfa: {  	_ =	swait.ge [sflag:s18], $0x4000  }
0xfb: {  	[sflag:s18] =	ssyncset.done $0x0  }
0xfc: {  	s25 =	simm.s32 $0x580;
	[sflag:s18] =	ssyncadd.s32 $0xFFFFC000  }
0xfd: {  	[tilespmem:s22], [sflag:$0x1] =	stream.indirect.gather [hbm4b:s4+s20], $0x80, s25, s20, $0xb8;
	[tilespmem:$0x1FC00] =	vst v63  }
0xfe: {  	_ =	swait.ge [sflag:s23], $0x4000  }
0xff: {  	[sflag:s23] =	ssyncset.done $0x0  }
0x100: {  	s26 =	simm.s32 $0x2500;
	[sflag:s23] =	ssyncadd.s32 $0xFFFFC000  }
0x101: {  	[spmem:s2] =	stream.indirect.scatter.add.f32 [tilespmem:s21], [sflag:$0x2], $0x80, s26, s20, $0xb8;
	[tilespmem:$0x1FC00] =	vst v63  }
0x102: {  	_ =	swait.ge [sflag:s18], $0x4000  }
0x103: {  	[sflag:s18] =	ssyncset.done $0x0  }
0x104: {  	s17 =	simm.s32 $0x600;
	[sflag:s18] =	ssyncadd.s32 $0xFFFFC000  }
0x105: {  	[tilespmem:s21], [sflag:$0x1] =	stream.indirect.gather [hbm4b:s4+s20], $0x80, s17, s20, $0xb8;
	[tilespmem:$0x1FC00] =	vst v63  }
0x106: {  	_ =	swait.ge [sflag:s23], $0x4000  }
0x107: {  	[sflag:s23] =	ssyncset.done $0x0  }
0x108: {  	s25 =	simm.s32 $0x2580;
	[sflag:s23] =	ssyncadd.s32 $0xFFFFC000  }
0x109: {  	[spmem:s2] =	stream.indirect.scatter.add.f32 [tilespmem:s22], [sflag:$0x2], $0x80, s25, s20, $0xb8;
	[tilespmem:$0x1FC00] =	vst v63  }
0x10a: {  	_ =	swait.ge [sflag:s18], $0x4000  }
0x10b: {  	[sflag:s18] =	ssyncset.done $0x0  }
0x10c: {  	s26 =	simm.s32 $0x680;
	[sflag:s18] =	ssyncadd.s32 $0xFFFFC000  }
0x10d: {  	[tilespmem:s22], [sflag:$0x1] =	stream.indirect.gather [hbm4b:s4+s20], $0x80, s26, s20, $0xb8;
	[tilespmem:$0x1FC00] =	vst v63  }
0x10e: {  	_ =	swait.ge [sflag:s23], $0x4000  }
0x10f: {  	[sflag:s23] =	ssyncset.done $0x0  }
0x110: {  	s17 =	simm.s32 $0x2600;
	[sflag:s23] =	ssyncadd.s32 $0xFFFFC000  }
0x111: {  	[spmem:s2] =	stream.indirect.scatter.add.f32 [tilespmem:s21], [sflag:$0x2], $0x80, s17, s20, $0xb8;
	[tilespmem:$0x1FC00] =	vst v63  }
0x112: {  	_ =	swait.ge [sflag:s18], $0x4000  }
0x113: {  	[sflag:s18] =	ssyncset.done $0x0  }
0x114: {  	s25 =	simm.s32 $0x700;
	[sflag:s18] =	ssyncadd.s32 $0xFFFFC000  }
0x115: {  	[tilespmem:s21], [sflag:$0x1] =	stream.indirect.gather [hbm4b:s4+s20], $0x80, s25, s20, $0xb8;
	[tilespmem:$0x1FC00] =	vst v63  }
0x116: {  	_ =	swait.ge [sflag:s23], $0x4000  }
0x117: {  	[sflag:s23] =	ssyncset.done $0x0  }
0x118: {  	s26 =	simm.s32 $0x2680;
	[sflag:s23] =	ssyncadd.s32 $0xFFFFC000  }
0x119: {  	[spmem:s2] =	stream.indirect.scatter.add.f32 [tilespmem:s22], [sflag:$0x2], $0x80, s26, s20, $0xb8;
	[tilespmem:$0x1FC00] =	vst v63  }
0x11a: {  	_ =	swait.ge [sflag:s18], $0x4000  }
0x11b: {  	[sflag:s18] =	ssyncset.done $0x0  }
0x11c: {  	s3 =	simm.s32 $0x2000;
	[sflag:s18] =	ssyncadd.s32 $0xFFFFC000  }
.LBB2_9:
0x11d: {  	[tilespmem:s22], [sflag:$0x1] =	stream.indirect.gather [hbm4b:s4+s20], $0x80, s8, s20, $0xb8;
	[tilespmem:$0x1FC00] =	vst v63  }
0x11e: {  	_ =	swait.ge [sflag:s23], $0x4000  }
0x11f: {  	[sflag:s23] =	ssyncset.done $0x0  }
0x120: {  	[sflag:s23] =	ssyncadd.s32 $0xFFFFC000  }
0x121: {  	[spmem:s2] =	stream.indirect.scatter.add.f32 [tilespmem:s21], [sflag:$0x2], $0x80, s24, s20, $0xb8;
	[tilespmem:$0x1FC00] =	vst v63  }
0x122: {  	_ =	swait.ge [sflag:s18], $0x4000  }
0x123: {  	[sflag:s18] =	ssyncset.done $0x0  }
0x124: {  	[sflag:s18] =	ssyncadd.s32 $0xFFFFC000  }
0x125: {  	_ =	swait.ge [sflag:s23], $0x4000  }
0x126: {  	[sflag:s23] =	ssyncset.done $0x0  }
0x127: {  	[sflag:s23] =	ssyncadd.s32 $0xFFFFC000  }
0x128: {  	[spmem:s2] =	stream.indirect.scatter.add.f32 [tilespmem:s22], [sflag:$0x2], $0x80, s9, s20, $0xb8;
	[tilespmem:$0x1FC00] =	vst v63  }
0x129: {  	_ =	swait.ge [sflag:s18], $0x4000  }
0x12a: {  	s7 =	sadd.s32 $0x1, s7;
	[sflag:s18] =	ssyncset.done $0x0  }
0x12b: {  	p1 =	sne.s32 s7, s1;
	[sflag:s18] =	ssyncadd.s32 $0xFFFFC000  }
.Ltmp1:
0x12c: {  	[bflag:$0x0] =	sbarrier.arrive $0xFFFF;
	(pc) =	sbr.rel @!p1 .LBB2_10-.Ltmp1, $4  }
0x12d: {  	[hbm:s0], [sflag:s6] =	dma.local [spmem:s10], $0x2780  }
0x12e: {  	_ =	swait.ge [sflag:s18], $0x2780  }
0x12f: {  	[sflag:s18] =	ssyncset.done $0x0  }
0x130: {  	[sflag:s18] =	ssyncadd.s32 $0xFFFFD880  }
.LBB2_1:
0x131: {  	[spmem:s10], [sflag:s6] =	dma.local [hbm:s5], $0x2780  }
.Ltmp2:
0x132: {  	_ =	swait.ge [sflag:s18], $0x2780;
	(pc) =	sbr.rel @p0 .LBB2_8-.Ltmp2, $3  }
0x133: {  	[sflag:s18] =	ssyncset.done $0x0  }
0x134: {  	[sflag:s18] =	ssyncadd.s32 $0xFFFFD880  }
0x135: {  	[bflag:$0x0] =	sbarrier.arrive $0xFFFF;
	_ =	sdelay $0x1  }
0x136: {  	s8 =	simm.s32 $0x0;
	s9 =	rddreg [dreg:$0x3]  }
0x137: {  	[tilespmem:s8], [sflag:$0x2] =	stream.linear.gather [hbm4b:s9+s8], $0x2000, $0x38;
	[tilespmem:$0x1FC00] =	vst v63  }
0x138: {  	_ =	swait.ge [sflag:s18], $0x2000  }
0x139: {  	[sflag:s18] =	ssyncset.done $0x0  }
0x13a: {  	s11 =	rddreg [dreg:$0x4];
	[sflag:s18] =	ssyncadd.s32 $0xFFFFE000  }
0x13b: {  	[tilespmem:s3], [sflag:$0x2] =	stream.linear.gather [hbm4b:s11+s8], $0x2000, $0x38;
	[tilespmem:$0x1FC00] =	vst v63  }
0x13c: {  	_ =	swait.ge [sflag:s18], $0x2000  }
0x13d: {  	[sflag:s18] =	ssyncset.done $0x0  }
0x13e: {  	[sflag:s18] =	ssyncadd.s32 $0xFFFFE000  }
0x13f: {  	[tilespmem:s21], [sflag:$0x1] =	stream.indirect.gather [hbm4b:s4+s20], $0x80, s8, s20, $0xb8;
	[tilespmem:$0x1FC00] =	vst v63  }
0x140: {  	s17 =	simm.s32 $0x80  }
0x141: {  	[tilespmem:s22], [sflag:$0x1] =	stream.indirect.gather [hbm4b:s4+s20], $0x80, s17, s20, $0xb8;
	[tilespmem:$0x1FC00] =	vst v63  }
0x142: {  	_ =	swait.ge [sflag:s23], $0x4000  }
0x143: {  	[sflag:s23] =	ssyncset.done $0x0  }
0x144: {  	s24 =	simm.s32 $0x2000;
	[sflag:s23] =	ssyncadd.s32 $0xFFFFC000  }
0x145: {  	[spmem:s2] =	stream.indirect.scatter.add.f32 [tilespmem:s21], [sflag:$0x2], $0x80, s24, s20, $0xb8;
	[tilespmem:$0x1FC00] =	vst v63  }
0x146: {  	_ =	swait.ge [sflag:s18], $0x4000  }
0x147: {  	[sflag:s18] =	ssyncset.done $0x0  }
0x148: {  	s25 =	simm.s32 $0x100;
	[sflag:s18] =	ssyncadd.s32 $0xFFFFC000  }
0x149: {  	[tilespmem:s21], [sflag:$0x1] =	stream.indirect.gather [hbm4b:s4+s20], $0x80, s25, s20, $0xb8;
	[tilespmem:$0x1FC00] =	vst v63  }
0x14a: {  	_ =	swait.ge [sflag:s23], $0x4000  }
0x14b: {  	[sflag:s23] =	ssyncset.done $0x0  }
0x14c: {  	s26 =	simm.s32 $0x2080;
	[sflag:s23] =	ssyncadd.s32 $0xFFFFC000  }
0x14d: {  	[spmem:s2] =	stream.indirect.scatter.add.f32 [tilespmem:s22], [sflag:$0x2], $0x80, s26, s20, $0xb8;
	[tilespmem:$0x1FC00] =	vst v63  }
0x14e: {  	_ =	swait.ge [sflag:s18], $0x4000  }
0x14f: {  	s9 =	simm.s32 $0x800;
	s8 =	simm.s32 $0x100;
	[sflag:s18] =	ssyncset.done $0x0  }
.LBB2_3:
0x150: {  	s24 =	sadd.s32 $0x80, s8  }
0x151: {  	[sflag:s18] =	ssyncadd.s32 $0xFFFFC000;
	s25 =	smov.u32 s9;
	s26 =	sadd.s32 $0x400, s9  }
0x152: {  	[tilespmem:s22], [sflag:$0x1] =	stream.indirect.gather [hbm4b:s4+s20], $0x80, s24, s20, $0xb8;
	[tilespmem:$0x1FC00] =	vst v63  }
0x153: {  	p1 =	sne.s32 s9, $0x7800;
	_ =	swait.ge [sflag:s23], $0x4000  }
0x154: {  	[sflag:s23] =	ssyncset.done $0x0  }
0x155: {  	s9 =	sadd.s32 $0x2000, s8;
	[sflag:s23] =	ssyncadd.s32 $0xFFFFC000  }
0x156: {  	[spmem:s2] =	stream.indirect.scatter.add.f32 [tilespmem:s21], [sflag:$0x2], $0x80, s9, s20, $0xb8;
	[tilespmem:$0x1FC00] =	vst v63  }
0x157: {  	_ =	swait.ge [sflag:s18], $0x4000  }
0x158: {  	[sflag:s18] =	ssyncset.done $0x0  }
0x159: {  	s9 =	sadd.s32 $0x100, s8;
	[sflag:s18] =	ssyncadd.s32 $0xFFFFC000  }
0x15a: {  	[tilespmem:s21], [sflag:$0x1] =	stream.indirect.gather [hbm4b:s4+s20], $0x80, s9, s20, $0xb8;
	[tilespmem:$0x1FC00] =	vst v63  }
0x15b: {  	_ =	swait.ge [sflag:s23], $0x4000  }
.Ltmp3:
0x15c: {  	[sflag:s23] =	ssyncset.done $0x0;
	(pc) =	sbr.rel @p1 .LBB2_3-.Ltmp3, $4  }
0x15d: {  	s8 =	sadd.s32 $0x2080, s8;
	[sflag:s23] =	ssyncadd.s32 $0xFFFFC000  }
0x15e: {  	[spmem:s2] =	stream.indirect.scatter.add.f32 [tilespmem:s22], [sflag:$0x2], $0x80, s8, s20, $0xb8;
	[tilespmem:$0x1FC00] =	vst v63  }
0x15f: {  	_ =	swait.ge [sflag:s18], $0x4000  }
0x160: {  	s9 =	smov.u32 s26;
	s8 =	sshra.s32 s25, $0x2;
	[sflag:s18] =	ssyncset.done $0x0  }
0x161: {  	s9 =	sadd.s32 $0x80, s8;
	[sflag:s18] =	ssyncadd.s32 $0xFFFFC000  }
0x162: {  	[tilespmem:s22], [sflag:$0x1] =	stream.indirect.gather [hbm4b:s4+s20], $0x80, s9, s20, $0xb8;
	[tilespmem:$0x1FC00] =	vst v63  }
0x163: {  	_ =	swait.ge [sflag:s23], $0x4000  }
0x164: {  	[sflag:s23] =	ssyncset.done $0x0  }
0x165: {  	s24 =	sadd.s32 $0x2000, s8;
	[sflag:s23] =	ssyncadd.s32 $0xFFFFC000  }
0x166: {  	[spmem:s2] =	stream.indirect.scatter.add.f32 [tilespmem:s21], [sflag:$0x2], $0x80, s24, s20, $0xb8;
	[tilespmem:$0x1FC00] =	vst v63  }
0x167: {  	_ =	swait.ge [sflag:s18], $0x4000  }
0x168: {  	[sflag:s18] =	ssyncset.done $0x0  }
0x169: {  	s25 =	sadd.s32 $0x100, s8;
	[sflag:s18] =	ssyncadd.s32 $0xFFFFC000  }
0x16a: {  	[tilespmem:s21], [sflag:$0x1] =	stream.indirect.gather [hbm4b:s4+s20], $0x80, s25, s20, $0xb8;
	[tilespmem:$0x1FC00] =	vst v63  }
0x16b: {  	_ =	swait.ge [sflag:s23], $0x4000  }
0x16c: {  	[sflag:s23] =	ssyncset.done $0x0  }
0x16d: {  	s26 =	sadd.s32 $0x2080, s8;
	[sflag:s23] =	ssyncadd.s32 $0xFFFFC000  }
0x16e: {  	[spmem:s2] =	stream.indirect.scatter.add.f32 [tilespmem:s22], [sflag:$0x2], $0x80, s26, s20, $0xb8;
	[tilespmem:$0x1FC00] =	vst v63  }
0x16f: {  	_ =	swait.ge [sflag:s18], $0x4000  }
0x170: {  	[sflag:s18] =	ssyncset.done $0x0  }
0x171: {  	s9 =	simm.s32 $0x1F80;
	[sflag:s18] =	ssyncadd.s32 $0xFFFFC000  }
0x172: {  	[tilespmem:s22], [sflag:$0x1] =	stream.indirect.gather [hbm4b:s4+s20], $0x80, s9, s20, $0xb8;
	[tilespmem:$0x1FC00] =	vst v63  }
0x173: {  	_ =	swait.ge [sflag:s23], $0x4000  }
0x174: {  	[sflag:s23] =	ssyncset.done $0x0  }
0x175: {  	s11 =	simm.s32 $0x3F00;
	[sflag:s23] =	ssyncadd.s32 $0xFFFFC000  }
0x176: {  	[spmem:s2] =	stream.indirect.scatter.add.f32 [tilespmem:s21], [sflag:$0x2], $0x80, s11, s20, $0xb8;
	[tilespmem:$0x1FC00] =	vst v63  }
0x177: {  	_ =	swait.ge [sflag:s18], $0x4000  }
0x178: {  	[sflag:s18] =	ssyncset.done $0x0  }
0x179: {  	[sflag:s18] =	ssyncadd.s32 $0xFFFFC000  }
0x17a: {  	_ =	swait.ge [sflag:s23], $0x4000  }
0x17b: {  	[sflag:s23] =	ssyncset.done $0x0  }
0x17c: {  	s17 =	simm.s32 $0x3F80;
	[sflag:s23] =	ssyncadd.s32 $0xFFFFC000  }
0x17d: {  	[spmem:s2] =	stream.indirect.scatter.add.f32 [tilespmem:s22], [sflag:$0x2], $0x80, s17, s20, $0xb8;
	[tilespmem:$0x1FC00] =	vst v63  }
0x17e: {  	_ =	swait.ge [sflag:s18], $0x4000  }
0x17f: {  	[sflag:s18] =	ssyncset.done $0x0  }
0x180: {  	s24 =	simm.s32 $0x0;
	s25 =	rddreg [dreg:$0x5];
	[sflag:s18] =	ssyncadd.s32 $0xFFFFC000  }
0x181: {  	[tilespmem:s24], [sflag:$0x2] =	stream.linear.gather [hbm4b:s25+s24], $0x2000, $0x38;
	[tilespmem:$0x1FC00] =	vst v63  }
0x182: {  	_ =	swait.ge [sflag:s18], $0x2000  }
0x183: {  	[sflag:s18] =	ssyncset.done $0x0  }
0x184: {  	p2 =	por $0x0, $0x0;
	s26 =	rddreg [dreg:$0x6];
	[sflag:s18] =	ssyncadd.s32 $0xFFFFE000  }
0x185: {  	[tilespmem:s3], [sflag:$0x2] =	stream.linear.gather [hbm4b:s26+s24], $0x2000, $0x38;
	[tilespmem:$0x1FC00] =	vst v63  }
.Ltmp4:
0x186: {  	_ = 	snop;
	(pc) =	sbr.rel @p2 .LBB2_7-.Ltmp4, $4  }
0x187: {  	_ =	swait.ge [sflag:s18], $0x2000  }
0x188: {  	[sflag:s18] =	ssyncset.done $0x0  }
0x189: {  	s8 =	simm.s32 $0x0;
	p1 =	por $0x0, $0x0;
	[sflag:s18] =	ssyncadd.s32 $0xFFFFE000  }
0x18a: {  	[tilespmem:s21], [sflag:$0x1] =	stream.indirect.gather [hbm4b:s4+s20], $0x80, s24, s20, $0xb8;
	[tilespmem:$0x1FC00] =	vst v63  }
0x18b: {  	s8 =	simm.s32 $0x80  }
0x18c: {  	[tilespmem:s22], [sflag:$0x1] =	stream.indirect.gather [hbm4b:s4+s20], $0x80, s8, s20, $0xb8;
	[tilespmem:$0x1FC00] =	vst v63  }
0x18d: {  	_ =	swait.ge [sflag:s23], $0x4000  }
0x18e: {  	[sflag:s23] =	ssyncset.done $0x0  }
0x18f: {  	s24 =	simm.s32 $0x2000;
	[sflag:s23] =	ssyncadd.s32 $0xFFFFC000  }
0x190: {  	[spmem:s2] =	stream.indirect.scatter.add.f32 [tilespmem:s21], [sflag:$0x2], $0x80, s24, s20, $0xb8;
	[tilespmem:$0x1FC00] =	vst v63  }
0x191: {  	_ =	swait.ge [sflag:s18], $0x4000  }
0x192: {  	[sflag:s18] =	ssyncset.done $0x0  }
0x193: {  	s25 =	simm.s32 $0x100;
	[sflag:s18] =	ssyncadd.s32 $0xFFFFC000  }
0x194: {  	[tilespmem:s21], [sflag:$0x1] =	stream.indirect.gather [hbm4b:s4+s20], $0x80, s25, s20, $0xb8;
	[tilespmem:$0x1FC00] =	vst v63  }
0x195: {  	p2 =	por $0x0, $0x0;
	_ =	swait.ge [sflag:s23], $0x4000  }
.Ltmp5:
0x196: {  	[sflag:s23] =	ssyncset.done $0x0;
	(pc) =	sbr.rel @p2 .LBB2_7-.Ltmp5, $4  }
0x197: {  	s26 =	simm.s32 $0x2080;
	[sflag:s23] =	ssyncadd.s32 $0xFFFFC000  }
0x198: {  	[spmem:s2] =	stream.indirect.scatter.add.f32 [tilespmem:s22], [sflag:$0x2], $0x80, s26, s20, $0xb8;
	[tilespmem:$0x1FC00] =	vst v63  }
0x199: {  	s9 =	simm.s32 $0x800;
	_ =	swait.ge [sflag:s18], $0x4000  }
0x19a: {  	p1 =	por $0x1, $0x1;
	s8 =	simm.s32 $0x100;
	[sflag:s18] =	ssyncset.done $0x0  }
.LBB2_6:
0x19b: {  	s24 =	sadd.s32 $0x80, s8  }
0x19c: {  	[sflag:s18] =	ssyncadd.s32 $0xFFFFC000;
	s25 =	smov.u32 s9;
	s26 =	sadd.s32 $0x400, s9  }
0x19d: {  	[tilespmem:s22], [sflag:$0x1] =	stream.indirect.gather [hbm4b:s4+s20], $0x80, s24, s20, $0xb8;
	[tilespmem:$0x1FC00] =	vst v63  }
0x19e: {  	p2 =	seq.s32 s9, $0x7800;
	_ =	swait.ge [sflag:s23], $0x4000  }
0x19f: {  	[sflag:s23] =	ssyncset.done $0x0  }
0x1a0: {  	s9 =	sadd.s32 $0x2000, s8;
	[sflag:s23] =	ssyncadd.s32 $0xFFFFC000  }
0x1a1: {  	[spmem:s2] =	stream.indirect.scatter.add.f32 [tilespmem:s21], [sflag:$0x2], $0x80, s9, s20, $0xb8;
	[tilespmem:$0x1FC00] =	vst v63  }
0x1a2: {  	_ =	swait.ge [sflag:s18], $0x4000  }
0x1a3: {  	[sflag:s18] =	ssyncset.done $0x0  }
0x1a4: {  	s9 =	sadd.s32 $0x100, s8;
	[sflag:s18] =	ssyncadd.s32 $0xFFFFC000  }
0x1a5: {  	[tilespmem:s21], [sflag:$0x1] =	stream.indirect.gather [hbm4b:s4+s20], $0x80, s9, s20, $0xb8;
	[tilespmem:$0x1FC00] =	vst v63  }
0x1a6: {  	_ =	swait.ge [sflag:s23], $0x4000  }
.Ltmp6:
0x1a7: {  	[sflag:s23] =	ssyncset.done $0x0;
	(pc) =	sbr.rel @!p2 .LBB2_6-.Ltmp6, $4  }
0x1a8: {  	s8 =	sadd.s32 $0x2080, s8;
	[sflag:s23] =	ssyncadd.s32 $0xFFFFC000  }
0x1a9: {  	[spmem:s2] =	stream.indirect.scatter.add.f32 [tilespmem:s22], [sflag:$0x2], $0x80, s8, s20, $0xb8;
	[tilespmem:$0x1FC00] =	vst v63  }
0x1aa: {  	_ =	swait.ge [sflag:s18], $0x4000  }
0x1ab: {  	s9 =	smov.u32 s26;
	s8 =	sshra.s32 s25, $0x2;
	[sflag:s18] =	ssyncset.done $0x0  }
.LBB2_7:
0x1ac: {  	s9 =	sadd.s32 $0x80, s8;
	[sflag:s18] =	ssyncadd.s32 @p1 $0xFFFFC000  }
0x1ad: {  	[tilespmem:s22], [sflag:$0x1] =	stream.indirect.gather [hbm4b:s4+s20], $0x80, s9, s20, $0xb8;
	[tilespmem:$0x1FC00] =	vst v63  }
0x1ae: {  	_ =	swait.ge [sflag:s23], $0x4000  }
0x1af: {  	[sflag:s23] =	ssyncset.done $0x0  }
0x1b0: {  	s24 =	sadd.s32 $0x2000, s8;
	[sflag:s23] =	ssyncadd.s32 $0xFFFFC000  }
0x1b1: {  	[spmem:s2] =	stream.indirect.scatter.add.f32 [tilespmem:s21], [sflag:$0x2], $0x80, s24, s20, $0xb8;
	[tilespmem:$0x1FC00] =	vst v63  }
0x1b2: {  	_ =	swait.ge [sflag:s18], $0x4000  }
0x1b3: {  	[sflag:s18] =	ssyncset.done $0x0  }
0x1b4: {  	s25 =	sadd.s32 $0x100, s8;
	[sflag:s18] =	ssyncadd.s32 $0xFFFFC000  }
0x1b5: {  	[tilespmem:s21], [sflag:$0x1] =	stream.indirect.gather [hbm4b:s4+s20], $0x80, s25, s20, $0xb8;
	[tilespmem:$0x1FC00] =	vst v63  }
0x1b6: {  	_ =	swait.ge [sflag:s23], $0x4000  }
0x1b7: {  	[sflag:s23] =	ssyncset.done $0x0  }
.Ltmp7:
0x1b8: {  	s26 =	sadd.s32 $0x2080, s8;
	[sflag:s23] =	ssyncadd.s32 $0xFFFFC000;
	(pc) =	sbr.rel .LBB2_9-.Ltmp7, $4  }
0x1b9: {  	[spmem:s2] =	stream.indirect.scatter.add.f32 [tilespmem:s22], [sflag:$0x2], $0x80, s26, s20, $0xb8;
	[tilespmem:$0x1FC00] =	vst v63  }
0x1ba: {  	_ =	swait.ge [sflag:s18], $0x4000  }
0x1bb: {  	s8 =	simm.s32 $0x1F80;
	[sflag:s18] =	ssyncset.done $0x0  }
0x1bc: {  	s9 =	simm.s32 $0x3F80;
	s24 =	simm.s32 $0x3F00;
	[sflag:s18] =	ssyncadd.s32 $0xFFFFC000  }
.LBB2_10:
0x1bd: {  	_ =	sfence.sel $0x180000  }
0x1be: {  	[bflag:$0x0] =	sbarrier.arrive $0xFFFF  }
0x1bf: {  	_ =	strace $0x9000004A  }
0x1c0: {  	s0 =	stileid.u32;
	[bflag:$0x2] =	sbarrier.arrive $0xFFFF  }
0x1c1: {  	p0 =	sne.s32 s0, $0x0;
	s0 =	rddreg [dreg:$0x2]  }
0x1c2: {  	s0 =	sadd.s32 @!p0 $0x100000, s0  }
0x1c3: {  	[sflag:s0] =	ssyncadd.tile.s32 @!p0 $0x1;
	_ =	shalt  }
.Lfunc_end2:
_tile_overlayer_lowered:
.L_overlay_start_2:
0x1c4: {  	(tag) =	ssettag $0x2  }
0x1c5: {  	s0 =	rddreg [dreg:$0x0];
	s2 =	stileid.u32  }
0x1c6: {  	s1 =	rddreg [dreg:$0x1];
	p0 =	sne.s32 s2, $0x0  }
0x1c7: {  	s3 =	rddreg [dreg:$0x2];
	[bflag:$0x3] =	sbarrier.arrive $0xFFFF;
	s2 =	simm.s32 @!p0 $0x1C02  }
0x1c8: {  	[timem:s3], [sflag:s2] =	dma.local @!p0 [hbm:s0], s1  }
0x1c9: {  	s0 =	simm.s32 @!p0 $0x2  }
0x1ca: {  	_ =	swait.ge @!p0 [sflag:s0], s1  }
0x1cb: {  	s1 =	ssub.s32 @!p0 $0x0, s1;
	[sflag:s0] =	ssyncset.done @!p0 $0x0  }
0x1cc: {  	[sflag:s0] =	ssyncadd.s32 @!p0 s1  }
0x1cd: {  	[bflag:$0x3] =	sbarrier.arrive $0xFFFF  }
0x1ce: {  	_ =	shalt  }

// kernel: kernel.16.cloned.1.call-start
scs
__scs_entry_jumppad:
0x0: {  	(pc) =	sbr.rel $0x88, $3  }
0x1: {  	(tag) =	ssettag $0x0;
	lr =	simm.s32 $0x1  }
0x2: {  	[smem:$0x3F96] =	sst lr;
	_ =	strace $0xD0000000  }
0x3: {  	_ = 	snop  }
0x4: {  	_ = 	snop  }
0x5: {  	_ = 	snop  }
0x6: {  	_ = 	snop  }
0x7: {  	_ = 	snop  }
__scs_overlays_trampoline_lowered:
0x8: {  	[smem:$0x3FA5] =	sst s0  }
0x9: {  	[smem:$0x3FA6] =	sst s1  }
0xa: {  	[smem:$0x3FA7] =	sst s2  }
0xb: {  	[smem:$0x3FA8] =	sst s3  }
0xc: {  	[smem:$0x3FA9] =	sst s4  }
0xd: {  	[smem:$0x3FAA] =	sst s5  }
0xe: {  	[smem:$0x3FAB] =	sst s6  }
0xf: {  	[smem:$0x3FAC] =	sst s7  }
0x10: {  	[smem:$0x3FAD] =	sst s8  }
0x11: {  	[smem:$0x3FAE] =	sst s9;
	s0 =	simm.s32 @!p0 $0x0  }
0x12: {  	s1 =	sld [smem:$0x3F94];
	s0 =	simm.s32 @p0 $0x1  }
0x13: {  	[smem:$0x3FAF] =	sst s0;
	s0 =	simm.s32 @!p1 $0x0  }
0x14: {  	s2 =	sld [smem:$0x3F93];
	s0 =	simm.s32 @p1 $0x1  }
0x15: {  	[smem:$0x3FB0] =	sst s0;
	s0 =	simm.s32 @!p2 $0x0  }
0x16: {  	s3 =	sld [smem:$0x3FDB];
	s0 =	simm.s32 @p2 $0x1  }
0x17: {  	s4 =	simm.s32 $0x1BF5;
	[smem:$0x3FB2] =	sst s0  }
0x18: {  	s0 =	sld [smem:$0x3F95];
	_ =	swait.ge [sflag:s4], $0x0  }
0x19: {  	s7 =	sld [smem:$0x3F96]  }
0x1a: {  	s8 =	sadd.s32 $0xFFFFE003, lr  }
0x1b: {  	s9 =	sadd.s32 $0xFFFFFEF7, lr;
	s5 =	simm.s32 $0xFFFFFFFF;
	p2 =	slt.u32 s8, $0xFFFFF086  }
0x1c: {  	p1 =	slt.u32 s9, $0xF7A;
	s5 =	simm.s32 @!p2 $0x0  }
0x1d: {  	s5 =	simm.s32 @p1 $0x1;
	p0 =	seq.s32 s7, s2  }
0x1e: {  	s7 =	smul.u32 @!p0 $0xF7A, s2;
	p2 =	seq.s32 @!p0 s5, $0x0  }
0x1f: {  	s9 =	smul.u32 $0xF7A, s1;
	s8 =	simm.s32 @!p0 $0x1BF5;
	p2 =	por !p2, p0  }
0x20: {  	[sflag:s8] =	ssyncset.s32 @!p0 $0xFFFFF086;
	s6 =	sadd.s32 @!p0 s3, s7;
	s7 =	simm.s32 @!p0 $0x108  }
0x21: {  	s3 =	sadd.s32 s3, s9;
	s6 =	sadd.s32 @!p0 $0x88, s6;
	s7 =	simm.s32 @p2 $0x1082  }
0x22: {  	[simem:s7], [sflag:s8] =	dma.local @!p0 [hbm:s6], $0xF7A  }
0x23: {  	s9 =	sor.u32 $0xD0000000, s2;
	s6 =	simm.s32 $0x108;
	_ =	swait.ge @!p0 [sflag:s8], $0x0  }
0x24: {  	s3 =	sadd.s32 $0x88, s3;
	s6 =	simm.s32 @!p1 $0x1082;
	[sflag:s4] =	ssyncset.s32 $0xFFFFF086  }
0x25: {  	[simem:s6], [sflag:s4] =	dma.local [hbm:s3], $0xF7A  }
0x26: {  	[smem:$0x3F96] =	sst s1;
	(tag) =	ssettag s2;
	_ =	strace s9  }
0x27: {  	s1 =	sld [smem:$0x3FA6]  }
0x28: {  	s2 =	sld [smem:$0x3FA7]  }
0x29: {  	s4 =	sld [smem:$0x3FA9]  }
0x2a: {  	p0 =	seq.s32 s5, $0x0;
	s5 =	sld [smem:$0x3FAA]  }
0x2b: {  	s6 =	sld [smem:$0x3FAB]  }
0x2c: {  	s7 =	sld [smem:$0x3FAC]  }
0x2d: {  	s3 =	simm.s32 $0x108;
	s8 =	sld [smem:$0x3FAD]  }
0x2e: {  	s3 =	simm.s32 @!p0 $0x1082;
	s9 =	sld [smem:$0x3FAE]  }
0x2f: {  	lr =	sadd.s32 s0, s3;
	s0 =	sld [smem:$0x3FA5]  }
0x30: {  	s3 =	sld [smem:$0x3FA8]  }
0x31: {  	[smem:$0x3FB1] =	sst s10  }
0x32: {  	s10 =	sld [smem:$0x3FAF];
	_ =	sdelay $0x3  }
0x33: {  	p0 =	seq.s32 s10, $0x1;
	s10 =	sld [smem:$0x3FB1];
	_ =	sdelay $0x3  }
0x34: {  	[smem:$0x3FB1] =	sst s10  }
0x35: {  	s10 =	sld [smem:$0x3FB0];
	_ =	sdelay $0x3  }
0x36: {  	p1 =	seq.s32 s10, $0x1;
	s10 =	sld [smem:$0x3FB1];
	_ =	sdelay $0x3  }
0x37: {  	[smem:$0x3FB1] =	sst s10  }
0x38: {  	s10 =	sld [smem:$0x3FB2]  }
0x39: {  	_ = 	snop;
	(pc) =	sbr.ind lr, $3  }
0x3a: {  	_ = 	snop  }
0x3b: {  	_ = 	snop  }
0x3c: {  	p2 =	seq.s32 s10, $0x1;
	s10 =	sld [smem:$0x3FB1]  }
0x3d: {  	_ =	shalt  }
0x3e: {  	_ =	shalt  }
0x3f: {  	_ =	shalt  }
0x40: {  	_ =	shalt  }
0x41: {  	_ =	shalt  }
0x42: {  	_ =	shalt  }
0x43: {  	_ =	shalt  }
0x44: {  	_ =	shalt  }
0x45: {  	_ =	shalt  }
0x46: {  	_ =	shalt  }
0x47: {  	_ =	shalt  }
0x48: {  	_ =	shalt  }
0x49: {  	_ =	shalt  }
0x4a: {  	_ =	shalt  }
0x4b: {  	_ =	shalt  }
0x4c: {  	_ =	shalt  }
0x4d: {  	_ =	shalt  }
0x4e: {  	_ =	shalt  }
0x4f: {  	_ =	shalt  }
0x50: {  	_ =	shalt  }
0x51: {  	_ =	shalt  }
0x52: {  	_ =	shalt  }
0x53: {  	_ =	shalt  }
0x54: {  	_ =	shalt  }
0x55: {  	_ =	shalt  }
0x56: {  	_ =	shalt  }
0x57: {  	_ =	shalt  }
0x58: {  	_ =	shalt  }
0x59: {  	_ =	shalt  }
0x5a: {  	_ =	shalt  }
0x5b: {  	_ =	shalt  }
0x5c: {  	_ =	shalt  }
0x5d: {  	_ =	shalt  }
0x5e: {  	_ =	shalt  }
0x5f: {  	_ =	shalt  }
0x60: {  	_ =	shalt  }
0x61: {  	_ =	shalt  }
0x62: {  	_ =	shalt  }
0x63: {  	_ =	shalt  }
0x64: {  	_ =	shalt  }
0x65: {  	_ =	shalt  }
0x66: {  	_ =	shalt  }
0x67: {  	_ =	shalt  }
0x68: {  	_ =	shalt  }
0x69: {  	_ =	shalt  }
0x6a: {  	_ =	shalt  }
0x6b: {  	_ =	shalt  }
0x6c: {  	_ =	shalt  }
0x6d: {  	_ =	shalt  }
0x6e: {  	_ =	shalt  }
0x6f: {  	_ =	shalt  }
0x70: {  	_ =	shalt  }
0x71: {  	_ =	shalt  }
0x72: {  	_ =	shalt  }
0x73: {  	_ =	shalt  }
0x74: {  	_ =	shalt  }
0x75: {  	_ =	shalt  }
0x76: {  	_ =	shalt  }
0x77: {  	_ =	shalt  }
0x78: {  	_ =	shalt  }
0x79: {  	_ =	shalt  }
0x7a: {  	_ =	shalt  }
0x7b: {  	_ =	shalt  }
0x7c: {  	_ =	shalt  }
0x7d: {  	_ =	shalt  }
0x7e: {  	_ =	shalt  }
0x7f: {  	_ =	shalt  }
0x80: {  	_ =	shalt  }
0x81: {  	_ =	shalt  }
0x82: {  	_ =	shalt  }
0x83: {  	_ =	shalt  }
0x84: {  	_ =	shalt  }
0x85: {  	_ =	shalt  }
0x86: {  	_ =	shalt  }
0x87: {  	_ =	shalt  }
.Lfunc_end0:
.L_simem_size_0:
called_computation.2_lowered:
.L_overlay_start_0:
0x88: {  	s2 =	sld [smem:$0x3FD9]  }
0x89: {  	s3 =	sld [smem:$0x3FFE];
	_ =	sdelay $0x1  }
0x8a: {  	s1 =	srdreg.scid  }
0x8b: {  	s0 =	sand.u32 $0x1, s1  }
0x8c: {  	s16 =	sshll.u32 s0, $0xA;
	s2 =	sadd.s32 s3, s2  }
0x8d: {  	s2 =	sadd.s32 s2, s16  }
0x8e: {  	[smem:$0x3FBD] =	sst s2  }
0x8f: {  	_ = 	snop  }
0x90: {  	(tm) =	ssettm $0x1  }
0x91: {  	s17 =	sld [smem:$0x3FFB];
	_ =	sdelay $0x3  }
0x92: {  	_ =	strace s17  }
0x93: {  	s2 =	sld [smem:$0x3FFC];
	_ =	sdelay $0x3  }
0x94: {  	_ =	strace s2  }
0x95: {  	s2 =	sld [smem:$0x3FFD];
	_ =	sdelay $0x3  }
0x96: {  	_ =	strace s2  }
0x97: {  	_ =	strace $0x8FFFFFFF  }
0x98: {  	s18 =	sld [smem:$0x3FDB];
	_ =	sdelay $0x1  }
0x99: {  	s19 =	simm.s32 $_scs_section_size  }
0x9a: {  	s4 =	simm.s32 $_size__tile_overlayer_lowered;
	s5 =	simm.s32 $_tile_overlayer_lowered  }
0x9b: {  	s22 =	simm.s32 $0x1BFF;
	s21 =	sshll.u32 s5, $0x1;
	s2 =	sadd.s32 s19, s18  }
0x9c: {  	s6 =	simm.s32 $0x0;
	s20 =	sshll.u32 s4, $0x1;
	s4 =	sadd.s32 s21, s2  }
0x9d: {  	[timem:s6], [sflag:s22] =	dma.local [hbm:s4], s20  }
0x9e: {  	_ =	swait.ge [sflag:s22], s20  }
0x9f: {  	s3 =	ssub.s32 $0x0, s20;
	[sflag:s22] =	ssyncset.done $0x0  }
0xa0: {  	[sflag:s22] =	ssyncadd.s32 s3;
	_ =	sdelay $0x1  }
0xa1: {  	s23 =	simm.s32 $0x1B8B  }
0xa2: {  	_ =	swait.ge [sflag:s23], $0x1  }
0xa3: {  	[sflag:s23] =	ssyncset.done $0x0  }
0xa4: {  	s25 =	simm.s32 $0x1B8E;
	s24 =	sld [smem:$0x3FFE];
	[sflag:s23] =	ssyncadd.s32 $0xFFFFFFFF  }
0xa5: {  	s26 =	simm.s32 $execute0_lowered;
	[smem:$0x3FD2] =	sst s25  }
0xa6: {  	s4 =	sshll.u32 s26, $0x1;
	_ =	strace $0x8000004C;
	[dreg:$0x1] =	wrdreg $0xFFFFFFFF  }
0xa7: {  	s28 =	simm.s32 $_size_execute0_lowered;
	s2 =	sadd.s32 s2, s4;
	[dreg:$0x0] =	wrdreg $0x0  }
0xa8: {  	s4 =	sshll.u32 s28, $0x1;
	[dreg:$0x2] =	wrdreg s2  }
0xa9: {  	[dreg:$0x3] =	wrdreg s4  }
0xaa: {  	[dreg:$0x4] =	wrdreg $0xC0  }
0xab: {  	_ =	task [dreg:s6], $0x5FFFF  }
0xac: {  	[dreg:$0x1] =	wrdreg $0xFFFFFFFF  }
0xad: {  	[dreg:$0x0] =	wrdreg $0x60  }
0xae: {  	[dreg:$0x2] =	wrdreg s24  }
0xaf: {  	[dreg:$0x3] =	wrdreg $0xC0000  }
0xb0: {  	[dreg:$0x4] =	wrdreg $0x9  }
0xb1: {  	_ =	task.clear_ibuf [dreg:s6], $0x5FFFF;
	_ =	strace $0x9000004C  }
0xb2: {  	s29 =	simm.s32 $0x9;
	_ =	strace $0x8000004E  }
0xb3: {  	_ =	swait.ge [sflag:s29], $0x1  }
0xb4: {  	[sflag:s29] =	ssyncadd.s32 $0xFFFFFFFF  }
0xb5: {  	_ =	strace $0x9000004E  }
0xb6: {  	_ =	sfence  }
0xb7: {  	s30 =	sld [smem:$0x0];
	_ =	sdelay $0x2  }
0xb8: {  	s31 =	sshll.u32 s1, $0xD;
	s1 =	sshrl.u32 s1, $0x2  }
0xb9: {  	s3 =	sand.u32 $0x4000, s31;
	s1 =	sadd.s32 s1, s30  }
0xba: {  	s0 =	sor.u32 s3, s0;
	s1 =	sshll.u32 s1, $0x11  }
0xbb: {  	s0 =	sor.u32 s1, s0  }
0xbc: {  	s0 =	sadd.s32 $0x8F2B, s0  }
0xbd: {  	[sflag:s0] =	ssyncadd.remote.s32 $0x1  }
0xbe: {  	_ =	sfence.sel $0xFFFF  }
0xbf: {  	[dreg:$0x0] =	wrdreg $0xFFFFFFFF;
	(pc) =	sbr.abs _section_cstart, $3  }
0xc0: {  	[dreg:$0x1] =	wrdreg $0xFFFFFFFF  }
0xc1: {  	_ =	task.clear_ibuf [dreg:s6], $0x2FFFF;
	_ =	strace $0x9FFFFFFF  }
0xc2: {  	(tm) =	ssettm $0x7FFFFFFF  }
0xc3: {  	_ =	shalt  }
tec
execute0_lowered:
.L_overlay_start_1:
0x0: {  	(tag) =	ssettag $0x1  }
0x1: {  	s0 =	rddreg [dreg:$0x0]  }
0x2: {  	s2 =	rddreg [dreg:$0x1];
	s3 =	simm.s32 $0x0;
	s12 =	stileid.u32  }
0x3: {  	s1 =	srdreg.scid;
	s28 =	simm.s32 $0x180;
	s29 =	simm.s32 $0x200  }
0x4: {  	s30 =	simm.s32 $0x2180;
	s31 =	simm.s32 $0x2200;
	s13 =	simm.s32 $0x300  }
0x5: {  	s14 =	simm.s32 $0x380;
	[smem:$0x7FF] =	sst s3;
	s5 =	smul.u32 $0x13C00, s12  }
0x6: {  	s1 =	sand.u32 $0x1, s1;
	s4 =	sadd.s32 $0x16A00, s0;
	s7 =	sadd.s32 $0xCA00, s0  }
0x7: {  	s8 =	sadd.s32 $0x2A00, s0;
	s10 =	smul.u32 $0x4F000, s12;
	s17 =	sshll.u32 s12, $0x6  }
0x8: {  	s18 =	sshll.u32 s12, $0xB;
	s12 =	sshll.u32 s12, $0x9;
	s3 =	simm.s32 $0x2000  }
0x9: {  	_ =	strace $0x8000004D;
	s6 =	smul.u32 $0x13C000, s1;
	s15 =	ssub.s32 $0x2, s1  }
0xa: {  	p0 =	seq.s32 s1, $0x1;
	s19 =	sadd.s32 s7, s18;
	s20 =	sor.u32 $0x400, s18  }
0xb: {  	s1 =	sadd.s32 s8, s18;
	s22 =	sor.u32 $0x8000, s12;
	s24 =	sor.u32 $0x8100, s12  }
0xc: {  	s18 =	simm.s32 $0x2;
	s12 =	simm.s32 $0x280;
	s9 =	sshrl.u32 s5, $0x3  }
0xd: {  	s11 =	sshrl.u32 s15, $0x1;
	s16 =	sshrl.u32 s10, $0x2;
	[dreg:$0x3] =	wrdreg s19  }
0xe: {  	[dreg:$0x4] =	wrdreg s1;
	s21 =	sadd.s32 s7, s20;
	s23 =	sadd.s32 s7, s22  }
0xf: {  	s1 =	sadd.s32 s8, s22;
	s25 =	sadd.s32 s7, s24;
	s26 =	sadd.s32 s8, s24  }
0x10: {  	s22 =	simm.s32 $0x8000;
	s7 =	simm.s32 $0x0;
	[dreg:$0x5] =	wrdreg s21  }
0x11: {  	s19 =	simm.s32 $0x0;
	s5 =	sadd.s32 s5, s6;
	[dreg:$0x7] =	wrdreg s23  }
0x12: {  	s9 =	sadd.s32 s9, s0;
	s11 =	ssub.s32 s15, s11;
	[dreg:$0x8] =	wrdreg s1  }
0x13: {  	s10 =	sadd.s32 s16, s2;
	s6 =	sor.u32 $0x1C02, s17;
	[dreg:$0x9] =	wrdreg s25  }
.Ltmp0:
0x14: {  	[dreg:$0xa] =	wrdreg s26;
	s21 =	simm.s32 $0x4000;
	(pc) =	sbr.rel .LBB2_1-.Ltmp0, $4  }
0x15: {  	s23 =	simm.s32 $0x1;
	s16 =	simm.s32 $0x2280;
	s15 =	simm.s32 $0x400  }
0x16: {  	s5 =	sshrl.u32 s5, $0x3;
	s1 =	smax.u32 s11, $0x1;
	s10 =	sshrl.u32 s10, $0x3  }
0x17: {  	s0 =	sadd.s32 s5, s0;
	s5 =	sadd.s32 $0x14F200, s9;
	s9 =	sadd.s32 s8, s20  }
0x18: {  	s20 =	simm.s32 $0x80;
	[dreg:$0x6] =	wrdreg s9;
	s0 =	sadd.s32 $0x176A00, s0  }
.LBB2_8:
0x19: {  	s8 =	rddreg [dreg:$0x7]  }
0x1a: {  	[tilespmem:s19], [sflag:$0x2] =	stream.linear.gather [hbm4b:s8+s19], $0x800, $0x38;
	[tilespmem:$0x1FC00] =	vst v63  }
0x1b: {  	_ =	swait.ge [sflag:s18], $0x800  }
0x1c: {  	[sflag:s18] =	ssyncset.done $0x0  }
0x1d: {  	s11 =	rddreg [dreg:$0x8];
	[sflag:s18] =	ssyncadd.s32 $0xFFFFF800  }
0x1e: {  	[tilespmem:s3], [sflag:$0x2] =	stream.linear.gather [hbm4b:s11+s19], $0x800, $0x38;
	[tilespmem:$0x1FC00] =	vst v63  }
0x1f: {  	_ =	swait.ge [sflag:s18], $0x800  }
0x20: {  	[sflag:s18] =	ssyncset.done $0x0  }
0x21: {  	[sflag:s18] =	ssyncadd.s32 $0xFFFFF800  }
0x22: {  	[tilespmem:s21], [sflag:$0x1] =	stream.indirect.gather [hbm4b:s4+s20], $0x80, s19, s20, $0xb8;
	[tilespmem:$0x1FC00] =	vst v63  }
0x23: {  	_ = 	snop  }
0x24: {  	[tilespmem:s22], [sflag:$0x1] =	stream.indirect.gather [hbm4b:s4+s20], $0x80, s20, s20, $0xb8;
	[tilespmem:$0x1FC00] =	vst v63  }
0x25: {  	_ =	swait.ge [sflag:s23], $0x4000  }
0x26: {  	[sflag:s23] =	ssyncset.done $0x0  }
0x27: {  	[sflag:s23] =	ssyncadd.s32 $0xFFFFC000  }
0x28: {  	[spmem:s2] =	stream.indirect.scatter.add.f32 [tilespmem:s21], [sflag:$0x2], $0x80, s3, s20, $0xb8;
	[tilespmem:$0x1FC00] =	vst v63  }
0x29: {  	_ =	swait.ge [sflag:s18], $0x4000  }
0x2a: {  	[sflag:s18] =	ssyncset.done $0x0  }
0x2b: {  	s26 =	simm.s32 $0x100;
	[sflag:s18] =	ssyncadd.s32 $0xFFFFC000  }
0x2c: {  	[tilespmem:s21], [sflag:$0x1] =	stream.indirect.gather [hbm4b:s4+s20], $0x80, s26, s20, $0xb8;
	[tilespmem:$0x1FC00] =	vst v63  }
0x2d: {  	_ =	swait.ge [sflag:s23], $0x4000  }
0x2e: {  	[sflag:s23] =	ssyncset.done $0x0  }
0x2f: {  	s17 =	simm.s32 $0x2080;
	[sflag:s23] =	ssyncadd.s32 $0xFFFFC000  }
0x30: {  	[spmem:s2] =	stream.indirect.scatter.add.f32 [tilespmem:s22], [sflag:$0x2], $0x80, s17, s20, $0xb8;
	[tilespmem:$0x1FC00] =	vst v63  }
0x31: {  	_ =	swait.ge [sflag:s18], $0x4000  }
0x32: {  	[sflag:s18] =	ssyncset.done $0x0  }
0x33: {  	[sflag:s18] =	ssyncadd.s32 $0xFFFFC000  }
0x34: {  	[tilespmem:s22], [sflag:$0x1] =	stream.indirect.gather [hbm4b:s4+s20], $0x80, s28, s20, $0xb8;
	[tilespmem:$0x1FC00] =	vst v63  }
0x35: {  	_ =	swait.ge [sflag:s23], $0x4000  }
0x36: {  	[sflag:s23] =	ssyncset.done $0x0  }
0x37: {  	s11 =	simm.s32 $0x2100;
	[sflag:s23] =	ssyncadd.s32 $0xFFFFC000  }
0x38: {  	[spmem:s2] =	stream.indirect.scatter.add.f32 [tilespmem:s21], [sflag:$0x2], $0x80, s11, s20, $0xb8;
	[tilespmem:$0x1FC00] =	vst v63  }
0x39: {  	_ =	swait.ge [sflag:s18], $0x4000  }
0x3a: {  	[sflag:s18] =	ssyncset.done $0x0  }
0x3b: {  	[sflag:s18] =	ssyncadd.s32 $0xFFFFC000  }
0x3c: {  	[tilespmem:s21], [sflag:$0x1] =	stream.indirect.gather [hbm4b:s4+s20], $0x80, s29, s20, $0xb8;
	[tilespmem:$0x1FC00] =	vst v63  }
0x3d: {  	_ =	swait.ge [sflag:s23], $0x4000  }
0x3e: {  	[sflag:s23] =	ssyncset.done $0x0  }
0x3f: {  	[sflag:s23] =	ssyncadd.s32 $0xFFFFC000  }
0x40: {  	[spmem:s2] =	stream.indirect.scatter.add.f32 [tilespmem:s22], [sflag:$0x2], $0x80, s30, s20, $0xb8;
	[tilespmem:$0x1FC00] =	vst v63  }
0x41: {  	_ =	swait.ge [sflag:s18], $0x4000  }
0x42: {  	[sflag:s18] =	ssyncset.done $0x0  }
0x43: {  	[sflag:s18] =	ssyncadd.s32 $0xFFFFC000  }
0x44: {  	[tilespmem:s22], [sflag:$0x1] =	stream.indirect.gather [hbm4b:s4+s20], $0x80, s12, s20, $0xb8;
	[tilespmem:$0x1FC00] =	vst v63  }
0x45: {  	_ =	swait.ge [sflag:s23], $0x4000  }
0x46: {  	[sflag:s23] =	ssyncset.done $0x0  }
0x47: {  	[sflag:s23] =	ssyncadd.s32 $0xFFFFC000  }
0x48: {  	[spmem:s2] =	stream.indirect.scatter.add.f32 [tilespmem:s21], [sflag:$0x2], $0x80, s31, s20, $0xb8;
	[tilespmem:$0x1FC00] =	vst v63  }
0x49: {  	_ =	swait.ge [sflag:s18], $0x4000  }
0x4a: {  	[sflag:s18] =	ssyncset.done $0x0  }
0x4b: {  	[sflag:s18] =	ssyncadd.s32 $0xFFFFC000  }
0x4c: {  	[tilespmem:s21], [sflag:$0x1] =	stream.indirect.gather [hbm4b:s4+s20], $0x80, s13, s20, $0xb8;
	[tilespmem:$0x1FC00] =	vst v63  }
0x4d: {  	_ =	swait.ge [sflag:s23], $0x4000  }
0x4e: {  	[sflag:s23] =	ssyncset.done $0x0  }
0x4f: {  	[sflag:s23] =	ssyncadd.s32 $0xFFFFC000  }
0x50: {  	[spmem:s2] =	stream.indirect.scatter.add.f32 [tilespmem:s22], [sflag:$0x2], $0x80, s16, s20, $0xb8;
	[tilespmem:$0x1FC00] =	vst v63  }
0x51: {  	_ =	swait.ge [sflag:s18], $0x4000  }
0x52: {  	[sflag:s18] =	ssyncset.done $0x0  }
0x53: {  	[sflag:s18] =	ssyncadd.s32 $0xFFFFC000  }
0x54: {  	[tilespmem:s22], [sflag:$0x1] =	stream.indirect.gather [hbm4b:s4+s20], $0x80, s14, s20, $0xb8;
	[tilespmem:$0x1FC00] =	vst v63  }
0x55: {  	_ =	swait.ge [sflag:s23], $0x4000  }
0x56: {  	[sflag:s23] =	ssyncset.done $0x0  }
0x57: {  	s3 =	simm.s32 $0x2300;
	[sflag:s23] =	ssyncadd.s32 $0xFFFFC000  }
0x58: {  	[spmem:s2] =	stream.indirect.scatter.add.f32 [tilespmem:s21], [sflag:$0x2], $0x80, s3, s20, $0xb8;
	[tilespmem:$0x1FC00] =	vst v63  }
0x59: {  	_ =	swait.ge [sflag:s18], $0x4000  }
0x5a: {  	[sflag:s18] =	ssyncset.done $0x0  }
0x5b: {  	[sflag:s18] =	ssyncadd.s32 $0xFFFFC000  }
0x5c: {  	[tilespmem:s21], [sflag:$0x1] =	stream.indirect.gather [hbm4b:s4+s20], $0x80, s15, s20, $0xb8;
	[tilespmem:$0x1FC00] =	vst v63  }
0x5d: {  	_ =	swait.ge [sflag:s23], $0x4000  }
0x5e: {  	[sflag:s23] =	ssyncset.done $0x0  }
0x5f: {  	s24 =	simm.s32 $0x2380;
	[sflag:s23] =	ssyncadd.s32 $0xFFFFC000  }
0x60: {  	[spmem:s2] =	stream.indirect.scatter.add.f32 [tilespmem:s22], [sflag:$0x2], $0x80, s24, s20, $0xb8;
	[tilespmem:$0x1FC00] =	vst v63  }
0x61: {  	_ =	swait.ge [sflag:s18], $0x4000  }
0x62: {  	[sflag:s18] =	ssyncset.done $0x0  }
0x63: {  	s25 =	simm.s32 $0x480;
	[sflag:s18] =	ssyncadd.s32 $0xFFFFC000  }
0x64: {  	[tilespmem:s22], [sflag:$0x1] =	stream.indirect.gather [hbm4b:s4+s20], $0x80, s25, s20, $0xb8;
	[tilespmem:$0x1FC00] =	vst v63  }
0x65: {  	_ =	swait.ge [sflag:s23], $0x4000  }
0x66: {  	[sflag:s23] =	ssyncset.done $0x0  }
0x67: {  	s9 =	simm.s32 $0x2400;
	[sflag:s23] =	ssyncadd.s32 $0xFFFFC000  }
0x68: {  	[spmem:s2] =	stream.indirect.scatter.add.f32 [tilespmem:s21], [sflag:$0x2], $0x80, s9, s20, $0xb8;
	[tilespmem:$0x1FC00] =	vst v63  }
0x69: {  	_ =	swait.ge [sflag:s18], $0x4000  }
0x6a: {  	[sflag:s18] =	ssyncset.done $0x0  }
0x6b: {  	s24 =	simm.s32 $0x500;
	[sflag:s18] =	ssyncadd.s32 $0xFFFFC000  }
0x6c: {  	[tilespmem:s21], [sflag:$0x1] =	stream.indirect.gather [hbm4b:s4+s20], $0x80, s24, s20, $0xb8;
	[tilespmem:$0x1FC00] =	vst v63  }
0x6d: {  	_ =	swait.ge [sflag:s23], $0x4000  }
0x6e: {  	[sflag:s23] =	ssyncset.done $0x0  }
0x6f: {  	s25 =	simm.s32 $0x2480;
	[sflag:s23] =	ssyncadd.s32 $0xFFFFC000  }
0x70: {  	[spmem:s2] =	stream.indirect.scatter.add.f32 [tilespmem:s22], [sflag:$0x2], $0x80, s25, s20, $0xb8;
	[tilespmem:$0x1FC00] =	vst v63  }
0x71: {  	_ =	swait.ge [sflag:s18], $0x4000  }
0x72: {  	[sflag:s18] =	ssyncset.done $0x0  }
0x73: {  	s9 =	simm.s32 $0x580;
	[sflag:s18] =	ssyncadd.s32 $0xFFFFC000  }
0x74: {  	[tilespmem:s22], [sflag:$0x1] =	stream.indirect.gather [hbm4b:s4+s20], $0x80, s9, s20, $0xb8;
	[tilespmem:$0x1FC00] =	vst v63  }
0x75: {  	_ =	swait.ge [sflag:s23], $0x4000  }
0x76: {  	[sflag:s23] =	ssyncset.done $0x0  }
0x77: {  	s24 =	simm.s32 $0x2500;
	[sflag:s23] =	ssyncadd.s32 $0xFFFFC000  }
0x78: {  	[spmem:s2] =	stream.indirect.scatter.add.f32 [tilespmem:s21], [sflag:$0x2], $0x80, s24, s20, $0xb8;
	[tilespmem:$0x1FC00] =	vst v63  }
0x79: {  	_ =	swait.ge [sflag:s18], $0x4000  }
0x7a: {  	[sflag:s18] =	ssyncset.done $0x0  }
0x7b: {  	s25 =	simm.s32 $0x600;
	[sflag:s18] =	ssyncadd.s32 $0xFFFFC000  }
0x7c: {  	[tilespmem:s21], [sflag:$0x1] =	stream.indirect.gather [hbm4b:s4+s20], $0x80, s25, s20, $0xb8;
	[tilespmem:$0x1FC00] =	vst v63  }
0x7d: {  	_ =	swait.ge [sflag:s23], $0x4000  }
0x7e: {  	[sflag:s23] =	ssyncset.done $0x0  }
0x7f: {  	s9 =	simm.s32 $0x2580;
	[sflag:s23] =	ssyncadd.s32 $0xFFFFC000  }
0x80: {  	[spmem:s2] =	stream.indirect.scatter.add.f32 [tilespmem:s22], [sflag:$0x2], $0x80, s9, s20, $0xb8;
	[tilespmem:$0x1FC00] =	vst v63  }
0x81: {  	_ =	swait.ge [sflag:s18], $0x4000  }
0x82: {  	[sflag:s18] =	ssyncset.done $0x0  }
0x83: {  	s24 =	simm.s32 $0x680;
	[sflag:s18] =	ssyncadd.s32 $0xFFFFC000  }
0x84: {  	[tilespmem:s22], [sflag:$0x1] =	stream.indirect.gather [hbm4b:s4+s20], $0x80, s24, s20, $0xb8;
	[tilespmem:$0x1FC00] =	vst v63  }
0x85: {  	_ =	swait.ge [sflag:s23], $0x4000  }
0x86: {  	[sflag:s23] =	ssyncset.done $0x0  }
0x87: {  	s25 =	simm.s32 $0x2600;
	[sflag:s23] =	ssyncadd.s32 $0xFFFFC000  }
0x88: {  	[spmem:s2] =	stream.indirect.scatter.add.f32 [tilespmem:s21], [sflag:$0x2], $0x80, s25, s20, $0xb8;
	[tilespmem:$0x1FC00] =	vst v63  }
0x89: {  	_ =	swait.ge [sflag:s18], $0x4000  }
0x8a: {  	[sflag:s18] =	ssyncset.done $0x0  }
0x8b: {  	s9 =	simm.s32 $0x700;
	[sflag:s18] =	ssyncadd.s32 $0xFFFFC000  }
0x8c: {  	[tilespmem:s21], [sflag:$0x1] =	stream.indirect.gather [hbm4b:s4+s20], $0x80, s9, s20, $0xb8;
	[tilespmem:$0x1FC00] =	vst v63  }
0x8d: {  	_ =	swait.ge [sflag:s23], $0x4000  }
0x8e: {  	[sflag:s23] =	ssyncset.done $0x0  }
0x8f: {  	s24 =	simm.s32 $0x2680;
	[sflag:s23] =	ssyncadd.s32 $0xFFFFC000  }
0x90: {  	[spmem:s2] =	stream.indirect.scatter.add.f32 [tilespmem:s22], [sflag:$0x2], $0x80, s24, s20, $0xb8;
	[tilespmem:$0x1FC00] =	vst v63  }
0x91: {  	_ =	swait.ge [sflag:s18], $0x4000  }
0x92: {  	[sflag:s18] =	ssyncset.done $0x0  }
0x93: {  	s8 =	simm.s32 $0x780;
	[sflag:s18] =	ssyncadd.s32 $0xFFFFC000  }
0x94: {  	[tilespmem:s22], [sflag:$0x1] =	stream.indirect.gather [hbm4b:s4+s20], $0x80, s8, s20, $0xb8;
	[tilespmem:$0x1FC00] =	vst v63  }
0x95: {  	_ =	swait.ge [sflag:s23], $0x4000  }
0x96: {  	[sflag:s23] =	ssyncset.done $0x0  }
0x97: {  	s24 =	simm.s32 $0x2700;
	[sflag:s23] =	ssyncadd.s32 $0xFFFFC000  }
0x98: {  	[spmem:s2] =	stream.indirect.scatter.add.f32 [tilespmem:s21], [sflag:$0x2], $0x80, s24, s20, $0xb8;
	[tilespmem:$0x1FC00] =	vst v63  }
0x99: {  	_ =	swait.ge [sflag:s18], $0x4000  }
0x9a: {  	[sflag:s18] =	ssyncset.done $0x0  }
0x9b: {  	[sflag:s18] =	ssyncadd.s32 $0xFFFFC000  }
0x9c: {  	_ =	swait.ge [sflag:s23], $0x4000  }
0x9d: {  	[sflag:s23] =	ssyncset.done $0x0  }
0x9e: {  	s9 =	simm.s32 $0x2780;
	[sflag:s23] =	ssyncadd.s32 $0xFFFFC000  }
0x9f: {  	[spmem:s2] =	stream.indirect.scatter.add.f32 [tilespmem:s22], [sflag:$0x2], $0x80, s9, s20, $0xb8;
	[tilespmem:$0x1FC00] =	vst v63  }
0xa0: {  	_ =	swait.ge [sflag:s18], $0x4000  }
0xa1: {  	[sflag:s18] =	ssyncset.done $0x0  }
0xa2: {  	s25 =	rddreg [dreg:$0x9];
	[sflag:s18] =	ssyncadd.s32 $0xFFFFC000  }
0xa3: {  	[tilespmem:s19], [sflag:$0x2] =	stream.linear.gather [hbm4b:s25+s19], $0x800, $0x38;
	[tilespmem:$0x1FC00] =	vst v63  }
0xa4: {  	_ =	swait.ge [sflag:s18], $0x800  }
0xa5: {  	[sflag:s18] =	ssyncset.done $0x0  }
0xa6: {  	s17 =	simm.s32 $0x2000;
	s25 =	rddreg [dreg:$0xa];
	[sflag:s18] =	ssyncadd.s32 $0xFFFFF800  }
0xa7: {  	[tilespmem:s17], [sflag:$0x2] =	stream.linear.gather [hbm4b:s25+s19], $0x800, $0x38;
	[tilespmem:$0x1FC00] =	vst v63  }
0xa8: {  	_ =	swait.ge [sflag:s18], $0x800  }
0xa9: {  	[sflag:s18] =	ssyncset.done $0x0  }
0xaa: {  	[sflag:s18] =	ssyncadd.s32 $0xFFFFF800  }
0xab: {  	[tilespmem:s21], [sflag:$0x1] =	stream.indirect.gather [hbm4b:s4+s20], $0x80, s19, s20, $0xb8;
	[tilespmem:$0x1FC00] =	vst v63  }
0xac: {  	_ = 	snop  }
0xad: {  	[tilespmem:s22], [sflag:$0x1] =	stream.indirect.gather [hbm4b:s4+s20], $0x80, s20, s20, $0xb8;
	[tilespmem:$0x1FC00] =	vst v63  }
0xae: {  	_ =	swait.ge [sflag:s23], $0x4000  }
0xaf: {  	[sflag:s23] =	ssyncset.done $0x0  }
0xb0: {  	[sflag:s23] =	ssyncadd.s32 $0xFFFFC000  }
0xb1: {  	[spmem:s2] =	stream.indirect.scatter.add.f32 [tilespmem:s21], [sflag:$0x2], $0x80, s17, s20, $0xb8;
	[tilespmem:$0x1FC00] =	vst v63  }
0xb2: {  	_ =	swait.ge [sflag:s18], $0x4000  }
0xb3: {  	[sflag:s18] =	ssyncset.done $0x0  }
0xb4: {  	[sflag:s18] =	ssyncadd.s32 $0xFFFFC000  }
0xb5: {  	[tilespmem:s21], [sflag:$0x1] =	stream.indirect.gather [hbm4b:s4+s20], $0x80, s26, s20, $0xb8;
	[tilespmem:$0x1FC00] =	vst v63  }
0xb6: {  	_ =	swait.ge [sflag:s23], $0x4000  }
0xb7: {  	[sflag:s23] =	ssyncset.done $0x0  }
0xb8: {  	s25 =	simm.s32 $0x2080;
	[sflag:s23] =	ssyncadd.s32 $0xFFFFC000  }
0xb9: {  	[spmem:s2] =	stream.indirect.scatter.add.f32 [tilespmem:s22], [sflag:$0x2], $0x80, s25, s20, $0xb8;
	[tilespmem:$0x1FC00] =	vst v63  }
0xba: {  	_ =	swait.ge [sflag:s18], $0x4000  }
0xbb: {  	[sflag:s18] =	ssyncset.done $0x0  }
0xbc: {  	[sflag:s18] =	ssyncadd.s32 $0xFFFFC000  }
0xbd: {  	[tilespmem:s22], [sflag:$0x1] =	stream.indirect.gather [hbm4b:s4+s20], $0x80, s28, s20, $0xb8;
	[tilespmem:$0x1FC00] =	vst v63  }
0xbe: {  	_ =	swait.ge [sflag:s23], $0x4000  }
0xbf: {  	[sflag:s23] =	ssyncset.done $0x0  }
0xc0: {  	[sflag:s23] =	ssyncadd.s32 $0xFFFFC000  }
0xc1: {  	[spmem:s2] =	stream.indirect.scatter.add.f32 [tilespmem:s21], [sflag:$0x2], $0x80, s11, s20, $0xb8;
	[tilespmem:$0x1FC00] =	vst v63  }
0xc2: {  	_ =	swait.ge [sflag:s18], $0x4000  }
0xc3: {  	[sflag:s18] =	ssyncset.done $0x0  }
0xc4: {  	[sflag:s18] =	ssyncadd.s32 $0xFFFFC000  }
0xc5: {  	[tilespmem:s21], [sflag:$0x1] =	stream.indirect.gather [hbm4b:s4+s20], $0x80, s29, s20, $0xb8;
	[tilespmem:$0x1FC00] =	vst v63  }
0xc6: {  	_ =	swait.ge [sflag:s23], $0x4000  }
0xc7: {  	[sflag:s23] =	ssyncset.done $0x0  }
0xc8: {  	[sflag:s23] =	ssyncadd.s32 $0xFFFFC000  }
0xc9: {  	[spmem:s2] =	stream.indirect.scatter.add.f32 [tilespmem:s22], [sflag:$0x2], $0x80, s30, s20, $0xb8;
	[tilespmem:$0x1FC00] =	vst v63  }
0xca: {  	_ =	swait.ge [sflag:s18], $0x4000  }
0xcb: {  	[sflag:s18] =	ssyncset.done $0x0  }
0xcc: {  	[sflag:s18] =	ssyncadd.s32 $0xFFFFC000  }
0xcd: {  	[tilespmem:s22], [sflag:$0x1] =	stream.indirect.gather [hbm4b:s4+s20], $0x80, s12, s20, $0xb8;
	[tilespmem:$0x1FC00] =	vst v63  }
0xce: {  	_ =	swait.ge [sflag:s23], $0x4000  }
0xcf: {  	[sflag:s23] =	ssyncset.done $0x0  }
0xd0: {  	[sflag:s23] =	ssyncadd.s32 $0xFFFFC000  }
0xd1: {  	[spmem:s2] =	stream.indirect.scatter.add.f32 [tilespmem:s21], [sflag:$0x2], $0x80, s31, s20, $0xb8;
	[tilespmem:$0x1FC00] =	vst v63  }
0xd2: {  	_ =	swait.ge [sflag:s18], $0x4000  }
0xd3: {  	[sflag:s18] =	ssyncset.done $0x0  }
0xd4: {  	[sflag:s18] =	ssyncadd.s32 $0xFFFFC000  }
0xd5: {  	[tilespmem:s21], [sflag:$0x1] =	stream.indirect.gather [hbm4b:s4+s20], $0x80, s13, s20, $0xb8;
	[tilespmem:$0x1FC00] =	vst v63  }
0xd6: {  	_ =	swait.ge [sflag:s23], $0x4000  }
0xd7: {  	[sflag:s23] =	ssyncset.done $0x0  }
0xd8: {  	[sflag:s23] =	ssyncadd.s32 $0xFFFFC000  }
0xd9: {  	[spmem:s2] =	stream.indirect.scatter.add.f32 [tilespmem:s22], [sflag:$0x2], $0x80, s16, s20, $0xb8;
	[tilespmem:$0x1FC00] =	vst v63  }
0xda: {  	_ =	swait.ge [sflag:s18], $0x4000  }
0xdb: {  	[sflag:s18] =	ssyncset.done $0x0  }
0xdc: {  	[sflag:s18] =	ssyncadd.s32 $0xFFFFC000  }
0xdd: {  	[tilespmem:s22], [sflag:$0x1] =	stream.indirect.gather [hbm4b:s4+s20], $0x80, s14, s20, $0xb8;
	[tilespmem:$0x1FC00] =	vst v63  }
0xde: {  	_ =	swait.ge [sflag:s23], $0x4000  }
0xdf: {  	[sflag:s23] =	ssyncset.done $0x0  }
0xe0: {  	[sflag:s23] =	ssyncadd.s32 $0xFFFFC000  }
0xe1: {  	[spmem:s2] =	stream.indirect.scatter.add.f32 [tilespmem:s21], [sflag:$0x2], $0x80, s3, s20, $0xb8;
	[tilespmem:$0x1FC00] =	vst v63  }
0xe2: {  	_ =	swait.ge [sflag:s18], $0x4000  }
0xe3: {  	[sflag:s18] =	ssyncset.done $0x0  }
0xe4: {  	[sflag:s18] =	ssyncadd.s32 $0xFFFFC000  }
0xe5: {  	[tilespmem:s21], [sflag:$0x1] =	stream.indirect.gather [hbm4b:s4+s20], $0x80, s15, s20, $0xb8;
	[tilespmem:$0x1FC00] =	vst v63  }
0xe6: {  	_ =	swait.ge [sflag:s23], $0x4000  }
0xe7: {  	[sflag:s23] =	ssyncset.done $0x0  }
0xe8: {  	s26 =	simm.s32 $0x2380;
	[sflag:s23] =	ssyncadd.s32 $0xFFFFC000  }
0xe9: {  	[spmem:s2] =	stream.indirect.scatter.add.f32 [tilespmem:s22], [sflag:$0x2], $0x80, s26, s20, $0xb8;
	[tilespmem:$0x1FC00] =	vst v63  }
0xea: {  	_ =	swait.ge [sflag:s18], $0x4000  }
0xeb: {  	[sflag:s18] =	ssyncset.done $0x0  }
0xec: {  	s17 =	simm.s32 $0x480;
	[sflag:s18] =	ssyncadd.s32 $0xFFFFC000  }
0xed: {  	[tilespmem:s22], [sflag:$0x1] =	stream.indirect.gather [hbm4b:s4+s20], $0x80, s17, s20, $0xb8;
	[tilespmem:$0x1FC00] =	vst v63  }
0xee: {  	_ =	swait.ge [sflag:s23], $0x4000  }
0xef: {  	[sflag:s23] =	ssyncset.done $0x0  }
0xf0: {  	s25 =	simm.s32 $0x2400;
	[sflag:s23] =	ssyncadd.s32 $0xFFFFC000  }
0xf1: {  	[spmem:s2] =	stream.indirect.scatter.add.f32 [tilespmem:s21], [sflag:$0x2], $0x80, s25, s20, $0xb8;
	[tilespmem:$0x1FC00] =	vst v63  }
0xf2: {  	_ =	swait.ge [sflag:s18], $0x4000  }
0xf3: {  	[sflag:s18] =	ssyncset.done $0x0  }
0xf4: {  	s26 =	simm.s32 $0x500;
	[sflag:s18] =	ssyncadd.s32 $0xFFFFC000  }
0xf5: {  	[tilespmem:s21], [sflag:$0x1] =	stream.indirect.gather [hbm4b:s4+s20], $0x80, s26, s20, $0xb8;
	[tilespmem:$0x1FC00] =	vst v63  }
0xf6: {  	_ =	swait.ge [sflag:s23], $0x4000  }
0xf7: {  	[sflag:s23] =	ssyncset.done $0x0  }
0xf8: {  	s17 =	simm.s32 $0x2480;
	[sflag:s23] =	ssyncadd.s32 $0xFFFFC000  }
0xf9: {  	[spmem:s2] =	stream.indirect.scatter.add.f32 [tilespmem:s22], [sflag:$0x2], $0x80, s17, s20, $0xb8;
	[tilespmem:$0x1FC00] =	vst v63  }
0xfa: {  	_ =	swait.ge [sflag:s18], $0x4000  }
0xfb: {  	[sflag:s18] =	ssyncset.done $0x0  }
0xfc: {  	s25 =	simm.s32 $0x580;
	[sflag:s18] =	ssyncadd.s32 $0xFFFFC000  }
0xfd: {  	[tilespmem:s22], [sflag:$0x1] =	stream.indirect.gather [hbm4b:s4+s20], $0x80, s25, s20, $0xb8;
	[tilespmem:$0x1FC00] =	vst v63  }
0xfe: {  	_ =	swait.ge [sflag:s23], $0x4000  }
0xff: {  	[sflag:s23] =	ssyncset.done $0x0  }
0x100: {  	s26 =	simm.s32 $0x2500;
	[sflag:s23] =	ssyncadd.s32 $0xFFFFC000  }
0x101: {  	[spmem:s2] =	stream.indirect.scatter.add.f32 [tilespmem:s21], [sflag:$0x2], $0x80, s26, s20, $0xb8;
	[tilespmem:$0x1FC00] =	vst v63  }
0x102: {  	_ =	swait.ge [sflag:s18], $0x4000  }
0x103: {  	[sflag:s18] =	ssyncset.done $0x0  }
0x104: {  	s17 =	simm.s32 $0x600;
	[sflag:s18] =	ssyncadd.s32 $0xFFFFC000  }
0x105: {  	[tilespmem:s21], [sflag:$0x1] =	stream.indirect.gather [hbm4b:s4+s20], $0x80, s17, s20, $0xb8;
	[tilespmem:$0x1FC00] =	vst v63  }
0x106: {  	_ =	swait.ge [sflag:s23], $0x4000  }
0x107: {  	[sflag:s23] =	ssyncset.done $0x0  }
0x108: {  	s25 =	simm.s32 $0x2580;
	[sflag:s23] =	ssyncadd.s32 $0xFFFFC000  }
0x109: {  	[spmem:s2] =	stream.indirect.scatter.add.f32 [tilespmem:s22], [sflag:$0x2], $0x80, s25, s20, $0xb8;
	[tilespmem:$0x1FC00] =	vst v63  }
0x10a: {  	_ =	swait.ge [sflag:s18], $0x4000  }
0x10b: {  	[sflag:s18] =	ssyncset.done $0x0  }
0x10c: {  	s26 =	simm.s32 $0x680;
	[sflag:s18] =	ssyncadd.s32 $0xFFFFC000  }
0x10d: {  	[tilespmem:s22], [sflag:$0x1] =	stream.indirect.gather [hbm4b:s4+s20], $0x80, s26, s20, $0xb8;
	[tilespmem:$0x1FC00] =	vst v63  }
0x10e: {  	_ =	swait.ge [sflag:s23], $0x4000  }
0x10f: {  	[sflag:s23] =	ssyncset.done $0x0  }
0x110: {  	s17 =	simm.s32 $0x2600;
	[sflag:s23] =	ssyncadd.s32 $0xFFFFC000  }
0x111: {  	[spmem:s2] =	stream.indirect.scatter.add.f32 [tilespmem:s21], [sflag:$0x2], $0x80, s17, s20, $0xb8;
	[tilespmem:$0x1FC00] =	vst v63  }
0x112: {  	_ =	swait.ge [sflag:s18], $0x4000  }
0x113: {  	[sflag:s18] =	ssyncset.done $0x0  }
0x114: {  	s25 =	simm.s32 $0x700;
	[sflag:s18] =	ssyncadd.s32 $0xFFFFC000  }
0x115: {  	[tilespmem:s21], [sflag:$0x1] =	stream.indirect.gather [hbm4b:s4+s20], $0x80, s25, s20, $0xb8;
	[tilespmem:$0x1FC00] =	vst v63  }
0x116: {  	_ =	swait.ge [sflag:s23], $0x4000  }
0x117: {  	[sflag:s23] =	ssyncset.done $0x0  }
0x118: {  	s26 =	simm.s32 $0x2680;
	[sflag:s23] =	ssyncadd.s32 $0xFFFFC000  }
0x119: {  	[spmem:s2] =	stream.indirect.scatter.add.f32 [tilespmem:s22], [sflag:$0x2], $0x80, s26, s20, $0xb8;
	[tilespmem:$0x1FC00] =	vst v63  }
0x11a: {  	_ =	swait.ge [sflag:s18], $0x4000  }
0x11b: {  	[sflag:s18] =	ssyncset.done $0x0  }
0x11c: {  	s3 =	simm.s32 $0x2000;
	[sflag:s18] =	ssyncadd.s32 $0xFFFFC000  }
.LBB2_9:
0x11d: {  	[tilespmem:s22], [sflag:$0x1] =	stream.indirect.gather [hbm4b:s4+s20], $0x80, s8, s20, $0xb8;
	[tilespmem:$0x1FC00] =	vst v63  }
0x11e: {  	_ =	swait.ge [sflag:s23], $0x4000  }
0x11f: {  	[sflag:s23] =	ssyncset.done $0x0  }
0x120: {  	[sflag:s23] =	ssyncadd.s32 $0xFFFFC000  }
0x121: {  	[spmem:s2] =	stream.indirect.scatter.add.f32 [tilespmem:s21], [sflag:$0x2], $0x80, s24, s20, $0xb8;
	[tilespmem:$0x1FC00] =	vst v63  }
0x122: {  	_ =	swait.ge [sflag:s18], $0x4000  }
0x123: {  	[sflag:s18] =	ssyncset.done $0x0  }
0x124: {  	[sflag:s18] =	ssyncadd.s32 $0xFFFFC000  }
0x125: {  	_ =	swait.ge [sflag:s23], $0x4000  }
0x126: {  	[sflag:s23] =	ssyncset.done $0x0  }
0x127: {  	[sflag:s23] =	ssyncadd.s32 $0xFFFFC000  }
0x128: {  	[spmem:s2] =	stream.indirect.scatter.add.f32 [tilespmem:s22], [sflag:$0x2], $0x80, s9, s20, $0xb8;
	[tilespmem:$0x1FC00] =	vst v63  }
0x129: {  	_ =	swait.ge [sflag:s18], $0x4000  }
0x12a: {  	s7 =	sadd.s32 $0x1, s7;
	[sflag:s18] =	ssyncset.done $0x0  }
0x12b: {  	p1 =	sne.s32 s7, s1;
	[sflag:s18] =	ssyncadd.s32 $0xFFFFC000  }
.Ltmp1:
0x12c: {  	[bflag:$0x0] =	sbarrier.arrive $0xFFFF;
	(pc) =	sbr.rel @!p1 .LBB2_10-.Ltmp1, $4  }
0x12d: {  	[hbm:s0], [sflag:s6] =	dma.local [spmem:s10], $0x2780  }
0x12e: {  	_ =	swait.ge [sflag:s18], $0x2780  }
0x12f: {  	[sflag:s18] =	ssyncset.done $0x0  }
0x130: {  	[sflag:s18] =	ssyncadd.s32 $0xFFFFD880  }
.LBB2_1:
0x131: {  	[spmem:s10], [sflag:s6] =	dma.local [hbm:s5], $0x2780  }
.Ltmp2:
0x132: {  	_ =	swait.ge [sflag:s18], $0x2780;
	(pc) =	sbr.rel @p0 .LBB2_8-.Ltmp2, $3  }
0x133: {  	[sflag:s18] =	ssyncset.done $0x0  }
0x134: {  	[sflag:s18] =	ssyncadd.s32 $0xFFFFD880  }
0x135: {  	[bflag:$0x0] =	sbarrier.arrive $0xFFFF;
	_ =	sdelay $0x1  }
0x136: {  	s8 =	simm.s32 $0x0;
	s9 =	rddreg [dreg:$0x3]  }
0x137: {  	[tilespmem:s8], [sflag:$0x2] =	stream.linear.gather [hbm4b:s9+s8], $0x2000, $0x38;
	[tilespmem:$0x1FC00] =	vst v63  }
0x138: {  	_ =	swait.ge [sflag:s18], $0x2000  }
0x139: {  	[sflag:s18] =	ssyncset.done $0x0  }
0x13a: {  	s11 =	rddreg [dreg:$0x4];
	[sflag:s18] =	ssyncadd.s32 $0xFFFFE000  }
0x13b: {  	[tilespmem:s3], [sflag:$0x2] =	stream.linear.gather [hbm4b:s11+s8], $0x2000, $0x38;
	[tilespmem:$0x1FC00] =	vst v63  }
0x13c: {  	_ =	swait.ge [sflag:s18], $0x2000  }
0x13d: {  	[sflag:s18] =	ssyncset.done $0x0  }
0x13e: {  	[sflag:s18] =	ssyncadd.s32 $0xFFFFE000  }
0x13f: {  	[tilespmem:s21], [sflag:$0x1] =	stream.indirect.gather [hbm4b:s4+s20], $0x80, s8, s20, $0xb8;
	[tilespmem:$0x1FC00] =	vst v63  }
0x140: {  	s17 =	simm.s32 $0x80  }
0x141: {  	[tilespmem:s22], [sflag:$0x1] =	stream.indirect.gather [hbm4b:s4+s20], $0x80, s17, s20, $0xb8;
	[tilespmem:$0x1FC00] =	vst v63  }
0x142: {  	_ =	swait.ge [sflag:s23], $0x4000  }
0x143: {  	[sflag:s23] =	ssyncset.done $0x0  }
0x144: {  	s24 =	simm.s32 $0x2000;
	[sflag:s23] =	ssyncadd.s32 $0xFFFFC000  }
0x145: {  	[spmem:s2] =	stream.indirect.scatter.add.f32 [tilespmem:s21], [sflag:$0x2], $0x80, s24, s20, $0xb8;
	[tilespmem:$0x1FC00] =	vst v63  }
0x146: {  	_ =	swait.ge [sflag:s18], $0x4000  }
0x147: {  	[sflag:s18] =	ssyncset.done $0x0  }
0x148: {  	s25 =	simm.s32 $0x100;
	[sflag:s18] =	ssyncadd.s32 $0xFFFFC000  }
0x149: {  	[tilespmem:s21], [sflag:$0x1] =	stream.indirect.gather [hbm4b:s4+s20], $0x80, s25, s20, $0xb8;
	[tilespmem:$0x1FC00] =	vst v63  }
0x14a: {  	_ =	swait.ge [sflag:s23], $0x4000  }
0x14b: {  	[sflag:s23] =	ssyncset.done $0x0  }
0x14c: {  	s26 =	simm.s32 $0x2080;
	[sflag:s23] =	ssyncadd.s32 $0xFFFFC000  }
0x14d: {  	[spmem:s2] =	stream.indirect.scatter.add.f32 [tilespmem:s22], [sflag:$0x2], $0x80, s26, s20, $0xb8;
	[tilespmem:$0x1FC00] =	vst v63  }
0x14e: {  	_ =	swait.ge [sflag:s18], $0x4000  }
0x14f: {  	s9 =	simm.s32 $0x800;
	s8 =	simm.s32 $0x100;
	[sflag:s18] =	ssyncset.done $0x0  }
.LBB2_3:
0x150: {  	s24 =	sadd.s32 $0x80, s8  }
0x151: {  	[sflag:s18] =	ssyncadd.s32 $0xFFFFC000;
	s25 =	smov.u32 s9;
	s26 =	sadd.s32 $0x400, s9  }
0x152: {  	[tilespmem:s22], [sflag:$0x1] =	stream.indirect.gather [hbm4b:s4+s20], $0x80, s24, s20, $0xb8;
	[tilespmem:$0x1FC00] =	vst v63  }
0x153: {  	p1 =	sne.s32 s9, $0x7800;
	_ =	swait.ge [sflag:s23], $0x4000  }
0x154: {  	[sflag:s23] =	ssyncset.done $0x0  }
0x155: {  	s9 =	sadd.s32 $0x2000, s8;
	[sflag:s23] =	ssyncadd.s32 $0xFFFFC000  }
0x156: {  	[spmem:s2] =	stream.indirect.scatter.add.f32 [tilespmem:s21], [sflag:$0x2], $0x80, s9, s20, $0xb8;
	[tilespmem:$0x1FC00] =	vst v63  }
0x157: {  	_ =	swait.ge [sflag:s18], $0x4000  }
0x158: {  	[sflag:s18] =	ssyncset.done $0x0  }
0x159: {  	s9 =	sadd.s32 $0x100, s8;
	[sflag:s18] =	ssyncadd.s32 $0xFFFFC000  }
0x15a: {  	[tilespmem:s21], [sflag:$0x1] =	stream.indirect.gather [hbm4b:s4+s20], $0x80, s9, s20, $0xb8;
	[tilespmem:$0x1FC00] =	vst v63  }
0x15b: {  	_ =	swait.ge [sflag:s23], $0x4000  }
.Ltmp3:
0x15c: {  	[sflag:s23] =	ssyncset.done $0x0;
	(pc) =	sbr.rel @p1 .LBB2_3-.Ltmp3, $4  }
0x15d: {  	s8 =	sadd.s32 $0x2080, s8;
	[sflag:s23] =	ssyncadd.s32 $0xFFFFC000  }
0x15e: {  	[spmem:s2] =	stream.indirect.scatter.add.f32 [tilespmem:s22], [sflag:$0x2], $0x80, s8, s20, $0xb8;
	[tilespmem:$0x1FC00] =	vst v63  }
0x15f: {  	_ =	swait.ge [sflag:s18], $0x4000  }
0x160: {  	s9 =	smov.u32 s26;
	s8 =	sshra.s32 s25, $0x2;
	[sflag:s18] =	ssyncset.done $0x0  }
0x161: {  	s9 =	sadd.s32 $0x80, s8;
	[sflag:s18] =	ssyncadd.s32 $0xFFFFC000  }
0x162: {  	[tilespmem:s22], [sflag:$0x1] =	stream.indirect.gather [hbm4b:s4+s20], $0x80, s9, s20, $0xb8;
	[tilespmem:$0x1FC00] =	vst v63  }
0x163: {  	_ =	swait.ge [sflag:s23], $0x4000  }
0x164: {  	[sflag:s23] =	ssyncset.done $0x0  }
0x165: {  	s24 =	sadd.s32 $0x2000, s8;
	[sflag:s23] =	ssyncadd.s32 $0xFFFFC000  }
0x166: {  	[spmem:s2] =	stream.indirect.scatter.add.f32 [tilespmem:s21], [sflag:$0x2], $0x80, s24, s20, $0xb8;
	[tilespmem:$0x1FC00] =	vst v63  }
0x167: {  	_ =	swait.ge [sflag:s18], $0x4000  }
0x168: {  	[sflag:s18] =	ssyncset.done $0x0  }
0x169: {  	s25 =	sadd.s32 $0x100, s8;
	[sflag:s18] =	ssyncadd.s32 $0xFFFFC000  }
0x16a: {  	[tilespmem:s21], [sflag:$0x1] =	stream.indirect.gather [hbm4b:s4+s20], $0x80, s25, s20, $0xb8;
	[tilespmem:$0x1FC00] =	vst v63  }
0x16b: {  	_ =	swait.ge [sflag:s23], $0x4000  }
0x16c: {  	[sflag:s23] =	ssyncset.done $0x0  }
0x16d: {  	s26 =	sadd.s32 $0x2080, s8;
	[sflag:s23] =	ssyncadd.s32 $0xFFFFC000  }
0x16e: {  	[spmem:s2] =	stream.indirect.scatter.add.f32 [tilespmem:s22], [sflag:$0x2], $0x80, s26, s20, $0xb8;
	[tilespmem:$0x1FC00] =	vst v63  }
0x16f: {  	_ =	swait.ge [sflag:s18], $0x4000  }
0x170: {  	[sflag:s18] =	ssyncset.done $0x0  }
0x171: {  	s9 =	simm.s32 $0x1F80;
	[sflag:s18] =	ssyncadd.s32 $0xFFFFC000  }
0x172: {  	[tilespmem:s22], [sflag:$0x1] =	stream.indirect.gather [hbm4b:s4+s20], $0x80, s9, s20, $0xb8;
	[tilespmem:$0x1FC00] =	vst v63  }
0x173: {  	_ =	swait.ge [sflag:s23], $0x4000  }
0x174: {  	[sflag:s23] =	ssyncset.done $0x0  }
0x175: {  	s11 =	simm.s32 $0x3F00;
	[sflag:s23] =	ssyncadd.s32 $0xFFFFC000  }
0x176: {  	[spmem:s2] =	stream.indirect.scatter.add.f32 [tilespmem:s21], [sflag:$0x2], $0x80, s11, s20, $0xb8;
	[tilespmem:$0x1FC00] =	vst v63  }
0x177: {  	_ =	swait.ge [sflag:s18], $0x4000  }
0x178: {  	[sflag:s18] =	ssyncset.done $0x0  }
0x179: {  	[sflag:s18] =	ssyncadd.s32 $0xFFFFC000  }
0x17a: {  	_ =	swait.ge [sflag:s23], $0x4000  }
0x17b: {  	[sflag:s23] =	ssyncset.done $0x0  }
0x17c: {  	s17 =	simm.s32 $0x3F80;
	[sflag:s23] =	ssyncadd.s32 $0xFFFFC000  }
0x17d: {  	[spmem:s2] =	stream.indirect.scatter.add.f32 [tilespmem:s22], [sflag:$0x2], $0x80, s17, s20, $0xb8;
	[tilespmem:$0x1FC00] =	vst v63  }
0x17e: {  	_ =	swait.ge [sflag:s18], $0x4000  }
0x17f: {  	[sflag:s18] =	ssyncset.done $0x0  }
0x180: {  	s24 =	simm.s32 $0x0;
	s25 =	rddreg [dreg:$0x5];
	[sflag:s18] =	ssyncadd.s32 $0xFFFFC000  }
0x181: {  	[tilespmem:s24], [sflag:$0x2] =	stream.linear.gather [hbm4b:s25+s24], $0x2000, $0x38;
	[tilespmem:$0x1FC00] =	vst v63  }
0x182: {  	_ =	swait.ge [sflag:s18], $0x2000  }
0x183: {  	[sflag:s18] =	ssyncset.done $0x0  }
0x184: {  	p2 =	por $0x0, $0x0;
	s26 =	rddreg [dreg:$0x6];
	[sflag:s18] =	ssyncadd.s32 $0xFFFFE000  }
0x185: {  	[tilespmem:s3], [sflag:$0x2] =	stream.linear.gather [hbm4b:s26+s24], $0x2000, $0x38;
	[tilespmem:$0x1FC00] =	vst v63  }
.Ltmp4:
0x186: {  	_ = 	snop;
	(pc) =	sbr.rel @p2 .LBB2_7-.Ltmp4, $4  }
0x187: {  	_ =	swait.ge [sflag:s18], $0x2000  }
0x188: {  	[sflag:s18] =	ssyncset.done $0x0  }
0x189: {  	s8 =	simm.s32 $0x0;
	p1 =	por $0x0, $0x0;
	[sflag:s18] =	ssyncadd.s32 $0xFFFFE000  }
0x18a: {  	[tilespmem:s21], [sflag:$0x1] =	stream.indirect.gather [hbm4b:s4+s20], $0x80, s24, s20, $0xb8;
	[tilespmem:$0x1FC00] =	vst v63  }
0x18b: {  	s8 =	simm.s32 $0x80  }
0x18c: {  	[tilespmem:s22], [sflag:$0x1] =	stream.indirect.gather [hbm4b:s4+s20], $0x80, s8, s20, $0xb8;
	[tilespmem:$0x1FC00] =	vst v63  }
0x18d: {  	_ =	swait.ge [sflag:s23], $0x4000  }
0x18e: {  	[sflag:s23] =	ssyncset.done $0x0  }
0x18f: {  	s24 =	simm.s32 $0x2000;
	[sflag:s23] =	ssyncadd.s32 $0xFFFFC000  }
0x190: {  	[spmem:s2] =	stream.indirect.scatter.add.f32 [tilespmem:s21], [sflag:$0x2], $0x80, s24, s20, $0xb8;
	[tilespmem:$0x1FC00] =	vst v63  }
0x191: {  	_ =	swait.ge [sflag:s18], $0x4000  }
0x192: {  	[sflag:s18] =	ssyncset.done $0x0  }
0x193: {  	s25 =	simm.s32 $0x100;
	[sflag:s18] =	ssyncadd.s32 $0xFFFFC000  }
0x194: {  	[tilespmem:s21], [sflag:$0x1] =	stream.indirect.gather [hbm4b:s4+s20], $0x80, s25, s20, $0xb8;
	[tilespmem:$0x1FC00] =	vst v63  }
0x195: {  	p2 =	por $0x0, $0x0;
	_ =	swait.ge [sflag:s23], $0x4000  }
.Ltmp5:
0x196: {  	[sflag:s23] =	ssyncset.done $0x0;
	(pc) =	sbr.rel @p2 .LBB2_7-.Ltmp5, $4  }
0x197: {  	s26 =	simm.s32 $0x2080;
	[sflag:s23] =	ssyncadd.s32 $0xFFFFC000  }
0x198: {  	[spmem:s2] =	stream.indirect.scatter.add.f32 [tilespmem:s22], [sflag:$0x2], $0x80, s26, s20, $0xb8;
	[tilespmem:$0x1FC00] =	vst v63  }
0x199: {  	s9 =	simm.s32 $0x800;
	_ =	swait.ge [sflag:s18], $0x4000  }
0x19a: {  	p1 =	por $0x1, $0x1;
	s8 =	simm.s32 $0x100;
	[sflag:s18] =	ssyncset.done $0x0  }
.LBB2_6:
0x19b: {  	s24 =	sadd.s32 $0x80, s8  }
0x19c: {  	[sflag:s18] =	ssyncadd.s32 $0xFFFFC000;
	s25 =	smov.u32 s9;
	s26 =	sadd.s32 $0x400, s9  }
0x19d: {  	[tilespmem:s22], [sflag:$0x1] =	stream.indirect.gather [hbm4b:s4+s20], $0x80, s24, s20, $0xb8;
	[tilespmem:$0x1FC00] =	vst v63  }
0x19e: {  	p2 =	seq.s32 s9, $0x7800;
	_ =	swait.ge [sflag:s23], $0x4000  }
0x19f: {  	[sflag:s23] =	ssyncset.done $0x0  }
0x1a0: {  	s9 =	sadd.s32 $0x2000, s8;
	[sflag:s23] =	ssyncadd.s32 $0xFFFFC000  }
0x1a1: {  	[spmem:s2] =	stream.indirect.scatter.add.f32 [tilespmem:s21], [sflag:$0x2], $0x80, s9, s20, $0xb8;
	[tilespmem:$0x1FC00] =	vst v63  }
0x1a2: {  	_ =	swait.ge [sflag:s18], $0x4000  }
0x1a3: {  	[sflag:s18] =	ssyncset.done $0x0  }
0x1a4: {  	s9 =	sadd.s32 $0x100, s8;
	[sflag:s18] =	ssyncadd.s32 $0xFFFFC000  }
0x1a5: {  	[tilespmem:s21], [sflag:$0x1] =	stream.indirect.gather [hbm4b:s4+s20], $0x80, s9, s20, $0xb8;
	[tilespmem:$0x1FC00] =	vst v63  }
0x1a6: {  	_ =	swait.ge [sflag:s23], $0x4000  }
.Ltmp6:
0x1a7: {  	[sflag:s23] =	ssyncset.done $0x0;
	(pc) =	sbr.rel @!p2 .LBB2_6-.Ltmp6, $4  }
0x1a8: {  	s8 =	sadd.s32 $0x2080, s8;
	[sflag:s23] =	ssyncadd.s32 $0xFFFFC000  }
0x1a9: {  	[spmem:s2] =	stream.indirect.scatter.add.f32 [tilespmem:s22], [sflag:$0x2], $0x80, s8, s20, $0xb8;
	[tilespmem:$0x1FC00] =	vst v63  }
0x1aa: {  	_ =	swait.ge [sflag:s18], $0x4000  }
0x1ab: {  	s9 =	smov.u32 s26;
	s8 =	sshra.s32 s25, $0x2;
	[sflag:s18] =	ssyncset.done $0x0  }
.LBB2_7:
0x1ac: {  	s9 =	sadd.s32 $0x80, s8;
	[sflag:s18] =	ssyncadd.s32 @p1 $0xFFFFC000  }
0x1ad: {  	[tilespmem:s22], [sflag:$0x1] =	stream.indirect.gather [hbm4b:s4+s20], $0x80, s9, s20, $0xb8;
	[tilespmem:$0x1FC00] =	vst v63  }
0x1ae: {  	_ =	swait.ge [sflag:s23], $0x4000  }
0x1af: {  	[sflag:s23] =	ssyncset.done $0x0  }
0x1b0: {  	s24 =	sadd.s32 $0x2000, s8;
	[sflag:s23] =	ssyncadd.s32 $0xFFFFC000  }
0x1b1: {  	[spmem:s2] =	stream.indirect.scatter.add.f32 [tilespmem:s21], [sflag:$0x2], $0x80, s24, s20, $0xb8;
	[tilespmem:$0x1FC00] =	vst v63  }
0x1b2: {  	_ =	swait.ge [sflag:s18], $0x4000  }
0x1b3: {  	[sflag:s18] =	ssyncset.done $0x0  }
0x1b4: {  	s25 =	sadd.s32 $0x100, s8;
	[sflag:s18] =	ssyncadd.s32 $0xFFFFC000  }
0x1b5: {  	[tilespmem:s21], [sflag:$0x1] =	stream.indirect.gather [hbm4b:s4+s20], $0x80, s25, s20, $0xb8;
	[tilespmem:$0x1FC00] =	vst v63  }
0x1b6: {  	_ =	swait.ge [sflag:s23], $0x4000  }
0x1b7: {  	[sflag:s23] =	ssyncset.done $0x0  }
.Ltmp7:
0x1b8: {  	s26 =	sadd.s32 $0x2080, s8;
	[sflag:s23] =	ssyncadd.s32 $0xFFFFC000;
	(pc) =	sbr.rel .LBB2_9-.Ltmp7, $4  }
0x1b9: {  	[spmem:s2] =	stream.indirect.scatter.add.f32 [tilespmem:s22], [sflag:$0x2], $0x80, s26, s20, $0xb8;
	[tilespmem:$0x1FC00] =	vst v63  }
0x1ba: {  	_ =	swait.ge [sflag:s18], $0x4000  }
0x1bb: {  	s8 =	simm.s32 $0x1F80;
	[sflag:s18] =	ssyncset.done $0x0  }
0x1bc: {  	s9 =	simm.s32 $0x3F80;
	s24 =	simm.s32 $0x3F00;
	[sflag:s18] =	ssyncadd.s32 $0xFFFFC000  }
.LBB2_10:
0x1bd: {  	_ =	sfence.sel $0x180000  }
0x1be: {  	[bflag:$0x0] =	sbarrier.arrive $0xFFFF  }
0x1bf: {  	_ =	strace $0x9000004D  }
0x1c0: {  	s0 =	stileid.u32;
	[bflag:$0x2] =	sbarrier.arrive $0xFFFF  }
0x1c1: {  	p0 =	sne.s32 s0, $0x0;
	s0 =	rddreg [dreg:$0x2]  }
0x1c2: {  	s0 =	sadd.s32 @!p0 $0x100000, s0  }
0x1c3: {  	[sflag:s0] =	ssyncadd.tile.s32 @!p0 $0x1;
	_ =	shalt  }
.Lfunc_end2:
_tile_overlayer_lowered:
.L_overlay_start_2:
0x1c4: {  	(tag) =	ssettag $0x2  }
0x1c5: {  	s0 =	rddreg [dreg:$0x0];
	s2 =	stileid.u32  }
0x1c6: {  	s1 =	rddreg [dreg:$0x1];
	p0 =	sne.s32 s2, $0x0  }
0x1c7: {  	s3 =	rddreg [dreg:$0x2];
	[bflag:$0x3] =	sbarrier.arrive $0xFFFF;
	s2 =	simm.s32 @!p0 $0x1C02  }
0x1c8: {  	[timem:s3], [sflag:s2] =	dma.local @!p0 [hbm:s0], s1  }
0x1c9: {  	s0 =	simm.s32 @!p0 $0x2  }
0x1ca: {  	_ =	swait.ge @!p0 [sflag:s0], s1  }
0x1cb: {  	s1 =	ssub.s32 @!p0 $0x0, s1;
	[sflag:s0] =	ssyncset.done @!p0 $0x0  }
0x1cc: {  	[sflag:s0] =	ssyncadd.s32 @!p0 s1  }
0x1cd: {  	[bflag:$0x3] =	sbarrier.arrive $0xFFFF  }
0x1ce: {  	_ =	shalt  }

</sc_bundles>
